<compile_context>
chip_gen: v7x
topology: tpu7x:2x2x1
jax: 0.10.2.dev20260603
libtpu: 0.0.44.dev20260713+nightly
codegen_flags: <defaults>
</compile_context>

<pallas_src>
import functools

import jax
import jax.numpy as jnp
from jax import lax
from jax.experimental import pallas as pl
from jax.experimental.pallas import tpu as pltpu
from jax.experimental.pallas import tpu_sc as plsc

N_NODES = 10000
NP = 10240
D = 128
NG = 64
E_BASE = 320000
E_TOT = E_BASE + N_NODES
NWORK = 32
CHUNK = 128
NCH = 81
EPT = CHUNK * NCH
E_PAD = NWORK * EPT
NEG = -1e30
F32 = jnp.float32
I32 = jnp.int32

_sc_mesh = plsc.VectorSubcoreMesh(core_axis_name="c", subcore_axis_name="s")


def _prologue_body(x_ref, w_ref, asv_ref, adv_ref, ea_ref,
                   we1_ref, ae1_ref, we2_ref, ae2_ref, we3_ref, ae3_ref,
                   h_ref, asrc_ref, adst_ref, scal_ref):
    h = jnp.dot(x_ref[...], w_ref[...], preferred_element_type=F32)
    h_ref[...] = h
    asrc_ref[...] = jnp.sum(h * asv_ref[...], axis=1, keepdims=True)
    adst_ref[...] = jnp.sum(h * adv_ref[...], axis=1, keepdims=True)
    mean = jnp.sum(ea_ref[...]) / E_BASE
    c1 = jnp.sum(we1_ref[...] * ae1_ref[...])
    c2 = jnp.sum(we2_ref[...] * ae2_ref[...])
    c3 = jnp.sum(we3_ref[...] * ae3_ref[...])
    col = lax.broadcasted_iota(I32, (8, 128), 1)
    scal_ref[...] = jnp.where(
        col == 0, mean,
        jnp.where(col == 1, c1, jnp.where(col == 2, c2,
                                          jnp.where(col == 3, c3, 0.0))))


def _prologue(x, w1, a_src1, a_dst1, ea_r, we1, ae1, we2, ae2, we3, ae3):
    return pl.pallas_call(
        _prologue_body,
        out_shape=(
            jax.ShapeDtypeStruct((NP, D), F32),
            jax.ShapeDtypeStruct((NP, 1), F32),
            jax.ShapeDtypeStruct((NP, 1), F32),
            jax.ShapeDtypeStruct((8, 128), F32),
        ),
    )(x, w1, a_src1, a_dst1, ea_r, we1, ae1, we2, ae2, we3, ae3)


def _dense_body(p_ref, sp_ref, b_ref, w_ref, asv_ref, adv_ref,
                h_ref, asrc_ref, adst_ref):
    s = sp_ref[0] + sp_ref[1]
    rs = 1.0 / (s + 1e-16)
    xp = jnp.maximum((p_ref[0] + p_ref[1]) * rs + b_ref[...], 0.0)
    h = jnp.dot(xp, w_ref[...], preferred_element_type=F32)
    h_ref[...] = h
    asrc_ref[...] = jnp.sum(h * asv_ref[...], axis=1, keepdims=True)
    adst_ref[...] = jnp.sum(h * adv_ref[...], axis=1, keepdims=True)


def _dense(outp, sp, b, w, a_src, a_dst):
    return pl.pallas_call(
        _dense_body,
        out_shape=(
            jax.ShapeDtypeStruct((NP, D), F32),
            jax.ShapeDtypeStruct((NP, 1), F32),
            jax.ShapeDtypeStruct((NP, 1), F32),
        ),
    )(outp, sp, b, w, a_src, a_dst)


def _pool_body(p_ref, sp_ref, b_ref, batch_ref, lw_ref, lb_ref, out_ref):
    s = sp_ref[0] + sp_ref[1]
    rs = 1.0 / (s + 1e-16)
    x = (p_ref[0] + p_ref[1]) * rs + b_ref[...]
    oh = (batch_ref[...] == lax.broadcasted_iota(I32, (NG, NP), 0)).astype(F32)
    sums = jnp.dot(oh, x, preferred_element_type=F32)
    cnt = jnp.sum(oh, axis=1, keepdims=True)
    pooled = sums / jnp.maximum(cnt, 1.0)
    out_ref[...] = jnp.dot(pooled, lw_ref[...],
                           preferred_element_type=F32) + lb_ref[...]


def _pool(outp, sp, b, batch_row, lin_w, lin_b):
    return pl.pallas_call(
        _pool_body,
        out_shape=jax.ShapeDtypeStruct((NG, 1), F32),
    )(outp, sp, b, batch_row, lin_w, lin_b)


@functools.partial(
    pl.kernel,
    out_type=(
        jax.ShapeDtypeStruct((NWORK, NCH, CHUNK), F32),
        jax.ShapeDtypeStruct((2, NP), F32),
    ),
    mesh=_sc_mesh,
    compiler_params=pltpu.CompilerParams(needs_layout_passes=False),
    scratch_types=[
        pltpu.VMEM((NP,), F32),
        pltpu.VMEM((NP,), F32),
        pltpu.VMEM((NCH, CHUNK), I32),
        pltpu.VMEM((NCH, CHUNK), I32),
        pltpu.VMEM((NCH, CHUNK), F32),
        pltpu.VMEM((NCH, CHUNK), F32),
        pltpu.VMEM((16,), F32),
        pltpu.VMEM((NP // 16,), F32),
        pltpu.VMEM_SHARED((NP,), F32),
        pltpu.SemaphoreType.DMA,
    ],
)
def _edge_logits(src_hbm, dst_hbm, ea_hbm, asrc_hbm, adst_hbm, c_hbm,
                 ex_hbm, sp_hbm,
                 asrc_v, adst_v, src_v, dst_v, ea_v, ex_v, c_v, z_v,
                 s_sh, sem):
    cid = lax.axis_index("c")
    sid = lax.axis_index("s")
    wid = sid * 2 + cid
    pltpu.sync_copy(asrc_hbm, asrc_v)
    pltpu.sync_copy(adst_hbm, adst_v)
    pltpu.sync_copy(c_hbm, c_v)
    pltpu.sync_copy(src_hbm.at[wid], src_v)
    pltpu.sync_copy(dst_hbm.at[wid], dst_v)
    pltpu.sync_copy(ea_hbm.at[wid], ea_v)

    stripe = NP // 16

    def zbody(i, carry):
        z_v[pl.ds(i * 16, 16)] = jnp.zeros((16,), F32)
        return carry
    lax.fori_loop(0, stripe // 16, zbody, 0)
    pltpu.sync_copy(z_v, s_sh.at[pl.ds(sid * stripe, stripe)])
    plsc.subcore_barrier()

    cvec = c_v[...]
    lane = lax.iota(I32, 16)

    def chunk_body(ch, carry):
        for g in range(CHUNK // 16):
            off = g * 16
            s16 = src_v[ch, pl.ds(off, 16)]
            d16 = dst_v[ch, pl.ds(off, 16)]
            alpha = (plsc.load_gather(asrc_v, [s16])
                     + plsc.load_gather(adst_v, [d16])
                     + cvec * ea_v[ch, pl.ds(off, 16)])
            eg = wid * EPT + ch * CHUNK + off + lane
            alpha = jnp.where(eg < E_TOT, alpha, NEG)
            alpha = jnp.where(alpha >= 0.0, alpha, 0.2 * alpha)
            ex_v[ch, pl.ds(off, 16)] = jnp.exp(alpha)
        pltpu.sync_copy(ex_v.at[ch], s_sh.at[dst_v.at[ch]], add=True)
        return carry
    lax.fori_loop(0, NCH, chunk_body, 0)

    pltpu.sync_copy(ex_v, ex_hbm.at[wid])
    plsc.subcore_barrier()

    @pl.when(sid == 0)
    def _():
        pltpu.sync_copy(s_sh, sp_hbm.at[cid])


@functools.partial(
    pl.kernel,
    out_type=jax.ShapeDtypeStruct((2, NP, D), F32),
    mesh=_sc_mesh,
    compiler_params=pltpu.CompilerParams(needs_layout_passes=False),
    scratch_types=[
        pltpu.VMEM((3, CHUNK), I32),
        pltpu.VMEM((CHUNK,), F32),
        pltpu.VMEM((CHUNK, D), F32),
        pltpu.VMEM_SHARED((NP, D), F32),
        pltpu.SemaphoreType.DMA,
    ],
)
def _edge_aggregate(ec_hbm, h_hbm,
                    out_hbm,
                    idx_v, coef_v, rows_v,
                    out_sh, sem):
    cid = lax.axis_index("c")
    sid = lax.axis_index("s")
    wid = sid * 2 + cid

    def zrow(r, carry):
        for u in range(D // 16):
            rows_v[r, pl.ds(u * 16, 16)] = jnp.zeros((16,), F32)
        return carry
    lax.fori_loop(0, CHUNK, zrow, 0)
    stripe = NP // 16
    for k in range(stripe // CHUNK):
        pltpu.sync_copy(rows_v, out_sh.at[pl.ds(sid * stripe + k * CHUNK, CHUNK)])
    plsc.subcore_barrier()

    def chunk_body(ch, carry):
        pltpu.sync_copy(ec_hbm.at[wid, ch], idx_v)
        pltpu.async_copy(h_hbm.at[idx_v.at[0]], rows_v, sem).wait()
        for g in range(CHUNK // 16):
            off = g * 16
            coef_v[pl.ds(off, 16)] = plsc.bitcast(idx_v[2, pl.ds(off, 16)],
                                                  F32)

        def rbody(r, c2):
            cb = plsc.load_gather(coef_v, [jnp.zeros((16,), I32) + r])
            for u in range(D // 16):
                rows_v[r, pl.ds(u * 16, 16)] = rows_v[r, pl.ds(u * 16, 16)] * cb
            return c2
        lax.fori_loop(0, CHUNK, rbody, 0)
        pltpu.sync_copy(rows_v, out_sh.at[idx_v.at[1]], add=True)
        return carry
    lax.fori_loop(0, NCH, chunk_body, 0)
    plsc.subcore_barrier()

    pltpu.sync_copy(out_sh.at[pl.ds(sid * stripe, stripe)],
                    out_hbm.at[cid, pl.ds(sid * stripe, stripe)])


def kernel(x, edge_index, edge_attr, batch,
           W1, a_src1, a_dst1, We1, a_e1, b1,
           W2, a_src2, a_dst2, We2, a_e2, b2,
           W3, a_src3, a_dst3, We3, a_e3, b3,
           lin_W, lin_b):
    f32 = F32
    x_p = jnp.zeros((NP, D), f32).at[:N_NODES].set(x.astype(f32))
    ea_r = edge_attr.astype(f32).reshape(E_BASE // D, D)

    h1, asrc1, adst1, scal = _prologue(
        x_p, W1.astype(f32),
        a_src1.reshape(1, D), a_dst1.reshape(1, D), ea_r,
        We1.reshape(1, D), a_e1.reshape(1, D),
        We2.reshape(1, D), a_e2.reshape(1, D),
        We3.reshape(1, D), a_e3.reshape(1, D))

    mean = scal[0, 0]
    cvecs = [jnp.broadcast_to(scal[0, 1], (16,)),
             jnp.broadcast_to(scal[0, 2], (16,)),
             jnp.broadcast_to(scal[0, 3], (16,))]

    loops = jnp.arange(N_NODES, dtype=I32)
    zpad = jnp.zeros((E_PAD - E_TOT,), I32)
    src3 = jnp.concatenate([edge_index[0].astype(I32), loops, zpad]
                           ).reshape(NWORK, NCH, CHUNK)
    dst3 = jnp.concatenate([edge_index[1].astype(I32), loops, zpad]
                           ).reshape(NWORK, NCH, CHUNK)
    ea3 = jnp.concatenate([
        edge_attr[:, 0].astype(f32),
        jnp.broadcast_to(mean, (N_NODES,)),
        jnp.zeros((E_PAD - E_TOT,), f32)]).reshape(NWORK, NCH, CHUNK)

    h = h1
    asrc, adst = asrc1, adst1
    wnext = [(b1, W2, a_src2, a_dst2), (b2, W3, a_src3, a_dst3)]
    outp = None
    for layer in range(3):
        ex3, sp = _edge_logits(src3, dst3, ea3,
                               asrc.reshape(NP), adst.reshape(NP),
                               cvecs[layer])
        ec3 = jnp.stack(
            [src3, dst3, lax.bitcast_convert_type(ex3, I32)], axis=2)
        outp = _edge_aggregate(ec3, h)
        if layer < 2:
            b_i, w_n, as_n, ad_n = wnext[layer]
            h, asrc, adst = _dense(outp, sp.reshape(2, NP, 1),
                                   b_i.reshape(1, D).astype(f32),
                                   w_n.astype(f32),
                                   as_n.reshape(1, D), ad_n.reshape(1, D))

    batch_row = jnp.full((1, NP), NG, I32).at[0, :N_NODES].set(
        batch.astype(I32))
    out = _pool(outp, sp.reshape(2, NP, 1),
                b3.reshape(1, D).astype(f32), batch_row,
                lin_W.astype(f32), lin_b.reshape(1, 1).astype(f32))
    return out[:, 0]

# --- scband reference (transcript-rebuilt; emitter-appended) ---
"""Pipeline reference for scband-gcn-20907900797391 (READ-ONLY COPY).

The authoritative reference and input builder live on the scoring server;
editing this copy changes nothing except your own understanding.
"""

import jax, jax.numpy as jnp
import numpy as np

N_NODES = 10000
N_GRAPHS = 64

def gat_conv(x, src, dst, ea, W, a_src, a_dst, We, a_e, b, N):
    h = x @ W
    e = ea @ We
    asrc = (h * a_src).sum(-1)
    adst = (h * a_dst).sum(-1)
    alpha = asrc[src] + adst[dst] + (e * a_e).sum(-1)
    alpha = jax.nn.leaky_relu(alpha, negative_slope=0.2)
    m = jax.ops.segment_max(alpha, dst, num_segments=N)
    m = jnp.where(jnp.isfinite(m), m, 0.0)
    ex = jnp.exp(alpha - m[dst])
    s = jax.ops.segment_sum(ex, dst, num_segments=N)
    coef = ex / (s[dst] + 1e-16)
    out = jax.ops.segment_sum(coef[:, None] * h[src], dst, num_segments=N)
    return out + b

def setup_inputs(seed: int = 0) -> dict:
    key = jax.random.key(seed)
    ks = jax.random.split(key, 24)
    d_in, d_h = 128, 128
    inp = {}
    inp["x"] = jax.random.normal(ks[0], (N_NODES, d_in), dtype=jnp.float32)
    inp["edge_index"] = jax.random.randint(ks[1], (2, 320000), 0, N_NODES, dtype=jnp.int64)
    inp["edge_attr"] = jax.random.uniform(ks[2], (320000, 1), dtype=jnp.float32)
    inp["batch"] = jnp.sort(jax.random.randint(ks[3], (N_NODES,), 0, N_GRAPHS, dtype=jnp.int64))
    dims = [d_in, d_h, d_h]
    for i in range(3):
        g = 1.0 / np.sqrt(dims[i])
        inp[f"W{i+1}"] = jax.random.normal(ks[4 + 6*i], (dims[i], d_h), dtype=jnp.float32) * g
        inp[f"a_src{i+1}"] = jax.random.normal(ks[5 + 6*i], (d_h,), dtype=jnp.float32) * 0.1
        inp[f"a_dst{i+1}"] = jax.random.normal(ks[6 + 6*i], (d_h,), dtype=jnp.float32) * 0.1
        inp[f"We{i+1}"] = jax.random.normal(ks[7 + 6*i], (1, d_h), dtype=jnp.float32)
        inp[f"a_e{i+1}"] = jax.random.normal(ks[8 + 6*i], (d_h,), dtype=jnp.float32) * 0.1
        inp[f"b{i+1}"] = jnp.zeros((d_h,), dtype=jnp.float32)
    inp["lin_W"] = jax.random.normal(ks[22], (d_h, 1), dtype=jnp.float32) * (1.0 / np.sqrt(d_h))
    inp["lin_b"] = jnp.zeros((1,), dtype=jnp.float32)
    return inp

def reference(x, edge_index, edge_attr, batch, W1, a_src1, a_dst1, We1, a_e1, b1, W2, a_src2, a_dst2, We2, a_e2, b2, W3, a_src3, a_dst3, We3, a_e3, b3, lin_W, lin_b):
    N = x.shape[0]
    loops = jnp.arange(N, dtype=edge_index.dtype)
    src = jnp.concatenate([edge_index[0], loops])
    dst = jnp.concatenate([edge_index[1], loops])
    loop_attr = jnp.tile(edge_attr.mean(axis=0, keepdims=True), (N, 1))
    ea = jnp.concatenate([edge_attr, loop_attr], axis=0)
    h = gat_conv(x, src, dst, ea, W1, a_src1, a_dst1, We1, a_e1, b1, N)
    h = jax.nn.relu(h)
    h = gat_conv(h, src, dst, ea, W2, a_src2, a_dst2, We2, a_e2, b2, N)
    h = jax.nn.relu(h)
    h = gat_conv(h, src, dst, ea, W3, a_src3, a_dst3, We3, a_e3, b3, N)
    sums = jax.ops.segment_sum(h, batch, num_segments=N_GRAPHS)
    cnt = jax.ops.segment_sum(jnp.ones((N,), dtype=h.dtype), batch, num_segments=N_GRAPHS)
    pooled = sums / jnp.maximum(cnt, 1.0)[:, None]
    # dropout p=0.5 is identity in eval mode
    out = pooled @ lin_W + lin_b
    return out.squeeze(-1)

if __name__ == "__main__":
    import jax
    _d = setup_inputs()
    print(jax.jit(kernel)(*tuple(_d.values())))

</pallas_src>

<mosaic_0001>
#map = affine_map<(d0, d1) -> (0, 0, 0, 0)>
#map1 = affine_map<(d0, d1) -> (0, 0)>
#map2 = affine_map<(d0, d1) -> (0, 0, 0)>
module attributes {stable_mosaic.version = 14 : i64} {
  func.func @_edge_aggregate(%arg0: i32, %arg1: i32, %arg2: memref<32x81x3x128xi32, #tpu.memory_space<hbm>>, %arg3: memref<10240x128xf32, #tpu.memory_space<hbm>>, %arg4: memref<2x10240x128xf32, #tpu.memory_space<hbm>>, %arg5: memref<3x128xi32, #tpu.memory_space<vmem>>, %arg6: memref<128xf32, #tpu.memory_space<vmem>>, %arg7: memref<128x128xf32, #tpu.memory_space<vmem>>, %arg8: memref<10240x128xf32, #tpu.memory_space<vmem_shared>>, %arg9: memref<!tpu.dma_semaphore, #tpu.memory_space<semaphore_mem>>) attributes {dimension_semantics = [#tpu.dimension_semantics<core_parallel>, #tpu.dimension_semantics<subcore_parallel>], iteration_bounds = array<i64: 2, 16>, scalar_prefetch = 0 : i64, scratch_operands = 5 : i64, tpu.core_type = #tpu.core_type<sc_vector_subcore>, window_params = [{transform_indices = #map}, {transform_indices = #map1}, {transform_indices = #map2}]} {
    %mul3A = arith.constant 2 : i32
    %mul3A_0 = arith.muli %arg1, %mul3A : i32
    %add3A = arith.addi %mul3A_0, %arg0 : i32
    %scan3A = arith.constant 0 : i32
    %scan3A_1 = arith.constant 0 : i32
    %scan3A_2 = arith.constant 128 : i32
    %scan3A_3 = arith.addi %scan3A_1, %scan3A_2 : i32
    %scan3A_4 = arith.constant 1 : i32
    scf.for %scan3A_37 = %scan3A_1 to %scan3A_3 step %scan3A_4  : i32 {
      %broadcast_in_dim3A = arith.constant 0.000000e+00 : f32
      %broadcast_in_dim3A_38 = vector.broadcast %broadcast_in_dim3A : f32 to vector<16xf32>
      %swap3A = arith.index_cast %scan3A_37 : i32 to index
      %swap3A_39 = arith.constant 0 : index
      %swap3A_40 = tpu.vector_load %arg7[%swap3A, %swap3A_39] {strides = array<i32>} : memref<128x128xf32, #tpu.memory_space<vmem>>, vector<16xf32>,
      tpu.vector_store %arg7[%swap3A, %swap3A_39], %broadcast_in_dim3A_38 {strides = array<i32>} : memref<128x128xf32, #tpu.memory_space<vmem>>, vector<16xf32>,
      %broadcast_in_dim3A_41 = arith.constant 0.000000e+00 : f32
      %broadcast_in_dim3A_42 = vector.broadcast %broadcast_in_dim3A_41 : f32 to vector<16xf32>
      %swap3A_43 = arith.index_cast %scan3A_37 : i32 to index
      %swap3A_44 = arith.constant 16 : index
      %swap3A_45 = tpu.vector_load %arg7[%swap3A_43, %swap3A_44] {strides = array<i32>} : memref<128x128xf32, #tpu.memory_space<vmem>>, vector<16xf32>,
      tpu.vector_store %arg7[%swap3A_43, %swap3A_44], %broadcast_in_dim3A_42 {strides = array<i32>} : memref<128x128xf32, #tpu.memory_space<vmem>>, vector<16xf32>,
      %broadcast_in_dim3A_46 = arith.constant 0.000000e+00 : f32
      %broadcast_in_dim3A_47 = vector.broadcast %broadcast_in_dim3A_46 : f32 to vector<16xf32>
      %swap3A_48 = arith.index_cast %scan3A_37 : i32 to index
      %swap3A_49 = arith.constant 32 : index
      %swap3A_50 = tpu.vector_load %arg7[%swap3A_48, %swap3A_49] {strides = array<i32>} : memref<128x128xf32, #tpu.memory_space<vmem>>, vector<16xf32>,
      tpu.vector_store %arg7[%swap3A_48, %swap3A_49], %broadcast_in_dim3A_47 {strides = array<i32>} : memref<128x128xf32, #tpu.memory_space<vmem>>, vector<16xf32>,
      %broadcast_in_dim3A_51 = arith.constant 0.000000e+00 : f32
      %broadcast_in_dim3A_52 = vector.broadcast %broadcast_in_dim3A_51 : f32 to vector<16xf32>
      %swap3A_53 = arith.index_cast %scan3A_37 : i32 to index
      %swap3A_54 = arith.constant 48 : index
      %swap3A_55 = tpu.vector_load %arg7[%swap3A_53, %swap3A_54] {strides = array<i32>} : memref<128x128xf32, #tpu.memory_space<vmem>>, vector<16xf32>,
      tpu.vector_store %arg7[%swap3A_53, %swap3A_54], %broadcast_in_dim3A_52 {strides = array<i32>} : memref<128x128xf32, #tpu.memory_space<vmem>>, vector<16xf32>,
      %broadcast_in_dim3A_56 = arith.constant 0.000000e+00 : f32
      %broadcast_in_dim3A_57 = vector.broadcast %broadcast_in_dim3A_56 : f32 to vector<16xf32>
      %swap3A_58 = arith.index_cast %scan3A_37 : i32 to index
      %swap3A_59 = arith.constant 64 : index
      %swap3A_60 = tpu.vector_load %arg7[%swap3A_58, %swap3A_59] {strides = array<i32>} : memref<128x128xf32, #tpu.memory_space<vmem>>, vector<16xf32>,
      tpu.vector_store %arg7[%swap3A_58, %swap3A_59], %broadcast_in_dim3A_57 {strides = array<i32>} : memref<128x128xf32, #tpu.memory_space<vmem>>, vector<16xf32>,
      %broadcast_in_dim3A_61 = arith.constant 0.000000e+00 : f32
      %broadcast_in_dim3A_62 = vector.broadcast %broadcast_in_dim3A_61 : f32 to vector<16xf32>
      %swap3A_63 = arith.index_cast %scan3A_37 : i32 to index
      %swap3A_64 = arith.constant 80 : index
      %swap3A_65 = tpu.vector_load %arg7[%swap3A_63, %swap3A_64] {strides = array<i32>} : memref<128x128xf32, #tpu.memory_space<vmem>>, vector<16xf32>,
      tpu.vector_store %arg7[%swap3A_63, %swap3A_64], %broadcast_in_dim3A_62 {strides = array<i32>} : memref<128x128xf32, #tpu.memory_space<vmem>>, vector<16xf32>,
      %broadcast_in_dim3A_66 = arith.constant 0.000000e+00 : f32
      %broadcast_in_dim3A_67 = vector.broadcast %broadcast_in_dim3A_66 : f32 to vector<16xf32>
      %swap3A_68 = arith.index_cast %scan3A_37 : i32 to index
      %swap3A_69 = arith.constant 96 : index
      %swap3A_70 = tpu.vector_load %arg7[%swap3A_68, %swap3A_69] {strides = array<i32>} : memref<128x128xf32, #tpu.memory_space<vmem>>, vector<16xf32>,
      tpu.vector_store %arg7[%swap3A_68, %swap3A_69], %broadcast_in_dim3A_67 {strides = array<i32>} : memref<128x128xf32, #tpu.memory_space<vmem>>, vector<16xf32>,
      %broadcast_in_dim3A_71 = arith.constant 0.000000e+00 : f32
      %broadcast_in_dim3A_72 = vector.broadcast %broadcast_in_dim3A_71 : f32 to vector<16xf32>
      %swap3A_73 = arith.index_cast %scan3A_37 : i32 to index
      %swap3A_74 = arith.constant 112 : index
      %swap3A_75 = tpu.vector_load %arg7[%swap3A_73, %swap3A_74] {strides = array<i32>} : memref<128x128xf32, #tpu.memory_space<vmem>>, vector<16xf32>,
      tpu.vector_store %arg7[%swap3A_73, %swap3A_74], %broadcast_in_dim3A_72 {strides = array<i32>} : memref<128x128xf32, #tpu.memory_space<vmem>>, vector<16xf32>,
    }
    %scan3A_5 = arith.constant 128 : i32
    %mul3A_6 = arith.constant 640 : i32
    %mul3A_7 = arith.muli %arg1, %mul3A_6 : i32
    %add3A_8 = arith.constant 0 : i32
    %add3A_9 = arith.addi %mul3A_7, %add3A_8 : i32
    "tpu.region"() ({
      %run_scoped3A = tpu.sem_alloc : memref<!tpu.dma_semaphore, #tpu.memory_space<semaphore_mem>>
      %dma_start3A = arith.constant 0 : i32
      %dma_start3A_37 = tpu.memref_slice %arg8[%add3A_9, %dma_start3A] : memref<10240x128xf32, #tpu.memory_space<vmem_shared>> -> memref<128x128xf32, #tpu.memory_space<vmem_shared>>
      %dma_start3A_38 = arith.constant 0 : i32
      %dma_start3A_39 = tpu.memref_slice %arg8[%add3A_9, %dma_start3A_38] : memref<10240x128xf32, #tpu.memory_space<vmem_shared>> -> memref<128x128xf32, #tpu.memory_space<vmem_shared>>
      tpu.enqueue_dma source(%arg7 : memref<128x128xf32, #tpu.memory_space<vmem>>) target(%dma_start3A_39 : memref<128x128xf32, #tpu.memory_space<vmem_shared>>) target_semaphore(%run_scoped3A : memref<!tpu.dma_semaphore, #tpu.memory_space<semaphore_mem>>)
      %dma_wait3A = arith.constant 0 : i32
      %dma_wait3A_40 = tpu.memref_slice %arg8[%add3A_9, %dma_wait3A] : memref<10240x128xf32, #tpu.memory_space<vmem_shared>> -> memref<128x128xf32, #tpu.memory_space<vmem_shared>>
      %dma_wait3A_41 = arith.constant 0 : i32
      %dma_wait3A_42 = tpu.memref_slice %arg8[%add3A_9, %dma_wait3A_41] : memref<10240x128xf32, #tpu.memory_space<vmem_shared>> -> memref<128x128xf32, #tpu.memory_space<vmem_shared>>
      tpu.wait_dma2 semaphore(%run_scoped3A : memref<!tpu.dma_semaphore, #tpu.memory_space<semaphore_mem>>) src(%arg7 : memref<128x128xf32, #tpu.memory_space<vmem>>) dst(%dma_wait3A_42 : memref<128x128xf32, #tpu.memory_space<vmem_shared>>)
      tpu.yield
    }) : () -> ()
    %mul3A_10 = arith.constant 640 : i32
    %mul3A_11 = arith.muli %arg1, %mul3A_10 : i32
    %add3A_12 = arith.constant 128 : i32
    %add3A_13 = arith.addi %mul3A_11, %add3A_12 : i32
    "tpu.region"() ({
      %run_scoped3A = tpu.sem_alloc : memref<!tpu.dma_semaphore, #tpu.memory_space<semaphore_mem>>
      %dma_start3A = arith.constant 0 : i32
      %dma_start3A_37 = tpu.memref_slice %arg8[%add3A_13, %dma_start3A] : memref<10240x128xf32, #tpu.memory_space<vmem_shared>> -> memref<128x128xf32, #tpu.memory_space<vmem_shared>>
      %dma_start3A_38 = arith.constant 0 : i32
      %dma_start3A_39 = tpu.memref_slice %arg8[%add3A_13, %dma_start3A_38] : memref<10240x128xf32, #tpu.memory_space<vmem_shared>> -> memref<128x128xf32, #tpu.memory_space<vmem_shared>>
      tpu.enqueue_dma source(%arg7 : memref<128x128xf32, #tpu.memory_space<vmem>>) target(%dma_start3A_39 : memref<128x128xf32, #tpu.memory_space<vmem_shared>>) target_semaphore(%run_scoped3A : memref<!tpu.dma_semaphore, #tpu.memory_space<semaphore_mem>>)
      %dma_wait3A = arith.constant 0 : i32
      %dma_wait3A_40 = tpu.memref_slice %arg8[%add3A_13, %dma_wait3A] : memref<10240x128xf32, #tpu.memory_space<vmem_shared>> -> memref<128x128xf32, #tpu.memory_space<vmem_shared>>
      %dma_wait3A_41 = arith.constant 0 : i32
      %dma_wait3A_42 = tpu.memref_slice %arg8[%add3A_13, %dma_wait3A_41] : memref<10240x128xf32, #tpu.memory_space<vmem_shared>> -> memref<128x128xf32, #tpu.memory_space<vmem_shared>>
      tpu.wait_dma2 semaphore(%run_scoped3A : memref<!tpu.dma_semaphore, #tpu.memory_space<semaphore_mem>>) src(%arg7 : memref<128x128xf32, #tpu.memory_space<vmem>>) dst(%dma_wait3A_42 : memref<128x128xf32, #tpu.memory_space<vmem_shared>>)
      tpu.yield
    }) : () -> ()
    %mul3A_14 = arith.constant 640 : i32
    %mul3A_15 = arith.muli %arg1, %mul3A_14 : i32
    %add3A_16 = arith.constant 256 : i32
    %add3A_17 = arith.addi %mul3A_15, %add3A_16 : i32
    "tpu.region"() ({
      %run_scoped3A = tpu.sem_alloc : memref<!tpu.dma_semaphore, #tpu.memory_space<semaphore_mem>>
      %dma_start3A = arith.constant 0 : i32
      %dma_start3A_37 = tpu.memref_slice %arg8[%add3A_17, %dma_start3A] : memref<10240x128xf32, #tpu.memory_space<vmem_shared>> -> memref<128x128xf32, #tpu.memory_space<vmem_shared>>
      %dma_start3A_38 = arith.constant 0 : i32
      %dma_start3A_39 = tpu.memref_slice %arg8[%add3A_17, %dma_start3A_38] : memref<10240x128xf32, #tpu.memory_space<vmem_shared>> -> memref<128x128xf32, #tpu.memory_space<vmem_shared>>
      tpu.enqueue_dma source(%arg7 : memref<128x128xf32, #tpu.memory_space<vmem>>) target(%dma_start3A_39 : memref<128x128xf32, #tpu.memory_space<vmem_shared>>) target_semaphore(%run_scoped3A : memref<!tpu.dma_semaphore, #tpu.memory_space<semaphore_mem>>)
      %dma_wait3A = arith.constant 0 : i32
      %dma_wait3A_40 = tpu.memref_slice %arg8[%add3A_17, %dma_wait3A] : memref<10240x128xf32, #tpu.memory_space<vmem_shared>> -> memref<128x128xf32, #tpu.memory_space<vmem_shared>>
      %dma_wait3A_41 = arith.constant 0 : i32
      %dma_wait3A_42 = tpu.memref_slice %arg8[%add3A_17, %dma_wait3A_41] : memref<10240x128xf32, #tpu.memory_space<vmem_shared>> -> memref<128x128xf32, #tpu.memory_space<vmem_shared>>
      tpu.wait_dma2 semaphore(%run_scoped3A : memref<!tpu.dma_semaphore, #tpu.memory_space<semaphore_mem>>) src(%arg7 : memref<128x128xf32, #tpu.memory_space<vmem>>) dst(%dma_wait3A_42 : memref<128x128xf32, #tpu.memory_space<vmem_shared>>)
      tpu.yield
    }) : () -> ()
    %mul3A_18 = arith.constant 640 : i32
    %mul3A_19 = arith.muli %arg1, %mul3A_18 : i32
    %add3A_20 = arith.constant 384 : i32
    %add3A_21 = arith.addi %mul3A_19, %add3A_20 : i32
    "tpu.region"() ({
      %run_scoped3A = tpu.sem_alloc : memref<!tpu.dma_semaphore, #tpu.memory_space<semaphore_mem>>
      %dma_start3A = arith.constant 0 : i32
      %dma_start3A_37 = tpu.memref_slice %arg8[%add3A_21, %dma_start3A] : memref<10240x128xf32, #tpu.memory_space<vmem_shared>> -> memref<128x128xf32, #tpu.memory_space<vmem_shared>>
      %dma_start3A_38 = arith.constant 0 : i32
      %dma_start3A_39 = tpu.memref_slice %arg8[%add3A_21, %dma_start3A_38] : memref<10240x128xf32, #tpu.memory_space<vmem_shared>> -> memref<128x128xf32, #tpu.memory_space<vmem_shared>>
      tpu.enqueue_dma source(%arg7 : memref<128x128xf32, #tpu.memory_space<vmem>>) target(%dma_start3A_39 : memref<128x128xf32, #tpu.memory_space<vmem_shared>>) target_semaphore(%run_scoped3A : memref<!tpu.dma_semaphore, #tpu.memory_space<semaphore_mem>>)
      %dma_wait3A = arith.constant 0 : i32
      %dma_wait3A_40 = tpu.memref_slice %arg8[%add3A_21, %dma_wait3A] : memref<10240x128xf32, #tpu.memory_space<vmem_shared>> -> memref<128x128xf32, #tpu.memory_space<vmem_shared>>
      %dma_wait3A_41 = arith.constant 0 : i32
      %dma_wait3A_42 = tpu.memref_slice %arg8[%add3A_21, %dma_wait3A_41] : memref<10240x128xf32, #tpu.memory_space<vmem_shared>> -> memref<128x128xf32, #tpu.memory_space<vmem_shared>>
      tpu.wait_dma2 semaphore(%run_scoped3A : memref<!tpu.dma_semaphore, #tpu.memory_space<semaphore_mem>>) src(%arg7 : memref<128x128xf32, #tpu.memory_space<vmem>>) dst(%dma_wait3A_42 : memref<128x128xf32, #tpu.memory_space<vmem_shared>>)
      tpu.yield
    }) : () -> ()
    %mul3A_22 = arith.constant 640 : i32
    %mul3A_23 = arith.muli %arg1, %mul3A_22 : i32
    %add3A_24 = arith.constant 512 : i32
    %add3A_25 = arith.addi %mul3A_23, %add3A_24 : i32
    "tpu.region"() ({
      %run_scoped3A = tpu.sem_alloc : memref<!tpu.dma_semaphore, #tpu.memory_space<semaphore_mem>>
      %dma_start3A = arith.constant 0 : i32
      %dma_start3A_37 = tpu.memref_slice %arg8[%add3A_25, %dma_start3A] : memref<10240x128xf32, #tpu.memory_space<vmem_shared>> -> memref<128x128xf32, #tpu.memory_space<vmem_shared>>
      %dma_start3A_38 = arith.constant 0 : i32
      %dma_start3A_39 = tpu.memref_slice %arg8[%add3A_25, %dma_start3A_38] : memref<10240x128xf32, #tpu.memory_space<vmem_shared>> -> memref<128x128xf32, #tpu.memory_space<vmem_shared>>
      tpu.enqueue_dma source(%arg7 : memref<128x128xf32, #tpu.memory_space<vmem>>) target(%dma_start3A_39 : memref<128x128xf32, #tpu.memory_space<vmem_shared>>) target_semaphore(%run_scoped3A : memref<!tpu.dma_semaphore, #tpu.memory_space<semaphore_mem>>)
      %dma_wait3A = arith.constant 0 : i32
      %dma_wait3A_40 = tpu.memref_slice %arg8[%add3A_25, %dma_wait3A] : memref<10240x128xf32, #tpu.memory_space<vmem_shared>> -> memref<128x128xf32, #tpu.memory_space<vmem_shared>>
      %dma_wait3A_41 = arith.constant 0 : i32
      %dma_wait3A_42 = tpu.memref_slice %arg8[%add3A_25, %dma_wait3A_41] : memref<10240x128xf32, #tpu.memory_space<vmem_shared>> -> memref<128x128xf32, #tpu.memory_space<vmem_shared>>
      tpu.wait_dma2 semaphore(%run_scoped3A : memref<!tpu.dma_semaphore, #tpu.memory_space<semaphore_mem>>) src(%arg7 : memref<128x128xf32, #tpu.memory_space<vmem>>) dst(%dma_wait3A_42 : memref<128x128xf32, #tpu.memory_space<vmem_shared>>)
      tpu.yield
    }) : () -> ()
    %barrier3A = arith.constant 0 : index
    tpu.barrier barrier_id(%barrier3A)
    %scan3A_26 = arith.constant 0 : i32
    %scan3A_27 = arith.constant 0 : i32
    %scan3A_28 = arith.constant 81 : i32
    %scan3A_29 = arith.addi %scan3A_27, %scan3A_28 : i32
    %scan3A_30 = arith.constant 1 : i32
    scf.for %scan3A_37 = %scan3A_27 to %scan3A_29 step %scan3A_30  : i32 {
      "tpu.region"() ({
        %run_scoped3A_109 = tpu.sem_alloc : memref<!tpu.dma_semaphore, #tpu.memory_space<semaphore_mem>>
        %dma_start3A_110 = arith.constant 0 : i32
        %dma_start3A_111 = arith.constant 0 : i32
        %dma_start3A_112 = tpu.memref_slice %arg2[%add3A, %scan3A_37, %dma_start3A_110, %dma_start3A_111] : memref<32x81x3x128xi32, #tpu.memory_space<hbm>> -> memref<1x1x3x128xi32, #tpu.memory_space<hbm>>
        %dma_start3A_113 = tpu.memref_squeeze %dma_start3A_112 : memref<1x1x3x128xi32, #tpu.memory_space<hbm>> -> memref<3x128xi32, #tpu.memory_space<hbm>>
        %dma_start3A_114 = arith.constant 0 : i32
        %dma_start3A_115 = arith.constant 0 : i32
        %dma_start3A_116 = tpu.memref_slice %arg2[%add3A, %scan3A_37, %dma_start3A_114, %dma_start3A_115] : memref<32x81x3x128xi32, #tpu.memory_space<hbm>> -> memref<1x1x3x128xi32, #tpu.memory_space<hbm>>
        %dma_start3A_117 = tpu.memref_squeeze %dma_start3A_116 : memref<1x1x3x128xi32, #tpu.memory_space<hbm>> -> memref<3x128xi32, #tpu.memory_space<hbm>>
        tpu.enqueue_dma source(%dma_start3A_117 : memref<3x128xi32, #tpu.memory_space<hbm>>) target(%arg5 : memref<3x128xi32, #tpu.memory_space<vmem>>) target_semaphore(%run_scoped3A_109 : memref<!tpu.dma_semaphore, #tpu.memory_space<semaphore_mem>>)
        %dma_wait3A_118 = arith.constant 0 : i32
        %dma_wait3A_119 = arith.constant 0 : i32
        %dma_wait3A_120 = tpu.memref_slice %arg2[%add3A, %scan3A_37, %dma_wait3A_118, %dma_wait3A_119] : memref<32x81x3x128xi32, #tpu.memory_space<hbm>> -> memref<1x1x3x128xi32, #tpu.memory_space<hbm>>
        %dma_wait3A_121 = tpu.memref_squeeze %dma_wait3A_120 : memref<1x1x3x128xi32, #tpu.memory_space<hbm>> -> memref<3x128xi32, #tpu.memory_space<hbm>>
        %dma_wait3A_122 = arith.constant 0 : i32
        %dma_wait3A_123 = arith.constant 0 : i32
        %dma_wait3A_124 = tpu.memref_slice %arg2[%add3A, %scan3A_37, %dma_wait3A_122, %dma_wait3A_123] : memref<32x81x3x128xi32, #tpu.memory_space<hbm>> -> memref<1x1x3x128xi32, #tpu.memory_space<hbm>>
        %dma_wait3A_125 = tpu.memref_squeeze %dma_wait3A_124 : memref<1x1x3x128xi32, #tpu.memory_space<hbm>> -> memref<3x128xi32, #tpu.memory_space<hbm>>
        tpu.wait_dma2 semaphore(%run_scoped3A_109 : memref<!tpu.dma_semaphore, #tpu.memory_space<semaphore_mem>>) src(%dma_wait3A_125 : memref<3x128xi32, #tpu.memory_space<hbm>>) dst(%arg5 : memref<3x128xi32, #tpu.memory_space<vmem>>)
        tpu.yield
      }) : () -> ()
      %dma_start3A = arith.constant 0 : i32
      %dma_start3A_38 = arith.constant 0 : i32
      %dma_start3A_39 = tpu.memref_slice %arg5[%dma_start3A, %dma_start3A_38] : memref<3x128xi32, #tpu.memory_space<vmem>> -> memref<1x128xi32, #tpu.memory_space<vmem>>
      %dma_start3A_40 = tpu.memref_squeeze %dma_start3A_39 : memref<1x128xi32, #tpu.memory_space<vmem>> -> memref<128xi32, #tpu.memory_space<vmem>>
      %dma_start3A_41 = arith.constant 0 : i32
      %dma_start3A_42 = arith.constant 0 : i32
      %dma_start3A_43 = tpu.memref_slice %arg3[%dma_start3A_41, %dma_start3A_42] : memref<10240x128xf32, #tpu.memory_space<hbm>> -> memref<10240x128xf32, #tpu.memory_space<hbm>>
      tpu.enqueue_indirect_dma source(%dma_start3A_43 : memref<10240x128xf32, #tpu.memory_space<hbm>>) target(%arg7 : memref<128x128xf32, #tpu.memory_space<vmem>>) offsets(%dma_start3A_40 : memref<128xi32, #tpu.memory_space<vmem>>) semaphore(%arg9 : memref<!tpu.dma_semaphore, #tpu.memory_space<semaphore_mem>>)
      %dma_wait3A = arith.constant 0 : i32
      %dma_wait3A_44 = arith.constant 0 : i32
      %dma_wait3A_45 = tpu.memref_slice %arg5[%dma_wait3A, %dma_wait3A_44] : memref<3x128xi32, #tpu.memory_space<vmem>> -> memref<1x128xi32, #tpu.memory_space<vmem>>
      %dma_wait3A_46 = tpu.memref_squeeze %dma_wait3A_45 : memref<1x128xi32, #tpu.memory_space<vmem>> -> memref<128xi32, #tpu.memory_space<vmem>>
      %dma_wait3A_47 = arith.constant 0 : i32
      %dma_wait3A_48 = arith.constant 0 : i32
      %dma_wait3A_49 = tpu.memref_slice %arg3[%dma_wait3A_47, %dma_wait3A_48] : memref<10240x128xf32, #tpu.memory_space<hbm>> -> memref<10240x128xf32, #tpu.memory_space<hbm>>
      tpu.wait_indirect_dma semaphore(%arg9 : memref<!tpu.dma_semaphore, #tpu.memory_space<semaphore_mem>>) src(%dma_wait3A_49 : memref<10240x128xf32, #tpu.memory_space<hbm>>) dst(%arg7 : memref<128x128xf32, #tpu.memory_space<vmem>>)
      %get3A = arith.constant 2 : i32
      %get3A_50 = arith.index_cast %get3A : i32 to index
      %get3A_51 = arith.constant 0 : index
      %get3A_52 = tpu.vector_load %arg5[%get3A_50, %get3A_51] {strides = array<i32>} : memref<3x128xi32, #tpu.memory_space<vmem>>, vector<16xi32>,
      %bitcast3A = vector.bitcast %get3A_52 : vector<16xi32> to vector<16xf32>
      %swap3A = arith.constant 0 : index
      %swap3A_53 = tpu.vector_load %arg6[%swap3A] {strides = array<i32>} : memref<128xf32, #tpu.memory_space<vmem>>, vector<16xf32>,
      tpu.vector_store %arg6[%swap3A], %bitcast3A {strides = array<i32>} : memref<128xf32, #tpu.memory_space<vmem>>, vector<16xf32>,
      %get3A_54 = arith.constant 2 : i32
      %get3A_55 = arith.index_cast %get3A_54 : i32 to index
      %get3A_56 = arith.constant 16 : index
      %get3A_57 = tpu.vector_load %arg5[%get3A_55, %get3A_56] {strides = array<i32>} : memref<3x128xi32, #tpu.memory_space<vmem>>, vector<16xi32>,
      %bitcast3A_58 = vector.bitcast %get3A_57 : vector<16xi32> to vector<16xf32>
      %swap3A_59 = arith.constant 16 : index
      %swap3A_60 = tpu.vector_load %arg6[%swap3A_59] {strides = array<i32>} : memref<128xf32, #tpu.memory_space<vmem>>, vector<16xf32>,
      tpu.vector_store %arg6[%swap3A_59], %bitcast3A_58 {strides = array<i32>} : memref<128xf32, #tpu.memory_space<vmem>>, vector<16xf32>,
      %get3A_61 = arith.constant 2 : i32
      %get3A_62 = arith.index_cast %get3A_61 : i32 to index
      %get3A_63 = arith.constant 32 : index
      %get3A_64 = tpu.vector_load %arg5[%get3A_62, %get3A_63] {strides = array<i32>} : memref<3x128xi32, #tpu.memory_space<vmem>>, vector<16xi32>,
      %bitcast3A_65 = vector.bitcast %get3A_64 : vector<16xi32> to vector<16xf32>
      %swap3A_66 = arith.constant 32 : index
      %swap3A_67 = tpu.vector_load %arg6[%swap3A_66] {strides = array<i32>} : memref<128xf32, #tpu.memory_space<vmem>>, vector<16xf32>,
      tpu.vector_store %arg6[%swap3A_66], %bitcast3A_65 {strides = array<i32>} : memref<128xf32, #tpu.memory_space<vmem>>, vector<16xf32>,
      %get3A_68 = arith.constant 2 : i32
      %get3A_69 = arith.index_cast %get3A_68 : i32 to index
      %get3A_70 = arith.constant 48 : index
      %get3A_71 = tpu.vector_load %arg5[%get3A_69, %get3A_70] {strides = array<i32>} : memref<3x128xi32, #tpu.memory_space<vmem>>, vector<16xi32>,
      %bitcast3A_72 = vector.bitcast %get3A_71 : vector<16xi32> to vector<16xf32>
      %swap3A_73 = arith.constant 48 : index
      %swap3A_74 = tpu.vector_load %arg6[%swap3A_73] {strides = array<i32>} : memref<128xf32, #tpu.memory_space<vmem>>, vector<16xf32>,
      tpu.vector_store %arg6[%swap3A_73], %bitcast3A_72 {strides = array<i32>} : memref<128xf32, #tpu.memory_space<vmem>>, vector<16xf32>,
      %get3A_75 = arith.constant 2 : i32
      %get3A_76 = arith.index_cast %get3A_75 : i32 to index
      %get3A_77 = arith.constant 64 : index
      %get3A_78 = tpu.vector_load %arg5[%get3A_76, %get3A_77] {strides = array<i32>} : memref<3x128xi32, #tpu.memory_space<vmem>>, vector<16xi32>,
      %bitcast3A_79 = vector.bitcast %get3A_78 : vector<16xi32> to vector<16xf32>
      %swap3A_80 = arith.constant 64 : index
      %swap3A_81 = tpu.vector_load %arg6[%swap3A_80] {strides = array<i32>} : memref<128xf32, #tpu.memory_space<vmem>>, vector<16xf32>,
      tpu.vector_store %arg6[%swap3A_80], %bitcast3A_79 {strides = array<i32>} : memref<128xf32, #tpu.memory_space<vmem>>, vector<16xf32>,
      %get3A_82 = arith.constant 2 : i32
      %get3A_83 = arith.index_cast %get3A_82 : i32 to index
      %get3A_84 = arith.constant 80 : index
      %get3A_85 = tpu.vector_load %arg5[%get3A_83, %get3A_84] {strides = array<i32>} : memref<3x128xi32, #tpu.memory_space<vmem>>, vector<16xi32>,
      %bitcast3A_86 = vector.bitcast %get3A_85 : vector<16xi32> to vector<16xf32>
      %swap3A_87 = arith.constant 80 : index
      %swap3A_88 = tpu.vector_load %arg6[%swap3A_87] {strides = array<i32>} : memref<128xf32, #tpu.memory_space<vmem>>, vector<16xf32>,
      tpu.vector_store %arg6[%swap3A_87], %bitcast3A_86 {strides = array<i32>} : memref<128xf32, #tpu.memory_space<vmem>>, vector<16xf32>,
      %get3A_89 = arith.constant 2 : i32
      %get3A_90 = arith.index_cast %get3A_89 : i32 to index
      %get3A_91 = arith.constant 96 : index
      %get3A_92 = tpu.vector_load %arg5[%get3A_90, %get3A_91] {strides = array<i32>} : memref<3x128xi32, #tpu.memory_space<vmem>>, vector<16xi32>,
      %bitcast3A_93 = vector.bitcast %get3A_92 : vector<16xi32> to vector<16xf32>
      %swap3A_94 = arith.constant 96 : index
      %swap3A_95 = tpu.vector_load %arg6[%swap3A_94] {strides = array<i32>} : memref<128xf32, #tpu.memory_space<vmem>>, vector<16xf32>,
      tpu.vector_store %arg6[%swap3A_94], %bitcast3A_93 {strides = array<i32>} : memref<128xf32, #tpu.memory_space<vmem>>, vector<16xf32>,
      %get3A_96 = arith.constant 2 : i32
      %get3A_97 = arith.index_cast %get3A_96 : i32 to index
      %get3A_98 = arith.constant 112 : index
      %get3A_99 = tpu.vector_load %arg5[%get3A_97, %get3A_98] {strides = array<i32>} : memref<3x128xi32, #tpu.memory_space<vmem>>, vector<16xi32>,
      %bitcast3A_100 = vector.bitcast %get3A_99 : vector<16xi32> to vector<16xf32>
      %swap3A_101 = arith.constant 112 : index
      %swap3A_102 = tpu.vector_load %arg6[%swap3A_101] {strides = array<i32>} : memref<128xf32, #tpu.memory_space<vmem>>, vector<16xf32>,
      tpu.vector_store %arg6[%swap3A_101], %bitcast3A_100 {strides = array<i32>} : memref<128xf32, #tpu.memory_space<vmem>>, vector<16xf32>,
      %scan3A_103 = arith.constant 0 : i32
      %scan3A_104 = arith.constant 0 : i32
      %scan3A_105 = arith.constant 128 : i32
      %scan3A_106 = arith.addi %scan3A_104, %scan3A_105 : i32
      %scan3A_107 = arith.constant 1 : i32
      scf.for %scan3A_109 = %scan3A_104 to %scan3A_106 step %scan3A_107  : i32 {
        %broadcast_in_dim3A = arith.constant 0 : i32
        %broadcast_in_dim3A_110 = vector.broadcast %broadcast_in_dim3A : i32 to vector<16xi32>
        %add3A_111 = vector.broadcast %scan3A_109 : i32 to vector<16xi32>
        %add3A_112 = arith.addi %broadcast_in_dim3A_110, %add3A_111 : vector<16xi32>
        %gather3A = tpu.vector_load_idx %arg6[%add3A_112] : memref<128xf32, #tpu.memory_space<vmem>>[vector<16xi32>], vector<16xf32>,
        %get3A_113 = arith.index_cast %scan3A_109 : i32 to index
        %get3A_114 = arith.constant 0 : index
        %get3A_115 = tpu.vector_load %arg7[%get3A_113, %get3A_114] {strides = array<i32>} : memref<128x128xf32, #tpu.memory_space<vmem>>, vector<16xf32>,
        %mul3A_116 = arith.mulf %get3A_115, %gather3A : vector<16xf32>
        %swap3A_117 = arith.index_cast %scan3A_109 : i32 to index
        %swap3A_118 = arith.constant 0 : index
        %swap3A_119 = tpu.vector_load %arg7[%swap3A_117, %swap3A_118] {strides = array<i32>} : memref<128x128xf32, #tpu.memory_space<vmem>>, vector<16xf32>,
        tpu.vector_store %arg7[%swap3A_117, %swap3A_118], %mul3A_116 {strides = array<i32>} : memref<128x128xf32, #tpu.memory_space<vmem>>, vector<16xf32>,
        %get3A_120 = arith.index_cast %scan3A_109 : i32 to index
        %get3A_121 = arith.constant 16 : index
        %get3A_122 = tpu.vector_load %arg7[%get3A_120, %get3A_121] {strides = array<i32>} : memref<128x128xf32, #tpu.memory_space<vmem>>, vector<16xf32>,
        %mul3A_123 = arith.mulf %get3A_122, %gather3A : vector<16xf32>
        %swap3A_124 = arith.index_cast %scan3A_109 : i32 to index
        %swap3A_125 = arith.constant 16 : index
        %swap3A_126 = tpu.vector_load %arg7[%swap3A_124, %swap3A_125] {strides = array<i32>} : memref<128x128xf32, #tpu.memory_space<vmem>>, vector<16xf32>,
        tpu.vector_store %arg7[%swap3A_124, %swap3A_125], %mul3A_123 {strides = array<i32>} : memref<128x128xf32, #tpu.memory_space<vmem>>, vector<16xf32>,
        %get3A_127 = arith.index_cast %scan3A_109 : i32 to index
        %get3A_128 = arith.constant 32 : index
        %get3A_129 = tpu.vector_load %arg7[%get3A_127, %get3A_128] {strides = array<i32>} : memref<128x128xf32, #tpu.memory_space<vmem>>, vector<16xf32>,
        %mul3A_130 = arith.mulf %get3A_129, %gather3A : vector<16xf32>
        %swap3A_131 = arith.index_cast %scan3A_109 : i32 to index
        %swap3A_132 = arith.constant 32 : index
        %swap3A_133 = tpu.vector_load %arg7[%swap3A_131, %swap3A_132] {strides = array<i32>} : memref<128x128xf32, #tpu.memory_space<vmem>>, vector<16xf32>,
        tpu.vector_store %arg7[%swap3A_131, %swap3A_132], %mul3A_130 {strides = array<i32>} : memref<128x128xf32, #tpu.memory_space<vmem>>, vector<16xf32>,
        %get3A_134 = arith.index_cast %scan3A_109 : i32 to index
        %get3A_135 = arith.constant 48 : index
        %get3A_136 = tpu.vector_load %arg7[%get3A_134, %get3A_135] {strides = array<i32>} : memref<128x128xf32, #tpu.memory_space<vmem>>, vector<16xf32>,
        %mul3A_137 = arith.mulf %get3A_136, %gather3A : vector<16xf32>
        %swap3A_138 = arith.index_cast %scan3A_109 : i32 to index
        %swap3A_139 = arith.constant 48 : index
        %swap3A_140 = tpu.vector_load %arg7[%swap3A_138, %swap3A_139] {strides = array<i32>} : memref<128x128xf32, #tpu.memory_space<vmem>>, vector<16xf32>,
        tpu.vector_store %arg7[%swap3A_138, %swap3A_139], %mul3A_137 {strides = array<i32>} : memref<128x128xf32, #tpu.memory_space<vmem>>, vector<16xf32>,
        %get3A_141 = arith.index_cast %scan3A_109 : i32 to index
        %get3A_142 = arith.constant 64 : index
        %get3A_143 = tpu.vector_load %arg7[%get3A_141, %get3A_142] {strides = array<i32>} : memref<128x128xf32, #tpu.memory_space<vmem>>, vector<16xf32>,
        %mul3A_144 = arith.mulf %get3A_143, %gather3A : vector<16xf32>
        %swap3A_145 = arith.index_cast %scan3A_109 : i32 to index
        %swap3A_146 = arith.constant 64 : index
        %swap3A_147 = tpu.vector_load %arg7[%swap3A_145, %swap3A_146] {strides = array<i32>} : memref<128x128xf32, #tpu.memory_space<vmem>>, vector<16xf32>,
        tpu.vector_store %arg7[%swap3A_145, %swap3A_146], %mul3A_144 {strides = array<i32>} : memref<128x128xf32, #tpu.memory_space<vmem>>, vector<16xf32>,
        %get3A_148 = arith.index_cast %scan3A_109 : i32 to index
        %get3A_149 = arith.constant 80 : index
        %get3A_150 = tpu.vector_load %arg7[%get3A_148, %get3A_149] {strides = array<i32>} : memref<128x128xf32, #tpu.memory_space<vmem>>, vector<16xf32>,
        %mul3A_151 = arith.mulf %get3A_150, %gather3A : vector<16xf32>
        %swap3A_152 = arith.index_cast %scan3A_109 : i32 to index
        %swap3A_153 = arith.constant 80 : index
        %swap3A_154 = tpu.vector_load %arg7[%swap3A_152, %swap3A_153] {strides = array<i32>} : memref<128x128xf32, #tpu.memory_space<vmem>>, vector<16xf32>,
        tpu.vector_store %arg7[%swap3A_152, %swap3A_153], %mul3A_151 {strides = array<i32>} : memref<128x128xf32, #tpu.memory_space<vmem>>, vector<16xf32>,
        %get3A_155 = arith.index_cast %scan3A_109 : i32 to index
        %get3A_156 = arith.constant 96 : index
        %get3A_157 = tpu.vector_load %arg7[%get3A_155, %get3A_156] {strides = array<i32>} : memref<128x128xf32, #tpu.memory_space<vmem>>, vector<16xf32>,
        %mul3A_158 = arith.mulf %get3A_157, %gather3A : vector<16xf32>
        %swap3A_159 = arith.index_cast %scan3A_109 : i32 to index
        %swap3A_160 = arith.constant 96 : index
        %swap3A_161 = tpu.vector_load %arg7[%swap3A_159, %swap3A_160] {strides = array<i32>} : memref<128x128xf32, #tpu.memory_space<vmem>>, vector<16xf32>,
        tpu.vector_store %arg7[%swap3A_159, %swap3A_160], %mul3A_158 {strides = array<i32>} : memref<128x128xf32, #tpu.memory_space<vmem>>, vector<16xf32>,
        %get3A_162 = arith.index_cast %scan3A_109 : i32 to index
        %get3A_163 = arith.constant 112 : index
        %get3A_164 = tpu.vector_load %arg7[%get3A_162, %get3A_163] {strides = array<i32>} : memref<128x128xf32, #tpu.memory_space<vmem>>, vector<16xf32>,
        %mul3A_165 = arith.mulf %get3A_164, %gather3A : vector<16xf32>
        %swap3A_166 = arith.index_cast %scan3A_109 : i32 to index
        %swap3A_167 = arith.constant 112 : index
        %swap3A_168 = tpu.vector_load %arg7[%swap3A_166, %swap3A_167] {strides = array<i32>} : memref<128x128xf32, #tpu.memory_space<vmem>>, vector<16xf32>,
        tpu.vector_store %arg7[%swap3A_166, %swap3A_167], %mul3A_165 {strides = array<i32>} : memref<128x128xf32, #tpu.memory_space<vmem>>, vector<16xf32>,
      }
      %scan3A_108 = arith.constant 128 : i32
      %run_scoped3A = arith.constant 1 : i32
      "tpu.region"() ({
        %run_scoped3A_109 = tpu.sem_alloc : memref<!tpu.dma_semaphore, #tpu.memory_space<semaphore_mem>>
        %dma_start3A_110 = arith.constant 0 : i32
        %dma_start3A_111 = tpu.memref_slice %arg5[%run_scoped3A, %dma_start3A_110] : memref<3x128xi32, #tpu.memory_space<vmem>> -> memref<1x128xi32, #tpu.memory_space<vmem>>
        %dma_start3A_112 = tpu.memref_squeeze %dma_start3A_111 : memref<1x128xi32, #tpu.memory_space<vmem>> -> memref<128xi32, #tpu.memory_space<vmem>>
        %dma_start3A_113 = arith.constant 0 : i32
        %dma_start3A_114 = arith.constant 0 : i32
        %dma_start3A_115 = tpu.memref_slice %arg8[%dma_start3A_113, %dma_start3A_114] : memref<10240x128xf32, #tpu.memory_space<vmem_shared>> -> memref<10240x128xf32, #tpu.memory_space<vmem_shared>>
        tpu.enqueue_indirect_dma source(%arg7 : memref<128x128xf32, #tpu.memory_space<vmem>>) target(%dma_start3A_115 : memref<10240x128xf32, #tpu.memory_space<vmem_shared>>) offsets(%dma_start3A_112 : memref<128xi32, #tpu.memory_space<vmem>>) semaphore(%run_scoped3A_109 : memref<!tpu.dma_semaphore, #tpu.memory_space<semaphore_mem>>) {add = true}
        %dma_wait3A_116 = arith.constant 0 : i32
        %dma_wait3A_117 = tpu.memref_slice %arg5[%run_scoped3A, %dma_wait3A_116] : memref<3x128xi32, #tpu.memory_space<vmem>> -> memref<1x128xi32, #tpu.memory_space<vmem>>
        %dma_wait3A_118 = tpu.memref_squeeze %dma_wait3A_117 : memref<1x128xi32, #tpu.memory_space<vmem>> -> memref<128xi32, #tpu.memory_space<vmem>>
        %dma_wait3A_119 = arith.constant 0 : i32
        %dma_wait3A_120 = arith.constant 0 : i32
        %dma_wait3A_121 = tpu.memref_slice %arg8[%dma_wait3A_119, %dma_wait3A_120] : memref<10240x128xf32, #tpu.memory_space<vmem_shared>> -> memref<10240x128xf32, #tpu.memory_space<vmem_shared>>
        tpu.wait_indirect_dma semaphore(%run_scoped3A_109 : memref<!tpu.dma_semaphore, #tpu.memory_space<semaphore_mem>>) src(%arg7 : memref<128x128xf32, #tpu.memory_space<vmem>>) dst(%dma_wait3A_121 : memref<10240x128xf32, #tpu.memory_space<vmem_shared>>)
        tpu.yield
      }) : () -> ()
    }
    %scan3A_31 = arith.constant 81 : i32
    %barrier3A_32 = arith.constant 0 : index
    tpu.barrier barrier_id(%barrier3A_32)
    %mul3A_33 = arith.constant 640 : i32
    %mul3A_34 = arith.muli %arg1, %mul3A_33 : i32
    %mul3A_35 = arith.constant 640 : i32
    %mul3A_36 = arith.muli %arg1, %mul3A_35 : i32
    "tpu.region"() ({
      %run_scoped3A = tpu.sem_alloc : memref<!tpu.dma_semaphore, #tpu.memory_space<semaphore_mem>>
      %dma_start3A = arith.constant 0 : i32
      %dma_start3A_37 = tpu.memref_slice %arg4[%arg0, %mul3A_36, %dma_start3A] : memref<2x10240x128xf32, #tpu.memory_space<hbm>> -> memref<1x640x128xf32, #tpu.memory_space<hbm>>
      %dma_start3A_38 = tpu.memref_squeeze %dma_start3A_37 : memref<1x640x128xf32, #tpu.memory_space<hbm>> -> memref<640x128xf32, #tpu.memory_space<hbm>>
      %dma_start3A_39 = arith.constant 0 : i32
      %dma_start3A_40 = tpu.memref_slice %arg8[%mul3A_34, %dma_start3A_39] : memref<10240x128xf32, #tpu.memory_space<vmem_shared>> -> memref<640x128xf32, #tpu.memory_space<vmem_shared>>
      tpu.enqueue_dma source(%dma_start3A_40 : memref<640x128xf32, #tpu.memory_space<vmem_shared>>) target(%dma_start3A_38 : memref<640x128xf32, #tpu.memory_space<hbm>>) target_semaphore(%run_scoped3A : memref<!tpu.dma_semaphore, #tpu.memory_space<semaphore_mem>>)
      %dma_wait3A = arith.constant 0 : i32
      %dma_wait3A_41 = tpu.memref_slice %arg4[%arg0, %mul3A_36, %dma_wait3A] : memref<2x10240x128xf32, #tpu.memory_space<hbm>> -> memref<1x640x128xf32, #tpu.memory_space<hbm>>
      %dma_wait3A_42 = tpu.memref_squeeze %dma_wait3A_41 : memref<1x640x128xf32, #tpu.memory_space<hbm>> -> memref<640x128xf32, #tpu.memory_space<hbm>>
      %dma_wait3A_43 = arith.constant 0 : i32
      %dma_wait3A_44 = tpu.memref_slice %arg8[%mul3A_34, %dma_wait3A_43] : memref<10240x128xf32, #tpu.memory_space<vmem_shared>> -> memref<640x128xf32, #tpu.memory_space<vmem_shared>>
      tpu.wait_dma2 semaphore(%run_scoped3A : memref<!tpu.dma_semaphore, #tpu.memory_space<semaphore_mem>>) src(%dma_wait3A_44 : memref<640x128xf32, #tpu.memory_space<vmem_shared>>) dst(%dma_wait3A_42 : memref<640x128xf32, #tpu.memory_space<hbm>>)
      tpu.yield
    }) : () -> ()
    return
  }
}

#map = affine_map<(d0, d1) -> (0, 0, 0)>
#map1 = affine_map<(d0, d1) -> (0)>
#map2 = affine_map<(d0, d1) -> (0, 0)>
module attributes {stable_mosaic.version = 14 : i64} {
  func.func @_edge_logits(%arg0: i32, %arg1: i32, %arg2: memref<32x81x128xi32, #tpu.memory_space<hbm>>, %arg3: memref<32x81x128xi32, #tpu.memory_space<hbm>>, %arg4: memref<32x81x128xf32, #tpu.memory_space<hbm>>, %arg5: memref<10240xf32, #tpu.memory_space<hbm>>, %arg6: memref<10240xf32, #tpu.memory_space<hbm>>, %arg7: memref<16xf32, #tpu.memory_space<hbm>>, %arg8: memref<32x81x128xf32, #tpu.memory_space<hbm>>, %arg9: memref<2x10240xf32, #tpu.memory_space<hbm>>, %arg10: memref<10240xf32, #tpu.memory_space<vmem>>, %arg11: memref<10240xf32, #tpu.memory_space<vmem>>, %arg12: memref<81x128xi32, #tpu.memory_space<vmem>>, %arg13: memref<81x128xi32, #tpu.memory_space<vmem>>, %arg14: memref<81x128xf32, #tpu.memory_space<vmem>>, %arg15: memref<81x128xf32, #tpu.memory_space<vmem>>, %arg16: memref<16xf32, #tpu.memory_space<vmem>>, %arg17: memref<640xf32, #tpu.memory_space<vmem>>, %arg18: memref<10240xf32, #tpu.memory_space<vmem_shared>>, %arg19: memref<!tpu.dma_semaphore, #tpu.memory_space<semaphore_mem>>) attributes {dimension_semantics = [#tpu.dimension_semantics<core_parallel>, #tpu.dimension_semantics<subcore_parallel>], iteration_bounds = array<i64: 2, 16>, scalar_prefetch = 0 : i64, scratch_operands = 10 : i64, tpu.core_type = #tpu.core_type<sc_vector_subcore>, window_params = [{transform_indices = #map}, {transform_indices = #map}, {transform_indices = #map}, {transform_indices = #map1}, {transform_indices = #map1}, {transform_indices = #map1}, {transform_indices = #map}, {transform_indices = #map2}]} {
    %mul3A = arith.constant 2 : i32
    %mul3A_0 = arith.muli %arg1, %mul3A : i32
    %add3A = arith.addi %mul3A_0, %arg0 : i32
    "tpu.region"() ({
      %run_scoped3A = tpu.sem_alloc : memref<!tpu.dma_semaphore, #tpu.memory_space<semaphore_mem>>
      tpu.enqueue_dma source(%arg5 : memref<10240xf32, #tpu.memory_space<hbm>>) target(%arg10 : memref<10240xf32, #tpu.memory_space<vmem>>) target_semaphore(%run_scoped3A : memref<!tpu.dma_semaphore, #tpu.memory_space<semaphore_mem>>)
      tpu.wait_dma2 semaphore(%run_scoped3A : memref<!tpu.dma_semaphore, #tpu.memory_space<semaphore_mem>>) src(%arg5 : memref<10240xf32, #tpu.memory_space<hbm>>) dst(%arg10 : memref<10240xf32, #tpu.memory_space<vmem>>)
      tpu.yield
    }) : () -> ()
    "tpu.region"() ({
      %run_scoped3A = tpu.sem_alloc : memref<!tpu.dma_semaphore, #tpu.memory_space<semaphore_mem>>
      tpu.enqueue_dma source(%arg6 : memref<10240xf32, #tpu.memory_space<hbm>>) target(%arg11 : memref<10240xf32, #tpu.memory_space<vmem>>) target_semaphore(%run_scoped3A : memref<!tpu.dma_semaphore, #tpu.memory_space<semaphore_mem>>)
      tpu.wait_dma2 semaphore(%run_scoped3A : memref<!tpu.dma_semaphore, #tpu.memory_space<semaphore_mem>>) src(%arg6 : memref<10240xf32, #tpu.memory_space<hbm>>) dst(%arg11 : memref<10240xf32, #tpu.memory_space<vmem>>)
      tpu.yield
    }) : () -> ()
    "tpu.region"() ({
      %run_scoped3A = tpu.sem_alloc : memref<!tpu.dma_semaphore, #tpu.memory_space<semaphore_mem>>
      tpu.enqueue_dma source(%arg7 : memref<16xf32, #tpu.memory_space<hbm>>) target(%arg16 : memref<16xf32, #tpu.memory_space<vmem>>) target_semaphore(%run_scoped3A : memref<!tpu.dma_semaphore, #tpu.memory_space<semaphore_mem>>)
      tpu.wait_dma2 semaphore(%run_scoped3A : memref<!tpu.dma_semaphore, #tpu.memory_space<semaphore_mem>>) src(%arg7 : memref<16xf32, #tpu.memory_space<hbm>>) dst(%arg16 : memref<16xf32, #tpu.memory_space<vmem>>)
      tpu.yield
    }) : () -> ()
    "tpu.region"() ({
      %run_scoped3A = tpu.sem_alloc : memref<!tpu.dma_semaphore, #tpu.memory_space<semaphore_mem>>
      %dma_start3A = arith.constant 0 : i32
      %dma_start3A_18 = arith.constant 0 : i32
      %dma_start3A_19 = tpu.memref_slice %arg2[%add3A, %dma_start3A, %dma_start3A_18] : memref<32x81x128xi32, #tpu.memory_space<hbm>> -> memref<1x81x128xi32, #tpu.memory_space<hbm>>
      %dma_start3A_20 = tpu.memref_squeeze %dma_start3A_19 : memref<1x81x128xi32, #tpu.memory_space<hbm>> -> memref<81x128xi32, #tpu.memory_space<hbm>>
      %dma_start3A_21 = arith.constant 0 : i32
      %dma_start3A_22 = arith.constant 0 : i32
      %dma_start3A_23 = tpu.memref_slice %arg2[%add3A, %dma_start3A_21, %dma_start3A_22] : memref<32x81x128xi32, #tpu.memory_space<hbm>> -> memref<1x81x128xi32, #tpu.memory_space<hbm>>
      %dma_start3A_24 = tpu.memref_squeeze %dma_start3A_23 : memref<1x81x128xi32, #tpu.memory_space<hbm>> -> memref<81x128xi32, #tpu.memory_space<hbm>>
      tpu.enqueue_dma source(%dma_start3A_24 : memref<81x128xi32, #tpu.memory_space<hbm>>) target(%arg12 : memref<81x128xi32, #tpu.memory_space<vmem>>) target_semaphore(%run_scoped3A : memref<!tpu.dma_semaphore, #tpu.memory_space<semaphore_mem>>)
      %dma_wait3A = arith.constant 0 : i32
      %dma_wait3A_25 = arith.constant 0 : i32
      %dma_wait3A_26 = tpu.memref_slice %arg2[%add3A, %dma_wait3A, %dma_wait3A_25] : memref<32x81x128xi32, #tpu.memory_space<hbm>> -> memref<1x81x128xi32, #tpu.memory_space<hbm>>
      %dma_wait3A_27 = tpu.memref_squeeze %dma_wait3A_26 : memref<1x81x128xi32, #tpu.memory_space<hbm>> -> memref<81x128xi32, #tpu.memory_space<hbm>>
      %dma_wait3A_28 = arith.constant 0 : i32
      %dma_wait3A_29 = arith.constant 0 : i32
      %dma_wait3A_30 = tpu.memref_slice %arg2[%add3A, %dma_wait3A_28, %dma_wait3A_29] : memref<32x81x128xi32, #tpu.memory_space<hbm>> -> memref<1x81x128xi32, #tpu.memory_space<hbm>>
      %dma_wait3A_31 = tpu.memref_squeeze %dma_wait3A_30 : memref<1x81x128xi32, #tpu.memory_space<hbm>> -> memref<81x128xi32, #tpu.memory_space<hbm>>
      tpu.wait_dma2 semaphore(%run_scoped3A : memref<!tpu.dma_semaphore, #tpu.memory_space<semaphore_mem>>) src(%dma_wait3A_31 : memref<81x128xi32, #tpu.memory_space<hbm>>) dst(%arg12 : memref<81x128xi32, #tpu.memory_space<vmem>>)
      tpu.yield
    }) : () -> ()
    "tpu.region"() ({
      %run_scoped3A = tpu.sem_alloc : memref<!tpu.dma_semaphore, #tpu.memory_space<semaphore_mem>>
      %dma_start3A = arith.constant 0 : i32
      %dma_start3A_18 = arith.constant 0 : i32
      %dma_start3A_19 = tpu.memref_slice %arg3[%add3A, %dma_start3A, %dma_start3A_18] : memref<32x81x128xi32, #tpu.memory_space<hbm>> -> memref<1x81x128xi32, #tpu.memory_space<hbm>>
      %dma_start3A_20 = tpu.memref_squeeze %dma_start3A_19 : memref<1x81x128xi32, #tpu.memory_space<hbm>> -> memref<81x128xi32, #tpu.memory_space<hbm>>
      %dma_start3A_21 = arith.constant 0 : i32
      %dma_start3A_22 = arith.constant 0 : i32
      %dma_start3A_23 = tpu.memref_slice %arg3[%add3A, %dma_start3A_21, %dma_start3A_22] : memref<32x81x128xi32, #tpu.memory_space<hbm>> -> memref<1x81x128xi32, #tpu.memory_space<hbm>>
      %dma_start3A_24 = tpu.memref_squeeze %dma_start3A_23 : memref<1x81x128xi32, #tpu.memory_space<hbm>> -> memref<81x128xi32, #tpu.memory_space<hbm>>
      tpu.enqueue_dma source(%dma_start3A_24 : memref<81x128xi32, #tpu.memory_space<hbm>>) target(%arg13 : memref<81x128xi32, #tpu.memory_space<vmem>>) target_semaphore(%run_scoped3A : memref<!tpu.dma_semaphore, #tpu.memory_space<semaphore_mem>>)
      %dma_wait3A = arith.constant 0 : i32
      %dma_wait3A_25 = arith.constant 0 : i32
      %dma_wait3A_26 = tpu.memref_slice %arg3[%add3A, %dma_wait3A, %dma_wait3A_25] : memref<32x81x128xi32, #tpu.memory_space<hbm>> -> memref<1x81x128xi32, #tpu.memory_space<hbm>>
      %dma_wait3A_27 = tpu.memref_squeeze %dma_wait3A_26 : memref<1x81x128xi32, #tpu.memory_space<hbm>> -> memref<81x128xi32, #tpu.memory_space<hbm>>
      %dma_wait3A_28 = arith.constant 0 : i32
      %dma_wait3A_29 = arith.constant 0 : i32
      %dma_wait3A_30 = tpu.memref_slice %arg3[%add3A, %dma_wait3A_28, %dma_wait3A_29] : memref<32x81x128xi32, #tpu.memory_space<hbm>> -> memref<1x81x128xi32, #tpu.memory_space<hbm>>
      %dma_wait3A_31 = tpu.memref_squeeze %dma_wait3A_30 : memref<1x81x128xi32, #tpu.memory_space<hbm>> -> memref<81x128xi32, #tpu.memory_space<hbm>>
      tpu.wait_dma2 semaphore(%run_scoped3A : memref<!tpu.dma_semaphore, #tpu.memory_space<semaphore_mem>>) src(%dma_wait3A_31 : memref<81x128xi32, #tpu.memory_space<hbm>>) dst(%arg13 : memref<81x128xi32, #tpu.memory_space<vmem>>)
      tpu.yield
    }) : () -> ()
    "tpu.region"() ({
      %run_scoped3A = tpu.sem_alloc : memref<!tpu.dma_semaphore, #tpu.memory_space<semaphore_mem>>
      %dma_start3A = arith.constant 0 : i32
      %dma_start3A_18 = arith.constant 0 : i32
      %dma_start3A_19 = tpu.memref_slice %arg4[%add3A, %dma_start3A, %dma_start3A_18] : memref<32x81x128xf32, #tpu.memory_space<hbm>> -> memref<1x81x128xf32, #tpu.memory_space<hbm>>
      %dma_start3A_20 = tpu.memref_squeeze %dma_start3A_19 : memref<1x81x128xf32, #tpu.memory_space<hbm>> -> memref<81x128xf32, #tpu.memory_space<hbm>>
      %dma_start3A_21 = arith.constant 0 : i32
      %dma_start3A_22 = arith.constant 0 : i32
      %dma_start3A_23 = tpu.memref_slice %arg4[%add3A, %dma_start3A_21, %dma_start3A_22] : memref<32x81x128xf32, #tpu.memory_space<hbm>> -> memref<1x81x128xf32, #tpu.memory_space<hbm>>
      %dma_start3A_24 = tpu.memref_squeeze %dma_start3A_23 : memref<1x81x128xf32, #tpu.memory_space<hbm>> -> memref<81x128xf32, #tpu.memory_space<hbm>>
      tpu.enqueue_dma source(%dma_start3A_24 : memref<81x128xf32, #tpu.memory_space<hbm>>) target(%arg14 : memref<81x128xf32, #tpu.memory_space<vmem>>) target_semaphore(%run_scoped3A : memref<!tpu.dma_semaphore, #tpu.memory_space<semaphore_mem>>)
      %dma_wait3A = arith.constant 0 : i32
      %dma_wait3A_25 = arith.constant 0 : i32
      %dma_wait3A_26 = tpu.memref_slice %arg4[%add3A, %dma_wait3A, %dma_wait3A_25] : memref<32x81x128xf32, #tpu.memory_space<hbm>> -> memref<1x81x128xf32, #tpu.memory_space<hbm>>
      %dma_wait3A_27 = tpu.memref_squeeze %dma_wait3A_26 : memref<1x81x128xf32, #tpu.memory_space<hbm>> -> memref<81x128xf32, #tpu.memory_space<hbm>>
      %dma_wait3A_28 = arith.constant 0 : i32
      %dma_wait3A_29 = arith.constant 0 : i32
      %dma_wait3A_30 = tpu.memref_slice %arg4[%add3A, %dma_wait3A_28, %dma_wait3A_29] : memref<32x81x128xf32, #tpu.memory_space<hbm>> -> memref<1x81x128xf32, #tpu.memory_space<hbm>>
      %dma_wait3A_31 = tpu.memref_squeeze %dma_wait3A_30 : memref<1x81x128xf32, #tpu.memory_space<hbm>> -> memref<81x128xf32, #tpu.memory_space<hbm>>
      tpu.wait_dma2 semaphore(%run_scoped3A : memref<!tpu.dma_semaphore, #tpu.memory_space<semaphore_mem>>) src(%dma_wait3A_31 : memref<81x128xf32, #tpu.memory_space<hbm>>) dst(%arg14 : memref<81x128xf32, #tpu.memory_space<vmem>>)
      tpu.yield
    }) : () -> ()
    %scan3A = arith.constant 0 : i32
    %scan3A_1 = arith.constant 0 : i32
    %scan3A_2 = arith.constant 40 : i32
    %scan3A_3 = arith.addi %scan3A_1, %scan3A_2 : i32
    %scan3A_4 = arith.constant 1 : i32
    scf.for %scan3A_18 = %scan3A_1 to %scan3A_3 step %scan3A_4  : i32 {
      %broadcast_in_dim3A = arith.constant 0.000000e+00 : f32
      %broadcast_in_dim3A_19 = vector.broadcast %broadcast_in_dim3A : f32 to vector<16xf32>
      %mul3A_20 = arith.constant 16 : i32
      %mul3A_21 = arith.muli %scan3A_18, %mul3A_20 : i32
      %swap3A = arith.index_cast %mul3A_21 : i32 to index
      %swap3A_22 = tpu.vector_load %arg17[%swap3A] {strides = array<i32>} : memref<640xf32, #tpu.memory_space<vmem>>, vector<16xf32>,
      tpu.vector_store %arg17[%swap3A], %broadcast_in_dim3A_19 {strides = array<i32>} : memref<640xf32, #tpu.memory_space<vmem>>, vector<16xf32>,
    }
    %scan3A_5 = arith.constant 40 : i32
    %mul3A_6 = arith.constant 640 : i32
    %mul3A_7 = arith.muli %arg1, %mul3A_6 : i32
    "tpu.region"() ({
      %run_scoped3A = tpu.sem_alloc : memref<!tpu.dma_semaphore, #tpu.memory_space<semaphore_mem>>
      %dma_start3A = tpu.memref_slice %arg18[%mul3A_7] : memref<10240xf32, #tpu.memory_space<vmem_shared>> -> memref<640xf32, #tpu.memory_space<vmem_shared>>
      %dma_start3A_18 = tpu.memref_slice %arg18[%mul3A_7] : memref<10240xf32, #tpu.memory_space<vmem_shared>> -> memref<640xf32, #tpu.memory_space<vmem_shared>>
      tpu.enqueue_dma source(%arg17 : memref<640xf32, #tpu.memory_space<vmem>>) target(%dma_start3A_18 : memref<640xf32, #tpu.memory_space<vmem_shared>>) target_semaphore(%run_scoped3A : memref<!tpu.dma_semaphore, #tpu.memory_space<semaphore_mem>>)
      %dma_wait3A = tpu.memref_slice %arg18[%mul3A_7] : memref<10240xf32, #tpu.memory_space<vmem_shared>> -> memref<640xf32, #tpu.memory_space<vmem_shared>>
      %dma_wait3A_19 = tpu.memref_slice %arg18[%mul3A_7] : memref<10240xf32, #tpu.memory_space<vmem_shared>> -> memref<640xf32, #tpu.memory_space<vmem_shared>>
      tpu.wait_dma2 semaphore(%run_scoped3A : memref<!tpu.dma_semaphore, #tpu.memory_space<semaphore_mem>>) src(%arg17 : memref<640xf32, #tpu.memory_space<vmem>>) dst(%dma_wait3A_19 : memref<640xf32, #tpu.memory_space<vmem_shared>>)
      tpu.yield
    }) : () -> ()
    %barrier3A = arith.constant 0 : index
    tpu.barrier barrier_id(%barrier3A)
    %get3A = arith.constant 0 : index
    %get3A_8 = tpu.vector_load %arg16[%get3A] {strides = array<i32>} : memref<16xf32, #tpu.memory_space<vmem>>, vector<16xf32>,
    %iota3A = tpu.iota {dimensions = array<i32: 0>} : vector<16xi32>
    %scan3A_9 = arith.constant 0 : i32
    %scan3A_10 = arith.constant 0 : i32
    %scan3A_11 = arith.constant 81 : i32
    %scan3A_12 = arith.addi %scan3A_10, %scan3A_11 : i32
    %scan3A_13 = arith.constant 1 : i32
    scf.for %scan3A_18 = %scan3A_10 to %scan3A_12 step %scan3A_13  : i32 {
      %get3A_19 = arith.index_cast %scan3A_18 : i32 to index
      %get3A_20 = arith.constant 0 : index
      %get3A_21 = tpu.vector_load %arg12[%get3A_19, %get3A_20] {strides = array<i32>} : memref<81x128xi32, #tpu.memory_space<vmem>>, vector<16xi32>,
      %get3A_22 = arith.index_cast %scan3A_18 : i32 to index
      %get3A_23 = arith.constant 0 : index
      %get3A_24 = tpu.vector_load %arg13[%get3A_22, %get3A_23] {strides = array<i32>} : memref<81x128xi32, #tpu.memory_space<vmem>>, vector<16xi32>,
      %gather3A = tpu.vector_load_idx %arg10[%get3A_21] : memref<10240xf32, #tpu.memory_space<vmem>>[vector<16xi32>], vector<16xf32>,
      %gather3A_25 = tpu.vector_load_idx %arg11[%get3A_24] : memref<10240xf32, #tpu.memory_space<vmem>>[vector<16xi32>], vector<16xf32>,
      %add3A_26 = arith.addf %gather3A, %gather3A_25 : vector<16xf32>
      %get3A_27 = arith.index_cast %scan3A_18 : i32 to index
      %get3A_28 = arith.constant 0 : index
      %get3A_29 = tpu.vector_load %arg14[%get3A_27, %get3A_28] {strides = array<i32>} : memref<81x128xf32, #tpu.memory_space<vmem>>, vector<16xf32>,
      %mul3A_30 = arith.mulf %get3A_8, %get3A_29 : vector<16xf32>
      %add3A_31 = arith.addf %add3A_26, %mul3A_30 : vector<16xf32>
      %mul3A_32 = arith.constant 10368 : i32
      %mul3A_33 = arith.muli %add3A, %mul3A_32 : i32
      %mul3A_34 = arith.constant 128 : i32
      %mul3A_35 = arith.muli %scan3A_18, %mul3A_34 : i32
      %add3A_36 = arith.addi %mul3A_33, %mul3A_35 : i32
      %add3A_37 = arith.constant 0 : i32
      %add3A_38 = arith.addi %add3A_36, %add3A_37 : i32
      %add3A_39 = vector.broadcast %add3A_38 : i32 to vector<16xi32>
      %add3A_40 = arith.addi %add3A_39, %iota3A : vector<16xi32>
      %lt3A = arith.constant 330000 : i32
      %lt3A_41 = vector.broadcast %lt3A : i32 to vector<16xi32>
      %lt3A_42 = arith.cmpi slt, %add3A_40, %lt3A_41 : vector<16xi32>
      %jit3A = arith.constant -1.000000e+30 : f32
      %broadcast_in_dim3A = vector.broadcast %jit3A : f32 to vector<16xf32>
      %select_n3A = arith.select %lt3A_42, %add3A_31, %broadcast_in_dim3A : vector<16xi1>, vector<16xf32>
      %ge3A = arith.constant 0.000000e+00 : f32
      %ge3A_43 = vector.broadcast %ge3A : f32 to vector<16xf32>
      %ge3A_44 = arith.cmpf oge, %select_n3A, %ge3A_43 : vector<16xf32>
      %mul3A_45 = arith.constant 2.000000e-01 : f32
      %mul3A_46 = vector.broadcast %mul3A_45 : f32 to vector<16xf32>
      %mul3A_47 = arith.mulf %mul3A_46, %select_n3A : vector<16xf32>
      %select_n3A_48 = arith.select %ge3A_44, %select_n3A, %mul3A_47 : vector<16xi1>, vector<16xf32>
      %exp3A = math.exp %select_n3A_48 : vector<16xf32>
      %swap3A = arith.index_cast %scan3A_18 : i32 to index
      %swap3A_49 = arith.constant 0 : index
      %swap3A_50 = tpu.vector_load %arg15[%swap3A, %swap3A_49] {strides = array<i32>} : memref<81x128xf32, #tpu.memory_space<vmem>>, vector<16xf32>,
      tpu.vector_store %arg15[%swap3A, %swap3A_49], %exp3A {strides = array<i32>} : memref<81x128xf32, #tpu.memory_space<vmem>>, vector<16xf32>,
      %get3A_51 = arith.index_cast %scan3A_18 : i32 to index
      %get3A_52 = arith.constant 16 : index
      %get3A_53 = tpu.vector_load %arg12[%get3A_51, %get3A_52] {strides = array<i32>} : memref<81x128xi32, #tpu.memory_space<vmem>>, vector<16xi32>,
      %get3A_54 = arith.index_cast %scan3A_18 : i32 to index
      %get3A_55 = arith.constant 16 : index
      %get3A_56 = tpu.vector_load %arg13[%get3A_54, %get3A_55] {strides = array<i32>} : memref<81x128xi32, #tpu.memory_space<vmem>>, vector<16xi32>,
      %gather3A_57 = tpu.vector_load_idx %arg10[%get3A_53] : memref<10240xf32, #tpu.memory_space<vmem>>[vector<16xi32>], vector<16xf32>,
      %gather3A_58 = tpu.vector_load_idx %arg11[%get3A_56] : memref<10240xf32, #tpu.memory_space<vmem>>[vector<16xi32>], vector<16xf32>,
      %add3A_59 = arith.addf %gather3A_57, %gather3A_58 : vector<16xf32>
      %get3A_60 = arith.index_cast %scan3A_18 : i32 to index
      %get3A_61 = arith.constant 16 : index
      %get3A_62 = tpu.vector_load %arg14[%get3A_60, %get3A_61] {strides = array<i32>} : memref<81x128xf32, #tpu.memory_space<vmem>>, vector<16xf32>,
      %mul3A_63 = arith.mulf %get3A_8, %get3A_62 : vector<16xf32>
      %add3A_64 = arith.addf %add3A_59, %mul3A_63 : vector<16xf32>
      %mul3A_65 = arith.constant 10368 : i32
      %mul3A_66 = arith.muli %add3A, %mul3A_65 : i32
      %mul3A_67 = arith.constant 128 : i32
      %mul3A_68 = arith.muli %scan3A_18, %mul3A_67 : i32
      %add3A_69 = arith.addi %mul3A_66, %mul3A_68 : i32
      %add3A_70 = arith.constant 16 : i32
      %add3A_71 = arith.addi %add3A_69, %add3A_70 : i32
      %add3A_72 = vector.broadcast %add3A_71 : i32 to vector<16xi32>
      %add3A_73 = arith.addi %add3A_72, %iota3A : vector<16xi32>
      %lt3A_74 = arith.constant 330000 : i32
      %lt3A_75 = vector.broadcast %lt3A_74 : i32 to vector<16xi32>
      %lt3A_76 = arith.cmpi slt, %add3A_73, %lt3A_75 : vector<16xi32>
      %jit3A_77 = arith.constant -1.000000e+30 : f32
      %broadcast_in_dim3A_78 = vector.broadcast %jit3A_77 : f32 to vector<16xf32>
      %select_n3A_79 = arith.select %lt3A_76, %add3A_64, %broadcast_in_dim3A_78 : vector<16xi1>, vector<16xf32>
      %ge3A_80 = arith.constant 0.000000e+00 : f32
      %ge3A_81 = vector.broadcast %ge3A_80 : f32 to vector<16xf32>
      %ge3A_82 = arith.cmpf oge, %select_n3A_79, %ge3A_81 : vector<16xf32>
      %mul3A_83 = arith.constant 2.000000e-01 : f32
      %mul3A_84 = vector.broadcast %mul3A_83 : f32 to vector<16xf32>
      %mul3A_85 = arith.mulf %mul3A_84, %select_n3A_79 : vector<16xf32>
      %select_n3A_86 = arith.select %ge3A_82, %select_n3A_79, %mul3A_85 : vector<16xi1>, vector<16xf32>
      %exp3A_87 = math.exp %select_n3A_86 : vector<16xf32>
      %swap3A_88 = arith.index_cast %scan3A_18 : i32 to index
      %swap3A_89 = arith.constant 16 : index
      %swap3A_90 = tpu.vector_load %arg15[%swap3A_88, %swap3A_89] {strides = array<i32>} : memref<81x128xf32, #tpu.memory_space<vmem>>, vector<16xf32>,
      tpu.vector_store %arg15[%swap3A_88, %swap3A_89], %exp3A_87 {strides = array<i32>} : memref<81x128xf32, #tpu.memory_space<vmem>>, vector<16xf32>,
      %get3A_91 = arith.index_cast %scan3A_18 : i32 to index
      %get3A_92 = arith.constant 32 : index
      %get3A_93 = tpu.vector_load %arg12[%get3A_91, %get3A_92] {strides = array<i32>} : memref<81x128xi32, #tpu.memory_space<vmem>>, vector<16xi32>,
      %get3A_94 = arith.index_cast %scan3A_18 : i32 to index
      %get3A_95 = arith.constant 32 : index
      %get3A_96 = tpu.vector_load %arg13[%get3A_94, %get3A_95] {strides = array<i32>} : memref<81x128xi32, #tpu.memory_space<vmem>>, vector<16xi32>,
      %gather3A_97 = tpu.vector_load_idx %arg10[%get3A_93] : memref<10240xf32, #tpu.memory_space<vmem>>[vector<16xi32>], vector<16xf32>,
      %gather3A_98 = tpu.vector_load_idx %arg11[%get3A_96] : memref<10240xf32, #tpu.memory_space<vmem>>[vector<16xi32>], vector<16xf32>,
      %add3A_99 = arith.addf %gather3A_97, %gather3A_98 : vector<16xf32>
      %get3A_100 = arith.index_cast %scan3A_18 : i32 to index
      %get3A_101 = arith.constant 32 : index
      %get3A_102 = tpu.vector_load %arg14[%get3A_100, %get3A_101] {strides = array<i32>} : memref<81x128xf32, #tpu.memory_space<vmem>>, vector<16xf32>,
      %mul3A_103 = arith.mulf %get3A_8, %get3A_102 : vector<16xf32>
      %add3A_104 = arith.addf %add3A_99, %mul3A_103 : vector<16xf32>
      %mul3A_105 = arith.constant 10368 : i32
      %mul3A_106 = arith.muli %add3A, %mul3A_105 : i32
      %mul3A_107 = arith.constant 128 : i32
      %mul3A_108 = arith.muli %scan3A_18, %mul3A_107 : i32
      %add3A_109 = arith.addi %mul3A_106, %mul3A_108 : i32
      %add3A_110 = arith.constant 32 : i32
      %add3A_111 = arith.addi %add3A_109, %add3A_110 : i32
      %add3A_112 = vector.broadcast %add3A_111 : i32 to vector<16xi32>
      %add3A_113 = arith.addi %add3A_112, %iota3A : vector<16xi32>
      %lt3A_114 = arith.constant 330000 : i32
      %lt3A_115 = vector.broadcast %lt3A_114 : i32 to vector<16xi32>
      %lt3A_116 = arith.cmpi slt, %add3A_113, %lt3A_115 : vector<16xi32>
      %jit3A_117 = arith.constant -1.000000e+30 : f32
      %broadcast_in_dim3A_118 = vector.broadcast %jit3A_117 : f32 to vector<16xf32>
      %select_n3A_119 = arith.select %lt3A_116, %add3A_104, %broadcast_in_dim3A_118 : vector<16xi1>, vector<16xf32>
      %ge3A_120 = arith.constant 0.000000e+00 : f32
      %ge3A_121 = vector.broadcast %ge3A_120 : f32 to vector<16xf32>
      %ge3A_122 = arith.cmpf oge, %select_n3A_119, %ge3A_121 : vector<16xf32>
      %mul3A_123 = arith.constant 2.000000e-01 : f32
      %mul3A_124 = vector.broadcast %mul3A_123 : f32 to vector<16xf32>
      %mul3A_125 = arith.mulf %mul3A_124, %select_n3A_119 : vector<16xf32>
      %select_n3A_126 = arith.select %ge3A_122, %select_n3A_119, %mul3A_125 : vector<16xi1>, vector<16xf32>
      %exp3A_127 = math.exp %select_n3A_126 : vector<16xf32>
      %swap3A_128 = arith.index_cast %scan3A_18 : i32 to index
      %swap3A_129 = arith.constant 32 : index
      %swap3A_130 = tpu.vector_load %arg15[%swap3A_128, %swap3A_129] {strides = array<i32>} : memref<81x128xf32, #tpu.memory_space<vmem>>, vector<16xf32>,
      tpu.vector_store %arg15[%swap3A_128, %swap3A_129], %exp3A_127 {strides = array<i32>} : memref<81x128xf32, #tpu.memory_space<vmem>>, vector<16xf32>,
      %get3A_131 = arith.index_cast %scan3A_18 : i32 to index
      %get3A_132 = arith.constant 48 : index
      %get3A_133 = tpu.vector_load %arg12[%get3A_131, %get3A_132] {strides = array<i32>} : memref<81x128xi32, #tpu.memory_space<vmem>>, vector<16xi32>,
      %get3A_134 = arith.index_cast %scan3A_18 : i32 to index
      %get3A_135 = arith.constant 48 : index
      %get3A_136 = tpu.vector_load %arg13[%get3A_134, %get3A_135] {strides = array<i32>} : memref<81x128xi32, #tpu.memory_space<vmem>>, vector<16xi32>,
      %gather3A_137 = tpu.vector_load_idx %arg10[%get3A_133] : memref<10240xf32, #tpu.memory_space<vmem>>[vector<16xi32>], vector<16xf32>,
      %gather3A_138 = tpu.vector_load_idx %arg11[%get3A_136] : memref<10240xf32, #tpu.memory_space<vmem>>[vector<16xi32>], vector<16xf32>,
      %add3A_139 = arith.addf %gather3A_137, %gather3A_138 : vector<16xf32>
      %get3A_140 = arith.index_cast %scan3A_18 : i32 to index
      %get3A_141 = arith.constant 48 : index
      %get3A_142 = tpu.vector_load %arg14[%get3A_140, %get3A_141] {strides = array<i32>} : memref<81x128xf32, #tpu.memory_space<vmem>>, vector<16xf32>,
      %mul3A_143 = arith.mulf %get3A_8, %get3A_142 : vector<16xf32>
      %add3A_144 = arith.addf %add3A_139, %mul3A_143 : vector<16xf32>
      %mul3A_145 = arith.constant 10368 : i32
      %mul3A_146 = arith.muli %add3A, %mul3A_145 : i32
      %mul3A_147 = arith.constant 128 : i32
      %mul3A_148 = arith.muli %scan3A_18, %mul3A_147 : i32
      %add3A_149 = arith.addi %mul3A_146, %mul3A_148 : i32
      %add3A_150 = arith.constant 48 : i32
      %add3A_151 = arith.addi %add3A_149, %add3A_150 : i32
      %add3A_152 = vector.broadcast %add3A_151 : i32 to vector<16xi32>
      %add3A_153 = arith.addi %add3A_152, %iota3A : vector<16xi32>
      %lt3A_154 = arith.constant 330000 : i32
      %lt3A_155 = vector.broadcast %lt3A_154 : i32 to vector<16xi32>
      %lt3A_156 = arith.cmpi slt, %add3A_153, %lt3A_155 : vector<16xi32>
      %jit3A_157 = arith.constant -1.000000e+30 : f32
      %broadcast_in_dim3A_158 = vector.broadcast %jit3A_157 : f32 to vector<16xf32>
      %select_n3A_159 = arith.select %lt3A_156, %add3A_144, %broadcast_in_dim3A_158 : vector<16xi1>, vector<16xf32>
      %ge3A_160 = arith.constant 0.000000e+00 : f32
      %ge3A_161 = vector.broadcast %ge3A_160 : f32 to vector<16xf32>
      %ge3A_162 = arith.cmpf oge, %select_n3A_159, %ge3A_161 : vector<16xf32>
      %mul3A_163 = arith.constant 2.000000e-01 : f32
      %mul3A_164 = vector.broadcast %mul3A_163 : f32 to vector<16xf32>
      %mul3A_165 = arith.mulf %mul3A_164, %select_n3A_159 : vector<16xf32>
      %select_n3A_166 = arith.select %ge3A_162, %select_n3A_159, %mul3A_165 : vector<16xi1>, vector<16xf32>
      %exp3A_167 = math.exp %select_n3A_166 : vector<16xf32>
      %swap3A_168 = arith.index_cast %scan3A_18 : i32 to index
      %swap3A_169 = arith.constant 48 : index
      %swap3A_170 = tpu.vector_load %arg15[%swap3A_168, %swap3A_169] {strides = array<i32>} : memref<81x128xf32, #tpu.memory_space<vmem>>, vector<16xf32>,
      tpu.vector_store %arg15[%swap3A_168, %swap3A_169], %exp3A_167 {strides = array<i32>} : memref<81x128xf32, #tpu.memory_space<vmem>>, vector<16xf32>,
      %get3A_171 = arith.index_cast %scan3A_18 : i32 to index
      %get3A_172 = arith.constant 64 : index
      %get3A_173 = tpu.vector_load %arg12[%get3A_171, %get3A_172] {strides = array<i32>} : memref<81x128xi32, #tpu.memory_space<vmem>>, vector<16xi32>,
      %get3A_174 = arith.index_cast %scan3A_18 : i32 to index
      %get3A_175 = arith.constant 64 : index
      %get3A_176 = tpu.vector_load %arg13[%get3A_174, %get3A_175] {strides = array<i32>} : memref<81x128xi32, #tpu.memory_space<vmem>>, vector<16xi32>,
      %gather3A_177 = tpu.vector_load_idx %arg10[%get3A_173] : memref<10240xf32, #tpu.memory_space<vmem>>[vector<16xi32>], vector<16xf32>,
      %gather3A_178 = tpu.vector_load_idx %arg11[%get3A_176] : memref<10240xf32, #tpu.memory_space<vmem>>[vector<16xi32>], vector<16xf32>,
      %add3A_179 = arith.addf %gather3A_177, %gather3A_178 : vector<16xf32>
      %get3A_180 = arith.index_cast %scan3A_18 : i32 to index
      %get3A_181 = arith.constant 64 : index
      %get3A_182 = tpu.vector_load %arg14[%get3A_180, %get3A_181] {strides = array<i32>} : memref<81x128xf32, #tpu.memory_space<vmem>>, vector<16xf32>,
      %mul3A_183 = arith.mulf %get3A_8, %get3A_182 : vector<16xf32>
      %add3A_184 = arith.addf %add3A_179, %mul3A_183 : vector<16xf32>
      %mul3A_185 = arith.constant 10368 : i32
      %mul3A_186 = arith.muli %add3A, %mul3A_185 : i32
      %mul3A_187 = arith.constant 128 : i32
      %mul3A_188 = arith.muli %scan3A_18, %mul3A_187 : i32
      %add3A_189 = arith.addi %mul3A_186, %mul3A_188 : i32
      %add3A_190 = arith.constant 64 : i32
      %add3A_191 = arith.addi %add3A_189, %add3A_190 : i32
      %add3A_192 = vector.broadcast %add3A_191 : i32 to vector<16xi32>
      %add3A_193 = arith.addi %add3A_192, %iota3A : vector<16xi32>
      %lt3A_194 = arith.constant 330000 : i32
      %lt3A_195 = vector.broadcast %lt3A_194 : i32 to vector<16xi32>
      %lt3A_196 = arith.cmpi slt, %add3A_193, %lt3A_195 : vector<16xi32>
      %jit3A_197 = arith.constant -1.000000e+30 : f32
      %broadcast_in_dim3A_198 = vector.broadcast %jit3A_197 : f32 to vector<16xf32>
      %select_n3A_199 = arith.select %lt3A_196, %add3A_184, %broadcast_in_dim3A_198 : vector<16xi1>, vector<16xf32>
      %ge3A_200 = arith.constant 0.000000e+00 : f32
      %ge3A_201 = vector.broadcast %ge3A_200 : f32 to vector<16xf32>
      %ge3A_202 = arith.cmpf oge, %select_n3A_199, %ge3A_201 : vector<16xf32>
      %mul3A_203 = arith.constant 2.000000e-01 : f32
      %mul3A_204 = vector.broadcast %mul3A_203 : f32 to vector<16xf32>
      %mul3A_205 = arith.mulf %mul3A_204, %select_n3A_199 : vector<16xf32>
      %select_n3A_206 = arith.select %ge3A_202, %select_n3A_199, %mul3A_205 : vector<16xi1>, vector<16xf32>
      %exp3A_207 = math.exp %select_n3A_206 : vector<16xf32>
      %swap3A_208 = arith.index_cast %scan3A_18 : i32 to index
      %swap3A_209 = arith.constant 64 : index
      %swap3A_210 = tpu.vector_load %arg15[%swap3A_208, %swap3A_209] {strides = array<i32>} : memref<81x128xf32, #tpu.memory_space<vmem>>, vector<16xf32>,
      tpu.vector_store %arg15[%swap3A_208, %swap3A_209], %exp3A_207 {strides = array<i32>} : memref<81x128xf32, #tpu.memory_space<vmem>>, vector<16xf32>,
      %get3A_211 = arith.index_cast %scan3A_18 : i32 to index
      %get3A_212 = arith.constant 80 : index
      %get3A_213 = tpu.vector_load %arg12[%get3A_211, %get3A_212] {strides = array<i32>} : memref<81x128xi32, #tpu.memory_space<vmem>>, vector<16xi32>,
      %get3A_214 = arith.index_cast %scan3A_18 : i32 to index
      %get3A_215 = arith.constant 80 : index
      %get3A_216 = tpu.vector_load %arg13[%get3A_214, %get3A_215] {strides = array<i32>} : memref<81x128xi32, #tpu.memory_space<vmem>>, vector<16xi32>,
      %gather3A_217 = tpu.vector_load_idx %arg10[%get3A_213] : memref<10240xf32, #tpu.memory_space<vmem>>[vector<16xi32>], vector<16xf32>,
      %gather3A_218 = tpu.vector_load_idx %arg11[%get3A_216] : memref<10240xf32, #tpu.memory_space<vmem>>[vector<16xi32>], vector<16xf32>,
      %add3A_219 = arith.addf %gather3A_217, %gather3A_218 : vector<16xf32>
      %get3A_220 = arith.index_cast %scan3A_18 : i32 to index
      %get3A_221 = arith.constant 80 : index
      %get3A_222 = tpu.vector_load %arg14[%get3A_220, %get3A_221] {strides = array<i32>} : memref<81x128xf32, #tpu.memory_space<vmem>>, vector<16xf32>,
      %mul3A_223 = arith.mulf %get3A_8, %get3A_222 : vector<16xf32>
      %add3A_224 = arith.addf %add3A_219, %mul3A_223 : vector<16xf32>
      %mul3A_225 = arith.constant 10368 : i32
      %mul3A_226 = arith.muli %add3A, %mul3A_225 : i32
      %mul3A_227 = arith.constant 128 : i32
      %mul3A_228 = arith.muli %scan3A_18, %mul3A_227 : i32
      %add3A_229 = arith.addi %mul3A_226, %mul3A_228 : i32
      %add3A_230 = arith.constant 80 : i32
      %add3A_231 = arith.addi %add3A_229, %add3A_230 : i32
      %add3A_232 = vector.broadcast %add3A_231 : i32 to vector<16xi32>
      %add3A_233 = arith.addi %add3A_232, %iota3A : vector<16xi32>
      %lt3A_234 = arith.constant 330000 : i32
      %lt3A_235 = vector.broadcast %lt3A_234 : i32 to vector<16xi32>
      %lt3A_236 = arith.cmpi slt, %add3A_233, %lt3A_235 : vector<16xi32>
      %jit3A_237 = arith.constant -1.000000e+30 : f32
      %broadcast_in_dim3A_238 = vector.broadcast %jit3A_237 : f32 to vector<16xf32>
      %select_n3A_239 = arith.select %lt3A_236, %add3A_224, %broadcast_in_dim3A_238 : vector<16xi1>, vector<16xf32>
      %ge3A_240 = arith.constant 0.000000e+00 : f32
      %ge3A_241 = vector.broadcast %ge3A_240 : f32 to vector<16xf32>
      %ge3A_242 = arith.cmpf oge, %select_n3A_239, %ge3A_241 : vector<16xf32>
      %mul3A_243 = arith.constant 2.000000e-01 : f32
      %mul3A_244 = vector.broadcast %mul3A_243 : f32 to vector<16xf32>
      %mul3A_245 = arith.mulf %mul3A_244, %select_n3A_239 : vector<16xf32>
      %select_n3A_246 = arith.select %ge3A_242, %select_n3A_239, %mul3A_245 : vector<16xi1>, vector<16xf32>
      %exp3A_247 = math.exp %select_n3A_246 : vector<16xf32>
      %swap3A_248 = arith.index_cast %scan3A_18 : i32 to index
      %swap3A_249 = arith.constant 80 : index
      %swap3A_250 = tpu.vector_load %arg15[%swap3A_248, %swap3A_249] {strides = array<i32>} : memref<81x128xf32, #tpu.memory_space<vmem>>, vector<16xf32>,
      tpu.vector_store %arg15[%swap3A_248, %swap3A_249], %exp3A_247 {strides = array<i32>} : memref<81x128xf32, #tpu.memory_space<vmem>>, vector<16xf32>,
      %get3A_251 = arith.index_cast %scan3A_18 : i32 to index
      %get3A_252 = arith.constant 96 : index
      %get3A_253 = tpu.vector_load %arg12[%get3A_251, %get3A_252] {strides = array<i32>} : memref<81x128xi32, #tpu.memory_space<vmem>>, vector<16xi32>,
      %get3A_254 = arith.index_cast %scan3A_18 : i32 to index
      %get3A_255 = arith.constant 96 : index
      %get3A_256 = tpu.vector_load %arg13[%get3A_254, %get3A_255] {strides = array<i32>} : memref<81x128xi32, #tpu.memory_space<vmem>>, vector<16xi32>,
      %gather3A_257 = tpu.vector_load_idx %arg10[%get3A_253] : memref<10240xf32, #tpu.memory_space<vmem>>[vector<16xi32>], vector<16xf32>,
      %gather3A_258 = tpu.vector_load_idx %arg11[%get3A_256] : memref<10240xf32, #tpu.memory_space<vmem>>[vector<16xi32>], vector<16xf32>,
      %add3A_259 = arith.addf %gather3A_257, %gather3A_258 : vector<16xf32>
      %get3A_260 = arith.index_cast %scan3A_18 : i32 to index
      %get3A_261 = arith.constant 96 : index
      %get3A_262 = tpu.vector_load %arg14[%get3A_260, %get3A_261] {strides = array<i32>} : memref<81x128xf32, #tpu.memory_space<vmem>>, vector<16xf32>,
      %mul3A_263 = arith.mulf %get3A_8, %get3A_262 : vector<16xf32>
      %add3A_264 = arith.addf %add3A_259, %mul3A_263 : vector<16xf32>
      %mul3A_265 = arith.constant 10368 : i32
      %mul3A_266 = arith.muli %add3A, %mul3A_265 : i32
      %mul3A_267 = arith.constant 128 : i32
      %mul3A_268 = arith.muli %scan3A_18, %mul3A_267 : i32
      %add3A_269 = arith.addi %mul3A_266, %mul3A_268 : i32
      %add3A_270 = arith.constant 96 : i32
      %add3A_271 = arith.addi %add3A_269, %add3A_270 : i32
      %add3A_272 = vector.broadcast %add3A_271 : i32 to vector<16xi32>
      %add3A_273 = arith.addi %add3A_272, %iota3A : vector<16xi32>
      %lt3A_274 = arith.constant 330000 : i32
      %lt3A_275 = vector.broadcast %lt3A_274 : i32 to vector<16xi32>
      %lt3A_276 = arith.cmpi slt, %add3A_273, %lt3A_275 : vector<16xi32>
      %jit3A_277 = arith.constant -1.000000e+30 : f32
      %broadcast_in_dim3A_278 = vector.broadcast %jit3A_277 : f32 to vector<16xf32>
      %select_n3A_279 = arith.select %lt3A_276, %add3A_264, %broadcast_in_dim3A_278 : vector<16xi1>, vector<16xf32>
      %ge3A_280 = arith.constant 0.000000e+00 : f32
      %ge3A_281 = vector.broadcast %ge3A_280 : f32 to vector<16xf32>
      %ge3A_282 = arith.cmpf oge, %select_n3A_279, %ge3A_281 : vector<16xf32>
      %mul3A_283 = arith.constant 2.000000e-01 : f32
      %mul3A_284 = vector.broadcast %mul3A_283 : f32 to vector<16xf32>
      %mul3A_285 = arith.mulf %mul3A_284, %select_n3A_279 : vector<16xf32>
      %select_n3A_286 = arith.select %ge3A_282, %select_n3A_279, %mul3A_285 : vector<16xi1>, vector<16xf32>
      %exp3A_287 = math.exp %select_n3A_286 : vector<16xf32>
      %swap3A_288 = arith.index_cast %scan3A_18 : i32 to index
      %swap3A_289 = arith.constant 96 : index
      %swap3A_290 = tpu.vector_load %arg15[%swap3A_288, %swap3A_289] {strides = array<i32>} : memref<81x128xf32, #tpu.memory_space<vmem>>, vector<16xf32>,
      tpu.vector_store %arg15[%swap3A_288, %swap3A_289], %exp3A_287 {strides = array<i32>} : memref<81x128xf32, #tpu.memory_space<vmem>>, vector<16xf32>,
      %get3A_291 = arith.index_cast %scan3A_18 : i32 to index
      %get3A_292 = arith.constant 112 : index
      %get3A_293 = tpu.vector_load %arg12[%get3A_291, %get3A_292] {strides = array<i32>} : memref<81x128xi32, #tpu.memory_space<vmem>>, vector<16xi32>,
      %get3A_294 = arith.index_cast %scan3A_18 : i32 to index
      %get3A_295 = arith.constant 112 : index
      %get3A_296 = tpu.vector_load %arg13[%get3A_294, %get3A_295] {strides = array<i32>} : memref<81x128xi32, #tpu.memory_space<vmem>>, vector<16xi32>,
      %gather3A_297 = tpu.vector_load_idx %arg10[%get3A_293] : memref<10240xf32, #tpu.memory_space<vmem>>[vector<16xi32>], vector<16xf32>,
      %gather3A_298 = tpu.vector_load_idx %arg11[%get3A_296] : memref<10240xf32, #tpu.memory_space<vmem>>[vector<16xi32>], vector<16xf32>,
      %add3A_299 = arith.addf %gather3A_297, %gather3A_298 : vector<16xf32>
      %get3A_300 = arith.index_cast %scan3A_18 : i32 to index
      %get3A_301 = arith.constant 112 : index
      %get3A_302 = tpu.vector_load %arg14[%get3A_300, %get3A_301] {strides = array<i32>} : memref<81x128xf32, #tpu.memory_space<vmem>>, vector<16xf32>,
      %mul3A_303 = arith.mulf %get3A_8, %get3A_302 : vector<16xf32>
      %add3A_304 = arith.addf %add3A_299, %mul3A_303 : vector<16xf32>
      %mul3A_305 = arith.constant 10368 : i32
      %mul3A_306 = arith.muli %add3A, %mul3A_305 : i32
      %mul3A_307 = arith.constant 128 : i32
      %mul3A_308 = arith.muli %scan3A_18, %mul3A_307 : i32
      %add3A_309 = arith.addi %mul3A_306, %mul3A_308 : i32
      %add3A_310 = arith.constant 112 : i32
      %add3A_311 = arith.addi %add3A_309, %add3A_310 : i32
      %add3A_312 = vector.broadcast %add3A_311 : i32 to vector<16xi32>
      %add3A_313 = arith.addi %add3A_312, %iota3A : vector<16xi32>
      %lt3A_314 = arith.constant 330000 : i32
      %lt3A_315 = vector.broadcast %lt3A_314 : i32 to vector<16xi32>
      %lt3A_316 = arith.cmpi slt, %add3A_313, %lt3A_315 : vector<16xi32>
      %jit3A_317 = arith.constant -1.000000e+30 : f32
      %broadcast_in_dim3A_318 = vector.broadcast %jit3A_317 : f32 to vector<16xf32>
      %select_n3A_319 = arith.select %lt3A_316, %add3A_304, %broadcast_in_dim3A_318 : vector<16xi1>, vector<16xf32>
      %ge3A_320 = arith.constant 0.000000e+00 : f32
      %ge3A_321 = vector.broadcast %ge3A_320 : f32 to vector<16xf32>
      %ge3A_322 = arith.cmpf oge, %select_n3A_319, %ge3A_321 : vector<16xf32>
      %mul3A_323 = arith.constant 2.000000e-01 : f32
      %mul3A_324 = vector.broadcast %mul3A_323 : f32 to vector<16xf32>
      %mul3A_325 = arith.mulf %mul3A_324, %select_n3A_319 : vector<16xf32>
      %select_n3A_326 = arith.select %ge3A_322, %select_n3A_319, %mul3A_325 : vector<16xi1>, vector<16xf32>
      %exp3A_327 = math.exp %select_n3A_326 : vector<16xf32>
      %swap3A_328 = arith.index_cast %scan3A_18 : i32 to index
      %swap3A_329 = arith.constant 112 : index
      %swap3A_330 = tpu.vector_load %arg15[%swap3A_328, %swap3A_329] {strides = array<i32>} : memref<81x128xf32, #tpu.memory_space<vmem>>, vector<16xf32>,
      tpu.vector_store %arg15[%swap3A_328, %swap3A_329], %exp3A_327 {strides = array<i32>} : memref<81x128xf32, #tpu.memory_space<vmem>>, vector<16xf32>,
      "tpu.region"() ({
        %run_scoped3A = tpu.sem_alloc : memref<!tpu.dma_semaphore, #tpu.memory_space<semaphore_mem>>
        %dma_start3A = arith.constant 0 : i32
        %dma_start3A_331 = tpu.memref_slice %arg15[%scan3A_18, %dma_start3A] : memref<81x128xf32, #tpu.memory_space<vmem>> -> memref<1x128xf32, #tpu.memory_space<vmem>>
        %dma_start3A_332 = tpu.memref_squeeze %dma_start3A_331 : memref<1x128xf32, #tpu.memory_space<vmem>> -> memref<128xf32, #tpu.memory_space<vmem>>
        %dma_start3A_333 = arith.constant 0 : i32
        %dma_start3A_334 = tpu.memref_slice %arg13[%scan3A_18, %dma_start3A_333] : memref<81x128xi32, #tpu.memory_space<vmem>> -> memref<1x128xi32, #tpu.memory_space<vmem>>
        %dma_start3A_335 = tpu.memref_squeeze %dma_start3A_334 : memref<1x128xi32, #tpu.memory_space<vmem>> -> memref<128xi32, #tpu.memory_space<vmem>>
        %dma_start3A_336 = arith.constant 0 : i32
        %dma_start3A_337 = tpu.memref_slice %arg18[%dma_start3A_336] : memref<10240xf32, #tpu.memory_space<vmem_shared>> -> memref<10240xf32, #tpu.memory_space<vmem_shared>>
        tpu.enqueue_indirect_dma source(%dma_start3A_332 : memref<128xf32, #tpu.memory_space<vmem>>) target(%dma_start3A_337 : memref<10240xf32, #tpu.memory_space<vmem_shared>>) offsets(%dma_start3A_335 : memref<128xi32, #tpu.memory_space<vmem>>) semaphore(%run_scoped3A : memref<!tpu.dma_semaphore, #tpu.memory_space<semaphore_mem>>) {add = true}
        %dma_wait3A = arith.constant 0 : i32
        %dma_wait3A_338 = tpu.memref_slice %arg15[%scan3A_18, %dma_wait3A] : memref<81x128xf32, #tpu.memory_space<vmem>> -> memref<1x128xf32, #tpu.memory_space<vmem>>
        %dma_wait3A_339 = tpu.memref_squeeze %dma_wait3A_338 : memref<1x128xf32, #tpu.memory_space<vmem>> -> memref<128xf32, #tpu.memory_space<vmem>>
        %dma_wait3A_340 = arith.constant 0 : i32
        %dma_wait3A_341 = tpu.memref_slice %arg13[%scan3A_18, %dma_wait3A_340] : memref<81x128xi32, #tpu.memory_space<vmem>> -> memref<1x128xi32, #tpu.memory_space<vmem>>
        %dma_wait3A_342 = tpu.memref_squeeze %dma_wait3A_341 : memref<1x128xi32, #tpu.memory_space<vmem>> -> memref<128xi32, #tpu.memory_space<vmem>>
        %dma_wait3A_343 = arith.constant 0 : i32
        %dma_wait3A_344 = tpu.memref_slice %arg18[%dma_wait3A_343] : memref<10240xf32, #tpu.memory_space<vmem_shared>> -> memref<10240xf32, #tpu.memory_space<vmem_shared>>
        tpu.wait_indirect_dma semaphore(%run_scoped3A : memref<!tpu.dma_semaphore, #tpu.memory_space<semaphore_mem>>) src(%dma_wait3A_339 : memref<128xf32, #tpu.memory_space<vmem>>) dst(%dma_wait3A_344 : memref<10240xf32, #tpu.memory_space<vmem_shared>>)
        tpu.yield
      }) : () -> ()
    }
    %scan3A_14 = arith.constant 81 : i32
    "tpu.region"() ({
      %run_scoped3A = tpu.sem_alloc : memref<!tpu.dma_semaphore, #tpu.memory_space<semaphore_mem>>
      %dma_start3A = arith.constant 0 : i32
      %dma_start3A_18 = arith.constant 0 : i32
      %dma_start3A_19 = tpu.memref_slice %arg8[%add3A, %dma_start3A, %dma_start3A_18] : memref<32x81x128xf32, #tpu.memory_space<hbm>> -> memref<1x81x128xf32, #tpu.memory_space<hbm>>
      %dma_start3A_20 = tpu.memref_squeeze %dma_start3A_19 : memref<1x81x128xf32, #tpu.memory_space<hbm>> -> memref<81x128xf32, #tpu.memory_space<hbm>>
      %dma_start3A_21 = arith.constant 0 : i32
      %dma_start3A_22 = arith.constant 0 : i32
      %dma_start3A_23 = tpu.memref_slice %arg8[%add3A, %dma_start3A_21, %dma_start3A_22] : memref<32x81x128xf32, #tpu.memory_space<hbm>> -> memref<1x81x128xf32, #tpu.memory_space<hbm>>
      %dma_start3A_24 = tpu.memref_squeeze %dma_start3A_23 : memref<1x81x128xf32, #tpu.memory_space<hbm>> -> memref<81x128xf32, #tpu.memory_space<hbm>>
      tpu.enqueue_dma source(%arg15 : memref<81x128xf32, #tpu.memory_space<vmem>>) target(%dma_start3A_24 : memref<81x128xf32, #tpu.memory_space<hbm>>) target_semaphore(%run_scoped3A : memref<!tpu.dma_semaphore, #tpu.memory_space<semaphore_mem>>)
      %dma_wait3A = arith.constant 0 : i32
      %dma_wait3A_25 = arith.constant 0 : i32
      %dma_wait3A_26 = tpu.memref_slice %arg8[%add3A, %dma_wait3A, %dma_wait3A_25] : memref<32x81x128xf32, #tpu.memory_space<hbm>> -> memref<1x81x128xf32, #tpu.memory_space<hbm>>
      %dma_wait3A_27 = tpu.memref_squeeze %dma_wait3A_26 : memref<1x81x128xf32, #tpu.memory_space<hbm>> -> memref<81x128xf32, #tpu.memory_space<hbm>>
      %dma_wait3A_28 = arith.constant 0 : i32
      %dma_wait3A_29 = arith.constant 0 : i32
      %dma_wait3A_30 = tpu.memref_slice %arg8[%add3A, %dma_wait3A_28, %dma_wait3A_29] : memref<32x81x128xf32, #tpu.memory_space<hbm>> -> memref<1x81x128xf32, #tpu.memory_space<hbm>>
      %dma_wait3A_31 = tpu.memref_squeeze %dma_wait3A_30 : memref<1x81x128xf32, #tpu.memory_space<hbm>> -> memref<81x128xf32, #tpu.memory_space<hbm>>
      tpu.wait_dma2 semaphore(%run_scoped3A : memref<!tpu.dma_semaphore, #tpu.memory_space<semaphore_mem>>) src(%arg15 : memref<81x128xf32, #tpu.memory_space<vmem>>) dst(%dma_wait3A_31 : memref<81x128xf32, #tpu.memory_space<hbm>>)
      tpu.yield
    }) : () -> ()
    %barrier3A_15 = arith.constant 0 : index
    tpu.barrier barrier_id(%barrier3A_15)
    %eq3A = arith.constant 0 : i32
    %eq3A_16 = arith.cmpi eq, %arg1, %eq3A : i32
    %convert_element_type3A = arith.extui %eq3A_16 : i1 to i32
    %cond3A = arith.constant 0 : i32
    %cond3A_17 = arith.cmpi ne, %convert_element_type3A, %cond3A : i32
    scf.if %cond3A_17 {
      "tpu.region"() ({
        %run_scoped3A = tpu.sem_alloc : memref<!tpu.dma_semaphore, #tpu.memory_space<semaphore_mem>>
        %dma_start3A = arith.constant 0 : i32
        %dma_start3A_18 = tpu.memref_slice %arg9[%arg0, %dma_start3A] : memref<2x10240xf32, #tpu.memory_space<hbm>> -> memref<1x10240xf32, #tpu.memory_space<hbm>>
        %dma_start3A_19 = tpu.memref_squeeze %dma_start3A_18 : memref<1x10240xf32, #tpu.memory_space<hbm>> -> memref<10240xf32, #tpu.memory_space<hbm>>
        tpu.enqueue_dma source(%arg18 : memref<10240xf32, #tpu.memory_space<vmem_shared>>) target(%dma_start3A_19 : memref<10240xf32, #tpu.memory_space<hbm>>) target_semaphore(%run_scoped3A : memref<!tpu.dma_semaphore, #tpu.memory_space<semaphore_mem>>)
        %dma_wait3A = arith.constant 0 : i32
        %dma_wait3A_20 = tpu.memref_slice %arg9[%arg0, %dma_wait3A] : memref<2x10240xf32, #tpu.memory_space<hbm>> -> memref<1x10240xf32, #tpu.memory_space<hbm>>
        %dma_wait3A_21 = tpu.memref_squeeze %dma_wait3A_20 : memref<1x10240xf32, #tpu.memory_space<hbm>> -> memref<10240xf32, #tpu.memory_space<hbm>>
        tpu.wait_dma2 semaphore(%run_scoped3A : memref<!tpu.dma_semaphore, #tpu.memory_space<semaphore_mem>>) src(%arg18 : memref<10240xf32, #tpu.memory_space<vmem_shared>>) dst(%dma_wait3A_21 : memref<10240xf32, #tpu.memory_space<hbm>>)
        tpu.yield
      }) : () -> ()
    } else {
    }
    return
  }
}

#map = affine_map<(d0, d1) -> (0, 0, 0, 0)>
#map1 = affine_map<(d0, d1) -> (0, 0)>
#map2 = affine_map<(d0, d1) -> (0, 0, 0)>
module attributes {stable_mosaic.version = 14 : i64} {
  func.func @_edge_aggregate(%arg0: i32, %arg1: i32, %arg2: memref<32x81x3x128xi32, #tpu.memory_space<hbm>>, %arg3: memref<10240x128xf32, #tpu.memory_space<hbm>>, %arg4: memref<2x10240x128xf32, #tpu.memory_space<hbm>>, %arg5: memref<3x128xi32, #tpu.memory_space<vmem>>, %arg6: memref<128xf32, #tpu.memory_space<vmem>>, %arg7: memref<128x128xf32, #tpu.memory_space<vmem>>, %arg8: memref<10240x128xf32, #tpu.memory_space<vmem_shared>>, %arg9: memref<!tpu.dma_semaphore, #tpu.memory_space<semaphore_mem>>) attributes {dimension_semantics = [#tpu.dimension_semantics<core_parallel>, #tpu.dimension_semantics<subcore_parallel>], iteration_bounds = array<i64: 2, 16>, scalar_prefetch = 0 : i64, scratch_operands = 5 : i64, tpu.core_type = #tpu.core_type<sc_vector_subcore>, window_params = [{transform_indices = #map}, {transform_indices = #map1}, {transform_indices = #map2}]} {
    %mul3A = arith.constant 2 : i32
    %mul3A_0 = arith.muli %arg1, %mul3A : i32
    %add3A = arith.addi %mul3A_0, %arg0 : i32
    %scan3A = arith.constant 0 : i32
    %scan3A_1 = arith.constant 0 : i32
    %scan3A_2 = arith.constant 128 : i32
    %scan3A_3 = arith.addi %scan3A_1, %scan3A_2 : i32
    %scan3A_4 = arith.constant 1 : i32
    scf.for %scan3A_37 = %scan3A_1 to %scan3A_3 step %scan3A_4  : i32 {
      %broadcast_in_dim3A = arith.constant 0.000000e+00 : f32
      %broadcast_in_dim3A_38 = vector.broadcast %broadcast_in_dim3A : f32 to vector<16xf32>
      %swap3A = arith.index_cast %scan3A_37 : i32 to index
      %swap3A_39 = arith.constant 0 : index
      %swap3A_40 = tpu.vector_load %arg7[%swap3A, %swap3A_39] {strides = array<i32>} : memref<128x128xf32, #tpu.memory_space<vmem>>, vector<16xf32>,
      tpu.vector_store %arg7[%swap3A, %swap3A_39], %broadcast_in_dim3A_38 {strides = array<i32>} : memref<128x128xf32, #tpu.memory_space<vmem>>, vector<16xf32>,
      %broadcast_in_dim3A_41 = arith.constant 0.000000e+00 : f32
      %broadcast_in_dim3A_42 = vector.broadcast %broadcast_in_dim3A_41 : f32 to vector<16xf32>
      %swap3A_43 = arith.index_cast %scan3A_37 : i32 to index
      %swap3A_44 = arith.constant 16 : index
      %swap3A_45 = tpu.vector_load %arg7[%swap3A_43, %swap3A_44] {strides = array<i32>} : memref<128x128xf32, #tpu.memory_space<vmem>>, vector<16xf32>,
      tpu.vector_store %arg7[%swap3A_43, %swap3A_44], %broadcast_in_dim3A_42 {strides = array<i32>} : memref<128x128xf32, #tpu.memory_space<vmem>>, vector<16xf32>,
      %broadcast_in_dim3A_46 = arith.constant 0.000000e+00 : f32
      %broadcast_in_dim3A_47 = vector.broadcast %broadcast_in_dim3A_46 : f32 to vector<16xf32>
      %swap3A_48 = arith.index_cast %scan3A_37 : i32 to index
      %swap3A_49 = arith.constant 32 : index
      %swap3A_50 = tpu.vector_load %arg7[%swap3A_48, %swap3A_49] {strides = array<i32>} : memref<128x128xf32, #tpu.memory_space<vmem>>, vector<16xf32>,
      tpu.vector_store %arg7[%swap3A_48, %swap3A_49], %broadcast_in_dim3A_47 {strides = array<i32>} : memref<128x128xf32, #tpu.memory_space<vmem>>, vector<16xf32>,
      %broadcast_in_dim3A_51 = arith.constant 0.000000e+00 : f32
      %broadcast_in_dim3A_52 = vector.broadcast %broadcast_in_dim3A_51 : f32 to vector<16xf32>
      %swap3A_53 = arith.index_cast %scan3A_37 : i32 to index
      %swap3A_54 = arith.constant 48 : index
      %swap3A_55 = tpu.vector_load %arg7[%swap3A_53, %swap3A_54] {strides = array<i32>} : memref<128x128xf32, #tpu.memory_space<vmem>>, vector<16xf32>,
      tpu.vector_store %arg7[%swap3A_53, %swap3A_54], %broadcast_in_dim3A_52 {strides = array<i32>} : memref<128x128xf32, #tpu.memory_space<vmem>>, vector<16xf32>,
      %broadcast_in_dim3A_56 = arith.constant 0.000000e+00 : f32
      %broadcast_in_dim3A_57 = vector.broadcast %broadcast_in_dim3A_56 : f32 to vector<16xf32>
      %swap3A_58 = arith.index_cast %scan3A_37 : i32 to index
      %swap3A_59 = arith.constant 64 : index
      %swap3A_60 = tpu.vector_load %arg7[%swap3A_58, %swap3A_59] {strides = array<i32>} : memref<128x128xf32, #tpu.memory_space<vmem>>, vector<16xf32>,
      tpu.vector_store %arg7[%swap3A_58, %swap3A_59], %broadcast_in_dim3A_57 {strides = array<i32>} : memref<128x128xf32, #tpu.memory_space<vmem>>, vector<16xf32>,
      %broadcast_in_dim3A_61 = arith.constant 0.000000e+00 : f32
      %broadcast_in_dim3A_62 = vector.broadcast %broadcast_in_dim3A_61 : f32 to vector<16xf32>
      %swap3A_63 = arith.index_cast %scan3A_37 : i32 to index
      %swap3A_64 = arith.constant 80 : index
      %swap3A_65 = tpu.vector_load %arg7[%swap3A_63, %swap3A_64] {strides = array<i32>} : memref<128x128xf32, #tpu.memory_space<vmem>>, vector<16xf32>,
      tpu.vector_store %arg7[%swap3A_63, %swap3A_64], %broadcast_in_dim3A_62 {strides = array<i32>} : memref<128x128xf32, #tpu.memory_space<vmem>>, vector<16xf32>,
      %broadcast_in_dim3A_66 = arith.constant 0.000000e+00 : f32
      %broadcast_in_dim3A_67 = vector.broadcast %broadcast_in_dim3A_66 : f32 to vector<16xf32>
      %swap3A_68 = arith.index_cast %scan3A_37 : i32 to index
      %swap3A_69 = arith.constant 96 : index
      %swap3A_70 = tpu.vector_load %arg7[%swap3A_68, %swap3A_69] {strides = array<i32>} : memref<128x128xf32, #tpu.memory_space<vmem>>, vector<16xf32>,
      tpu.vector_store %arg7[%swap3A_68, %swap3A_69], %broadcast_in_dim3A_67 {strides = array<i32>} : memref<128x128xf32, #tpu.memory_space<vmem>>, vector<16xf32>,
      %broadcast_in_dim3A_71 = arith.constant 0.000000e+00 : f32
      %broadcast_in_dim3A_72 = vector.broadcast %broadcast_in_dim3A_71 : f32 to vector<16xf32>
      %swap3A_73 = arith.index_cast %scan3A_37 : i32 to index
      %swap3A_74 = arith.constant 112 : index
      %swap3A_75 = tpu.vector_load %arg7[%swap3A_73, %swap3A_74] {strides = array<i32>} : memref<128x128xf32, #tpu.memory_space<vmem>>, vector<16xf32>,
      tpu.vector_store %arg7[%swap3A_73, %swap3A_74], %broadcast_in_dim3A_72 {strides = array<i32>} : memref<128x128xf32, #tpu.memory_space<vmem>>, vector<16xf32>,
    }
    %scan3A_5 = arith.constant 128 : i32
    %mul3A_6 = arith.constant 640 : i32
    %mul3A_7 = arith.muli %arg1, %mul3A_6 : i32
    %add3A_8 = arith.constant 0 : i32
    %add3A_9 = arith.addi %mul3A_7, %add3A_8 : i32
    "tpu.region"() ({
      %run_scoped3A = tpu.sem_alloc : memref<!tpu.dma_semaphore, #tpu.memory_space<semaphore_mem>>
      %dma_start3A = arith.constant 0 : i32
      %dma_start3A_37 = tpu.memref_slice %arg8[%add3A_9, %dma_start3A] : memref<10240x128xf32, #tpu.memory_space<vmem_shared>> -> memref<128x128xf32, #tpu.memory_space<vmem_shared>>
      %dma_start3A_38 = arith.constant 0 : i32
      %dma_start3A_39 = tpu.memref_slice %arg8[%add3A_9, %dma_start3A_38] : memref<10240x128xf32, #tpu.memory_space<vmem_shared>> -> memref<128x128xf32, #tpu.memory_space<vmem_shared>>
      tpu.enqueue_dma source(%arg7 : memref<128x128xf32, #tpu.memory_space<vmem>>) target(%dma_start3A_39 : memref<128x128xf32, #tpu.memory_space<vmem_shared>>) target_semaphore(%run_scoped3A : memref<!tpu.dma_semaphore, #tpu.memory_space<semaphore_mem>>)
      %dma_wait3A = arith.constant 0 : i32
      %dma_wait3A_40 = tpu.memref_slice %arg8[%add3A_9, %dma_wait3A] : memref<10240x128xf32, #tpu.memory_space<vmem_shared>> -> memref<128x128xf32, #tpu.memory_space<vmem_shared>>
      %dma_wait3A_41 = arith.constant 0 : i32
      %dma_wait3A_42 = tpu.memref_slice %arg8[%add3A_9, %dma_wait3A_41] : memref<10240x128xf32, #tpu.memory_space<vmem_shared>> -> memref<128x128xf32, #tpu.memory_space<vmem_shared>>
      tpu.wait_dma2 semaphore(%run_scoped3A : memref<!tpu.dma_semaphore, #tpu.memory_space<semaphore_mem>>) src(%arg7 : memref<128x128xf32, #tpu.memory_space<vmem>>) dst(%dma_wait3A_42 : memref<128x128xf32, #tpu.memory_space<vmem_shared>>)
      tpu.yield
    }) : () -> ()
    %mul3A_10 = arith.constant 640 : i32
    %mul3A_11 = arith.muli %arg1, %mul3A_10 : i32
    %add3A_12 = arith.constant 128 : i32
    %add3A_13 = arith.addi %mul3A_11, %add3A_12 : i32
    "tpu.region"() ({
      %run_scoped3A = tpu.sem_alloc : memref<!tpu.dma_semaphore, #tpu.memory_space<semaphore_mem>>
      %dma_start3A = arith.constant 0 : i32
      %dma_start3A_37 = tpu.memref_slice %arg8[%add3A_13, %dma_start3A] : memref<10240x128xf32, #tpu.memory_space<vmem_shared>> -> memref<128x128xf32, #tpu.memory_space<vmem_shared>>
      %dma_start3A_38 = arith.constant 0 : i32
      %dma_start3A_39 = tpu.memref_slice %arg8[%add3A_13, %dma_start3A_38] : memref<10240x128xf32, #tpu.memory_space<vmem_shared>> -> memref<128x128xf32, #tpu.memory_space<vmem_shared>>
      tpu.enqueue_dma source(%arg7 : memref<128x128xf32, #tpu.memory_space<vmem>>) target(%dma_start3A_39 : memref<128x128xf32, #tpu.memory_space<vmem_shared>>) target_semaphore(%run_scoped3A : memref<!tpu.dma_semaphore, #tpu.memory_space<semaphore_mem>>)
      %dma_wait3A = arith.constant 0 : i32
      %dma_wait3A_40 = tpu.memref_slice %arg8[%add3A_13, %dma_wait3A] : memref<10240x128xf32, #tpu.memory_space<vmem_shared>> -> memref<128x128xf32, #tpu.memory_space<vmem_shared>>
      %dma_wait3A_41 = arith.constant 0 : i32
      %dma_wait3A_42 = tpu.memref_slice %arg8[%add3A_13, %dma_wait3A_41] : memref<10240x128xf32, #tpu.memory_space<vmem_shared>> -> memref<128x128xf32, #tpu.memory_space<vmem_shared>>
      tpu.wait_dma2 semaphore(%run_scoped3A : memref<!tpu.dma_semaphore, #tpu.memory_space<semaphore_mem>>) src(%arg7 : memref<128x128xf32, #tpu.memory_space<vmem>>) dst(%dma_wait3A_42 : memref<128x128xf32, #tpu.memory_space<vmem_shared>>)
      tpu.yield
    }) : () -> ()
    %mul3A_14 = arith.constant 640 : i32
    %mul3A_15 = arith.muli %arg1, %mul3A_14 : i32
    %add3A_16 = arith.constant 256 : i32
    %add3A_17 = arith.addi %mul3A_15, %add3A_16 : i32
    "tpu.region"() ({
      %run_scoped3A = tpu.sem_alloc : memref<!tpu.dma_semaphore, #tpu.memory_space<semaphore_mem>>
      %dma_start3A = arith.constant 0 : i32
      %dma_start3A_37 = tpu.memref_slice %arg8[%add3A_17, %dma_start3A] : memref<10240x128xf32, #tpu.memory_space<vmem_shared>> -> memref<128x128xf32, #tpu.memory_space<vmem_shared>>
      %dma_start3A_38 = arith.constant 0 : i32
      %dma_start3A_39 = tpu.memref_slice %arg8[%add3A_17, %dma_start3A_38] : memref<10240x128xf32, #tpu.memory_space<vmem_shared>> -> memref<128x128xf32, #tpu.memory_space<vmem_shared>>
      tpu.enqueue_dma source(%arg7 : memref<128x128xf32, #tpu.memory_space<vmem>>) target(%dma_start3A_39 : memref<128x128xf32, #tpu.memory_space<vmem_shared>>) target_semaphore(%run_scoped3A : memref<!tpu.dma_semaphore, #tpu.memory_space<semaphore_mem>>)
      %dma_wait3A = arith.constant 0 : i32
      %dma_wait3A_40 = tpu.memref_slice %arg8[%add3A_17, %dma_wait3A] : memref<10240x128xf32, #tpu.memory_space<vmem_shared>> -> memref<128x128xf32, #tpu.memory_space<vmem_shared>>
      %dma_wait3A_41 = arith.constant 0 : i32
      %dma_wait3A_42 = tpu.memref_slice %arg8[%add3A_17, %dma_wait3A_41] : memref<10240x128xf32, #tpu.memory_space<vmem_shared>> -> memref<128x128xf32, #tpu.memory_space<vmem_shared>>
      tpu.wait_dma2 semaphore(%run_scoped3A : memref<!tpu.dma_semaphore, #tpu.memory_space<semaphore_mem>>) src(%arg7 : memref<128x128xf32, #tpu.memory_space<vmem>>) dst(%dma_wait3A_42 : memref<128x128xf32, #tpu.memory_space<vmem_shared>>)
      tpu.yield
    }) : () -> ()
    %mul3A_18 = arith.constant 640 : i32
    %mul3A_19 = arith.muli %arg1, %mul3A_18 : i32
    %add3A_20 = arith.constant 384 : i32
    %add3A_21 = arith.addi %mul3A_19, %add3A_20 : i32
    "tpu.region"() ({
      %run_scoped3A = tpu.sem_alloc : memref<!tpu.dma_semaphore, #tpu.memory_space<semaphore_mem>>
      %dma_start3A = arith.constant 0 : i32
      %dma_start3A_37 = tpu.memref_slice %arg8[%add3A_21, %dma_start3A] : memref<10240x128xf32, #tpu.memory_space<vmem_shared>> -> memref<128x128xf32, #tpu.memory_space<vmem_shared>>
      %dma_start3A_38 = arith.constant 0 : i32
      %dma_start3A_39 = tpu.memref_slice %arg8[%add3A_21, %dma_start3A_38] : memref<10240x128xf32, #tpu.memory_space<vmem_shared>> -> memref<128x128xf32, #tpu.memory_space<vmem_shared>>
      tpu.enqueue_dma source(%arg7 : memref<128x128xf32, #tpu.memory_space<vmem>>) target(%dma_start3A_39 : memref<128x128xf32, #tpu.memory_space<vmem_shared>>) target_semaphore(%run_scoped3A : memref<!tpu.dma_semaphore, #tpu.memory_space<semaphore_mem>>)
      %dma_wait3A = arith.constant 0 : i32
      %dma_wait3A_40 = tpu.memref_slice %arg8[%add3A_21, %dma_wait3A] : memref<10240x128xf32, #tpu.memory_space<vmem_shared>> -> memref<128x128xf32, #tpu.memory_space<vmem_shared>>
      %dma_wait3A_41 = arith.constant 0 : i32
      %dma_wait3A_42 = tpu.memref_slice %arg8[%add3A_21, %dma_wait3A_41] : memref<10240x128xf32, #tpu.memory_space<vmem_shared>> -> memref<128x128xf32, #tpu.memory_space<vmem_shared>>
      tpu.wait_dma2 semaphore(%run_scoped3A : memref<!tpu.dma_semaphore, #tpu.memory_space<semaphore_mem>>) src(%arg7 : memref<128x128xf32, #tpu.memory_space<vmem>>) dst(%dma_wait3A_42 : memref<128x128xf32, #tpu.memory_space<vmem_shared>>)
      tpu.yield
    }) : () -> ()
    %mul3A_22 = arith.constant 640 : i32
    %mul3A_23 = arith.muli %arg1, %mul3A_22 : i32
    %add3A_24 = arith.constant 512 : i32
    %add3A_25 = arith.addi %mul3A_23, %add3A_24 : i32
    "tpu.region"() ({
      %run_scoped3A = tpu.sem_alloc : memref<!tpu.dma_semaphore, #tpu.memory_space<semaphore_mem>>
      %dma_start3A = arith.constant 0 : i32
      %dma_start3A_37 = tpu.memref_slice %arg8[%add3A_25, %dma_start3A] : memref<10240x128xf32, #tpu.memory_space<vmem_shared>> -> memref<128x128xf32, #tpu.memory_space<vmem_shared>>
      %dma_start3A_38 = arith.constant 0 : i32
      %dma_start3A_39 = tpu.memref_slice %arg8[%add3A_25, %dma_start3A_38] : memref<10240x128xf32, #tpu.memory_space<vmem_shared>> -> memref<128x128xf32, #tpu.memory_space<vmem_shared>>
      tpu.enqueue_dma source(%arg7 : memref<128x128xf32, #tpu.memory_space<vmem>>) target(%dma_start3A_39 : memref<128x128xf32, #tpu.memory_space<vmem_shared>>) target_semaphore(%run_scoped3A : memref<!tpu.dma_semaphore, #tpu.memory_space<semaphore_mem>>)
      %dma_wait3A = arith.constant 0 : i32
      %dma_wait3A_40 = tpu.memref_slice %arg8[%add3A_25, %dma_wait3A] : memref<10240x128xf32, #tpu.memory_space<vmem_shared>> -> memref<128x128xf32, #tpu.memory_space<vmem_shared>>
      %dma_wait3A_41 = arith.constant 0 : i32
      %dma_wait3A_42 = tpu.memref_slice %arg8[%add3A_25, %dma_wait3A_41] : memref<10240x128xf32, #tpu.memory_space<vmem_shared>> -> memref<128x128xf32, #tpu.memory_space<vmem_shared>>
      tpu.wait_dma2 semaphore(%run_scoped3A : memref<!tpu.dma_semaphore, #tpu.memory_space<semaphore_mem>>) src(%arg7 : memref<128x128xf32, #tpu.memory_space<vmem>>) dst(%dma_wait3A_42 : memref<128x128xf32, #tpu.memory_space<vmem_shared>>)
      tpu.yield
    }) : () -> ()
    %barrier3A = arith.constant 0 : index
    tpu.barrier barrier_id(%barrier3A)
    %scan3A_26 = arith.constant 0 : i32
    %scan3A_27 = arith.constant 0 : i32
    %scan3A_28 = arith.constant 81 : i32
    %scan3A_29 = arith.addi %scan3A_27, %scan3A_28 : i32
    %scan3A_30 = arith.constant 1 : i32
    scf.for %scan3A_37 = %scan3A_27 to %scan3A_29 step %scan3A_30  : i32 {
      "tpu.region"() ({
        %run_scoped3A_109 = tpu.sem_alloc : memref<!tpu.dma_semaphore, #tpu.memory_space<semaphore_mem>>
        %dma_start3A_110 = arith.constant 0 : i32
        %dma_start3A_111 = arith.constant 0 : i32
        %dma_start3A_112 = tpu.memref_slice %arg2[%add3A, %scan3A_37, %dma_start3A_110, %dma_start3A_111] : memref<32x81x3x128xi32, #tpu.memory_space<hbm>> -> memref<1x1x3x128xi32, #tpu.memory_space<hbm>>
        %dma_start3A_113 = tpu.memref_squeeze %dma_start3A_112 : memref<1x1x3x128xi32, #tpu.memory_space<hbm>> -> memref<3x128xi32, #tpu.memory_space<hbm>>
        %dma_start3A_114 = arith.constant 0 : i32
        %dma_start3A_115 = arith.constant 0 : i32
        %dma_start3A_116 = tpu.memref_slice %arg2[%add3A, %scan3A_37, %dma_start3A_114, %dma_start3A_115] : memref<32x81x3x128xi32, #tpu.memory_space<hbm>> -> memref<1x1x3x128xi32, #tpu.memory_space<hbm>>
        %dma_start3A_117 = tpu.memref_squeeze %dma_start3A_116 : memref<1x1x3x128xi32, #tpu.memory_space<hbm>> -> memref<3x128xi32, #tpu.memory_space<hbm>>
        tpu.enqueue_dma source(%dma_start3A_117 : memref<3x128xi32, #tpu.memory_space<hbm>>) target(%arg5 : memref<3x128xi32, #tpu.memory_space<vmem>>) target_semaphore(%run_scoped3A_109 : memref<!tpu.dma_semaphore, #tpu.memory_space<semaphore_mem>>)
        %dma_wait3A_118 = arith.constant 0 : i32
        %dma_wait3A_119 = arith.constant 0 : i32
        %dma_wait3A_120 = tpu.memref_slice %arg2[%add3A, %scan3A_37, %dma_wait3A_118, %dma_wait3A_119] : memref<32x81x3x128xi32, #tpu.memory_space<hbm>> -> memref<1x1x3x128xi32, #tpu.memory_space<hbm>>
        %dma_wait3A_121 = tpu.memref_squeeze %dma_wait3A_120 : memref<1x1x3x128xi32, #tpu.memory_space<hbm>> -> memref<3x128xi32, #tpu.memory_space<hbm>>
        %dma_wait3A_122 = arith.constant 0 : i32
        %dma_wait3A_123 = arith.constant 0 : i32
        %dma_wait3A_124 = tpu.memref_slice %arg2[%add3A, %scan3A_37, %dma_wait3A_122, %dma_wait3A_123] : memref<32x81x3x128xi32, #tpu.memory_space<hbm>> -> memref<1x1x3x128xi32, #tpu.memory_space<hbm>>
        %dma_wait3A_125 = tpu.memref_squeeze %dma_wait3A_124 : memref<1x1x3x128xi32, #tpu.memory_space<hbm>> -> memref<3x128xi32, #tpu.memory_space<hbm>>
        tpu.wait_dma2 semaphore(%run_scoped3A_109 : memref<!tpu.dma_semaphore, #tpu.memory_space<semaphore_mem>>) src(%dma_wait3A_125 : memref<3x128xi32, #tpu.memory_space<hbm>>) dst(%arg5 : memref<3x128xi32, #tpu.memory_space<vmem>>)
        tpu.yield
      }) : () -> ()
      %dma_start3A = arith.constant 0 : i32
      %dma_start3A_38 = arith.constant 0 : i32
      %dma_start3A_39 = tpu.memref_slice %arg5[%dma_start3A, %dma_start3A_38] : memref<3x128xi32, #tpu.memory_space<vmem>> -> memref<1x128xi32, #tpu.memory_space<vmem>>
      %dma_start3A_40 = tpu.memref_squeeze %dma_start3A_39 : memref<1x128xi32, #tpu.memory_space<vmem>> -> memref<128xi32, #tpu.memory_space<vmem>>
      %dma_start3A_41 = arith.constant 0 : i32
      %dma_start3A_42 = arith.constant 0 : i32
      %dma_start3A_43 = tpu.memref_slice %arg3[%dma_start3A_41, %dma_start3A_42] : memref<10240x128xf32, #tpu.memory_space<hbm>> -> memref<10240x128xf32, #tpu.memory_space<hbm>>
      tpu.enqueue_indirect_dma source(%dma_start3A_43 : memref<10240x128xf32, #tpu.memory_space<hbm>>) target(%arg7 : memref<128x128xf32, #tpu.memory_space<vmem>>) offsets(%dma_start3A_40 : memref<128xi32, #tpu.memory_space<vmem>>) semaphore(%arg9 : memref<!tpu.dma_semaphore, #tpu.memory_space<semaphore_mem>>)
      %dma_wait3A = arith.constant 0 : i32
      %dma_wait3A_44 = arith.constant 0 : i32
      %dma_wait3A_45 = tpu.memref_slice %arg5[%dma_wait3A, %dma_wait3A_44] : memref<3x128xi32, #tpu.memory_space<vmem>> -> memref<1x128xi32, #tpu.memory_space<vmem>>
      %dma_wait3A_46 = tpu.memref_squeeze %dma_wait3A_45 : memref<1x128xi32, #tpu.memory_space<vmem>> -> memref<128xi32, #tpu.memory_space<vmem>>
      %dma_wait3A_47 = arith.constant 0 : i32
      %dma_wait3A_48 = arith.constant 0 : i32
      %dma_wait3A_49 = tpu.memref_slice %arg3[%dma_wait3A_47, %dma_wait3A_48] : memref<10240x128xf32, #tpu.memory_space<hbm>> -> memref<10240x128xf32, #tpu.memory_space<hbm>>
      tpu.wait_indirect_dma semaphore(%arg9 : memref<!tpu.dma_semaphore, #tpu.memory_space<semaphore_mem>>) src(%dma_wait3A_49 : memref<10240x128xf32, #tpu.memory_space<hbm>>) dst(%arg7 : memref<128x128xf32, #tpu.memory_space<vmem>>)
      %get3A = arith.constant 2 : i32
      %get3A_50 = arith.index_cast %get3A : i32 to index
      %get3A_51 = arith.constant 0 : index
      %get3A_52 = tpu.vector_load %arg5[%get3A_50, %get3A_51] {strides = array<i32>} : memref<3x128xi32, #tpu.memory_space<vmem>>, vector<16xi32>,
      %bitcast3A = vector.bitcast %get3A_52 : vector<16xi32> to vector<16xf32>
      %swap3A = arith.constant 0 : index
      %swap3A_53 = tpu.vector_load %arg6[%swap3A] {strides = array<i32>} : memref<128xf32, #tpu.memory_space<vmem>>, vector<16xf32>,
      tpu.vector_store %arg6[%swap3A], %bitcast3A {strides = array<i32>} : memref<128xf32, #tpu.memory_space<vmem>>, vector<16xf32>,
      %get3A_54 = arith.constant 2 : i32
      %get3A_55 = arith.index_cast %get3A_54 : i32 to index
      %get3A_56 = arith.constant 16 : index
      %get3A_57 = tpu.vector_load %arg5[%get3A_55, %get3A_56] {strides = array<i32>} : memref<3x128xi32, #tpu.memory_space<vmem>>, vector<16xi32>,
      %bitcast3A_58 = vector.bitcast %get3A_57 : vector<16xi32> to vector<16xf32>
      %swap3A_59 = arith.constant 16 : index
      %swap3A_60 = tpu.vector_load %arg6[%swap3A_59] {strides = array<i32>} : memref<128xf32, #tpu.memory_space<vmem>>, vector<16xf32>,
      tpu.vector_store %arg6[%swap3A_59], %bitcast3A_58 {strides = array<i32>} : memref<128xf32, #tpu.memory_space<vmem>>, vector<16xf32>,
      %get3A_61 = arith.constant 2 : i32
      %get3A_62 = arith.index_cast %get3A_61 : i32 to index
      %get3A_63 = arith.constant 32 : index
      %get3A_64 = tpu.vector_load %arg5[%get3A_62, %get3A_63] {strides = array<i32>} : memref<3x128xi32, #tpu.memory_space<vmem>>, vector<16xi32>,
      %bitcast3A_65 = vector.bitcast %get3A_64 : vector<16xi32> to vector<16xf32>
      %swap3A_66 = arith.constant 32 : index
      %swap3A_67 = tpu.vector_load %arg6[%swap3A_66] {strides = array<i32>} : memref<128xf32, #tpu.memory_space<vmem>>, vector<16xf32>,
      tpu.vector_store %arg6[%swap3A_66], %bitcast3A_65 {strides = array<i32>} : memref<128xf32, #tpu.memory_space<vmem>>, vector<16xf32>,
      %get3A_68 = arith.constant 2 : i32
      %get3A_69 = arith.index_cast %get3A_68 : i32 to index
      %get3A_70 = arith.constant 48 : index
      %get3A_71 = tpu.vector_load %arg5[%get3A_69, %get3A_70] {strides = array<i32>} : memref<3x128xi32, #tpu.memory_space<vmem>>, vector<16xi32>,
      %bitcast3A_72 = vector.bitcast %get3A_71 : vector<16xi32> to vector<16xf32>
      %swap3A_73 = arith.constant 48 : index
      %swap3A_74 = tpu.vector_load %arg6[%swap3A_73] {strides = array<i32>} : memref<128xf32, #tpu.memory_space<vmem>>, vector<16xf32>,
      tpu.vector_store %arg6[%swap3A_73], %bitcast3A_72 {strides = array<i32>} : memref<128xf32, #tpu.memory_space<vmem>>, vector<16xf32>,
      %get3A_75 = arith.constant 2 : i32
      %get3A_76 = arith.index_cast %get3A_75 : i32 to index
      %get3A_77 = arith.constant 64 : index
      %get3A_78 = tpu.vector_load %arg5[%get3A_76, %get3A_77] {strides = array<i32>} : memref<3x128xi32, #tpu.memory_space<vmem>>, vector<16xi32>,
      %bitcast3A_79 = vector.bitcast %get3A_78 : vector<16xi32> to vector<16xf32>
      %swap3A_80 = arith.constant 64 : index
      %swap3A_81 = tpu.vector_load %arg6[%swap3A_80] {strides = array<i32>} : memref<128xf32, #tpu.memory_space<vmem>>, vector<16xf32>,
      tpu.vector_store %arg6[%swap3A_80], %bitcast3A_79 {strides = array<i32>} : memref<128xf32, #tpu.memory_space<vmem>>, vector<16xf32>,
      %get3A_82 = arith.constant 2 : i32
      %get3A_83 = arith.index_cast %get3A_82 : i32 to index
      %get3A_84 = arith.constant 80 : index
      %get3A_85 = tpu.vector_load %arg5[%get3A_83, %get3A_84] {strides = array<i32>} : memref<3x128xi32, #tpu.memory_space<vmem>>, vector<16xi32>,
      %bitcast3A_86 = vector.bitcast %get3A_85 : vector<16xi32> to vector<16xf32>
      %swap3A_87 = arith.constant 80 : index
      %swap3A_88 = tpu.vector_load %arg6[%swap3A_87] {strides = array<i32>} : memref<128xf32, #tpu.memory_space<vmem>>, vector<16xf32>,
      tpu.vector_store %arg6[%swap3A_87], %bitcast3A_86 {strides = array<i32>} : memref<128xf32, #tpu.memory_space<vmem>>, vector<16xf32>,
      %get3A_89 = arith.constant 2 : i32
      %get3A_90 = arith.index_cast %get3A_89 : i32 to index
      %get3A_91 = arith.constant 96 : index
      %get3A_92 = tpu.vector_load %arg5[%get3A_90, %get3A_91] {strides = array<i32>} : memref<3x128xi32, #tpu.memory_space<vmem>>, vector<16xi32>,
      %bitcast3A_93 = vector.bitcast %get3A_92 : vector<16xi32> to vector<16xf32>
      %swap3A_94 = arith.constant 96 : index
      %swap3A_95 = tpu.vector_load %arg6[%swap3A_94] {strides = array<i32>} : memref<128xf32, #tpu.memory_space<vmem>>, vector<16xf32>,
      tpu.vector_store %arg6[%swap3A_94], %bitcast3A_93 {strides = array<i32>} : memref<128xf32, #tpu.memory_space<vmem>>, vector<16xf32>,
      %get3A_96 = arith.constant 2 : i32
      %get3A_97 = arith.index_cast %get3A_96 : i32 to index
      %get3A_98 = arith.constant 112 : index
      %get3A_99 = tpu.vector_load %arg5[%get3A_97, %get3A_98] {strides = array<i32>} : memref<3x128xi32, #tpu.memory_space<vmem>>, vector<16xi32>,
      %bitcast3A_100 = vector.bitcast %get3A_99 : vector<16xi32> to vector<16xf32>
      %swap3A_101 = arith.constant 112 : index
      %swap3A_102 = tpu.vector_load %arg6[%swap3A_101] {strides = array<i32>} : memref<128xf32, #tpu.memory_space<vmem>>, vector<16xf32>,
      tpu.vector_store %arg6[%swap3A_101], %bitcast3A_100 {strides = array<i32>} : memref<128xf32, #tpu.memory_space<vmem>>, vector<16xf32>,
      %scan3A_103 = arith.constant 0 : i32
      %scan3A_104 = arith.constant 0 : i32
      %scan3A_105 = arith.constant 128 : i32
      %scan3A_106 = arith.addi %scan3A_104, %scan3A_105 : i32
      %scan3A_107 = arith.constant 1 : i32
      scf.for %scan3A_109 = %scan3A_104 to %scan3A_106 step %scan3A_107  : i32 {
        %broadcast_in_dim3A = arith.constant 0 : i32
        %broadcast_in_dim3A_110 = vector.broadcast %broadcast_in_dim3A : i32 to vector<16xi32>
        %add3A_111 = vector.broadcast %scan3A_109 : i32 to vector<16xi32>
        %add3A_112 = arith.addi %broadcast_in_dim3A_110, %add3A_111 : vector<16xi32>
        %gather3A = tpu.vector_load_idx %arg6[%add3A_112] : memref<128xf32, #tpu.memory_space<vmem>>[vector<16xi32>], vector<16xf32>,
        %get3A_113 = arith.index_cast %scan3A_109 : i32 to index
        %get3A_114 = arith.constant 0 : index
        %get3A_115 = tpu.vector_load %arg7[%get3A_113, %get3A_114] {strides = array<i32>} : memref<128x128xf32, #tpu.memory_space<vmem>>, vector<16xf32>,
        %mul3A_116 = arith.mulf %get3A_115, %gather3A : vector<16xf32>
        %swap3A_117 = arith.index_cast %scan3A_109 : i32 to index
        %swap3A_118 = arith.constant 0 : index
        %swap3A_119 = tpu.vector_load %arg7[%swap3A_117, %swap3A_118] {strides = array<i32>} : memref<128x128xf32, #tpu.memory_space<vmem>>, vector<16xf32>,
        tpu.vector_store %arg7[%swap3A_117, %swap3A_118], %mul3A_116 {strides = array<i32>} : memref<128x128xf32, #tpu.memory_space<vmem>>, vector<16xf32>,
        %get3A_120 = arith.index_cast %scan3A_109 : i32 to index
        %get3A_121 = arith.constant 16 : index
        %get3A_122 = tpu.vector_load %arg7[%get3A_120, %get3A_121] {strides = array<i32>} : memref<128x128xf32, #tpu.memory_space<vmem>>, vector<16xf32>,
        %mul3A_123 = arith.mulf %get3A_122, %gather3A : vector<16xf32>
        %swap3A_124 = arith.index_cast %scan3A_109 : i32 to index
        %swap3A_125 = arith.constant 16 : index
        %swap3A_126 = tpu.vector_load %arg7[%swap3A_124, %swap3A_125] {strides = array<i32>} : memref<128x128xf32, #tpu.memory_space<vmem>>, vector<16xf32>,
        tpu.vector_store %arg7[%swap3A_124, %swap3A_125], %mul3A_123 {strides = array<i32>} : memref<128x128xf32, #tpu.memory_space<vmem>>, vector<16xf32>,
        %get3A_127 = arith.index_cast %scan3A_109 : i32 to index
        %get3A_128 = arith.constant 32 : index
        %get3A_129 = tpu.vector_load %arg7[%get3A_127, %get3A_128] {strides = array<i32>} : memref<128x128xf32, #tpu.memory_space<vmem>>, vector<16xf32>,
        %mul3A_130 = arith.mulf %get3A_129, %gather3A : vector<16xf32>
        %swap3A_131 = arith.index_cast %scan3A_109 : i32 to index
        %swap3A_132 = arith.constant 32 : index
        %swap3A_133 = tpu.vector_load %arg7[%swap3A_131, %swap3A_132] {strides = array<i32>} : memref<128x128xf32, #tpu.memory_space<vmem>>, vector<16xf32>,
        tpu.vector_store %arg7[%swap3A_131, %swap3A_132], %mul3A_130 {strides = array<i32>} : memref<128x128xf32, #tpu.memory_space<vmem>>, vector<16xf32>,
        %get3A_134 = arith.index_cast %scan3A_109 : i32 to index
        %get3A_135 = arith.constant 48 : index
        %get3A_136 = tpu.vector_load %arg7[%get3A_134, %get3A_135] {strides = array<i32>} : memref<128x128xf32, #tpu.memory_space<vmem>>, vector<16xf32>,
        %mul3A_137 = arith.mulf %get3A_136, %gather3A : vector<16xf32>
        %swap3A_138 = arith.index_cast %scan3A_109 : i32 to index
        %swap3A_139 = arith.constant 48 : index
        %swap3A_140 = tpu.vector_load %arg7[%swap3A_138, %swap3A_139] {strides = array<i32>} : memref<128x128xf32, #tpu.memory_space<vmem>>, vector<16xf32>,
        tpu.vector_store %arg7[%swap3A_138, %swap3A_139], %mul3A_137 {strides = array<i32>} : memref<128x128xf32, #tpu.memory_space<vmem>>, vector<16xf32>,
        %get3A_141 = arith.index_cast %scan3A_109 : i32 to index
        %get3A_142 = arith.constant 64 : index
        %get3A_143 = tpu.vector_load %arg7[%get3A_141, %get3A_142] {strides = array<i32>} : memref<128x128xf32, #tpu.memory_space<vmem>>, vector<16xf32>,
        %mul3A_144 = arith.mulf %get3A_143, %gather3A : vector<16xf32>
        %swap3A_145 = arith.index_cast %scan3A_109 : i32 to index
        %swap3A_146 = arith.constant 64 : index
        %swap3A_147 = tpu.vector_load %arg7[%swap3A_145, %swap3A_146] {strides = array<i32>} : memref<128x128xf32, #tpu.memory_space<vmem>>, vector<16xf32>,
        tpu.vector_store %arg7[%swap3A_145, %swap3A_146], %mul3A_144 {strides = array<i32>} : memref<128x128xf32, #tpu.memory_space<vmem>>, vector<16xf32>,
        %get3A_148 = arith.index_cast %scan3A_109 : i32 to index
        %get3A_149 = arith.constant 80 : index
        %get3A_150 = tpu.vector_load %arg7[%get3A_148, %get3A_149] {strides = array<i32>} : memref<128x128xf32, #tpu.memory_space<vmem>>, vector<16xf32>,
        %mul3A_151 = arith.mulf %get3A_150, %gather3A : vector<16xf32>
        %swap3A_152 = arith.index_cast %scan3A_109 : i32 to index
        %swap3A_153 = arith.constant 80 : index
        %swap3A_154 = tpu.vector_load %arg7[%swap3A_152, %swap3A_153] {strides = array<i32>} : memref<128x128xf32, #tpu.memory_space<vmem>>, vector<16xf32>,
        tpu.vector_store %arg7[%swap3A_152, %swap3A_153], %mul3A_151 {strides = array<i32>} : memref<128x128xf32, #tpu.memory_space<vmem>>, vector<16xf32>,
        %get3A_155 = arith.index_cast %scan3A_109 : i32 to index
        %get3A_156 = arith.constant 96 : index
        %get3A_157 = tpu.vector_load %arg7[%get3A_155, %get3A_156] {strides = array<i32>} : memref<128x128xf32, #tpu.memory_space<vmem>>, vector<16xf32>,
        %mul3A_158 = arith.mulf %get3A_157, %gather3A : vector<16xf32>
        %swap3A_159 = arith.index_cast %scan3A_109 : i32 to index
        %swap3A_160 = arith.constant 96 : index
        %swap3A_161 = tpu.vector_load %arg7[%swap3A_159, %swap3A_160] {strides = array<i32>} : memref<128x128xf32, #tpu.memory_space<vmem>>, vector<16xf32>,
        tpu.vector_store %arg7[%swap3A_159, %swap3A_160], %mul3A_158 {strides = array<i32>} : memref<128x128xf32, #tpu.memory_space<vmem>>, vector<16xf32>,
        %get3A_162 = arith.index_cast %scan3A_109 : i32 to index
        %get3A_163 = arith.constant 112 : index
        %get3A_164 = tpu.vector_load %arg7[%get3A_162, %get3A_163] {strides = array<i32>} : memref<128x128xf32, #tpu.memory_space<vmem>>, vector<16xf32>,
        %mul3A_165 = arith.mulf %get3A_164, %gather3A : vector<16xf32>
        %swap3A_166 = arith.index_cast %scan3A_109 : i32 to index
        %swap3A_167 = arith.constant 112 : index
        %swap3A_168 = tpu.vector_load %arg7[%swap3A_166, %swap3A_167] {strides = array<i32>} : memref<128x128xf32, #tpu.memory_space<vmem>>, vector<16xf32>,
        tpu.vector_store %arg7[%swap3A_166, %swap3A_167], %mul3A_165 {strides = array<i32>} : memref<128x128xf32, #tpu.memory_space<vmem>>, vector<16xf32>,
      }
      %scan3A_108 = arith.constant 128 : i32
      %run_scoped3A = arith.constant 1 : i32
      "tpu.region"() ({
        %run_scoped3A_109 = tpu.sem_alloc : memref<!tpu.dma_semaphore, #tpu.memory_space<semaphore_mem>>
        %dma_start3A_110 = arith.constant 0 : i32
        %dma_start3A_111 = tpu.memref_slice %arg5[%run_scoped3A, %dma_start3A_110] : memref<3x128xi32, #tpu.memory_space<vmem>> -> memref<1x128xi32, #tpu.memory_space<vmem>>
        %dma_start3A_112 = tpu.memref_squeeze %dma_start3A_111 : memref<1x128xi32, #tpu.memory_space<vmem>> -> memref<128xi32, #tpu.memory_space<vmem>>
        %dma_start3A_113 = arith.constant 0 : i32
        %dma_start3A_114 = arith.constant 0 : i32
        %dma_start3A_115 = tpu.memref_slice %arg8[%dma_start3A_113, %dma_start3A_114] : memref<10240x128xf32, #tpu.memory_space<vmem_shared>> -> memref<10240x128xf32, #tpu.memory_space<vmem_shared>>
        tpu.enqueue_indirect_dma source(%arg7 : memref<128x128xf32, #tpu.memory_space<vmem>>) target(%dma_start3A_115 : memref<10240x128xf32, #tpu.memory_space<vmem_shared>>) offsets(%dma_start3A_112 : memref<128xi32, #tpu.memory_space<vmem>>) semaphore(%run_scoped3A_109 : memref<!tpu.dma_semaphore, #tpu.memory_space<semaphore_mem>>) {add = true}
        %dma_wait3A_116 = arith.constant 0 : i32
        %dma_wait3A_117 = tpu.memref_slice %arg5[%run_scoped3A, %dma_wait3A_116] : memref<3x128xi32, #tpu.memory_space<vmem>> -> memref<1x128xi32, #tpu.memory_space<vmem>>
        %dma_wait3A_118 = tpu.memref_squeeze %dma_wait3A_117 : memref<1x128xi32, #tpu.memory_space<vmem>> -> memref<128xi32, #tpu.memory_space<vmem>>
        %dma_wait3A_119 = arith.constant 0 : i32
        %dma_wait3A_120 = arith.constant 0 : i32
        %dma_wait3A_121 = tpu.memref_slice %arg8[%dma_wait3A_119, %dma_wait3A_120] : memref<10240x128xf32, #tpu.memory_space<vmem_shared>> -> memref<10240x128xf32, #tpu.memory_space<vmem_shared>>
        tpu.wait_indirect_dma semaphore(%run_scoped3A_109 : memref<!tpu.dma_semaphore, #tpu.memory_space<semaphore_mem>>) src(%arg7 : memref<128x128xf32, #tpu.memory_space<vmem>>) dst(%dma_wait3A_121 : memref<10240x128xf32, #tpu.memory_space<vmem_shared>>)
        tpu.yield
      }) : () -> ()
    }
    %scan3A_31 = arith.constant 81 : i32
    %barrier3A_32 = arith.constant 0 : index
    tpu.barrier barrier_id(%barrier3A_32)
    %mul3A_33 = arith.constant 640 : i32
    %mul3A_34 = arith.muli %arg1, %mul3A_33 : i32
    %mul3A_35 = arith.constant 640 : i32
    %mul3A_36 = arith.muli %arg1, %mul3A_35 : i32
    "tpu.region"() ({
      %run_scoped3A = tpu.sem_alloc : memref<!tpu.dma_semaphore, #tpu.memory_space<semaphore_mem>>
      %dma_start3A = arith.constant 0 : i32
      %dma_start3A_37 = tpu.memref_slice %arg4[%arg0, %mul3A_36, %dma_start3A] : memref<2x10240x128xf32, #tpu.memory_space<hbm>> -> memref<1x640x128xf32, #tpu.memory_space<hbm>>
      %dma_start3A_38 = tpu.memref_squeeze %dma_start3A_37 : memref<1x640x128xf32, #tpu.memory_space<hbm>> -> memref<640x128xf32, #tpu.memory_space<hbm>>
      %dma_start3A_39 = arith.constant 0 : i32
      %dma_start3A_40 = tpu.memref_slice %arg8[%mul3A_34, %dma_start3A_39] : memref<10240x128xf32, #tpu.memory_space<vmem_shared>> -> memref<640x128xf32, #tpu.memory_space<vmem_shared>>
      tpu.enqueue_dma source(%dma_start3A_40 : memref<640x128xf32, #tpu.memory_space<vmem_shared>>) target(%dma_start3A_38 : memref<640x128xf32, #tpu.memory_space<hbm>>) target_semaphore(%run_scoped3A : memref<!tpu.dma_semaphore, #tpu.memory_space<semaphore_mem>>)
      %dma_wait3A = arith.constant 0 : i32
      %dma_wait3A_41 = tpu.memref_slice %arg4[%arg0, %mul3A_36, %dma_wait3A] : memref<2x10240x128xf32, #tpu.memory_space<hbm>> -> memref<1x640x128xf32, #tpu.memory_space<hbm>>
      %dma_wait3A_42 = tpu.memref_squeeze %dma_wait3A_41 : memref<1x640x128xf32, #tpu.memory_space<hbm>> -> memref<640x128xf32, #tpu.memory_space<hbm>>
      %dma_wait3A_43 = arith.constant 0 : i32
      %dma_wait3A_44 = tpu.memref_slice %arg8[%mul3A_34, %dma_wait3A_43] : memref<10240x128xf32, #tpu.memory_space<vmem_shared>> -> memref<640x128xf32, #tpu.memory_space<vmem_shared>>
      tpu.wait_dma2 semaphore(%run_scoped3A : memref<!tpu.dma_semaphore, #tpu.memory_space<semaphore_mem>>) src(%dma_wait3A_44 : memref<640x128xf32, #tpu.memory_space<vmem_shared>>) dst(%dma_wait3A_42 : memref<640x128xf32, #tpu.memory_space<hbm>>)
      tpu.yield
    }) : () -> ()
    return
  }
}

#map = affine_map<(d0, d1) -> (0, 0, 0)>
#map1 = affine_map<(d0, d1) -> (0)>
#map2 = affine_map<(d0, d1) -> (0, 0)>
module attributes {stable_mosaic.version = 14 : i64} {
  func.func @_edge_logits(%arg0: i32, %arg1: i32, %arg2: memref<32x81x128xi32, #tpu.memory_space<hbm>>, %arg3: memref<32x81x128xi32, #tpu.memory_space<hbm>>, %arg4: memref<32x81x128xf32, #tpu.memory_space<hbm>>, %arg5: memref<10240xf32, #tpu.memory_space<hbm>>, %arg6: memref<10240xf32, #tpu.memory_space<hbm>>, %arg7: memref<16xf32, #tpu.memory_space<hbm>>, %arg8: memref<32x81x128xf32, #tpu.memory_space<hbm>>, %arg9: memref<2x10240xf32, #tpu.memory_space<hbm>>, %arg10: memref<10240xf32, #tpu.memory_space<vmem>>, %arg11: memref<10240xf32, #tpu.memory_space<vmem>>, %arg12: memref<81x128xi32, #tpu.memory_space<vmem>>, %arg13: memref<81x128xi32, #tpu.memory_space<vmem>>, %arg14: memref<81x128xf32, #tpu.memory_space<vmem>>, %arg15: memref<81x128xf32, #tpu.memory_space<vmem>>, %arg16: memref<16xf32, #tpu.memory_space<vmem>>, %arg17: memref<640xf32, #tpu.memory_space<vmem>>, %arg18: memref<10240xf32, #tpu.memory_space<vmem_shared>>, %arg19: memref<!tpu.dma_semaphore, #tpu.memory_space<semaphore_mem>>) attributes {dimension_semantics = [#tpu.dimension_semantics<core_parallel>, #tpu.dimension_semantics<subcore_parallel>], iteration_bounds = array<i64: 2, 16>, scalar_prefetch = 0 : i64, scratch_operands = 10 : i64, tpu.core_type = #tpu.core_type<sc_vector_subcore>, window_params = [{transform_indices = #map}, {transform_indices = #map}, {transform_indices = #map}, {transform_indices = #map1}, {transform_indices = #map1}, {transform_indices = #map1}, {transform_indices = #map}, {transform_indices = #map2}]} {
    %mul3A = arith.constant 2 : i32
    %mul3A_0 = arith.muli %arg1, %mul3A : i32
    %add3A = arith.addi %mul3A_0, %arg0 : i32
    "tpu.region"() ({
      %run_scoped3A = tpu.sem_alloc : memref<!tpu.dma_semaphore, #tpu.memory_space<semaphore_mem>>
      tpu.enqueue_dma source(%arg5 : memref<10240xf32, #tpu.memory_space<hbm>>) target(%arg10 : memref<10240xf32, #tpu.memory_space<vmem>>) target_semaphore(%run_scoped3A : memref<!tpu.dma_semaphore, #tpu.memory_space<semaphore_mem>>)
      tpu.wait_dma2 semaphore(%run_scoped3A : memref<!tpu.dma_semaphore, #tpu.memory_space<semaphore_mem>>) src(%arg5 : memref<10240xf32, #tpu.memory_space<hbm>>) dst(%arg10 : memref<10240xf32, #tpu.memory_space<vmem>>)
      tpu.yield
    }) : () -> ()
    "tpu.region"() ({
      %run_scoped3A = tpu.sem_alloc : memref<!tpu.dma_semaphore, #tpu.memory_space<semaphore_mem>>
      tpu.enqueue_dma source(%arg6 : memref<10240xf32, #tpu.memory_space<hbm>>) target(%arg11 : memref<10240xf32, #tpu.memory_space<vmem>>) target_semaphore(%run_scoped3A : memref<!tpu.dma_semaphore, #tpu.memory_space<semaphore_mem>>)
      tpu.wait_dma2 semaphore(%run_scoped3A : memref<!tpu.dma_semaphore, #tpu.memory_space<semaphore_mem>>) src(%arg6 : memref<10240xf32, #tpu.memory_space<hbm>>) dst(%arg11 : memref<10240xf32, #tpu.memory_space<vmem>>)
      tpu.yield
    }) : () -> ()
    "tpu.region"() ({
      %run_scoped3A = tpu.sem_alloc : memref<!tpu.dma_semaphore, #tpu.memory_space<semaphore_mem>>
      tpu.enqueue_dma source(%arg7 : memref<16xf32, #tpu.memory_space<hbm>>) target(%arg16 : memref<16xf32, #tpu.memory_space<vmem>>) target_semaphore(%run_scoped3A : memref<!tpu.dma_semaphore, #tpu.memory_space<semaphore_mem>>)
      tpu.wait_dma2 semaphore(%run_scoped3A : memref<!tpu.dma_semaphore, #tpu.memory_space<semaphore_mem>>) src(%arg7 : memref<16xf32, #tpu.memory_space<hbm>>) dst(%arg16 : memref<16xf32, #tpu.memory_space<vmem>>)
      tpu.yield
    }) : () -> ()
    "tpu.region"() ({
      %run_scoped3A = tpu.sem_alloc : memref<!tpu.dma_semaphore, #tpu.memory_space<semaphore_mem>>
      %dma_start3A = arith.constant 0 : i32
      %dma_start3A_18 = arith.constant 0 : i32
      %dma_start3A_19 = tpu.memref_slice %arg2[%add3A, %dma_start3A, %dma_start3A_18] : memref<32x81x128xi32, #tpu.memory_space<hbm>> -> memref<1x81x128xi32, #tpu.memory_space<hbm>>
      %dma_start3A_20 = tpu.memref_squeeze %dma_start3A_19 : memref<1x81x128xi32, #tpu.memory_space<hbm>> -> memref<81x128xi32, #tpu.memory_space<hbm>>
      %dma_start3A_21 = arith.constant 0 : i32
      %dma_start3A_22 = arith.constant 0 : i32
      %dma_start3A_23 = tpu.memref_slice %arg2[%add3A, %dma_start3A_21, %dma_start3A_22] : memref<32x81x128xi32, #tpu.memory_space<hbm>> -> memref<1x81x128xi32, #tpu.memory_space<hbm>>
      %dma_start3A_24 = tpu.memref_squeeze %dma_start3A_23 : memref<1x81x128xi32, #tpu.memory_space<hbm>> -> memref<81x128xi32, #tpu.memory_space<hbm>>
      tpu.enqueue_dma source(%dma_start3A_24 : memref<81x128xi32, #tpu.memory_space<hbm>>) target(%arg12 : memref<81x128xi32, #tpu.memory_space<vmem>>) target_semaphore(%run_scoped3A : memref<!tpu.dma_semaphore, #tpu.memory_space<semaphore_mem>>)
      %dma_wait3A = arith.constant 0 : i32
      %dma_wait3A_25 = arith.constant 0 : i32
      %dma_wait3A_26 = tpu.memref_slice %arg2[%add3A, %dma_wait3A, %dma_wait3A_25] : memref<32x81x128xi32, #tpu.memory_space<hbm>> -> memref<1x81x128xi32, #tpu.memory_space<hbm>>
      %dma_wait3A_27 = tpu.memref_squeeze %dma_wait3A_26 : memref<1x81x128xi32, #tpu.memory_space<hbm>> -> memref<81x128xi32, #tpu.memory_space<hbm>>
      %dma_wait3A_28 = arith.constant 0 : i32
      %dma_wait3A_29 = arith.constant 0 : i32
      %dma_wait3A_30 = tpu.memref_slice %arg2[%add3A, %dma_wait3A_28, %dma_wait3A_29] : memref<32x81x128xi32, #tpu.memory_space<hbm>> -> memref<1x81x128xi32, #tpu.memory_space<hbm>>
      %dma_wait3A_31 = tpu.memref_squeeze %dma_wait3A_30 : memref<1x81x128xi32, #tpu.memory_space<hbm>> -> memref<81x128xi32, #tpu.memory_space<hbm>>
      tpu.wait_dma2 semaphore(%run_scoped3A : memref<!tpu.dma_semaphore, #tpu.memory_space<semaphore_mem>>) src(%dma_wait3A_31 : memref<81x128xi32, #tpu.memory_space<hbm>>) dst(%arg12 : memref<81x128xi32, #tpu.memory_space<vmem>>)
      tpu.yield
    }) : () -> ()
    "tpu.region"() ({
      %run_scoped3A = tpu.sem_alloc : memref<!tpu.dma_semaphore, #tpu.memory_space<semaphore_mem>>
      %dma_start3A = arith.constant 0 : i32
      %dma_start3A_18 = arith.constant 0 : i32
      %dma_start3A_19 = tpu.memref_slice %arg3[%add3A, %dma_start3A, %dma_start3A_18] : memref<32x81x128xi32, #tpu.memory_space<hbm>> -> memref<1x81x128xi32, #tpu.memory_space<hbm>>
      %dma_start3A_20 = tpu.memref_squeeze %dma_start3A_19 : memref<1x81x128xi32, #tpu.memory_space<hbm>> -> memref<81x128xi32, #tpu.memory_space<hbm>>
      %dma_start3A_21 = arith.constant 0 : i32
      %dma_start3A_22 = arith.constant 0 : i32
      %dma_start3A_23 = tpu.memref_slice %arg3[%add3A, %dma_start3A_21, %dma_start3A_22] : memref<32x81x128xi32, #tpu.memory_space<hbm>> -> memref<1x81x128xi32, #tpu.memory_space<hbm>>
      %dma_start3A_24 = tpu.memref_squeeze %dma_start3A_23 : memref<1x81x128xi32, #tpu.memory_space<hbm>> -> memref<81x128xi32, #tpu.memory_space<hbm>>
      tpu.enqueue_dma source(%dma_start3A_24 : memref<81x128xi32, #tpu.memory_space<hbm>>) target(%arg13 : memref<81x128xi32, #tpu.memory_space<vmem>>) target_semaphore(%run_scoped3A : memref<!tpu.dma_semaphore, #tpu.memory_space<semaphore_mem>>)
      %dma_wait3A = arith.constant 0 : i32
      %dma_wait3A_25 = arith.constant 0 : i32
      %dma_wait3A_26 = tpu.memref_slice %arg3[%add3A, %dma_wait3A, %dma_wait3A_25] : memref<32x81x128xi32, #tpu.memory_space<hbm>> -> memref<1x81x128xi32, #tpu.memory_space<hbm>>
      %dma_wait3A_27 = tpu.memref_squeeze %dma_wait3A_26 : memref<1x81x128xi32, #tpu.memory_space<hbm>> -> memref<81x128xi32, #tpu.memory_space<hbm>>
      %dma_wait3A_28 = arith.constant 0 : i32
      %dma_wait3A_29 = arith.constant 0 : i32
      %dma_wait3A_30 = tpu.memref_slice %arg3[%add3A, %dma_wait3A_28, %dma_wait3A_29] : memref<32x81x128xi32, #tpu.memory_space<hbm>> -> memref<1x81x128xi32, #tpu.memory_space<hbm>>
      %dma_wait3A_31 = tpu.memref_squeeze %dma_wait3A_30 : memref<1x81x128xi32, #tpu.memory_space<hbm>> -> memref<81x128xi32, #tpu.memory_space<hbm>>
      tpu.wait_dma2 semaphore(%run_scoped3A : memref<!tpu.dma_semaphore, #tpu.memory_space<semaphore_mem>>) src(%dma_wait3A_31 : memref<81x128xi32, #tpu.memory_space<hbm>>) dst(%arg13 : memref<81x128xi32, #tpu.memory_space<vmem>>)
      tpu.yield
    }) : () -> ()
    "tpu.region"() ({
      %run_scoped3A = tpu.sem_alloc : memref<!tpu.dma_semaphore, #tpu.memory_space<semaphore_mem>>
      %dma_start3A = arith.constant 0 : i32
      %dma_start3A_18 = arith.constant 0 : i32
      %dma_start3A_19 = tpu.memref_slice %arg4[%add3A, %dma_start3A, %dma_start3A_18] : memref<32x81x128xf32, #tpu.memory_space<hbm>> -> memref<1x81x128xf32, #tpu.memory_space<hbm>>
      %dma_start3A_20 = tpu.memref_squeeze %dma_start3A_19 : memref<1x81x128xf32, #tpu.memory_space<hbm>> -> memref<81x128xf32, #tpu.memory_space<hbm>>
      %dma_start3A_21 = arith.constant 0 : i32
      %dma_start3A_22 = arith.constant 0 : i32
      %dma_start3A_23 = tpu.memref_slice %arg4[%add3A, %dma_start3A_21, %dma_start3A_22] : memref<32x81x128xf32, #tpu.memory_space<hbm>> -> memref<1x81x128xf32, #tpu.memory_space<hbm>>
      %dma_start3A_24 = tpu.memref_squeeze %dma_start3A_23 : memref<1x81x128xf32, #tpu.memory_space<hbm>> -> memref<81x128xf32, #tpu.memory_space<hbm>>
      tpu.enqueue_dma source(%dma_start3A_24 : memref<81x128xf32, #tpu.memory_space<hbm>>) target(%arg14 : memref<81x128xf32, #tpu.memory_space<vmem>>) target_semaphore(%run_scoped3A : memref<!tpu.dma_semaphore, #tpu.memory_space<semaphore_mem>>)
      %dma_wait3A = arith.constant 0 : i32
      %dma_wait3A_25 = arith.constant 0 : i32
      %dma_wait3A_26 = tpu.memref_slice %arg4[%add3A, %dma_wait3A, %dma_wait3A_25] : memref<32x81x128xf32, #tpu.memory_space<hbm>> -> memref<1x81x128xf32, #tpu.memory_space<hbm>>
      %dma_wait3A_27 = tpu.memref_squeeze %dma_wait3A_26 : memref<1x81x128xf32, #tpu.memory_space<hbm>> -> memref<81x128xf32, #tpu.memory_space<hbm>>
      %dma_wait3A_28 = arith.constant 0 : i32
      %dma_wait3A_29 = arith.constant 0 : i32
      %dma_wait3A_30 = tpu.memref_slice %arg4[%add3A, %dma_wait3A_28, %dma_wait3A_29] : memref<32x81x128xf32, #tpu.memory_space<hbm>> -> memref<1x81x128xf32, #tpu.memory_space<hbm>>
      %dma_wait3A_31 = tpu.memref_squeeze %dma_wait3A_30 : memref<1x81x128xf32, #tpu.memory_space<hbm>> -> memref<81x128xf32, #tpu.memory_space<hbm>>
      tpu.wait_dma2 semaphore(%run_scoped3A : memref<!tpu.dma_semaphore, #tpu.memory_space<semaphore_mem>>) src(%dma_wait3A_31 : memref<81x128xf32, #tpu.memory_space<hbm>>) dst(%arg14 : memref<81x128xf32, #tpu.memory_space<vmem>>)
      tpu.yield
    }) : () -> ()
    %scan3A = arith.constant 0 : i32
    %scan3A_1 = arith.constant 0 : i32
    %scan3A_2 = arith.constant 40 : i32
    %scan3A_3 = arith.addi %scan3A_1, %scan3A_2 : i32
    %scan3A_4 = arith.constant 1 : i32
    scf.for %scan3A_18 = %scan3A_1 to %scan3A_3 step %scan3A_4  : i32 {
      %broadcast_in_dim3A = arith.constant 0.000000e+00 : f32
      %broadcast_in_dim3A_19 = vector.broadcast %broadcast_in_dim3A : f32 to vector<16xf32>
      %mul3A_20 = arith.constant 16 : i32
      %mul3A_21 = arith.muli %scan3A_18, %mul3A_20 : i32
      %swap3A = arith.index_cast %mul3A_21 : i32 to index
      %swap3A_22 = tpu.vector_load %arg17[%swap3A] {strides = array<i32>} : memref<640xf32, #tpu.memory_space<vmem>>, vector<16xf32>,
      tpu.vector_store %arg17[%swap3A], %broadcast_in_dim3A_19 {strides = array<i32>} : memref<640xf32, #tpu.memory_space<vmem>>, vector<16xf32>,
    }
    %scan3A_5 = arith.constant 40 : i32
    %mul3A_6 = arith.constant 640 : i32
    %mul3A_7 = arith.muli %arg1, %mul3A_6 : i32
    "tpu.region"() ({
      %run_scoped3A = tpu.sem_alloc : memref<!tpu.dma_semaphore, #tpu.memory_space<semaphore_mem>>
      %dma_start3A = tpu.memref_slice %arg18[%mul3A_7] : memref<10240xf32, #tpu.memory_space<vmem_shared>> -> memref<640xf32, #tpu.memory_space<vmem_shared>>
      %dma_start3A_18 = tpu.memref_slice %arg18[%mul3A_7] : memref<10240xf32, #tpu.memory_space<vmem_shared>> -> memref<640xf32, #tpu.memory_space<vmem_shared>>
      tpu.enqueue_dma source(%arg17 : memref<640xf32, #tpu.memory_space<vmem>>) target(%dma_start3A_18 : memref<640xf32, #tpu.memory_space<vmem_shared>>) target_semaphore(%run_scoped3A : memref<!tpu.dma_semaphore, #tpu.memory_space<semaphore_mem>>)
      %dma_wait3A = tpu.memref_slice %arg18[%mul3A_7] : memref<10240xf32, #tpu.memory_space<vmem_shared>> -> memref<640xf32, #tpu.memory_space<vmem_shared>>
      %dma_wait3A_19 = tpu.memref_slice %arg18[%mul3A_7] : memref<10240xf32, #tpu.memory_space<vmem_shared>> -> memref<640xf32, #tpu.memory_space<vmem_shared>>
      tpu.wait_dma2 semaphore(%run_scoped3A : memref<!tpu.dma_semaphore, #tpu.memory_space<semaphore_mem>>) src(%arg17 : memref<640xf32, #tpu.memory_space<vmem>>) dst(%dma_wait3A_19 : memref<640xf32, #tpu.memory_space<vmem_shared>>)
      tpu.yield
    }) : () -> ()
    %barrier3A = arith.constant 0 : index
    tpu.barrier barrier_id(%barrier3A)
    %get3A = arith.constant 0 : index
    %get3A_8 = tpu.vector_load %arg16[%get3A] {strides = array<i32>} : memref<16xf32, #tpu.memory_space<vmem>>, vector<16xf32>,
    %iota3A = tpu.iota {dimensions = array<i32: 0>} : vector<16xi32>
    %scan3A_9 = arith.constant 0 : i32
    %scan3A_10 = arith.constant 0 : i32
    %scan3A_11 = arith.constant 81 : i32
    %scan3A_12 = arith.addi %scan3A_10, %scan3A_11 : i32
    %scan3A_13 = arith.constant 1 : i32
    scf.for %scan3A_18 = %scan3A_10 to %scan3A_12 step %scan3A_13  : i32 {
      %get3A_19 = arith.index_cast %scan3A_18 : i32 to index
      %get3A_20 = arith.constant 0 : index
      %get3A_21 = tpu.vector_load %arg12[%get3A_19, %get3A_20] {strides = array<i32>} : memref<81x128xi32, #tpu.memory_space<vmem>>, vector<16xi32>,
      %get3A_22 = arith.index_cast %scan3A_18 : i32 to index
      %get3A_23 = arith.constant 0 : index
      %get3A_24 = tpu.vector_load %arg13[%get3A_22, %get3A_23] {strides = array<i32>} : memref<81x128xi32, #tpu.memory_space<vmem>>, vector<16xi32>,
      %gather3A = tpu.vector_load_idx %arg10[%get3A_21] : memref<10240xf32, #tpu.memory_space<vmem>>[vector<16xi32>], vector<16xf32>,
      %gather3A_25 = tpu.vector_load_idx %arg11[%get3A_24] : memref<10240xf32, #tpu.memory_space<vmem>>[vector<16xi32>], vector<16xf32>,
      %add3A_26 = arith.addf %gather3A, %gather3A_25 : vector<16xf32>
      %get3A_27 = arith.index_cast %scan3A_18 : i32 to index
      %get3A_28 = arith.constant 0 : index
      %get3A_29 = tpu.vector_load %arg14[%get3A_27, %get3A_28] {strides = array<i32>} : memref<81x128xf32, #tpu.memory_space<vmem>>, vector<16xf32>,
      %mul3A_30 = arith.mulf %get3A_8, %get3A_29 : vector<16xf32>
      %add3A_31 = arith.addf %add3A_26, %mul3A_30 : vector<16xf32>
      %mul3A_32 = arith.constant 10368 : i32
      %mul3A_33 = arith.muli %add3A, %mul3A_32 : i32
      %mul3A_34 = arith.constant 128 : i32
      %mul3A_35 = arith.muli %scan3A_18, %mul3A_34 : i32
      %add3A_36 = arith.addi %mul3A_33, %mul3A_35 : i32
      %add3A_37 = arith.constant 0 : i32
      %add3A_38 = arith.addi %add3A_36, %add3A_37 : i32
      %add3A_39 = vector.broadcast %add3A_38 : i32 to vector<16xi32>
      %add3A_40 = arith.addi %add3A_39, %iota3A : vector<16xi32>
      %lt3A = arith.constant 330000 : i32
      %lt3A_41 = vector.broadcast %lt3A : i32 to vector<16xi32>
      %lt3A_42 = arith.cmpi slt, %add3A_40, %lt3A_41 : vector<16xi32>
      %jit3A = arith.constant -1.000000e+30 : f32
      %broadcast_in_dim3A = vector.broadcast %jit3A : f32 to vector<16xf32>
      %select_n3A = arith.select %lt3A_42, %add3A_31, %broadcast_in_dim3A : vector<16xi1>, vector<16xf32>
      %ge3A = arith.constant 0.000000e+00 : f32
      %ge3A_43 = vector.broadcast %ge3A : f32 to vector<16xf32>
      %ge3A_44 = arith.cmpf oge, %select_n3A, %ge3A_43 : vector<16xf32>
      %mul3A_45 = arith.constant 2.000000e-01 : f32
      %mul3A_46 = vector.broadcast %mul3A_45 : f32 to vector<16xf32>
      %mul3A_47 = arith.mulf %mul3A_46, %select_n3A : vector<16xf32>
      %select_n3A_48 = arith.select %ge3A_44, %select_n3A, %mul3A_47 : vector<16xi1>, vector<16xf32>
      %exp3A = math.exp %select_n3A_48 : vector<16xf32>
      %swap3A = arith.index_cast %scan3A_18 : i32 to index
      %swap3A_49 = arith.constant 0 : index
      %swap3A_50 = tpu.vector_load %arg15[%swap3A, %swap3A_49] {strides = array<i32>} : memref<81x128xf32, #tpu.memory_space<vmem>>, vector<16xf32>,
      tpu.vector_store %arg15[%swap3A, %swap3A_49], %exp3A {strides = array<i32>} : memref<81x128xf32, #tpu.memory_space<vmem>>, vector<16xf32>,
      %get3A_51 = arith.index_cast %scan3A_18 : i32 to index
      %get3A_52 = arith.constant 16 : index
      %get3A_53 = tpu.vector_load %arg12[%get3A_51, %get3A_52] {strides = array<i32>} : memref<81x128xi32, #tpu.memory_space<vmem>>, vector<16xi32>,
      %get3A_54 = arith.index_cast %scan3A_18 : i32 to index
      %get3A_55 = arith.constant 16 : index
      %get3A_56 = tpu.vector_load %arg13[%get3A_54, %get3A_55] {strides = array<i32>} : memref<81x128xi32, #tpu.memory_space<vmem>>, vector<16xi32>,
      %gather3A_57 = tpu.vector_load_idx %arg10[%get3A_53] : memref<10240xf32, #tpu.memory_space<vmem>>[vector<16xi32>], vector<16xf32>,
      %gather3A_58 = tpu.vector_load_idx %arg11[%get3A_56] : memref<10240xf32, #tpu.memory_space<vmem>>[vector<16xi32>], vector<16xf32>,
      %add3A_59 = arith.addf %gather3A_57, %gather3A_58 : vector<16xf32>
      %get3A_60 = arith.index_cast %scan3A_18 : i32 to index
      %get3A_61 = arith.constant 16 : index
      %get3A_62 = tpu.vector_load %arg14[%get3A_60, %get3A_61] {strides = array<i32>} : memref<81x128xf32, #tpu.memory_space<vmem>>, vector<16xf32>,
      %mul3A_63 = arith.mulf %get3A_8, %get3A_62 : vector<16xf32>
      %add3A_64 = arith.addf %add3A_59, %mul3A_63 : vector<16xf32>
      %mul3A_65 = arith.constant 10368 : i32
      %mul3A_66 = arith.muli %add3A, %mul3A_65 : i32
      %mul3A_67 = arith.constant 128 : i32
      %mul3A_68 = arith.muli %scan3A_18, %mul3A_67 : i32
      %add3A_69 = arith.addi %mul3A_66, %mul3A_68 : i32
      %add3A_70 = arith.constant 16 : i32
      %add3A_71 = arith.addi %add3A_69, %add3A_70 : i32
      %add3A_72 = vector.broadcast %add3A_71 : i32 to vector<16xi32>
      %add3A_73 = arith.addi %add3A_72, %iota3A : vector<16xi32>
      %lt3A_74 = arith.constant 330000 : i32
      %lt3A_75 = vector.broadcast %lt3A_74 : i32 to vector<16xi32>
      %lt3A_76 = arith.cmpi slt, %add3A_73, %lt3A_75 : vector<16xi32>
      %jit3A_77 = arith.constant -1.000000e+30 : f32
      %broadcast_in_dim3A_78 = vector.broadcast %jit3A_77 : f32 to vector<16xf32>
      %select_n3A_79 = arith.select %lt3A_76, %add3A_64, %broadcast_in_dim3A_78 : vector<16xi1>, vector<16xf32>
      %ge3A_80 = arith.constant 0.000000e+00 : f32
      %ge3A_81 = vector.broadcast %ge3A_80 : f32 to vector<16xf32>
      %ge3A_82 = arith.cmpf oge, %select_n3A_79, %ge3A_81 : vector<16xf32>
      %mul3A_83 = arith.constant 2.000000e-01 : f32
      %mul3A_84 = vector.broadcast %mul3A_83 : f32 to vector<16xf32>
      %mul3A_85 = arith.mulf %mul3A_84, %select_n3A_79 : vector<16xf32>
      %select_n3A_86 = arith.select %ge3A_82, %select_n3A_79, %mul3A_85 : vector<16xi1>, vector<16xf32>
      %exp3A_87 = math.exp %select_n3A_86 : vector<16xf32>
      %swap3A_88 = arith.index_cast %scan3A_18 : i32 to index
      %swap3A_89 = arith.constant 16 : index
      %swap3A_90 = tpu.vector_load %arg15[%swap3A_88, %swap3A_89] {strides = array<i32>} : memref<81x128xf32, #tpu.memory_space<vmem>>, vector<16xf32>,
      tpu.vector_store %arg15[%swap3A_88, %swap3A_89], %exp3A_87 {strides = array<i32>} : memref<81x128xf32, #tpu.memory_space<vmem>>, vector<16xf32>,
      %get3A_91 = arith.index_cast %scan3A_18 : i32 to index
      %get3A_92 = arith.constant 32 : index
      %get3A_93 = tpu.vector_load %arg12[%get3A_91, %get3A_92] {strides = array<i32>} : memref<81x128xi32, #tpu.memory_space<vmem>>, vector<16xi32>,
      %get3A_94 = arith.index_cast %scan3A_18 : i32 to index
      %get3A_95 = arith.constant 32 : index
      %get3A_96 = tpu.vector_load %arg13[%get3A_94, %get3A_95] {strides = array<i32>} : memref<81x128xi32, #tpu.memory_space<vmem>>, vector<16xi32>,
      %gather3A_97 = tpu.vector_load_idx %arg10[%get3A_93] : memref<10240xf32, #tpu.memory_space<vmem>>[vector<16xi32>], vector<16xf32>,
      %gather3A_98 = tpu.vector_load_idx %arg11[%get3A_96] : memref<10240xf32, #tpu.memory_space<vmem>>[vector<16xi32>], vector<16xf32>,
      %add3A_99 = arith.addf %gather3A_97, %gather3A_98 : vector<16xf32>
      %get3A_100 = arith.index_cast %scan3A_18 : i32 to index
      %get3A_101 = arith.constant 32 : index
      %get3A_102 = tpu.vector_load %arg14[%get3A_100, %get3A_101] {strides = array<i32>} : memref<81x128xf32, #tpu.memory_space<vmem>>, vector<16xf32>,
      %mul3A_103 = arith.mulf %get3A_8, %get3A_102 : vector<16xf32>
      %add3A_104 = arith.addf %add3A_99, %mul3A_103 : vector<16xf32>
      %mul3A_105 = arith.constant 10368 : i32
      %mul3A_106 = arith.muli %add3A, %mul3A_105 : i32
      %mul3A_107 = arith.constant 128 : i32
      %mul3A_108 = arith.muli %scan3A_18, %mul3A_107 : i32
      %add3A_109 = arith.addi %mul3A_106, %mul3A_108 : i32
      %add3A_110 = arith.constant 32 : i32
      %add3A_111 = arith.addi %add3A_109, %add3A_110 : i32
      %add3A_112 = vector.broadcast %add3A_111 : i32 to vector<16xi32>
      %add3A_113 = arith.addi %add3A_112, %iota3A : vector<16xi32>
      %lt3A_114 = arith.constant 330000 : i32
      %lt3A_115 = vector.broadcast %lt3A_114 : i32 to vector<16xi32>
      %lt3A_116 = arith.cmpi slt, %add3A_113, %lt3A_115 : vector<16xi32>
      %jit3A_117 = arith.constant -1.000000e+30 : f32
      %broadcast_in_dim3A_118 = vector.broadcast %jit3A_117 : f32 to vector<16xf32>
      %select_n3A_119 = arith.select %lt3A_116, %add3A_104, %broadcast_in_dim3A_118 : vector<16xi1>, vector<16xf32>
      %ge3A_120 = arith.constant 0.000000e+00 : f32
      %ge3A_121 = vector.broadcast %ge3A_120 : f32 to vector<16xf32>
      %ge3A_122 = arith.cmpf oge, %select_n3A_119, %ge3A_121 : vector<16xf32>
      %mul3A_123 = arith.constant 2.000000e-01 : f32
      %mul3A_124 = vector.broadcast %mul3A_123 : f32 to vector<16xf32>
      %mul3A_125 = arith.mulf %mul3A_124, %select_n3A_119 : vector<16xf32>
      %select_n3A_126 = arith.select %ge3A_122, %select_n3A_119, %mul3A_125 : vector<16xi1>, vector<16xf32>
      %exp3A_127 = math.exp %select_n3A_126 : vector<16xf32>
      %swap3A_128 = arith.index_cast %scan3A_18 : i32 to index
      %swap3A_129 = arith.constant 32 : index
      %swap3A_130 = tpu.vector_load %arg15[%swap3A_128, %swap3A_129] {strides = array<i32>} : memref<81x128xf32, #tpu.memory_space<vmem>>, vector<16xf32>,
      tpu.vector_store %arg15[%swap3A_128, %swap3A_129], %exp3A_127 {strides = array<i32>} : memref<81x128xf32, #tpu.memory_space<vmem>>, vector<16xf32>,
      %get3A_131 = arith.index_cast %scan3A_18 : i32 to index
      %get3A_132 = arith.constant 48 : index
      %get3A_133 = tpu.vector_load %arg12[%get3A_131, %get3A_132] {strides = array<i32>} : memref<81x128xi32, #tpu.memory_space<vmem>>, vector<16xi32>,
      %get3A_134 = arith.index_cast %scan3A_18 : i32 to index
      %get3A_135 = arith.constant 48 : index
      %get3A_136 = tpu.vector_load %arg13[%get3A_134, %get3A_135] {strides = array<i32>} : memref<81x128xi32, #tpu.memory_space<vmem>>, vector<16xi32>,
      %gather3A_137 = tpu.vector_load_idx %arg10[%get3A_133] : memref<10240xf32, #tpu.memory_space<vmem>>[vector<16xi32>], vector<16xf32>,
      %gather3A_138 = tpu.vector_load_idx %arg11[%get3A_136] : memref<10240xf32, #tpu.memory_space<vmem>>[vector<16xi32>], vector<16xf32>,
      %add3A_139 = arith.addf %gather3A_137, %gather3A_138 : vector<16xf32>
      %get3A_140 = arith.index_cast %scan3A_18 : i32 to index
      %get3A_141 = arith.constant 48 : index
      %get3A_142 = tpu.vector_load %arg14[%get3A_140, %get3A_141] {strides = array<i32>} : memref<81x128xf32, #tpu.memory_space<vmem>>, vector<16xf32>,
      %mul3A_143 = arith.mulf %get3A_8, %get3A_142 : vector<16xf32>
      %add3A_144 = arith.addf %add3A_139, %mul3A_143 : vector<16xf32>
      %mul3A_145 = arith.constant 10368 : i32
      %mul3A_146 = arith.muli %add3A, %mul3A_145 : i32
      %mul3A_147 = arith.constant 128 : i32
      %mul3A_148 = arith.muli %scan3A_18, %mul3A_147 : i32
      %add3A_149 = arith.addi %mul3A_146, %mul3A_148 : i32
      %add3A_150 = arith.constant 48 : i32
      %add3A_151 = arith.addi %add3A_149, %add3A_150 : i32
      %add3A_152 = vector.broadcast %add3A_151 : i32 to vector<16xi32>
      %add3A_153 = arith.addi %add3A_152, %iota3A : vector<16xi32>
      %lt3A_154 = arith.constant 330000 : i32
      %lt3A_155 = vector.broadcast %lt3A_154 : i32 to vector<16xi32>
      %lt3A_156 = arith.cmpi slt, %add3A_153, %lt3A_155 : vector<16xi32>
      %jit3A_157 = arith.constant -1.000000e+30 : f32
      %broadcast_in_dim3A_158 = vector.broadcast %jit3A_157 : f32 to vector<16xf32>
      %select_n3A_159 = arith.select %lt3A_156, %add3A_144, %broadcast_in_dim3A_158 : vector<16xi1>, vector<16xf32>
      %ge3A_160 = arith.constant 0.000000e+00 : f32
      %ge3A_161 = vector.broadcast %ge3A_160 : f32 to vector<16xf32>
      %ge3A_162 = arith.cmpf oge, %select_n3A_159, %ge3A_161 : vector<16xf32>
      %mul3A_163 = arith.constant 2.000000e-01 : f32
      %mul3A_164 = vector.broadcast %mul3A_163 : f32 to vector<16xf32>
      %mul3A_165 = arith.mulf %mul3A_164, %select_n3A_159 : vector<16xf32>
      %select_n3A_166 = arith.select %ge3A_162, %select_n3A_159, %mul3A_165 : vector<16xi1>, vector<16xf32>
      %exp3A_167 = math.exp %select_n3A_166 : vector<16xf32>
      %swap3A_168 = arith.index_cast %scan3A_18 : i32 to index
      %swap3A_169 = arith.constant 48 : index
      %swap3A_170 = tpu.vector_load %arg15[%swap3A_168, %swap3A_169] {strides = array<i32>} : memref<81x128xf32, #tpu.memory_space<vmem>>, vector<16xf32>,
      tpu.vector_store %arg15[%swap3A_168, %swap3A_169], %exp3A_167 {strides = array<i32>} : memref<81x128xf32, #tpu.memory_space<vmem>>, vector<16xf32>,
      %get3A_171 = arith.index_cast %scan3A_18 : i32 to index
      %get3A_172 = arith.constant 64 : index
      %get3A_173 = tpu.vector_load %arg12[%get3A_171, %get3A_172] {strides = array<i32>} : memref<81x128xi32, #tpu.memory_space<vmem>>, vector<16xi32>,
      %get3A_174 = arith.index_cast %scan3A_18 : i32 to index
      %get3A_175 = arith.constant 64 : index
      %get3A_176 = tpu.vector_load %arg13[%get3A_174, %get3A_175] {strides = array<i32>} : memref<81x128xi32, #tpu.memory_space<vmem>>, vector<16xi32>,
      %gather3A_177 = tpu.vector_load_idx %arg10[%get3A_173] : memref<10240xf32, #tpu.memory_space<vmem>>[vector<16xi32>], vector<16xf32>,
      %gather3A_178 = tpu.vector_load_idx %arg11[%get3A_176] : memref<10240xf32, #tpu.memory_space<vmem>>[vector<16xi32>], vector<16xf32>,
      %add3A_179 = arith.addf %gather3A_177, %gather3A_178 : vector<16xf32>
      %get3A_180 = arith.index_cast %scan3A_18 : i32 to index
      %get3A_181 = arith.constant 64 : index
      %get3A_182 = tpu.vector_load %arg14[%get3A_180, %get3A_181] {strides = array<i32>} : memref<81x128xf32, #tpu.memory_space<vmem>>, vector<16xf32>,
      %mul3A_183 = arith.mulf %get3A_8, %get3A_182 : vector<16xf32>
      %add3A_184 = arith.addf %add3A_179, %mul3A_183 : vector<16xf32>
      %mul3A_185 = arith.constant 10368 : i32
      %mul3A_186 = arith.muli %add3A, %mul3A_185 : i32
      %mul3A_187 = arith.constant 128 : i32
      %mul3A_188 = arith.muli %scan3A_18, %mul3A_187 : i32
      %add3A_189 = arith.addi %mul3A_186, %mul3A_188 : i32
      %add3A_190 = arith.constant 64 : i32
      %add3A_191 = arith.addi %add3A_189, %add3A_190 : i32
      %add3A_192 = vector.broadcast %add3A_191 : i32 to vector<16xi32>
      %add3A_193 = arith.addi %add3A_192, %iota3A : vector<16xi32>
      %lt3A_194 = arith.constant 330000 : i32
      %lt3A_195 = vector.broadcast %lt3A_194 : i32 to vector<16xi32>
      %lt3A_196 = arith.cmpi slt, %add3A_193, %lt3A_195 : vector<16xi32>
      %jit3A_197 = arith.constant -1.000000e+30 : f32
      %broadcast_in_dim3A_198 = vector.broadcast %jit3A_197 : f32 to vector<16xf32>
      %select_n3A_199 = arith.select %lt3A_196, %add3A_184, %broadcast_in_dim3A_198 : vector<16xi1>, vector<16xf32>
      %ge3A_200 = arith.constant 0.000000e+00 : f32
      %ge3A_201 = vector.broadcast %ge3A_200 : f32 to vector<16xf32>
      %ge3A_202 = arith.cmpf oge, %select_n3A_199, %ge3A_201 : vector<16xf32>
      %mul3A_203 = arith.constant 2.000000e-01 : f32
      %mul3A_204 = vector.broadcast %mul3A_203 : f32 to vector<16xf32>
      %mul3A_205 = arith.mulf %mul3A_204, %select_n3A_199 : vector<16xf32>
      %select_n3A_206 = arith.select %ge3A_202, %select_n3A_199, %mul3A_205 : vector<16xi1>, vector<16xf32>
      %exp3A_207 = math.exp %select_n3A_206 : vector<16xf32>
      %swap3A_208 = arith.index_cast %scan3A_18 : i32 to index
      %swap3A_209 = arith.constant 64 : index
      %swap3A_210 = tpu.vector_load %arg15[%swap3A_208, %swap3A_209] {strides = array<i32>} : memref<81x128xf32, #tpu.memory_space<vmem>>, vector<16xf32>,
      tpu.vector_store %arg15[%swap3A_208, %swap3A_209], %exp3A_207 {strides = array<i32>} : memref<81x128xf32, #tpu.memory_space<vmem>>, vector<16xf32>,
      %get3A_211 = arith.index_cast %scan3A_18 : i32 to index
      %get3A_212 = arith.constant 80 : index
      %get3A_213 = tpu.vector_load %arg12[%get3A_211, %get3A_212] {strides = array<i32>} : memref<81x128xi32, #tpu.memory_space<vmem>>, vector<16xi32>,
      %get3A_214 = arith.index_cast %scan3A_18 : i32 to index
      %get3A_215 = arith.constant 80 : index
      %get3A_216 = tpu.vector_load %arg13[%get3A_214, %get3A_215] {strides = array<i32>} : memref<81x128xi32, #tpu.memory_space<vmem>>, vector<16xi32>,
      %gather3A_217 = tpu.vector_load_idx %arg10[%get3A_213] : memref<10240xf32, #tpu.memory_space<vmem>>[vector<16xi32>], vector<16xf32>,
      %gather3A_218 = tpu.vector_load_idx %arg11[%get3A_216] : memref<10240xf32, #tpu.memory_space<vmem>>[vector<16xi32>], vector<16xf32>,
      %add3A_219 = arith.addf %gather3A_217, %gather3A_218 : vector<16xf32>
      %get3A_220 = arith.index_cast %scan3A_18 : i32 to index
      %get3A_221 = arith.constant 80 : index
      %get3A_222 = tpu.vector_load %arg14[%get3A_220, %get3A_221] {strides = array<i32>} : memref<81x128xf32, #tpu.memory_space<vmem>>, vector<16xf32>,
      %mul3A_223 = arith.mulf %get3A_8, %get3A_222 : vector<16xf32>
      %add3A_224 = arith.addf %add3A_219, %mul3A_223 : vector<16xf32>
      %mul3A_225 = arith.constant 10368 : i32
      %mul3A_226 = arith.muli %add3A, %mul3A_225 : i32
      %mul3A_227 = arith.constant 128 : i32
      %mul3A_228 = arith.muli %scan3A_18, %mul3A_227 : i32
      %add3A_229 = arith.addi %mul3A_226, %mul3A_228 : i32
      %add3A_230 = arith.constant 80 : i32
      %add3A_231 = arith.addi %add3A_229, %add3A_230 : i32
      %add3A_232 = vector.broadcast %add3A_231 : i32 to vector<16xi32>
      %add3A_233 = arith.addi %add3A_232, %iota3A : vector<16xi32>
      %lt3A_234 = arith.constant 330000 : i32
      %lt3A_235 = vector.broadcast %lt3A_234 : i32 to vector<16xi32>
      %lt3A_236 = arith.cmpi slt, %add3A_233, %lt3A_235 : vector<16xi32>
      %jit3A_237 = arith.constant -1.000000e+30 : f32
      %broadcast_in_dim3A_238 = vector.broadcast %jit3A_237 : f32 to vector<16xf32>
      %select_n3A_239 = arith.select %lt3A_236, %add3A_224, %broadcast_in_dim3A_238 : vector<16xi1>, vector<16xf32>
      %ge3A_240 = arith.constant 0.000000e+00 : f32
      %ge3A_241 = vector.broadcast %ge3A_240 : f32 to vector<16xf32>
      %ge3A_242 = arith.cmpf oge, %select_n3A_239, %ge3A_241 : vector<16xf32>
      %mul3A_243 = arith.constant 2.000000e-01 : f32
      %mul3A_244 = vector.broadcast %mul3A_243 : f32 to vector<16xf32>
      %mul3A_245 = arith.mulf %mul3A_244, %select_n3A_239 : vector<16xf32>
      %select_n3A_246 = arith.select %ge3A_242, %select_n3A_239, %mul3A_245 : vector<16xi1>, vector<16xf32>
      %exp3A_247 = math.exp %select_n3A_246 : vector<16xf32>
      %swap3A_248 = arith.index_cast %scan3A_18 : i32 to index
      %swap3A_249 = arith.constant 80 : index
      %swap3A_250 = tpu.vector_load %arg15[%swap3A_248, %swap3A_249] {strides = array<i32>} : memref<81x128xf32, #tpu.memory_space<vmem>>, vector<16xf32>,
      tpu.vector_store %arg15[%swap3A_248, %swap3A_249], %exp3A_247 {strides = array<i32>} : memref<81x128xf32, #tpu.memory_space<vmem>>, vector<16xf32>,
      %get3A_251 = arith.index_cast %scan3A_18 : i32 to index
      %get3A_252 = arith.constant 96 : index
      %get3A_253 = tpu.vector_load %arg12[%get3A_251, %get3A_252] {strides = array<i32>} : memref<81x128xi32, #tpu.memory_space<vmem>>, vector<16xi32>,
      %get3A_254 = arith.index_cast %scan3A_18 : i32 to index
      %get3A_255 = arith.constant 96 : index
      %get3A_256 = tpu.vector_load %arg13[%get3A_254, %get3A_255] {strides = array<i32>} : memref<81x128xi32, #tpu.memory_space<vmem>>, vector<16xi32>,
      %gather3A_257 = tpu.vector_load_idx %arg10[%get3A_253] : memref<10240xf32, #tpu.memory_space<vmem>>[vector<16xi32>], vector<16xf32>,
      %gather3A_258 = tpu.vector_load_idx %arg11[%get3A_256] : memref<10240xf32, #tpu.memory_space<vmem>>[vector<16xi32>], vector<16xf32>,
      %add3A_259 = arith.addf %gather3A_257, %gather3A_258 : vector<16xf32>
      %get3A_260 = arith.index_cast %scan3A_18 : i32 to index
      %get3A_261 = arith.constant 96 : index
      %get3A_262 = tpu.vector_load %arg14[%get3A_260, %get3A_261] {strides = array<i32>} : memref<81x128xf32, #tpu.memory_space<vmem>>, vector<16xf32>,
      %mul3A_263 = arith.mulf %get3A_8, %get3A_262 : vector<16xf32>
      %add3A_264 = arith.addf %add3A_259, %mul3A_263 : vector<16xf32>
      %mul3A_265 = arith.constant 10368 : i32
      %mul3A_266 = arith.muli %add3A, %mul3A_265 : i32
      %mul3A_267 = arith.constant 128 : i32
      %mul3A_268 = arith.muli %scan3A_18, %mul3A_267 : i32
      %add3A_269 = arith.addi %mul3A_266, %mul3A_268 : i32
      %add3A_270 = arith.constant 96 : i32
      %add3A_271 = arith.addi %add3A_269, %add3A_270 : i32
      %add3A_272 = vector.broadcast %add3A_271 : i32 to vector<16xi32>
      %add3A_273 = arith.addi %add3A_272, %iota3A : vector<16xi32>
      %lt3A_274 = arith.constant 330000 : i32
      %lt3A_275 = vector.broadcast %lt3A_274 : i32 to vector<16xi32>
      %lt3A_276 = arith.cmpi slt, %add3A_273, %lt3A_275 : vector<16xi32>
      %jit3A_277 = arith.constant -1.000000e+30 : f32
      %broadcast_in_dim3A_278 = vector.broadcast %jit3A_277 : f32 to vector<16xf32>
      %select_n3A_279 = arith.select %lt3A_276, %add3A_264, %broadcast_in_dim3A_278 : vector<16xi1>, vector<16xf32>
      %ge3A_280 = arith.constant 0.000000e+00 : f32
      %ge3A_281 = vector.broadcast %ge3A_280 : f32 to vector<16xf32>
      %ge3A_282 = arith.cmpf oge, %select_n3A_279, %ge3A_281 : vector<16xf32>
      %mul3A_283 = arith.constant 2.000000e-01 : f32
      %mul3A_284 = vector.broadcast %mul3A_283 : f32 to vector<16xf32>
      %mul3A_285 = arith.mulf %mul3A_284, %select_n3A_279 : vector<16xf32>
      %select_n3A_286 = arith.select %ge3A_282, %select_n3A_279, %mul3A_285 : vector<16xi1>, vector<16xf32>
      %exp3A_287 = math.exp %select_n3A_286 : vector<16xf32>
      %swap3A_288 = arith.index_cast %scan3A_18 : i32 to index
      %swap3A_289 = arith.constant 96 : index
      %swap3A_290 = tpu.vector_load %arg15[%swap3A_288, %swap3A_289] {strides = array<i32>} : memref<81x128xf32, #tpu.memory_space<vmem>>, vector<16xf32>,
      tpu.vector_store %arg15[%swap3A_288, %swap3A_289], %exp3A_287 {strides = array<i32>} : memref<81x128xf32, #tpu.memory_space<vmem>>, vector<16xf32>,
      %get3A_291 = arith.index_cast %scan3A_18 : i32 to index
      %get3A_292 = arith.constant 112 : index
      %get3A_293 = tpu.vector_load %arg12[%get3A_291, %get3A_292] {strides = array<i32>} : memref<81x128xi32, #tpu.memory_space<vmem>>, vector<16xi32>,
      %get3A_294 = arith.index_cast %scan3A_18 : i32 to index
      %get3A_295 = arith.constant 112 : index
      %get3A_296 = tpu.vector_load %arg13[%get3A_294, %get3A_295] {strides = array<i32>} : memref<81x128xi32, #tpu.memory_space<vmem>>, vector<16xi32>,
      %gather3A_297 = tpu.vector_load_idx %arg10[%get3A_293] : memref<10240xf32, #tpu.memory_space<vmem>>[vector<16xi32>], vector<16xf32>,
      %gather3A_298 = tpu.vector_load_idx %arg11[%get3A_296] : memref<10240xf32, #tpu.memory_space<vmem>>[vector<16xi32>], vector<16xf32>,
      %add3A_299 = arith.addf %gather3A_297, %gather3A_298 : vector<16xf32>
      %get3A_300 = arith.index_cast %scan3A_18 : i32 to index
      %get3A_301 = arith.constant 112 : index
      %get3A_302 = tpu.vector_load %arg14[%get3A_300, %get3A_301] {strides = array<i32>} : memref<81x128xf32, #tpu.memory_space<vmem>>, vector<16xf32>,
      %mul3A_303 = arith.mulf %get3A_8, %get3A_302 : vector<16xf32>
      %add3A_304 = arith.addf %add3A_299, %mul3A_303 : vector<16xf32>
      %mul3A_305 = arith.constant 10368 : i32
      %mul3A_306 = arith.muli %add3A, %mul3A_305 : i32
      %mul3A_307 = arith.constant 128 : i32
      %mul3A_308 = arith.muli %scan3A_18, %mul3A_307 : i32
      %add3A_309 = arith.addi %mul3A_306, %mul3A_308 : i32
      %add3A_310 = arith.constant 112 : i32
      %add3A_311 = arith.addi %add3A_309, %add3A_310 : i32
      %add3A_312 = vector.broadcast %add3A_311 : i32 to vector<16xi32>
      %add3A_313 = arith.addi %add3A_312, %iota3A : vector<16xi32>
      %lt3A_314 = arith.constant 330000 : i32
      %lt3A_315 = vector.broadcast %lt3A_314 : i32 to vector<16xi32>
      %lt3A_316 = arith.cmpi slt, %add3A_313, %lt3A_315 : vector<16xi32>
      %jit3A_317 = arith.constant -1.000000e+30 : f32
      %broadcast_in_dim3A_318 = vector.broadcast %jit3A_317 : f32 to vector<16xf32>
      %select_n3A_319 = arith.select %lt3A_316, %add3A_304, %broadcast_in_dim3A_318 : vector<16xi1>, vector<16xf32>
      %ge3A_320 = arith.constant 0.000000e+00 : f32
      %ge3A_321 = vector.broadcast %ge3A_320 : f32 to vector<16xf32>
      %ge3A_322 = arith.cmpf oge, %select_n3A_319, %ge3A_321 : vector<16xf32>
      %mul3A_323 = arith.constant 2.000000e-01 : f32
      %mul3A_324 = vector.broadcast %mul3A_323 : f32 to vector<16xf32>
      %mul3A_325 = arith.mulf %mul3A_324, %select_n3A_319 : vector<16xf32>
      %select_n3A_326 = arith.select %ge3A_322, %select_n3A_319, %mul3A_325 : vector<16xi1>, vector<16xf32>
      %exp3A_327 = math.exp %select_n3A_326 : vector<16xf32>
      %swap3A_328 = arith.index_cast %scan3A_18 : i32 to index
      %swap3A_329 = arith.constant 112 : index
      %swap3A_330 = tpu.vector_load %arg15[%swap3A_328, %swap3A_329] {strides = array<i32>} : memref<81x128xf32, #tpu.memory_space<vmem>>, vector<16xf32>,
      tpu.vector_store %arg15[%swap3A_328, %swap3A_329], %exp3A_327 {strides = array<i32>} : memref<81x128xf32, #tpu.memory_space<vmem>>, vector<16xf32>,
      "tpu.region"() ({
        %run_scoped3A = tpu.sem_alloc : memref<!tpu.dma_semaphore, #tpu.memory_space<semaphore_mem>>
        %dma_start3A = arith.constant 0 : i32
        %dma_start3A_331 = tpu.memref_slice %arg15[%scan3A_18, %dma_start3A] : memref<81x128xf32, #tpu.memory_space<vmem>> -> memref<1x128xf32, #tpu.memory_space<vmem>>
        %dma_start3A_332 = tpu.memref_squeeze %dma_start3A_331 : memref<1x128xf32, #tpu.memory_space<vmem>> -> memref<128xf32, #tpu.memory_space<vmem>>
        %dma_start3A_333 = arith.constant 0 : i32
        %dma_start3A_334 = tpu.memref_slice %arg13[%scan3A_18, %dma_start3A_333] : memref<81x128xi32, #tpu.memory_space<vmem>> -> memref<1x128xi32, #tpu.memory_space<vmem>>
        %dma_start3A_335 = tpu.memref_squeeze %dma_start3A_334 : memref<1x128xi32, #tpu.memory_space<vmem>> -> memref<128xi32, #tpu.memory_space<vmem>>
        %dma_start3A_336 = arith.constant 0 : i32
        %dma_start3A_337 = tpu.memref_slice %arg18[%dma_start3A_336] : memref<10240xf32, #tpu.memory_space<vmem_shared>> -> memref<10240xf32, #tpu.memory_space<vmem_shared>>
        tpu.enqueue_indirect_dma source(%dma_start3A_332 : memref<128xf32, #tpu.memory_space<vmem>>) target(%dma_start3A_337 : memref<10240xf32, #tpu.memory_space<vmem_shared>>) offsets(%dma_start3A_335 : memref<128xi32, #tpu.memory_space<vmem>>) semaphore(%run_scoped3A : memref<!tpu.dma_semaphore, #tpu.memory_space<semaphore_mem>>) {add = true}
        %dma_wait3A = arith.constant 0 : i32
        %dma_wait3A_338 = tpu.memref_slice %arg15[%scan3A_18, %dma_wait3A] : memref<81x128xf32, #tpu.memory_space<vmem>> -> memref<1x128xf32, #tpu.memory_space<vmem>>
        %dma_wait3A_339 = tpu.memref_squeeze %dma_wait3A_338 : memref<1x128xf32, #tpu.memory_space<vmem>> -> memref<128xf32, #tpu.memory_space<vmem>>
        %dma_wait3A_340 = arith.constant 0 : i32
        %dma_wait3A_341 = tpu.memref_slice %arg13[%scan3A_18, %dma_wait3A_340] : memref<81x128xi32, #tpu.memory_space<vmem>> -> memref<1x128xi32, #tpu.memory_space<vmem>>
        %dma_wait3A_342 = tpu.memref_squeeze %dma_wait3A_341 : memref<1x128xi32, #tpu.memory_space<vmem>> -> memref<128xi32, #tpu.memory_space<vmem>>
        %dma_wait3A_343 = arith.constant 0 : i32
        %dma_wait3A_344 = tpu.memref_slice %arg18[%dma_wait3A_343] : memref<10240xf32, #tpu.memory_space<vmem_shared>> -> memref<10240xf32, #tpu.memory_space<vmem_shared>>
        tpu.wait_indirect_dma semaphore(%run_scoped3A : memref<!tpu.dma_semaphore, #tpu.memory_space<semaphore_mem>>) src(%dma_wait3A_339 : memref<128xf32, #tpu.memory_space<vmem>>) dst(%dma_wait3A_344 : memref<10240xf32, #tpu.memory_space<vmem_shared>>)
        tpu.yield
      }) : () -> ()
    }
    %scan3A_14 = arith.constant 81 : i32
    "tpu.region"() ({
      %run_scoped3A = tpu.sem_alloc : memref<!tpu.dma_semaphore, #tpu.memory_space<semaphore_mem>>
      %dma_start3A = arith.constant 0 : i32
      %dma_start3A_18 = arith.constant 0 : i32
      %dma_start3A_19 = tpu.memref_slice %arg8[%add3A, %dma_start3A, %dma_start3A_18] : memref<32x81x128xf32, #tpu.memory_space<hbm>> -> memref<1x81x128xf32, #tpu.memory_space<hbm>>
      %dma_start3A_20 = tpu.memref_squeeze %dma_start3A_19 : memref<1x81x128xf32, #tpu.memory_space<hbm>> -> memref<81x128xf32, #tpu.memory_space<hbm>>
      %dma_start3A_21 = arith.constant 0 : i32
      %dma_start3A_22 = arith.constant 0 : i32
      %dma_start3A_23 = tpu.memref_slice %arg8[%add3A, %dma_start3A_21, %dma_start3A_22] : memref<32x81x128xf32, #tpu.memory_space<hbm>> -> memref<1x81x128xf32, #tpu.memory_space<hbm>>
      %dma_start3A_24 = tpu.memref_squeeze %dma_start3A_23 : memref<1x81x128xf32, #tpu.memory_space<hbm>> -> memref<81x128xf32, #tpu.memory_space<hbm>>
      tpu.enqueue_dma source(%arg15 : memref<81x128xf32, #tpu.memory_space<vmem>>) target(%dma_start3A_24 : memref<81x128xf32, #tpu.memory_space<hbm>>) target_semaphore(%run_scoped3A : memref<!tpu.dma_semaphore, #tpu.memory_space<semaphore_mem>>)
      %dma_wait3A = arith.constant 0 : i32
      %dma_wait3A_25 = arith.constant 0 : i32
      %dma_wait3A_26 = tpu.memref_slice %arg8[%add3A, %dma_wait3A, %dma_wait3A_25] : memref<32x81x128xf32, #tpu.memory_space<hbm>> -> memref<1x81x128xf32, #tpu.memory_space<hbm>>
      %dma_wait3A_27 = tpu.memref_squeeze %dma_wait3A_26 : memref<1x81x128xf32, #tpu.memory_space<hbm>> -> memref<81x128xf32, #tpu.memory_space<hbm>>
      %dma_wait3A_28 = arith.constant 0 : i32
      %dma_wait3A_29 = arith.constant 0 : i32
      %dma_wait3A_30 = tpu.memref_slice %arg8[%add3A, %dma_wait3A_28, %dma_wait3A_29] : memref<32x81x128xf32, #tpu.memory_space<hbm>> -> memref<1x81x128xf32, #tpu.memory_space<hbm>>
      %dma_wait3A_31 = tpu.memref_squeeze %dma_wait3A_30 : memref<1x81x128xf32, #tpu.memory_space<hbm>> -> memref<81x128xf32, #tpu.memory_space<hbm>>
      tpu.wait_dma2 semaphore(%run_scoped3A : memref<!tpu.dma_semaphore, #tpu.memory_space<semaphore_mem>>) src(%arg15 : memref<81x128xf32, #tpu.memory_space<vmem>>) dst(%dma_wait3A_31 : memref<81x128xf32, #tpu.memory_space<hbm>>)
      tpu.yield
    }) : () -> ()
    %barrier3A_15 = arith.constant 0 : index
    tpu.barrier barrier_id(%barrier3A_15)
    %eq3A = arith.constant 0 : i32
    %eq3A_16 = arith.cmpi eq, %arg1, %eq3A : i32
    %convert_element_type3A = arith.extui %eq3A_16 : i1 to i32
    %cond3A = arith.constant 0 : i32
    %cond3A_17 = arith.cmpi ne, %convert_element_type3A, %cond3A : i32
    scf.if %cond3A_17 {
      "tpu.region"() ({
        %run_scoped3A = tpu.sem_alloc : memref<!tpu.dma_semaphore, #tpu.memory_space<semaphore_mem>>
        %dma_start3A = arith.constant 0 : i32
        %dma_start3A_18 = tpu.memref_slice %arg9[%arg0, %dma_start3A] : memref<2x10240xf32, #tpu.memory_space<hbm>> -> memref<1x10240xf32, #tpu.memory_space<hbm>>
        %dma_start3A_19 = tpu.memref_squeeze %dma_start3A_18 : memref<1x10240xf32, #tpu.memory_space<hbm>> -> memref<10240xf32, #tpu.memory_space<hbm>>
        tpu.enqueue_dma source(%arg18 : memref<10240xf32, #tpu.memory_space<vmem_shared>>) target(%dma_start3A_19 : memref<10240xf32, #tpu.memory_space<hbm>>) target_semaphore(%run_scoped3A : memref<!tpu.dma_semaphore, #tpu.memory_space<semaphore_mem>>)
        %dma_wait3A = arith.constant 0 : i32
        %dma_wait3A_20 = tpu.memref_slice %arg9[%arg0, %dma_wait3A] : memref<2x10240xf32, #tpu.memory_space<hbm>> -> memref<1x10240xf32, #tpu.memory_space<hbm>>
        %dma_wait3A_21 = tpu.memref_squeeze %dma_wait3A_20 : memref<1x10240xf32, #tpu.memory_space<hbm>> -> memref<10240xf32, #tpu.memory_space<hbm>>
        tpu.wait_dma2 semaphore(%run_scoped3A : memref<!tpu.dma_semaphore, #tpu.memory_space<semaphore_mem>>) src(%arg18 : memref<10240xf32, #tpu.memory_space<vmem_shared>>) dst(%dma_wait3A_21 : memref<10240xf32, #tpu.memory_space<hbm>>)
        tpu.yield
      }) : () -> ()
    } else {
    }
    return
  }
}

#map = affine_map<(d0, d1) -> (0, 0, 0)>
#map1 = affine_map<(d0, d1) -> (0)>
#map2 = affine_map<(d0, d1) -> (0, 0)>
module attributes {stable_mosaic.version = 14 : i64} {
  func.func @_edge_logits(%arg0: i32, %arg1: i32, %arg2: memref<32x81x128xi32, #tpu.memory_space<hbm>>, %arg3: memref<32x81x128xi32, #tpu.memory_space<hbm>>, %arg4: memref<32x81x128xf32, #tpu.memory_space<hbm>>, %arg5: memref<10240xf32, #tpu.memory_space<hbm>>, %arg6: memref<10240xf32, #tpu.memory_space<hbm>>, %arg7: memref<16xf32, #tpu.memory_space<hbm>>, %arg8: memref<32x81x128xf32, #tpu.memory_space<hbm>>, %arg9: memref<2x10240xf32, #tpu.memory_space<hbm>>, %arg10: memref<10240xf32, #tpu.memory_space<vmem>>, %arg11: memref<10240xf32, #tpu.memory_space<vmem>>, %arg12: memref<81x128xi32, #tpu.memory_space<vmem>>, %arg13: memref<81x128xi32, #tpu.memory_space<vmem>>, %arg14: memref<81x128xf32, #tpu.memory_space<vmem>>, %arg15: memref<81x128xf32, #tpu.memory_space<vmem>>, %arg16: memref<16xf32, #tpu.memory_space<vmem>>, %arg17: memref<640xf32, #tpu.memory_space<vmem>>, %arg18: memref<10240xf32, #tpu.memory_space<vmem_shared>>, %arg19: memref<!tpu.dma_semaphore, #tpu.memory_space<semaphore_mem>>) attributes {dimension_semantics = [#tpu.dimension_semantics<core_parallel>, #tpu.dimension_semantics<subcore_parallel>], iteration_bounds = array<i64: 2, 16>, scalar_prefetch = 0 : i64, scratch_operands = 10 : i64, tpu.core_type = #tpu.core_type<sc_vector_subcore>, window_params = [{transform_indices = #map}, {transform_indices = #map}, {transform_indices = #map}, {transform_indices = #map1}, {transform_indices = #map1}, {transform_indices = #map1}, {transform_indices = #map}, {transform_indices = #map2}]} {
    %mul3A = arith.constant 2 : i32
    %mul3A_0 = arith.muli %arg1, %mul3A : i32
    %add3A = arith.addi %mul3A_0, %arg0 : i32
    "tpu.region"() ({
      %run_scoped3A = tpu.sem_alloc : memref<!tpu.dma_semaphore, #tpu.memory_space<semaphore_mem>>
      tpu.enqueue_dma source(%arg5 : memref<10240xf32, #tpu.memory_space<hbm>>) target(%arg10 : memref<10240xf32, #tpu.memory_space<vmem>>) target_semaphore(%run_scoped3A : memref<!tpu.dma_semaphore, #tpu.memory_space<semaphore_mem>>)
      tpu.wait_dma2 semaphore(%run_scoped3A : memref<!tpu.dma_semaphore, #tpu.memory_space<semaphore_mem>>) src(%arg5 : memref<10240xf32, #tpu.memory_space<hbm>>) dst(%arg10 : memref<10240xf32, #tpu.memory_space<vmem>>)
      tpu.yield
    }) : () -> ()
    "tpu.region"() ({
      %run_scoped3A = tpu.sem_alloc : memref<!tpu.dma_semaphore, #tpu.memory_space<semaphore_mem>>
      tpu.enqueue_dma source(%arg6 : memref<10240xf32, #tpu.memory_space<hbm>>) target(%arg11 : memref<10240xf32, #tpu.memory_space<vmem>>) target_semaphore(%run_scoped3A : memref<!tpu.dma_semaphore, #tpu.memory_space<semaphore_mem>>)
      tpu.wait_dma2 semaphore(%run_scoped3A : memref<!tpu.dma_semaphore, #tpu.memory_space<semaphore_mem>>) src(%arg6 : memref<10240xf32, #tpu.memory_space<hbm>>) dst(%arg11 : memref<10240xf32, #tpu.memory_space<vmem>>)
      tpu.yield
    }) : () -> ()
    "tpu.region"() ({
      %run_scoped3A = tpu.sem_alloc : memref<!tpu.dma_semaphore, #tpu.memory_space<semaphore_mem>>
      tpu.enqueue_dma source(%arg7 : memref<16xf32, #tpu.memory_space<hbm>>) target(%arg16 : memref<16xf32, #tpu.memory_space<vmem>>) target_semaphore(%run_scoped3A : memref<!tpu.dma_semaphore, #tpu.memory_space<semaphore_mem>>)
      tpu.wait_dma2 semaphore(%run_scoped3A : memref<!tpu.dma_semaphore, #tpu.memory_space<semaphore_mem>>) src(%arg7 : memref<16xf32, #tpu.memory_space<hbm>>) dst(%arg16 : memref<16xf32, #tpu.memory_space<vmem>>)
      tpu.yield
    }) : () -> ()
    "tpu.region"() ({
      %run_scoped3A = tpu.sem_alloc : memref<!tpu.dma_semaphore, #tpu.memory_space<semaphore_mem>>
      %dma_start3A = arith.constant 0 : i32
      %dma_start3A_18 = arith.constant 0 : i32
      %dma_start3A_19 = tpu.memref_slice %arg2[%add3A, %dma_start3A, %dma_start3A_18] : memref<32x81x128xi32, #tpu.memory_space<hbm>> -> memref<1x81x128xi32, #tpu.memory_space<hbm>>
      %dma_start3A_20 = tpu.memref_squeeze %dma_start3A_19 : memref<1x81x128xi32, #tpu.memory_space<hbm>> -> memref<81x128xi32, #tpu.memory_space<hbm>>
      %dma_start3A_21 = arith.constant 0 : i32
      %dma_start3A_22 = arith.constant 0 : i32
      %dma_start3A_23 = tpu.memref_slice %arg2[%add3A, %dma_start3A_21, %dma_start3A_22] : memref<32x81x128xi32, #tpu.memory_space<hbm>> -> memref<1x81x128xi32, #tpu.memory_space<hbm>>
      %dma_start3A_24 = tpu.memref_squeeze %dma_start3A_23 : memref<1x81x128xi32, #tpu.memory_space<hbm>> -> memref<81x128xi32, #tpu.memory_space<hbm>>
      tpu.enqueue_dma source(%dma_start3A_24 : memref<81x128xi32, #tpu.memory_space<hbm>>) target(%arg12 : memref<81x128xi32, #tpu.memory_space<vmem>>) target_semaphore(%run_scoped3A : memref<!tpu.dma_semaphore, #tpu.memory_space<semaphore_mem>>)
      %dma_wait3A = arith.constant 0 : i32
      %dma_wait3A_25 = arith.constant 0 : i32
      %dma_wait3A_26 = tpu.memref_slice %arg2[%add3A, %dma_wait3A, %dma_wait3A_25] : memref<32x81x128xi32, #tpu.memory_space<hbm>> -> memref<1x81x128xi32, #tpu.memory_space<hbm>>
      %dma_wait3A_27 = tpu.memref_squeeze %dma_wait3A_26 : memref<1x81x128xi32, #tpu.memory_space<hbm>> -> memref<81x128xi32, #tpu.memory_space<hbm>>
      %dma_wait3A_28 = arith.constant 0 : i32
      %dma_wait3A_29 = arith.constant 0 : i32
      %dma_wait3A_30 = tpu.memref_slice %arg2[%add3A, %dma_wait3A_28, %dma_wait3A_29] : memref<32x81x128xi32, #tpu.memory_space<hbm>> -> memref<1x81x128xi32, #tpu.memory_space<hbm>>
      %dma_wait3A_31 = tpu.memref_squeeze %dma_wait3A_30 : memref<1x81x128xi32, #tpu.memory_space<hbm>> -> memref<81x128xi32, #tpu.memory_space<hbm>>
      tpu.wait_dma2 semaphore(%run_scoped3A : memref<!tpu.dma_semaphore, #tpu.memory_space<semaphore_mem>>) src(%dma_wait3A_31 : memref<81x128xi32, #tpu.memory_space<hbm>>) dst(%arg12 : memref<81x128xi32, #tpu.memory_space<vmem>>)
      tpu.yield
    }) : () -> ()
    "tpu.region"() ({
      %run_scoped3A = tpu.sem_alloc : memref<!tpu.dma_semaphore, #tpu.memory_space<semaphore_mem>>
      %dma_start3A = arith.constant 0 : i32
      %dma_start3A_18 = arith.constant 0 : i32
      %dma_start3A_19 = tpu.memref_slice %arg3[%add3A, %dma_start3A, %dma_start3A_18] : memref<32x81x128xi32, #tpu.memory_space<hbm>> -> memref<1x81x128xi32, #tpu.memory_space<hbm>>
      %dma_start3A_20 = tpu.memref_squeeze %dma_start3A_19 : memref<1x81x128xi32, #tpu.memory_space<hbm>> -> memref<81x128xi32, #tpu.memory_space<hbm>>
      %dma_start3A_21 = arith.constant 0 : i32
      %dma_start3A_22 = arith.constant 0 : i32
      %dma_start3A_23 = tpu.memref_slice %arg3[%add3A, %dma_start3A_21, %dma_start3A_22] : memref<32x81x128xi32, #tpu.memory_space<hbm>> -> memref<1x81x128xi32, #tpu.memory_space<hbm>>
      %dma_start3A_24 = tpu.memref_squeeze %dma_start3A_23 : memref<1x81x128xi32, #tpu.memory_space<hbm>> -> memref<81x128xi32, #tpu.memory_space<hbm>>
      tpu.enqueue_dma source(%dma_start3A_24 : memref<81x128xi32, #tpu.memory_space<hbm>>) target(%arg13 : memref<81x128xi32, #tpu.memory_space<vmem>>) target_semaphore(%run_scoped3A : memref<!tpu.dma_semaphore, #tpu.memory_space<semaphore_mem>>)
      %dma_wait3A = arith.constant 0 : i32
      %dma_wait3A_25 = arith.constant 0 : i32
      %dma_wait3A_26 = tpu.memref_slice %arg3[%add3A, %dma_wait3A, %dma_wait3A_25] : memref<32x81x128xi32, #tpu.memory_space<hbm>> -> memref<1x81x128xi32, #tpu.memory_space<hbm>>
      %dma_wait3A_27 = tpu.memref_squeeze %dma_wait3A_26 : memref<1x81x128xi32, #tpu.memory_space<hbm>> -> memref<81x128xi32, #tpu.memory_space<hbm>>
      %dma_wait3A_28 = arith.constant 0 : i32
      %dma_wait3A_29 = arith.constant 0 : i32
      %dma_wait3A_30 = tpu.memref_slice %arg3[%add3A, %dma_wait3A_28, %dma_wait3A_29] : memref<32x81x128xi32, #tpu.memory_space<hbm>> -> memref<1x81x128xi32, #tpu.memory_space<hbm>>
      %dma_wait3A_31 = tpu.memref_squeeze %dma_wait3A_30 : memref<1x81x128xi32, #tpu.memory_space<hbm>> -> memref<81x128xi32, #tpu.memory_space<hbm>>
      tpu.wait_dma2 semaphore(%run_scoped3A : memref<!tpu.dma_semaphore, #tpu.memory_space<semaphore_mem>>) src(%dma_wait3A_31 : memref<81x128xi32, #tpu.memory_space<hbm>>) dst(%arg13 : memref<81x128xi32, #tpu.memory_space<vmem>>)
      tpu.yield
    }) : () -> ()
    "tpu.region"() ({
      %run_scoped3A = tpu.sem_alloc : memref<!tpu.dma_semaphore, #tpu.memory_space<semaphore_mem>>
      %dma_start3A = arith.constant 0 : i32
      %dma_start3A_18 = arith.constant 0 : i32
      %dma_start3A_19 = tpu.memref_slice %arg4[%add3A, %dma_start3A, %dma_start3A_18] : memref<32x81x128xf32, #tpu.memory_space<hbm>> -> memref<1x81x128xf32, #tpu.memory_space<hbm>>
      %dma_start3A_20 = tpu.memref_squeeze %dma_start3A_19 : memref<1x81x128xf32, #tpu.memory_space<hbm>> -> memref<81x128xf32, #tpu.memory_space<hbm>>
      %dma_start3A_21 = arith.constant 0 : i32
      %dma_start3A_22 = arith.constant 0 : i32
      %dma_start3A_23 = tpu.memref_slice %arg4[%add3A, %dma_start3A_21, %dma_start3A_22] : memref<32x81x128xf32, #tpu.memory_space<hbm>> -> memref<1x81x128xf32, #tpu.memory_space<hbm>>
      %dma_start3A_24 = tpu.memref_squeeze %dma_start3A_23 : memref<1x81x128xf32, #tpu.memory_space<hbm>> -> memref<81x128xf32, #tpu.memory_space<hbm>>
      tpu.enqueue_dma source(%dma_start3A_24 : memref<81x128xf32, #tpu.memory_space<hbm>>) target(%arg14 : memref<81x128xf32, #tpu.memory_space<vmem>>) target_semaphore(%run_scoped3A : memref<!tpu.dma_semaphore, #tpu.memory_space<semaphore_mem>>)
      %dma_wait3A = arith.constant 0 : i32
      %dma_wait3A_25 = arith.constant 0 : i32
      %dma_wait3A_26 = tpu.memref_slice %arg4[%add3A, %dma_wait3A, %dma_wait3A_25] : memref<32x81x128xf32, #tpu.memory_space<hbm>> -> memref<1x81x128xf32, #tpu.memory_space<hbm>>
      %dma_wait3A_27 = tpu.memref_squeeze %dma_wait3A_26 : memref<1x81x128xf32, #tpu.memory_space<hbm>> -> memref<81x128xf32, #tpu.memory_space<hbm>>
      %dma_wait3A_28 = arith.constant 0 : i32
      %dma_wait3A_29 = arith.constant 0 : i32
      %dma_wait3A_30 = tpu.memref_slice %arg4[%add3A, %dma_wait3A_28, %dma_wait3A_29] : memref<32x81x128xf32, #tpu.memory_space<hbm>> -> memref<1x81x128xf32, #tpu.memory_space<hbm>>
      %dma_wait3A_31 = tpu.memref_squeeze %dma_wait3A_30 : memref<1x81x128xf32, #tpu.memory_space<hbm>> -> memref<81x128xf32, #tpu.memory_space<hbm>>
      tpu.wait_dma2 semaphore(%run_scoped3A : memref<!tpu.dma_semaphore, #tpu.memory_space<semaphore_mem>>) src(%dma_wait3A_31 : memref<81x128xf32, #tpu.memory_space<hbm>>) dst(%arg14 : memref<81x128xf32, #tpu.memory_space<vmem>>)
      tpu.yield
    }) : () -> ()
    %scan3A = arith.constant 0 : i32
    %scan3A_1 = arith.constant 0 : i32
    %scan3A_2 = arith.constant 40 : i32
    %scan3A_3 = arith.addi %scan3A_1, %scan3A_2 : i32
    %scan3A_4 = arith.constant 1 : i32
    scf.for %scan3A_18 = %scan3A_1 to %scan3A_3 step %scan3A_4  : i32 {
      %broadcast_in_dim3A = arith.constant 0.000000e+00 : f32
      %broadcast_in_dim3A_19 = vector.broadcast %broadcast_in_dim3A : f32 to vector<16xf32>
      %mul3A_20 = arith.constant 16 : i32
      %mul3A_21 = arith.muli %scan3A_18, %mul3A_20 : i32
      %swap3A = arith.index_cast %mul3A_21 : i32 to index
      %swap3A_22 = tpu.vector_load %arg17[%swap3A] {strides = array<i32>} : memref<640xf32, #tpu.memory_space<vmem>>, vector<16xf32>,
      tpu.vector_store %arg17[%swap3A], %broadcast_in_dim3A_19 {strides = array<i32>} : memref<640xf32, #tpu.memory_space<vmem>>, vector<16xf32>,
    }
    %scan3A_5 = arith.constant 40 : i32
    %mul3A_6 = arith.constant 640 : i32
    %mul3A_7 = arith.muli %arg1, %mul3A_6 : i32
    "tpu.region"() ({
      %run_scoped3A = tpu.sem_alloc : memref<!tpu.dma_semaphore, #tpu.memory_space<semaphore_mem>>
      %dma_start3A = tpu.memref_slice %arg18[%mul3A_7] : memref<10240xf32, #tpu.memory_space<vmem_shared>> -> memref<640xf32, #tpu.memory_space<vmem_shared>>
      %dma_start3A_18 = tpu.memref_slice %arg18[%mul3A_7] : memref<10240xf32, #tpu.memory_space<vmem_shared>> -> memref<640xf32, #tpu.memory_space<vmem_shared>>
      tpu.enqueue_dma source(%arg17 : memref<640xf32, #tpu.memory_space<vmem>>) target(%dma_start3A_18 : memref<640xf32, #tpu.memory_space<vmem_shared>>) target_semaphore(%run_scoped3A : memref<!tpu.dma_semaphore, #tpu.memory_space<semaphore_mem>>)
      %dma_wait3A = tpu.memref_slice %arg18[%mul3A_7] : memref<10240xf32, #tpu.memory_space<vmem_shared>> -> memref<640xf32, #tpu.memory_space<vmem_shared>>
      %dma_wait3A_19 = tpu.memref_slice %arg18[%mul3A_7] : memref<10240xf32, #tpu.memory_space<vmem_shared>> -> memref<640xf32, #tpu.memory_space<vmem_shared>>
      tpu.wait_dma2 semaphore(%run_scoped3A : memref<!tpu.dma_semaphore, #tpu.memory_space<semaphore_mem>>) src(%arg17 : memref<640xf32, #tpu.memory_space<vmem>>) dst(%dma_wait3A_19 : memref<640xf32, #tpu.memory_space<vmem_shared>>)
      tpu.yield
    }) : () -> ()
    %barrier3A = arith.constant 0 : index
    tpu.barrier barrier_id(%barrier3A)
    %get3A = arith.constant 0 : index
    %get3A_8 = tpu.vector_load %arg16[%get3A] {strides = array<i32>} : memref<16xf32, #tpu.memory_space<vmem>>, vector<16xf32>,
    %iota3A = tpu.iota {dimensions = array<i32: 0>} : vector<16xi32>
    %scan3A_9 = arith.constant 0 : i32
    %scan3A_10 = arith.constant 0 : i32
    %scan3A_11 = arith.constant 81 : i32
    %scan3A_12 = arith.addi %scan3A_10, %scan3A_11 : i32
    %scan3A_13 = arith.constant 1 : i32
    scf.for %scan3A_18 = %scan3A_10 to %scan3A_12 step %scan3A_13  : i32 {
      %get3A_19 = arith.index_cast %scan3A_18 : i32 to index
      %get3A_20 = arith.constant 0 : index
      %get3A_21 = tpu.vector_load %arg12[%get3A_19, %get3A_20] {strides = array<i32>} : memref<81x128xi32, #tpu.memory_space<vmem>>, vector<16xi32>,
      %get3A_22 = arith.index_cast %scan3A_18 : i32 to index
      %get3A_23 = arith.constant 0 : index
      %get3A_24 = tpu.vector_load %arg13[%get3A_22, %get3A_23] {strides = array<i32>} : memref<81x128xi32, #tpu.memory_space<vmem>>, vector<16xi32>,
      %gather3A = tpu.vector_load_idx %arg10[%get3A_21] : memref<10240xf32, #tpu.memory_space<vmem>>[vector<16xi32>], vector<16xf32>,
      %gather3A_25 = tpu.vector_load_idx %arg11[%get3A_24] : memref<10240xf32, #tpu.memory_space<vmem>>[vector<16xi32>], vector<16xf32>,
      %add3A_26 = arith.addf %gather3A, %gather3A_25 : vector<16xf32>
      %get3A_27 = arith.index_cast %scan3A_18 : i32 to index
      %get3A_28 = arith.constant 0 : index
      %get3A_29 = tpu.vector_load %arg14[%get3A_27, %get3A_28] {strides = array<i32>} : memref<81x128xf32, #tpu.memory_space<vmem>>, vector<16xf32>,
      %mul3A_30 = arith.mulf %get3A_8, %get3A_29 : vector<16xf32>
      %add3A_31 = arith.addf %add3A_26, %mul3A_30 : vector<16xf32>
      %mul3A_32 = arith.constant 10368 : i32
      %mul3A_33 = arith.muli %add3A, %mul3A_32 : i32
      %mul3A_34 = arith.constant 128 : i32
      %mul3A_35 = arith.muli %scan3A_18, %mul3A_34 : i32
      %add3A_36 = arith.addi %mul3A_33, %mul3A_35 : i32
      %add3A_37 = arith.constant 0 : i32
      %add3A_38 = arith.addi %add3A_36, %add3A_37 : i32
      %add3A_39 = vector.broadcast %add3A_38 : i32 to vector<16xi32>
      %add3A_40 = arith.addi %add3A_39, %iota3A : vector<16xi32>
      %lt3A = arith.constant 330000 : i32
      %lt3A_41 = vector.broadcast %lt3A : i32 to vector<16xi32>
      %lt3A_42 = arith.cmpi slt, %add3A_40, %lt3A_41 : vector<16xi32>
      %jit3A = arith.constant -1.000000e+30 : f32
      %broadcast_in_dim3A = vector.broadcast %jit3A : f32 to vector<16xf32>
      %select_n3A = arith.select %lt3A_42, %add3A_31, %broadcast_in_dim3A : vector<16xi1>, vector<16xf32>
      %ge3A = arith.constant 0.000000e+00 : f32
      %ge3A_43 = vector.broadcast %ge3A : f32 to vector<16xf32>
      %ge3A_44 = arith.cmpf oge, %select_n3A, %ge3A_43 : vector<16xf32>
      %mul3A_45 = arith.constant 2.000000e-01 : f32
      %mul3A_46 = vector.broadcast %mul3A_45 : f32 to vector<16xf32>
      %mul3A_47 = arith.mulf %mul3A_46, %select_n3A : vector<16xf32>
      %select_n3A_48 = arith.select %ge3A_44, %select_n3A, %mul3A_47 : vector<16xi1>, vector<16xf32>
      %exp3A = math.exp %select_n3A_48 : vector<16xf32>
      %swap3A = arith.index_cast %scan3A_18 : i32 to index
      %swap3A_49 = arith.constant 0 : index
      %swap3A_50 = tpu.vector_load %arg15[%swap3A, %swap3A_49] {strides = array<i32>} : memref<81x128xf32, #tpu.memory_space<vmem>>, vector<16xf32>,
      tpu.vector_store %arg15[%swap3A, %swap3A_49], %exp3A {strides = array<i32>} : memref<81x128xf32, #tpu.memory_space<vmem>>, vector<16xf32>,
      %get3A_51 = arith.index_cast %scan3A_18 : i32 to index
      %get3A_52 = arith.constant 16 : index
      %get3A_53 = tpu.vector_load %arg12[%get3A_51, %get3A_52] {strides = array<i32>} : memref<81x128xi32, #tpu.memory_space<vmem>>, vector<16xi32>,
      %get3A_54 = arith.index_cast %scan3A_18 : i32 to index
      %get3A_55 = arith.constant 16 : index
      %get3A_56 = tpu.vector_load %arg13[%get3A_54, %get3A_55] {strides = array<i32>} : memref<81x128xi32, #tpu.memory_space<vmem>>, vector<16xi32>,
      %gather3A_57 = tpu.vector_load_idx %arg10[%get3A_53] : memref<10240xf32, #tpu.memory_space<vmem>>[vector<16xi32>], vector<16xf32>,
      %gather3A_58 = tpu.vector_load_idx %arg11[%get3A_56] : memref<10240xf32, #tpu.memory_space<vmem>>[vector<16xi32>], vector<16xf32>,
      %add3A_59 = arith.addf %gather3A_57, %gather3A_58 : vector<16xf32>
      %get3A_60 = arith.index_cast %scan3A_18 : i32 to index
      %get3A_61 = arith.constant 16 : index
      %get3A_62 = tpu.vector_load %arg14[%get3A_60, %get3A_61] {strides = array<i32>} : memref<81x128xf32, #tpu.memory_space<vmem>>, vector<16xf32>,
      %mul3A_63 = arith.mulf %get3A_8, %get3A_62 : vector<16xf32>
      %add3A_64 = arith.addf %add3A_59, %mul3A_63 : vector<16xf32>
      %mul3A_65 = arith.constant 10368 : i32
      %mul3A_66 = arith.muli %add3A, %mul3A_65 : i32
      %mul3A_67 = arith.constant 128 : i32
      %mul3A_68 = arith.muli %scan3A_18, %mul3A_67 : i32
      %add3A_69 = arith.addi %mul3A_66, %mul3A_68 : i32
      %add3A_70 = arith.constant 16 : i32
      %add3A_71 = arith.addi %add3A_69, %add3A_70 : i32
      %add3A_72 = vector.broadcast %add3A_71 : i32 to vector<16xi32>
      %add3A_73 = arith.addi %add3A_72, %iota3A : vector<16xi32>
      %lt3A_74 = arith.constant 330000 : i32
      %lt3A_75 = vector.broadcast %lt3A_74 : i32 to vector<16xi32>
      %lt3A_76 = arith.cmpi slt, %add3A_73, %lt3A_75 : vector<16xi32>
      %jit3A_77 = arith.constant -1.000000e+30 : f32
      %broadcast_in_dim3A_78 = vector.broadcast %jit3A_77 : f32 to vector<16xf32>
      %select_n3A_79 = arith.select %lt3A_76, %add3A_64, %broadcast_in_dim3A_78 : vector<16xi1>, vector<16xf32>
      %ge3A_80 = arith.constant 0.000000e+00 : f32
      %ge3A_81 = vector.broadcast %ge3A_80 : f32 to vector<16xf32>
      %ge3A_82 = arith.cmpf oge, %select_n3A_79, %ge3A_81 : vector<16xf32>
      %mul3A_83 = arith.constant 2.000000e-01 : f32
      %mul3A_84 = vector.broadcast %mul3A_83 : f32 to vector<16xf32>
      %mul3A_85 = arith.mulf %mul3A_84, %select_n3A_79 : vector<16xf32>
      %select_n3A_86 = arith.select %ge3A_82, %select_n3A_79, %mul3A_85 : vector<16xi1>, vector<16xf32>
      %exp3A_87 = math.exp %select_n3A_86 : vector<16xf32>
      %swap3A_88 = arith.index_cast %scan3A_18 : i32 to index
      %swap3A_89 = arith.constant 16 : index
      %swap3A_90 = tpu.vector_load %arg15[%swap3A_88, %swap3A_89] {strides = array<i32>} : memref<81x128xf32, #tpu.memory_space<vmem>>, vector<16xf32>,
      tpu.vector_store %arg15[%swap3A_88, %swap3A_89], %exp3A_87 {strides = array<i32>} : memref<81x128xf32, #tpu.memory_space<vmem>>, vector<16xf32>,
      %get3A_91 = arith.index_cast %scan3A_18 : i32 to index
      %get3A_92 = arith.constant 32 : index
      %get3A_93 = tpu.vector_load %arg12[%get3A_91, %get3A_92] {strides = array<i32>} : memref<81x128xi32, #tpu.memory_space<vmem>>, vector<16xi32>,
      %get3A_94 = arith.index_cast %scan3A_18 : i32 to index
      %get3A_95 = arith.constant 32 : index
      %get3A_96 = tpu.vector_load %arg13[%get3A_94, %get3A_95] {strides = array<i32>} : memref<81x128xi32, #tpu.memory_space<vmem>>, vector<16xi32>,
      %gather3A_97 = tpu.vector_load_idx %arg10[%get3A_93] : memref<10240xf32, #tpu.memory_space<vmem>>[vector<16xi32>], vector<16xf32>,
      %gather3A_98 = tpu.vector_load_idx %arg11[%get3A_96] : memref<10240xf32, #tpu.memory_space<vmem>>[vector<16xi32>], vector<16xf32>,
      %add3A_99 = arith.addf %gather3A_97, %gather3A_98 : vector<16xf32>
      %get3A_100 = arith.index_cast %scan3A_18 : i32 to index
      %get3A_101 = arith.constant 32 : index
      %get3A_102 = tpu.vector_load %arg14[%get3A_100, %get3A_101] {strides = array<i32>} : memref<81x128xf32, #tpu.memory_space<vmem>>, vector<16xf32>,
      %mul3A_103 = arith.mulf %get3A_8, %get3A_102 : vector<16xf32>
      %add3A_104 = arith.addf %add3A_99, %mul3A_103 : vector<16xf32>
      %mul3A_105 = arith.constant 10368 : i32
      %mul3A_106 = arith.muli %add3A, %mul3A_105 : i32
      %mul3A_107 = arith.constant 128 : i32
      %mul3A_108 = arith.muli %scan3A_18, %mul3A_107 : i32
      %add3A_109 = arith.addi %mul3A_106, %mul3A_108 : i32
      %add3A_110 = arith.constant 32 : i32
      %add3A_111 = arith.addi %add3A_109, %add3A_110 : i32
      %add3A_112 = vector.broadcast %add3A_111 : i32 to vector<16xi32>
      %add3A_113 = arith.addi %add3A_112, %iota3A : vector<16xi32>
      %lt3A_114 = arith.constant 330000 : i32
      %lt3A_115 = vector.broadcast %lt3A_114 : i32 to vector<16xi32>
      %lt3A_116 = arith.cmpi slt, %add3A_113, %lt3A_115 : vector<16xi32>
      %jit3A_117 = arith.constant -1.000000e+30 : f32
      %broadcast_in_dim3A_118 = vector.broadcast %jit3A_117 : f32 to vector<16xf32>
      %select_n3A_119 = arith.select %lt3A_116, %add3A_104, %broadcast_in_dim3A_118 : vector<16xi1>, vector<16xf32>
      %ge3A_120 = arith.constant 0.000000e+00 : f32
      %ge3A_121 = vector.broadcast %ge3A_120 : f32 to vector<16xf32>
      %ge3A_122 = arith.cmpf oge, %select_n3A_119, %ge3A_121 : vector<16xf32>
      %mul3A_123 = arith.constant 2.000000e-01 : f32
      %mul3A_124 = vector.broadcast %mul3A_123 : f32 to vector<16xf32>
      %mul3A_125 = arith.mulf %mul3A_124, %select_n3A_119 : vector<16xf32>
      %select_n3A_126 = arith.select %ge3A_122, %select_n3A_119, %mul3A_125 : vector<16xi1>, vector<16xf32>
      %exp3A_127 = math.exp %select_n3A_126 : vector<16xf32>
      %swap3A_128 = arith.index_cast %scan3A_18 : i32 to index
      %swap3A_129 = arith.constant 32 : index
      %swap3A_130 = tpu.vector_load %arg15[%swap3A_128, %swap3A_129] {strides = array<i32>} : memref<81x128xf32, #tpu.memory_space<vmem>>, vector<16xf32>,
      tpu.vector_store %arg15[%swap3A_128, %swap3A_129], %exp3A_127 {strides = array<i32>} : memref<81x128xf32, #tpu.memory_space<vmem>>, vector<16xf32>,
      %get3A_131 = arith.index_cast %scan3A_18 : i32 to index
      %get3A_132 = arith.constant 48 : index
      %get3A_133 = tpu.vector_load %arg12[%get3A_131, %get3A_132] {strides = array<i32>} : memref<81x128xi32, #tpu.memory_space<vmem>>, vector<16xi32>,
      %get3A_134 = arith.index_cast %scan3A_18 : i32 to index
      %get3A_135 = arith.constant 48 : index
      %get3A_136 = tpu.vector_load %arg13[%get3A_134, %get3A_135] {strides = array<i32>} : memref<81x128xi32, #tpu.memory_space<vmem>>, vector<16xi32>,
      %gather3A_137 = tpu.vector_load_idx %arg10[%get3A_133] : memref<10240xf32, #tpu.memory_space<vmem>>[vector<16xi32>], vector<16xf32>,
      %gather3A_138 = tpu.vector_load_idx %arg11[%get3A_136] : memref<10240xf32, #tpu.memory_space<vmem>>[vector<16xi32>], vector<16xf32>,
      %add3A_139 = arith.addf %gather3A_137, %gather3A_138 : vector<16xf32>
      %get3A_140 = arith.index_cast %scan3A_18 : i32 to index
      %get3A_141 = arith.constant 48 : index
      %get3A_142 = tpu.vector_load %arg14[%get3A_140, %get3A_141] {strides = array<i32>} : memref<81x128xf32, #tpu.memory_space<vmem>>, vector<16xf32>,
      %mul3A_143 = arith.mulf %get3A_8, %get3A_142 : vector<16xf32>
      %add3A_144 = arith.addf %add3A_139, %mul3A_143 : vector<16xf32>
      %mul3A_145 = arith.constant 10368 : i32
      %mul3A_146 = arith.muli %add3A, %mul3A_145 : i32
      %mul3A_147 = arith.constant 128 : i32
      %mul3A_148 = arith.muli %scan3A_18, %mul3A_147 : i32
      %add3A_149 = arith.addi %mul3A_146, %mul3A_148 : i32
      %add3A_150 = arith.constant 48 : i32
      %add3A_151 = arith.addi %add3A_149, %add3A_150 : i32
      %add3A_152 = vector.broadcast %add3A_151 : i32 to vector<16xi32>
      %add3A_153 = arith.addi %add3A_152, %iota3A : vector<16xi32>
      %lt3A_154 = arith.constant 330000 : i32
      %lt3A_155 = vector.broadcast %lt3A_154 : i32 to vector<16xi32>
      %lt3A_156 = arith.cmpi slt, %add3A_153, %lt3A_155 : vector<16xi32>
      %jit3A_157 = arith.constant -1.000000e+30 : f32
      %broadcast_in_dim3A_158 = vector.broadcast %jit3A_157 : f32 to vector<16xf32>
      %select_n3A_159 = arith.select %lt3A_156, %add3A_144, %broadcast_in_dim3A_158 : vector<16xi1>, vector<16xf32>
      %ge3A_160 = arith.constant 0.000000e+00 : f32
      %ge3A_161 = vector.broadcast %ge3A_160 : f32 to vector<16xf32>
      %ge3A_162 = arith.cmpf oge, %select_n3A_159, %ge3A_161 : vector<16xf32>
      %mul3A_163 = arith.constant 2.000000e-01 : f32
      %mul3A_164 = vector.broadcast %mul3A_163 : f32 to vector<16xf32>
      %mul3A_165 = arith.mulf %mul3A_164, %select_n3A_159 : vector<16xf32>
      %select_n3A_166 = arith.select %ge3A_162, %select_n3A_159, %mul3A_165 : vector<16xi1>, vector<16xf32>
      %exp3A_167 = math.exp %select_n3A_166 : vector<16xf32>
      %swap3A_168 = arith.index_cast %scan3A_18 : i32 to index
      %swap3A_169 = arith.constant 48 : index
      %swap3A_170 = tpu.vector_load %arg15[%swap3A_168, %swap3A_169] {strides = array<i32>} : memref<81x128xf32, #tpu.memory_space<vmem>>, vector<16xf32>,
      tpu.vector_store %arg15[%swap3A_168, %swap3A_169], %exp3A_167 {strides = array<i32>} : memref<81x128xf32, #tpu.memory_space<vmem>>, vector<16xf32>,
      %get3A_171 = arith.index_cast %scan3A_18 : i32 to index
      %get3A_172 = arith.constant 64 : index
      %get3A_173 = tpu.vector_load %arg12[%get3A_171, %get3A_172] {strides = array<i32>} : memref<81x128xi32, #tpu.memory_space<vmem>>, vector<16xi32>,
      %get3A_174 = arith.index_cast %scan3A_18 : i32 to index
      %get3A_175 = arith.constant 64 : index
      %get3A_176 = tpu.vector_load %arg13[%get3A_174, %get3A_175] {strides = array<i32>} : memref<81x128xi32, #tpu.memory_space<vmem>>, vector<16xi32>,
      %gather3A_177 = tpu.vector_load_idx %arg10[%get3A_173] : memref<10240xf32, #tpu.memory_space<vmem>>[vector<16xi32>], vector<16xf32>,
      %gather3A_178 = tpu.vector_load_idx %arg11[%get3A_176] : memref<10240xf32, #tpu.memory_space<vmem>>[vector<16xi32>], vector<16xf32>,
      %add3A_179 = arith.addf %gather3A_177, %gather3A_178 : vector<16xf32>
      %get3A_180 = arith.index_cast %scan3A_18 : i32 to index
      %get3A_181 = arith.constant 64 : index
      %get3A_182 = tpu.vector_load %arg14[%get3A_180, %get3A_181] {strides = array<i32>} : memref<81x128xf32, #tpu.memory_space<vmem>>, vector<16xf32>,
      %mul3A_183 = arith.mulf %get3A_8, %get3A_182 : vector<16xf32>
      %add3A_184 = arith.addf %add3A_179, %mul3A_183 : vector<16xf32>
      %mul3A_185 = arith.constant 10368 : i32
      %mul3A_186 = arith.muli %add3A, %mul3A_185 : i32
      %mul3A_187 = arith.constant 128 : i32
      %mul3A_188 = arith.muli %scan3A_18, %mul3A_187 : i32
      %add3A_189 = arith.addi %mul3A_186, %mul3A_188 : i32
      %add3A_190 = arith.constant 64 : i32
      %add3A_191 = arith.addi %add3A_189, %add3A_190 : i32
      %add3A_192 = vector.broadcast %add3A_191 : i32 to vector<16xi32>
      %add3A_193 = arith.addi %add3A_192, %iota3A : vector<16xi32>
      %lt3A_194 = arith.constant 330000 : i32
      %lt3A_195 = vector.broadcast %lt3A_194 : i32 to vector<16xi32>
      %lt3A_196 = arith.cmpi slt, %add3A_193, %lt3A_195 : vector<16xi32>
      %jit3A_197 = arith.constant -1.000000e+30 : f32
      %broadcast_in_dim3A_198 = vector.broadcast %jit3A_197 : f32 to vector<16xf32>
      %select_n3A_199 = arith.select %lt3A_196, %add3A_184, %broadcast_in_dim3A_198 : vector<16xi1>, vector<16xf32>
      %ge3A_200 = arith.constant 0.000000e+00 : f32
      %ge3A_201 = vector.broadcast %ge3A_200 : f32 to vector<16xf32>
      %ge3A_202 = arith.cmpf oge, %select_n3A_199, %ge3A_201 : vector<16xf32>
      %mul3A_203 = arith.constant 2.000000e-01 : f32
      %mul3A_204 = vector.broadcast %mul3A_203 : f32 to vector<16xf32>
      %mul3A_205 = arith.mulf %mul3A_204, %select_n3A_199 : vector<16xf32>
      %select_n3A_206 = arith.select %ge3A_202, %select_n3A_199, %mul3A_205 : vector<16xi1>, vector<16xf32>
      %exp3A_207 = math.exp %select_n3A_206 : vector<16xf32>
      %swap3A_208 = arith.index_cast %scan3A_18 : i32 to index
      %swap3A_209 = arith.constant 64 : index
      %swap3A_210 = tpu.vector_load %arg15[%swap3A_208, %swap3A_209] {strides = array<i32>} : memref<81x128xf32, #tpu.memory_space<vmem>>, vector<16xf32>,
      tpu.vector_store %arg15[%swap3A_208, %swap3A_209], %exp3A_207 {strides = array<i32>} : memref<81x128xf32, #tpu.memory_space<vmem>>, vector<16xf32>,
      %get3A_211 = arith.index_cast %scan3A_18 : i32 to index
      %get3A_212 = arith.constant 80 : index
      %get3A_213 = tpu.vector_load %arg12[%get3A_211, %get3A_212] {strides = array<i32>} : memref<81x128xi32, #tpu.memory_space<vmem>>, vector<16xi32>,
      %get3A_214 = arith.index_cast %scan3A_18 : i32 to index
      %get3A_215 = arith.constant 80 : index
      %get3A_216 = tpu.vector_load %arg13[%get3A_214, %get3A_215] {strides = array<i32>} : memref<81x128xi32, #tpu.memory_space<vmem>>, vector<16xi32>,
      %gather3A_217 = tpu.vector_load_idx %arg10[%get3A_213] : memref<10240xf32, #tpu.memory_space<vmem>>[vector<16xi32>], vector<16xf32>,
      %gather3A_218 = tpu.vector_load_idx %arg11[%get3A_216] : memref<10240xf32, #tpu.memory_space<vmem>>[vector<16xi32>], vector<16xf32>,
      %add3A_219 = arith.addf %gather3A_217, %gather3A_218 : vector<16xf32>
      %get3A_220 = arith.index_cast %scan3A_18 : i32 to index
      %get3A_221 = arith.constant 80 : index
      %get3A_222 = tpu.vector_load %arg14[%get3A_220, %get3A_221] {strides = array<i32>} : memref<81x128xf32, #tpu.memory_space<vmem>>, vector<16xf32>,
      %mul3A_223 = arith.mulf %get3A_8, %get3A_222 : vector<16xf32>
      %add3A_224 = arith.addf %add3A_219, %mul3A_223 : vector<16xf32>
      %mul3A_225 = arith.constant 10368 : i32
      %mul3A_226 = arith.muli %add3A, %mul3A_225 : i32
      %mul3A_227 = arith.constant 128 : i32
      %mul3A_228 = arith.muli %scan3A_18, %mul3A_227 : i32
      %add3A_229 = arith.addi %mul3A_226, %mul3A_228 : i32
      %add3A_230 = arith.constant 80 : i32
      %add3A_231 = arith.addi %add3A_229, %add3A_230 : i32
      %add3A_232 = vector.broadcast %add3A_231 : i32 to vector<16xi32>
      %add3A_233 = arith.addi %add3A_232, %iota3A : vector<16xi32>
      %lt3A_234 = arith.constant 330000 : i32
      %lt3A_235 = vector.broadcast %lt3A_234 : i32 to vector<16xi32>
      %lt3A_236 = arith.cmpi slt, %add3A_233, %lt3A_235 : vector<16xi32>
      %jit3A_237 = arith.constant -1.000000e+30 : f32
      %broadcast_in_dim3A_238 = vector.broadcast %jit3A_237 : f32 to vector<16xf32>
      %select_n3A_239 = arith.select %lt3A_236, %add3A_224, %broadcast_in_dim3A_238 : vector<16xi1>, vector<16xf32>
      %ge3A_240 = arith.constant 0.000000e+00 : f32
      %ge3A_241 = vector.broadcast %ge3A_240 : f32 to vector<16xf32>
      %ge3A_242 = arith.cmpf oge, %select_n3A_239, %ge3A_241 : vector<16xf32>
      %mul3A_243 = arith.constant 2.000000e-01 : f32
      %mul3A_244 = vector.broadcast %mul3A_243 : f32 to vector<16xf32>
      %mul3A_245 = arith.mulf %mul3A_244, %select_n3A_239 : vector<16xf32>
      %select_n3A_246 = arith.select %ge3A_242, %select_n3A_239, %mul3A_245 : vector<16xi1>, vector<16xf32>
      %exp3A_247 = math.exp %select_n3A_246 : vector<16xf32>
      %swap3A_248 = arith.index_cast %scan3A_18 : i32 to index
      %swap3A_249 = arith.constant 80 : index
      %swap3A_250 = tpu.vector_load %arg15[%swap3A_248, %swap3A_249] {strides = array<i32>} : memref<81x128xf32, #tpu.memory_space<vmem>>, vector<16xf32>,
      tpu.vector_store %arg15[%swap3A_248, %swap3A_249], %exp3A_247 {strides = array<i32>} : memref<81x128xf32, #tpu.memory_space<vmem>>, vector<16xf32>,
      %get3A_251 = arith.index_cast %scan3A_18 : i32 to index
      %get3A_252 = arith.constant 96 : index
      %get3A_253 = tpu.vector_load %arg12[%get3A_251, %get3A_252] {strides = array<i32>} : memref<81x128xi32, #tpu.memory_space<vmem>>, vector<16xi32>,
      %get3A_254 = arith.index_cast %scan3A_18 : i32 to index
      %get3A_255 = arith.constant 96 : index
      %get3A_256 = tpu.vector_load %arg13[%get3A_254, %get3A_255] {strides = array<i32>} : memref<81x128xi32, #tpu.memory_space<vmem>>, vector<16xi32>,
      %gather3A_257 = tpu.vector_load_idx %arg10[%get3A_253] : memref<10240xf32, #tpu.memory_space<vmem>>[vector<16xi32>], vector<16xf32>,
      %gather3A_258 = tpu.vector_load_idx %arg11[%get3A_256] : memref<10240xf32, #tpu.memory_space<vmem>>[vector<16xi32>], vector<16xf32>,
      %add3A_259 = arith.addf %gather3A_257, %gather3A_258 : vector<16xf32>
      %get3A_260 = arith.index_cast %scan3A_18 : i32 to index
      %get3A_261 = arith.constant 96 : index
      %get3A_262 = tpu.vector_load %arg14[%get3A_260, %get3A_261] {strides = array<i32>} : memref<81x128xf32, #tpu.memory_space<vmem>>, vector<16xf32>,
      %mul3A_263 = arith.mulf %get3A_8, %get3A_262 : vector<16xf32>
      %add3A_264 = arith.addf %add3A_259, %mul3A_263 : vector<16xf32>
      %mul3A_265 = arith.constant 10368 : i32
      %mul3A_266 = arith.muli %add3A, %mul3A_265 : i32
      %mul3A_267 = arith.constant 128 : i32
      %mul3A_268 = arith.muli %scan3A_18, %mul3A_267 : i32
      %add3A_269 = arith.addi %mul3A_266, %mul3A_268 : i32
      %add3A_270 = arith.constant 96 : i32
      %add3A_271 = arith.addi %add3A_269, %add3A_270 : i32
      %add3A_272 = vector.broadcast %add3A_271 : i32 to vector<16xi32>
      %add3A_273 = arith.addi %add3A_272, %iota3A : vector<16xi32>
      %lt3A_274 = arith.constant 330000 : i32
      %lt3A_275 = vector.broadcast %lt3A_274 : i32 to vector<16xi32>
      %lt3A_276 = arith.cmpi slt, %add3A_273, %lt3A_275 : vector<16xi32>
      %jit3A_277 = arith.constant -1.000000e+30 : f32
      %broadcast_in_dim3A_278 = vector.broadcast %jit3A_277 : f32 to vector<16xf32>
      %select_n3A_279 = arith.select %lt3A_276, %add3A_264, %broadcast_in_dim3A_278 : vector<16xi1>, vector<16xf32>
      %ge3A_280 = arith.constant 0.000000e+00 : f32
      %ge3A_281 = vector.broadcast %ge3A_280 : f32 to vector<16xf32>
      %ge3A_282 = arith.cmpf oge, %select_n3A_279, %ge3A_281 : vector<16xf32>
      %mul3A_283 = arith.constant 2.000000e-01 : f32
      %mul3A_284 = vector.broadcast %mul3A_283 : f32 to vector<16xf32>
      %mul3A_285 = arith.mulf %mul3A_284, %select_n3A_279 : vector<16xf32>
      %select_n3A_286 = arith.select %ge3A_282, %select_n3A_279, %mul3A_285 : vector<16xi1>, vector<16xf32>
      %exp3A_287 = math.exp %select_n3A_286 : vector<16xf32>
      %swap3A_288 = arith.index_cast %scan3A_18 : i32 to index
      %swap3A_289 = arith.constant 96 : index
      %swap3A_290 = tpu.vector_load %arg15[%swap3A_288, %swap3A_289] {strides = array<i32>} : memref<81x128xf32, #tpu.memory_space<vmem>>, vector<16xf32>,
      tpu.vector_store %arg15[%swap3A_288, %swap3A_289], %exp3A_287 {strides = array<i32>} : memref<81x128xf32, #tpu.memory_space<vmem>>, vector<16xf32>,
      %get3A_291 = arith.index_cast %scan3A_18 : i32 to index
      %get3A_292 = arith.constant 112 : index
      %get3A_293 = tpu.vector_load %arg12[%get3A_291, %get3A_292] {strides = array<i32>} : memref<81x128xi32, #tpu.memory_space<vmem>>, vector<16xi32>,
      %get3A_294 = arith.index_cast %scan3A_18 : i32 to index
      %get3A_295 = arith.constant 112 : index
      %get3A_296 = tpu.vector_load %arg13[%get3A_294, %get3A_295] {strides = array<i32>} : memref<81x128xi32, #tpu.memory_space<vmem>>, vector<16xi32>,
      %gather3A_297 = tpu.vector_load_idx %arg10[%get3A_293] : memref<10240xf32, #tpu.memory_space<vmem>>[vector<16xi32>], vector<16xf32>,
      %gather3A_298 = tpu.vector_load_idx %arg11[%get3A_296] : memref<10240xf32, #tpu.memory_space<vmem>>[vector<16xi32>], vector<16xf32>,
      %add3A_299 = arith.addf %gather3A_297, %gather3A_298 : vector<16xf32>
      %get3A_300 = arith.index_cast %scan3A_18 : i32 to index
      %get3A_301 = arith.constant 112 : index
      %get3A_302 = tpu.vector_load %arg14[%get3A_300, %get3A_301] {strides = array<i32>} : memref<81x128xf32, #tpu.memory_space<vmem>>, vector<16xf32>,
      %mul3A_303 = arith.mulf %get3A_8, %get3A_302 : vector<16xf32>
      %add3A_304 = arith.addf %add3A_299, %mul3A_303 : vector<16xf32>
      %mul3A_305 = arith.constant 10368 : i32
      %mul3A_306 = arith.muli %add3A, %mul3A_305 : i32
      %mul3A_307 = arith.constant 128 : i32
      %mul3A_308 = arith.muli %scan3A_18, %mul3A_307 : i32
      %add3A_309 = arith.addi %mul3A_306, %mul3A_308 : i32
      %add3A_310 = arith.constant 112 : i32
      %add3A_311 = arith.addi %add3A_309, %add3A_310 : i32
      %add3A_312 = vector.broadcast %add3A_311 : i32 to vector<16xi32>
      %add3A_313 = arith.addi %add3A_312, %iota3A : vector<16xi32>
      %lt3A_314 = arith.constant 330000 : i32
      %lt3A_315 = vector.broadcast %lt3A_314 : i32 to vector<16xi32>
      %lt3A_316 = arith.cmpi slt, %add3A_313, %lt3A_315 : vector<16xi32>
      %jit3A_317 = arith.constant -1.000000e+30 : f32
      %broadcast_in_dim3A_318 = vector.broadcast %jit3A_317 : f32 to vector<16xf32>
      %select_n3A_319 = arith.select %lt3A_316, %add3A_304, %broadcast_in_dim3A_318 : vector<16xi1>, vector<16xf32>
      %ge3A_320 = arith.constant 0.000000e+00 : f32
      %ge3A_321 = vector.broadcast %ge3A_320 : f32 to vector<16xf32>
      %ge3A_322 = arith.cmpf oge, %select_n3A_319, %ge3A_321 : vector<16xf32>
      %mul3A_323 = arith.constant 2.000000e-01 : f32
      %mul3A_324 = vector.broadcast %mul3A_323 : f32 to vector<16xf32>
      %mul3A_325 = arith.mulf %mul3A_324, %select_n3A_319 : vector<16xf32>
      %select_n3A_326 = arith.select %ge3A_322, %select_n3A_319, %mul3A_325 : vector<16xi1>, vector<16xf32>
      %exp3A_327 = math.exp %select_n3A_326 : vector<16xf32>
      %swap3A_328 = arith.index_cast %scan3A_18 : i32 to index
      %swap3A_329 = arith.constant 112 : index
      %swap3A_330 = tpu.vector_load %arg15[%swap3A_328, %swap3A_329] {strides = array<i32>} : memref<81x128xf32, #tpu.memory_space<vmem>>, vector<16xf32>,
      tpu.vector_store %arg15[%swap3A_328, %swap3A_329], %exp3A_327 {strides = array<i32>} : memref<81x128xf32, #tpu.memory_space<vmem>>, vector<16xf32>,
      "tpu.region"() ({
        %run_scoped3A = tpu.sem_alloc : memref<!tpu.dma_semaphore, #tpu.memory_space<semaphore_mem>>
        %dma_start3A = arith.constant 0 : i32
        %dma_start3A_331 = tpu.memref_slice %arg15[%scan3A_18, %dma_start3A] : memref<81x128xf32, #tpu.memory_space<vmem>> -> memref<1x128xf32, #tpu.memory_space<vmem>>
        %dma_start3A_332 = tpu.memref_squeeze %dma_start3A_331 : memref<1x128xf32, #tpu.memory_space<vmem>> -> memref<128xf32, #tpu.memory_space<vmem>>
        %dma_start3A_333 = arith.constant 0 : i32
        %dma_start3A_334 = tpu.memref_slice %arg13[%scan3A_18, %dma_start3A_333] : memref<81x128xi32, #tpu.memory_space<vmem>> -> memref<1x128xi32, #tpu.memory_space<vmem>>
        %dma_start3A_335 = tpu.memref_squeeze %dma_start3A_334 : memref<1x128xi32, #tpu.memory_space<vmem>> -> memref<128xi32, #tpu.memory_space<vmem>>
        %dma_start3A_336 = arith.constant 0 : i32
        %dma_start3A_337 = tpu.memref_slice %arg18[%dma_start3A_336] : memref<10240xf32, #tpu.memory_space<vmem_shared>> -> memref<10240xf32, #tpu.memory_space<vmem_shared>>
        tpu.enqueue_indirect_dma source(%dma_start3A_332 : memref<128xf32, #tpu.memory_space<vmem>>) target(%dma_start3A_337 : memref<10240xf32, #tpu.memory_space<vmem_shared>>) offsets(%dma_start3A_335 : memref<128xi32, #tpu.memory_space<vmem>>) semaphore(%run_scoped3A : memref<!tpu.dma_semaphore, #tpu.memory_space<semaphore_mem>>) {add = true}
        %dma_wait3A = arith.constant 0 : i32
        %dma_wait3A_338 = tpu.memref_slice %arg15[%scan3A_18, %dma_wait3A] : memref<81x128xf32, #tpu.memory_space<vmem>> -> memref<1x128xf32, #tpu.memory_space<vmem>>
        %dma_wait3A_339 = tpu.memref_squeeze %dma_wait3A_338 : memref<1x128xf32, #tpu.memory_space<vmem>> -> memref<128xf32, #tpu.memory_space<vmem>>
        %dma_wait3A_340 = arith.constant 0 : i32
        %dma_wait3A_341 = tpu.memref_slice %arg13[%scan3A_18, %dma_wait3A_340] : memref<81x128xi32, #tpu.memory_space<vmem>> -> memref<1x128xi32, #tpu.memory_space<vmem>>
        %dma_wait3A_342 = tpu.memref_squeeze %dma_wait3A_341 : memref<1x128xi32, #tpu.memory_space<vmem>> -> memref<128xi32, #tpu.memory_space<vmem>>
        %dma_wait3A_343 = arith.constant 0 : i32
        %dma_wait3A_344 = tpu.memref_slice %arg18[%dma_wait3A_343] : memref<10240xf32, #tpu.memory_space<vmem_shared>> -> memref<10240xf32, #tpu.memory_space<vmem_shared>>
        tpu.wait_indirect_dma semaphore(%run_scoped3A : memref<!tpu.dma_semaphore, #tpu.memory_space<semaphore_mem>>) src(%dma_wait3A_339 : memref<128xf32, #tpu.memory_space<vmem>>) dst(%dma_wait3A_344 : memref<10240xf32, #tpu.memory_space<vmem_shared>>)
        tpu.yield
      }) : () -> ()
    }
    %scan3A_14 = arith.constant 81 : i32
    "tpu.region"() ({
      %run_scoped3A = tpu.sem_alloc : memref<!tpu.dma_semaphore, #tpu.memory_space<semaphore_mem>>
      %dma_start3A = arith.constant 0 : i32
      %dma_start3A_18 = arith.constant 0 : i32
      %dma_start3A_19 = tpu.memref_slice %arg8[%add3A, %dma_start3A, %dma_start3A_18] : memref<32x81x128xf32, #tpu.memory_space<hbm>> -> memref<1x81x128xf32, #tpu.memory_space<hbm>>
      %dma_start3A_20 = tpu.memref_squeeze %dma_start3A_19 : memref<1x81x128xf32, #tpu.memory_space<hbm>> -> memref<81x128xf32, #tpu.memory_space<hbm>>
      %dma_start3A_21 = arith.constant 0 : i32
      %dma_start3A_22 = arith.constant 0 : i32
      %dma_start3A_23 = tpu.memref_slice %arg8[%add3A, %dma_start3A_21, %dma_start3A_22] : memref<32x81x128xf32, #tpu.memory_space<hbm>> -> memref<1x81x128xf32, #tpu.memory_space<hbm>>
      %dma_start3A_24 = tpu.memref_squeeze %dma_start3A_23 : memref<1x81x128xf32, #tpu.memory_space<hbm>> -> memref<81x128xf32, #tpu.memory_space<hbm>>
      tpu.enqueue_dma source(%arg15 : memref<81x128xf32, #tpu.memory_space<vmem>>) target(%dma_start3A_24 : memref<81x128xf32, #tpu.memory_space<hbm>>) target_semaphore(%run_scoped3A : memref<!tpu.dma_semaphore, #tpu.memory_space<semaphore_mem>>)
      %dma_wait3A = arith.constant 0 : i32
      %dma_wait3A_25 = arith.constant 0 : i32
      %dma_wait3A_26 = tpu.memref_slice %arg8[%add3A, %dma_wait3A, %dma_wait3A_25] : memref<32x81x128xf32, #tpu.memory_space<hbm>> -> memref<1x81x128xf32, #tpu.memory_space<hbm>>
      %dma_wait3A_27 = tpu.memref_squeeze %dma_wait3A_26 : memref<1x81x128xf32, #tpu.memory_space<hbm>> -> memref<81x128xf32, #tpu.memory_space<hbm>>
      %dma_wait3A_28 = arith.constant 0 : i32
      %dma_wait3A_29 = arith.constant 0 : i32
      %dma_wait3A_30 = tpu.memref_slice %arg8[%add3A, %dma_wait3A_28, %dma_wait3A_29] : memref<32x81x128xf32, #tpu.memory_space<hbm>> -> memref<1x81x128xf32, #tpu.memory_space<hbm>>
      %dma_wait3A_31 = tpu.memref_squeeze %dma_wait3A_30 : memref<1x81x128xf32, #tpu.memory_space<hbm>> -> memref<81x128xf32, #tpu.memory_space<hbm>>
      tpu.wait_dma2 semaphore(%run_scoped3A : memref<!tpu.dma_semaphore, #tpu.memory_space<semaphore_mem>>) src(%arg15 : memref<81x128xf32, #tpu.memory_space<vmem>>) dst(%dma_wait3A_31 : memref<81x128xf32, #tpu.memory_space<hbm>>)
      tpu.yield
    }) : () -> ()
    %barrier3A_15 = arith.constant 0 : index
    tpu.barrier barrier_id(%barrier3A_15)
    %eq3A = arith.constant 0 : i32
    %eq3A_16 = arith.cmpi eq, %arg1, %eq3A : i32
    %convert_element_type3A = arith.extui %eq3A_16 : i1 to i32
    %cond3A = arith.constant 0 : i32
    %cond3A_17 = arith.cmpi ne, %convert_element_type3A, %cond3A : i32
    scf.if %cond3A_17 {
      "tpu.region"() ({
        %run_scoped3A = tpu.sem_alloc : memref<!tpu.dma_semaphore, #tpu.memory_space<semaphore_mem>>
        %dma_start3A = arith.constant 0 : i32
        %dma_start3A_18 = tpu.memref_slice %arg9[%arg0, %dma_start3A] : memref<2x10240xf32, #tpu.memory_space<hbm>> -> memref<1x10240xf32, #tpu.memory_space<hbm>>
        %dma_start3A_19 = tpu.memref_squeeze %dma_start3A_18 : memref<1x10240xf32, #tpu.memory_space<hbm>> -> memref<10240xf32, #tpu.memory_space<hbm>>
        tpu.enqueue_dma source(%arg18 : memref<10240xf32, #tpu.memory_space<vmem_shared>>) target(%dma_start3A_19 : memref<10240xf32, #tpu.memory_space<hbm>>) target_semaphore(%run_scoped3A : memref<!tpu.dma_semaphore, #tpu.memory_space<semaphore_mem>>)
        %dma_wait3A = arith.constant 0 : i32
        %dma_wait3A_20 = tpu.memref_slice %arg9[%arg0, %dma_wait3A] : memref<2x10240xf32, #tpu.memory_space<hbm>> -> memref<1x10240xf32, #tpu.memory_space<hbm>>
        %dma_wait3A_21 = tpu.memref_squeeze %dma_wait3A_20 : memref<1x10240xf32, #tpu.memory_space<hbm>> -> memref<10240xf32, #tpu.memory_space<hbm>>
        tpu.wait_dma2 semaphore(%run_scoped3A : memref<!tpu.dma_semaphore, #tpu.memory_space<semaphore_mem>>) src(%arg18 : memref<10240xf32, #tpu.memory_space<vmem_shared>>) dst(%dma_wait3A_21 : memref<10240xf32, #tpu.memory_space<hbm>>)
        tpu.yield
      }) : () -> ()
    } else {
    }
    return
  }
}

#map = affine_map<(d0, d1) -> (0, 0, 0, 0)>
#map1 = affine_map<(d0, d1) -> (0, 0)>
#map2 = affine_map<(d0, d1) -> (0, 0, 0)>
module attributes {stable_mosaic.version = 14 : i64} {
  func.func @_edge_aggregate(%arg0: i32, %arg1: i32, %arg2: memref<32x81x3x128xi32, #tpu.memory_space<hbm>>, %arg3: memref<10240x128xf32, #tpu.memory_space<hbm>>, %arg4: memref<2x10240x128xf32, #tpu.memory_space<hbm>>, %arg5: memref<3x128xi32, #tpu.memory_space<vmem>>, %arg6: memref<128xf32, #tpu.memory_space<vmem>>, %arg7: memref<128x128xf32, #tpu.memory_space<vmem>>, %arg8: memref<10240x128xf32, #tpu.memory_space<vmem_shared>>, %arg9: memref<!tpu.dma_semaphore, #tpu.memory_space<semaphore_mem>>) attributes {dimension_semantics = [#tpu.dimension_semantics<core_parallel>, #tpu.dimension_semantics<subcore_parallel>], iteration_bounds = array<i64: 2, 16>, scalar_prefetch = 0 : i64, scratch_operands = 5 : i64, tpu.core_type = #tpu.core_type<sc_vector_subcore>, window_params = [{transform_indices = #map}, {transform_indices = #map1}, {transform_indices = #map2}]} {
    %mul3A = arith.constant 2 : i32
    %mul3A_0 = arith.muli %arg1, %mul3A : i32
    %add3A = arith.addi %mul3A_0, %arg0 : i32
    %scan3A = arith.constant 0 : i32
    %scan3A_1 = arith.constant 0 : i32
    %scan3A_2 = arith.constant 128 : i32
    %scan3A_3 = arith.addi %scan3A_1, %scan3A_2 : i32
    %scan3A_4 = arith.constant 1 : i32
    scf.for %scan3A_37 = %scan3A_1 to %scan3A_3 step %scan3A_4  : i32 {
      %broadcast_in_dim3A = arith.constant 0.000000e+00 : f32
      %broadcast_in_dim3A_38 = vector.broadcast %broadcast_in_dim3A : f32 to vector<16xf32>
      %swap3A = arith.index_cast %scan3A_37 : i32 to index
      %swap3A_39 = arith.constant 0 : index
      %swap3A_40 = tpu.vector_load %arg7[%swap3A, %swap3A_39] {strides = array<i32>} : memref<128x128xf32, #tpu.memory_space<vmem>>, vector<16xf32>,
      tpu.vector_store %arg7[%swap3A, %swap3A_39], %broadcast_in_dim3A_38 {strides = array<i32>} : memref<128x128xf32, #tpu.memory_space<vmem>>, vector<16xf32>,
      %broadcast_in_dim3A_41 = arith.constant 0.000000e+00 : f32
      %broadcast_in_dim3A_42 = vector.broadcast %broadcast_in_dim3A_41 : f32 to vector<16xf32>
      %swap3A_43 = arith.index_cast %scan3A_37 : i32 to index
      %swap3A_44 = arith.constant 16 : index
      %swap3A_45 = tpu.vector_load %arg7[%swap3A_43, %swap3A_44] {strides = array<i32>} : memref<128x128xf32, #tpu.memory_space<vmem>>, vector<16xf32>,
      tpu.vector_store %arg7[%swap3A_43, %swap3A_44], %broadcast_in_dim3A_42 {strides = array<i32>} : memref<128x128xf32, #tpu.memory_space<vmem>>, vector<16xf32>,
      %broadcast_in_dim3A_46 = arith.constant 0.000000e+00 : f32
      %broadcast_in_dim3A_47 = vector.broadcast %broadcast_in_dim3A_46 : f32 to vector<16xf32>
      %swap3A_48 = arith.index_cast %scan3A_37 : i32 to index
      %swap3A_49 = arith.constant 32 : index
      %swap3A_50 = tpu.vector_load %arg7[%swap3A_48, %swap3A_49] {strides = array<i32>} : memref<128x128xf32, #tpu.memory_space<vmem>>, vector<16xf32>,
      tpu.vector_store %arg7[%swap3A_48, %swap3A_49], %broadcast_in_dim3A_47 {strides = array<i32>} : memref<128x128xf32, #tpu.memory_space<vmem>>, vector<16xf32>,
      %broadcast_in_dim3A_51 = arith.constant 0.000000e+00 : f32
      %broadcast_in_dim3A_52 = vector.broadcast %broadcast_in_dim3A_51 : f32 to vector<16xf32>
      %swap3A_53 = arith.index_cast %scan3A_37 : i32 to index
      %swap3A_54 = arith.constant 48 : index
      %swap3A_55 = tpu.vector_load %arg7[%swap3A_53, %swap3A_54] {strides = array<i32>} : memref<128x128xf32, #tpu.memory_space<vmem>>, vector<16xf32>,
      tpu.vector_store %arg7[%swap3A_53, %swap3A_54], %broadcast_in_dim3A_52 {strides = array<i32>} : memref<128x128xf32, #tpu.memory_space<vmem>>, vector<16xf32>,
      %broadcast_in_dim3A_56 = arith.constant 0.000000e+00 : f32
      %broadcast_in_dim3A_57 = vector.broadcast %broadcast_in_dim3A_56 : f32 to vector<16xf32>
      %swap3A_58 = arith.index_cast %scan3A_37 : i32 to index
      %swap3A_59 = arith.constant 64 : index
      %swap3A_60 = tpu.vector_load %arg7[%swap3A_58, %swap3A_59] {strides = array<i32>} : memref<128x128xf32, #tpu.memory_space<vmem>>, vector<16xf32>,
      tpu.vector_store %arg7[%swap3A_58, %swap3A_59], %broadcast_in_dim3A_57 {strides = array<i32>} : memref<128x128xf32, #tpu.memory_space<vmem>>, vector<16xf32>,
      %broadcast_in_dim3A_61 = arith.constant 0.000000e+00 : f32
      %broadcast_in_dim3A_62 = vector.broadcast %broadcast_in_dim3A_61 : f32 to vector<16xf32>
      %swap3A_63 = arith.index_cast %scan3A_37 : i32 to index
      %swap3A_64 = arith.constant 80 : index
      %swap3A_65 = tpu.vector_load %arg7[%swap3A_63, %swap3A_64] {strides = array<i32>} : memref<128x128xf32, #tpu.memory_space<vmem>>, vector<16xf32>,
      tpu.vector_store %arg7[%swap3A_63, %swap3A_64], %broadcast_in_dim3A_62 {strides = array<i32>} : memref<128x128xf32, #tpu.memory_space<vmem>>, vector<16xf32>,
      %broadcast_in_dim3A_66 = arith.constant 0.000000e+00 : f32
      %broadcast_in_dim3A_67 = vector.broadcast %broadcast_in_dim3A_66 : f32 to vector<16xf32>
      %swap3A_68 = arith.index_cast %scan3A_37 : i32 to index
      %swap3A_69 = arith.constant 96 : index
      %swap3A_70 = tpu.vector_load %arg7[%swap3A_68, %swap3A_69] {strides = array<i32>} : memref<128x128xf32, #tpu.memory_space<vmem>>, vector<16xf32>,
      tpu.vector_store %arg7[%swap3A_68, %swap3A_69], %broadcast_in_dim3A_67 {strides = array<i32>} : memref<128x128xf32, #tpu.memory_space<vmem>>, vector<16xf32>,
      %broadcast_in_dim3A_71 = arith.constant 0.000000e+00 : f32
      %broadcast_in_dim3A_72 = vector.broadcast %broadcast_in_dim3A_71 : f32 to vector<16xf32>
      %swap3A_73 = arith.index_cast %scan3A_37 : i32 to index
      %swap3A_74 = arith.constant 112 : index
      %swap3A_75 = tpu.vector_load %arg7[%swap3A_73, %swap3A_74] {strides = array<i32>} : memref<128x128xf32, #tpu.memory_space<vmem>>, vector<16xf32>,
      tpu.vector_store %arg7[%swap3A_73, %swap3A_74], %broadcast_in_dim3A_72 {strides = array<i32>} : memref<128x128xf32, #tpu.memory_space<vmem>>, vector<16xf32>,
    }
    %scan3A_5 = arith.constant 128 : i32
    %mul3A_6 = arith.constant 640 : i32
    %mul3A_7 = arith.muli %arg1, %mul3A_6 : i32
    %add3A_8 = arith.constant 0 : i32
    %add3A_9 = arith.addi %mul3A_7, %add3A_8 : i32
    "tpu.region"() ({
      %run_scoped3A = tpu.sem_alloc : memref<!tpu.dma_semaphore, #tpu.memory_space<semaphore_mem>>
      %dma_start3A = arith.constant 0 : i32
      %dma_start3A_37 = tpu.memref_slice %arg8[%add3A_9, %dma_start3A] : memref<10240x128xf32, #tpu.memory_space<vmem_shared>> -> memref<128x128xf32, #tpu.memory_space<vmem_shared>>
      %dma_start3A_38 = arith.constant 0 : i32
      %dma_start3A_39 = tpu.memref_slice %arg8[%add3A_9, %dma_start3A_38] : memref<10240x128xf32, #tpu.memory_space<vmem_shared>> -> memref<128x128xf32, #tpu.memory_space<vmem_shared>>
      tpu.enqueue_dma source(%arg7 : memref<128x128xf32, #tpu.memory_space<vmem>>) target(%dma_start3A_39 : memref<128x128xf32, #tpu.memory_space<vmem_shared>>) target_semaphore(%run_scoped3A : memref<!tpu.dma_semaphore, #tpu.memory_space<semaphore_mem>>)
      %dma_wait3A = arith.constant 0 : i32
      %dma_wait3A_40 = tpu.memref_slice %arg8[%add3A_9, %dma_wait3A] : memref<10240x128xf32, #tpu.memory_space<vmem_shared>> -> memref<128x128xf32, #tpu.memory_space<vmem_shared>>
      %dma_wait3A_41 = arith.constant 0 : i32
      %dma_wait3A_42 = tpu.memref_slice %arg8[%add3A_9, %dma_wait3A_41] : memref<10240x128xf32, #tpu.memory_space<vmem_shared>> -> memref<128x128xf32, #tpu.memory_space<vmem_shared>>
      tpu.wait_dma2 semaphore(%run_scoped3A : memref<!tpu.dma_semaphore, #tpu.memory_space<semaphore_mem>>) src(%arg7 : memref<128x128xf32, #tpu.memory_space<vmem>>) dst(%dma_wait3A_42 : memref<128x128xf32, #tpu.memory_space<vmem_shared>>)
      tpu.yield
    }) : () -> ()
    %mul3A_10 = arith.constant 640 : i32
    %mul3A_11 = arith.muli %arg1, %mul3A_10 : i32
    %add3A_12 = arith.constant 128 : i32
    %add3A_13 = arith.addi %mul3A_11, %add3A_12 : i32
    "tpu.region"() ({
      %run_scoped3A = tpu.sem_alloc : memref<!tpu.dma_semaphore, #tpu.memory_space<semaphore_mem>>
      %dma_start3A = arith.constant 0 : i32
      %dma_start3A_37 = tpu.memref_slice %arg8[%add3A_13, %dma_start3A] : memref<10240x128xf32, #tpu.memory_space<vmem_shared>> -> memref<128x128xf32, #tpu.memory_space<vmem_shared>>
      %dma_start3A_38 = arith.constant 0 : i32
      %dma_start3A_39 = tpu.memref_slice %arg8[%add3A_13, %dma_start3A_38] : memref<10240x128xf32, #tpu.memory_space<vmem_shared>> -> memref<128x128xf32, #tpu.memory_space<vmem_shared>>
      tpu.enqueue_dma source(%arg7 : memref<128x128xf32, #tpu.memory_space<vmem>>) target(%dma_start3A_39 : memref<128x128xf32, #tpu.memory_space<vmem_shared>>) target_semaphore(%run_scoped3A : memref<!tpu.dma_semaphore, #tpu.memory_space<semaphore_mem>>)
      %dma_wait3A = arith.constant 0 : i32
      %dma_wait3A_40 = tpu.memref_slice %arg8[%add3A_13, %dma_wait3A] : memref<10240x128xf32, #tpu.memory_space<vmem_shared>> -> memref<128x128xf32, #tpu.memory_space<vmem_shared>>
      %dma_wait3A_41 = arith.constant 0 : i32
      %dma_wait3A_42 = tpu.memref_slice %arg8[%add3A_13, %dma_wait3A_41] : memref<10240x128xf32, #tpu.memory_space<vmem_shared>> -> memref<128x128xf32, #tpu.memory_space<vmem_shared>>
      tpu.wait_dma2 semaphore(%run_scoped3A : memref<!tpu.dma_semaphore, #tpu.memory_space<semaphore_mem>>) src(%arg7 : memref<128x128xf32, #tpu.memory_space<vmem>>) dst(%dma_wait3A_42 : memref<128x128xf32, #tpu.memory_space<vmem_shared>>)
      tpu.yield
    }) : () -> ()
    %mul3A_14 = arith.constant 640 : i32
    %mul3A_15 = arith.muli %arg1, %mul3A_14 : i32
    %add3A_16 = arith.constant 256 : i32
    %add3A_17 = arith.addi %mul3A_15, %add3A_16 : i32
    "tpu.region"() ({
      %run_scoped3A = tpu.sem_alloc : memref<!tpu.dma_semaphore, #tpu.memory_space<semaphore_mem>>
      %dma_start3A = arith.constant 0 : i32
      %dma_start3A_37 = tpu.memref_slice %arg8[%add3A_17, %dma_start3A] : memref<10240x128xf32, #tpu.memory_space<vmem_shared>> -> memref<128x128xf32, #tpu.memory_space<vmem_shared>>
      %dma_start3A_38 = arith.constant 0 : i32
      %dma_start3A_39 = tpu.memref_slice %arg8[%add3A_17, %dma_start3A_38] : memref<10240x128xf32, #tpu.memory_space<vmem_shared>> -> memref<128x128xf32, #tpu.memory_space<vmem_shared>>
      tpu.enqueue_dma source(%arg7 : memref<128x128xf32, #tpu.memory_space<vmem>>) target(%dma_start3A_39 : memref<128x128xf32, #tpu.memory_space<vmem_shared>>) target_semaphore(%run_scoped3A : memref<!tpu.dma_semaphore, #tpu.memory_space<semaphore_mem>>)
      %dma_wait3A = arith.constant 0 : i32
      %dma_wait3A_40 = tpu.memref_slice %arg8[%add3A_17, %dma_wait3A] : memref<10240x128xf32, #tpu.memory_space<vmem_shared>> -> memref<128x128xf32, #tpu.memory_space<vmem_shared>>
      %dma_wait3A_41 = arith.constant 0 : i32
      %dma_wait3A_42 = tpu.memref_slice %arg8[%add3A_17, %dma_wait3A_41] : memref<10240x128xf32, #tpu.memory_space<vmem_shared>> -> memref<128x128xf32, #tpu.memory_space<vmem_shared>>
      tpu.wait_dma2 semaphore(%run_scoped3A : memref<!tpu.dma_semaphore, #tpu.memory_space<semaphore_mem>>) src(%arg7 : memref<128x128xf32, #tpu.memory_space<vmem>>) dst(%dma_wait3A_42 : memref<128x128xf32, #tpu.memory_space<vmem_shared>>)
      tpu.yield
    }) : () -> ()
    %mul3A_18 = arith.constant 640 : i32
    %mul3A_19 = arith.muli %arg1, %mul3A_18 : i32
    %add3A_20 = arith.constant 384 : i32
    %add3A_21 = arith.addi %mul3A_19, %add3A_20 : i32
    "tpu.region"() ({
      %run_scoped3A = tpu.sem_alloc : memref<!tpu.dma_semaphore, #tpu.memory_space<semaphore_mem>>
      %dma_start3A = arith.constant 0 : i32
      %dma_start3A_37 = tpu.memref_slice %arg8[%add3A_21, %dma_start3A] : memref<10240x128xf32, #tpu.memory_space<vmem_shared>> -> memref<128x128xf32, #tpu.memory_space<vmem_shared>>
      %dma_start3A_38 = arith.constant 0 : i32
      %dma_start3A_39 = tpu.memref_slice %arg8[%add3A_21, %dma_start3A_38] : memref<10240x128xf32, #tpu.memory_space<vmem_shared>> -> memref<128x128xf32, #tpu.memory_space<vmem_shared>>
      tpu.enqueue_dma source(%arg7 : memref<128x128xf32, #tpu.memory_space<vmem>>) target(%dma_start3A_39 : memref<128x128xf32, #tpu.memory_space<vmem_shared>>) target_semaphore(%run_scoped3A : memref<!tpu.dma_semaphore, #tpu.memory_space<semaphore_mem>>)
      %dma_wait3A = arith.constant 0 : i32
      %dma_wait3A_40 = tpu.memref_slice %arg8[%add3A_21, %dma_wait3A] : memref<10240x128xf32, #tpu.memory_space<vmem_shared>> -> memref<128x128xf32, #tpu.memory_space<vmem_shared>>
      %dma_wait3A_41 = arith.constant 0 : i32
      %dma_wait3A_42 = tpu.memref_slice %arg8[%add3A_21, %dma_wait3A_41] : memref<10240x128xf32, #tpu.memory_space<vmem_shared>> -> memref<128x128xf32, #tpu.memory_space<vmem_shared>>
      tpu.wait_dma2 semaphore(%run_scoped3A : memref<!tpu.dma_semaphore, #tpu.memory_space<semaphore_mem>>) src(%arg7 : memref<128x128xf32, #tpu.memory_space<vmem>>) dst(%dma_wait3A_42 : memref<128x128xf32, #tpu.memory_space<vmem_shared>>)
      tpu.yield
    }) : () -> ()
    %mul3A_22 = arith.constant 640 : i32
    %mul3A_23 = arith.muli %arg1, %mul3A_22 : i32
    %add3A_24 = arith.constant 512 : i32
    %add3A_25 = arith.addi %mul3A_23, %add3A_24 : i32
    "tpu.region"() ({
      %run_scoped3A = tpu.sem_alloc : memref<!tpu.dma_semaphore, #tpu.memory_space<semaphore_mem>>
      %dma_start3A = arith.constant 0 : i32
      %dma_start3A_37 = tpu.memref_slice %arg8[%add3A_25, %dma_start3A] : memref<10240x128xf32, #tpu.memory_space<vmem_shared>> -> memref<128x128xf32, #tpu.memory_space<vmem_shared>>
      %dma_start3A_38 = arith.constant 0 : i32
      %dma_start3A_39 = tpu.memref_slice %arg8[%add3A_25, %dma_start3A_38] : memref<10240x128xf32, #tpu.memory_space<vmem_shared>> -> memref<128x128xf32, #tpu.memory_space<vmem_shared>>
      tpu.enqueue_dma source(%arg7 : memref<128x128xf32, #tpu.memory_space<vmem>>) target(%dma_start3A_39 : memref<128x128xf32, #tpu.memory_space<vmem_shared>>) target_semaphore(%run_scoped3A : memref<!tpu.dma_semaphore, #tpu.memory_space<semaphore_mem>>)
      %dma_wait3A = arith.constant 0 : i32
      %dma_wait3A_40 = tpu.memref_slice %arg8[%add3A_25, %dma_wait3A] : memref<10240x128xf32, #tpu.memory_space<vmem_shared>> -> memref<128x128xf32, #tpu.memory_space<vmem_shared>>
      %dma_wait3A_41 = arith.constant 0 : i32
      %dma_wait3A_42 = tpu.memref_slice %arg8[%add3A_25, %dma_wait3A_41] : memref<10240x128xf32, #tpu.memory_space<vmem_shared>> -> memref<128x128xf32, #tpu.memory_space<vmem_shared>>
      tpu.wait_dma2 semaphore(%run_scoped3A : memref<!tpu.dma_semaphore, #tpu.memory_space<semaphore_mem>>) src(%arg7 : memref<128x128xf32, #tpu.memory_space<vmem>>) dst(%dma_wait3A_42 : memref<128x128xf32, #tpu.memory_space<vmem_shared>>)
      tpu.yield
    }) : () -> ()
    %barrier3A = arith.constant 0 : index
    tpu.barrier barrier_id(%barrier3A)
    %scan3A_26 = arith.constant 0 : i32
    %scan3A_27 = arith.constant 0 : i32
    %scan3A_28 = arith.constant 81 : i32
    %scan3A_29 = arith.addi %scan3A_27, %scan3A_28 : i32
    %scan3A_30 = arith.constant 1 : i32
    scf.for %scan3A_37 = %scan3A_27 to %scan3A_29 step %scan3A_30  : i32 {
      "tpu.region"() ({
        %run_scoped3A_109 = tpu.sem_alloc : memref<!tpu.dma_semaphore, #tpu.memory_space<semaphore_mem>>
        %dma_start3A_110 = arith.constant 0 : i32
        %dma_start3A_111 = arith.constant 0 : i32
        %dma_start3A_112 = tpu.memref_slice %arg2[%add3A, %scan3A_37, %dma_start3A_110, %dma_start3A_111] : memref<32x81x3x128xi32, #tpu.memory_space<hbm>> -> memref<1x1x3x128xi32, #tpu.memory_space<hbm>>
        %dma_start3A_113 = tpu.memref_squeeze %dma_start3A_112 : memref<1x1x3x128xi32, #tpu.memory_space<hbm>> -> memref<3x128xi32, #tpu.memory_space<hbm>>
        %dma_start3A_114 = arith.constant 0 : i32
        %dma_start3A_115 = arith.constant 0 : i32
        %dma_start3A_116 = tpu.memref_slice %arg2[%add3A, %scan3A_37, %dma_start3A_114, %dma_start3A_115] : memref<32x81x3x128xi32, #tpu.memory_space<hbm>> -> memref<1x1x3x128xi32, #tpu.memory_space<hbm>>
        %dma_start3A_117 = tpu.memref_squeeze %dma_start3A_116 : memref<1x1x3x128xi32, #tpu.memory_space<hbm>> -> memref<3x128xi32, #tpu.memory_space<hbm>>
        tpu.enqueue_dma source(%dma_start3A_117 : memref<3x128xi32, #tpu.memory_space<hbm>>) target(%arg5 : memref<3x128xi32, #tpu.memory_space<vmem>>) target_semaphore(%run_scoped3A_109 : memref<!tpu.dma_semaphore, #tpu.memory_space<semaphore_mem>>)
        %dma_wait3A_118 = arith.constant 0 : i32
        %dma_wait3A_119 = arith.constant 0 : i32
        %dma_wait3A_120 = tpu.memref_slice %arg2[%add3A, %scan3A_37, %dma_wait3A_118, %dma_wait3A_119] : memref<32x81x3x128xi32, #tpu.memory_space<hbm>> -> memref<1x1x3x128xi32, #tpu.memory_space<hbm>>
        %dma_wait3A_121 = tpu.memref_squeeze %dma_wait3A_120 : memref<1x1x3x128xi32, #tpu.memory_space<hbm>> -> memref<3x128xi32, #tpu.memory_space<hbm>>
        %dma_wait3A_122 = arith.constant 0 : i32
        %dma_wait3A_123 = arith.constant 0 : i32
        %dma_wait3A_124 = tpu.memref_slice %arg2[%add3A, %scan3A_37, %dma_wait3A_122, %dma_wait3A_123] : memref<32x81x3x128xi32, #tpu.memory_space<hbm>> -> memref<1x1x3x128xi32, #tpu.memory_space<hbm>>
        %dma_wait3A_125 = tpu.memref_squeeze %dma_wait3A_124 : memref<1x1x3x128xi32, #tpu.memory_space<hbm>> -> memref<3x128xi32, #tpu.memory_space<hbm>>
        tpu.wait_dma2 semaphore(%run_scoped3A_109 : memref<!tpu.dma_semaphore, #tpu.memory_space<semaphore_mem>>) src(%dma_wait3A_125 : memref<3x128xi32, #tpu.memory_space<hbm>>) dst(%arg5 : memref<3x128xi32, #tpu.memory_space<vmem>>)
        tpu.yield
      }) : () -> ()
      %dma_start3A = arith.constant 0 : i32
      %dma_start3A_38 = arith.constant 0 : i32
      %dma_start3A_39 = tpu.memref_slice %arg5[%dma_start3A, %dma_start3A_38] : memref<3x128xi32, #tpu.memory_space<vmem>> -> memref<1x128xi32, #tpu.memory_space<vmem>>
      %dma_start3A_40 = tpu.memref_squeeze %dma_start3A_39 : memref<1x128xi32, #tpu.memory_space<vmem>> -> memref<128xi32, #tpu.memory_space<vmem>>
      %dma_start3A_41 = arith.constant 0 : i32
      %dma_start3A_42 = arith.constant 0 : i32
      %dma_start3A_43 = tpu.memref_slice %arg3[%dma_start3A_41, %dma_start3A_42] : memref<10240x128xf32, #tpu.memory_space<hbm>> -> memref<10240x128xf32, #tpu.memory_space<hbm>>
      tpu.enqueue_indirect_dma source(%dma_start3A_43 : memref<10240x128xf32, #tpu.memory_space<hbm>>) target(%arg7 : memref<128x128xf32, #tpu.memory_space<vmem>>) offsets(%dma_start3A_40 : memref<128xi32, #tpu.memory_space<vmem>>) semaphore(%arg9 : memref<!tpu.dma_semaphore, #tpu.memory_space<semaphore_mem>>)
      %dma_wait3A = arith.constant 0 : i32
      %dma_wait3A_44 = arith.constant 0 : i32
      %dma_wait3A_45 = tpu.memref_slice %arg5[%dma_wait3A, %dma_wait3A_44] : memref<3x128xi32, #tpu.memory_space<vmem>> -> memref<1x128xi32, #tpu.memory_space<vmem>>
      %dma_wait3A_46 = tpu.memref_squeeze %dma_wait3A_45 : memref<1x128xi32, #tpu.memory_space<vmem>> -> memref<128xi32, #tpu.memory_space<vmem>>
      %dma_wait3A_47 = arith.constant 0 : i32
      %dma_wait3A_48 = arith.constant 0 : i32
      %dma_wait3A_49 = tpu.memref_slice %arg3[%dma_wait3A_47, %dma_wait3A_48] : memref<10240x128xf32, #tpu.memory_space<hbm>> -> memref<10240x128xf32, #tpu.memory_space<hbm>>
      tpu.wait_indirect_dma semaphore(%arg9 : memref<!tpu.dma_semaphore, #tpu.memory_space<semaphore_mem>>) src(%dma_wait3A_49 : memref<10240x128xf32, #tpu.memory_space<hbm>>) dst(%arg7 : memref<128x128xf32, #tpu.memory_space<vmem>>)
      %get3A = arith.constant 2 : i32
      %get3A_50 = arith.index_cast %get3A : i32 to index
      %get3A_51 = arith.constant 0 : index
      %get3A_52 = tpu.vector_load %arg5[%get3A_50, %get3A_51] {strides = array<i32>} : memref<3x128xi32, #tpu.memory_space<vmem>>, vector<16xi32>,
      %bitcast3A = vector.bitcast %get3A_52 : vector<16xi32> to vector<16xf32>
      %swap3A = arith.constant 0 : index
      %swap3A_53 = tpu.vector_load %arg6[%swap3A] {strides = array<i32>} : memref<128xf32, #tpu.memory_space<vmem>>, vector<16xf32>,
      tpu.vector_store %arg6[%swap3A], %bitcast3A {strides = array<i32>} : memref<128xf32, #tpu.memory_space<vmem>>, vector<16xf32>,
      %get3A_54 = arith.constant 2 : i32
      %get3A_55 = arith.index_cast %get3A_54 : i32 to index
      %get3A_56 = arith.constant 16 : index
      %get3A_57 = tpu.vector_load %arg5[%get3A_55, %get3A_56] {strides = array<i32>} : memref<3x128xi32, #tpu.memory_space<vmem>>, vector<16xi32>,
      %bitcast3A_58 = vector.bitcast %get3A_57 : vector<16xi32> to vector<16xf32>
      %swap3A_59 = arith.constant 16 : index
      %swap3A_60 = tpu.vector_load %arg6[%swap3A_59] {strides = array<i32>} : memref<128xf32, #tpu.memory_space<vmem>>, vector<16xf32>,
      tpu.vector_store %arg6[%swap3A_59], %bitcast3A_58 {strides = array<i32>} : memref<128xf32, #tpu.memory_space<vmem>>, vector<16xf32>,
      %get3A_61 = arith.constant 2 : i32
      %get3A_62 = arith.index_cast %get3A_61 : i32 to index
      %get3A_63 = arith.constant 32 : index
      %get3A_64 = tpu.vector_load %arg5[%get3A_62, %get3A_63] {strides = array<i32>} : memref<3x128xi32, #tpu.memory_space<vmem>>, vector<16xi32>,
      %bitcast3A_65 = vector.bitcast %get3A_64 : vector<16xi32> to vector<16xf32>
      %swap3A_66 = arith.constant 32 : index
      %swap3A_67 = tpu.vector_load %arg6[%swap3A_66] {strides = array<i32>} : memref<128xf32, #tpu.memory_space<vmem>>, vector<16xf32>,
      tpu.vector_store %arg6[%swap3A_66], %bitcast3A_65 {strides = array<i32>} : memref<128xf32, #tpu.memory_space<vmem>>, vector<16xf32>,
      %get3A_68 = arith.constant 2 : i32
      %get3A_69 = arith.index_cast %get3A_68 : i32 to index
      %get3A_70 = arith.constant 48 : index
      %get3A_71 = tpu.vector_load %arg5[%get3A_69, %get3A_70] {strides = array<i32>} : memref<3x128xi32, #tpu.memory_space<vmem>>, vector<16xi32>,
      %bitcast3A_72 = vector.bitcast %get3A_71 : vector<16xi32> to vector<16xf32>
      %swap3A_73 = arith.constant 48 : index
      %swap3A_74 = tpu.vector_load %arg6[%swap3A_73] {strides = array<i32>} : memref<128xf32, #tpu.memory_space<vmem>>, vector<16xf32>,
      tpu.vector_store %arg6[%swap3A_73], %bitcast3A_72 {strides = array<i32>} : memref<128xf32, #tpu.memory_space<vmem>>, vector<16xf32>,
      %get3A_75 = arith.constant 2 : i32
      %get3A_76 = arith.index_cast %get3A_75 : i32 to index
      %get3A_77 = arith.constant 64 : index
      %get3A_78 = tpu.vector_load %arg5[%get3A_76, %get3A_77] {strides = array<i32>} : memref<3x128xi32, #tpu.memory_space<vmem>>, vector<16xi32>,
      %bitcast3A_79 = vector.bitcast %get3A_78 : vector<16xi32> to vector<16xf32>
      %swap3A_80 = arith.constant 64 : index
      %swap3A_81 = tpu.vector_load %arg6[%swap3A_80] {strides = array<i32>} : memref<128xf32, #tpu.memory_space<vmem>>, vector<16xf32>,
      tpu.vector_store %arg6[%swap3A_80], %bitcast3A_79 {strides = array<i32>} : memref<128xf32, #tpu.memory_space<vmem>>, vector<16xf32>,
      %get3A_82 = arith.constant 2 : i32
      %get3A_83 = arith.index_cast %get3A_82 : i32 to index
      %get3A_84 = arith.constant 80 : index
      %get3A_85 = tpu.vector_load %arg5[%get3A_83, %get3A_84] {strides = array<i32>} : memref<3x128xi32, #tpu.memory_space<vmem>>, vector<16xi32>,
      %bitcast3A_86 = vector.bitcast %get3A_85 : vector<16xi32> to vector<16xf32>
      %swap3A_87 = arith.constant 80 : index
      %swap3A_88 = tpu.vector_load %arg6[%swap3A_87] {strides = array<i32>} : memref<128xf32, #tpu.memory_space<vmem>>, vector<16xf32>,
      tpu.vector_store %arg6[%swap3A_87], %bitcast3A_86 {strides = array<i32>} : memref<128xf32, #tpu.memory_space<vmem>>, vector<16xf32>,
      %get3A_89 = arith.constant 2 : i32
      %get3A_90 = arith.index_cast %get3A_89 : i32 to index
      %get3A_91 = arith.constant 96 : index
      %get3A_92 = tpu.vector_load %arg5[%get3A_90, %get3A_91] {strides = array<i32>} : memref<3x128xi32, #tpu.memory_space<vmem>>, vector<16xi32>,
      %bitcast3A_93 = vector.bitcast %get3A_92 : vector<16xi32> to vector<16xf32>
      %swap3A_94 = arith.constant 96 : index
      %swap3A_95 = tpu.vector_load %arg6[%swap3A_94] {strides = array<i32>} : memref<128xf32, #tpu.memory_space<vmem>>, vector<16xf32>,
      tpu.vector_store %arg6[%swap3A_94], %bitcast3A_93 {strides = array<i32>} : memref<128xf32, #tpu.memory_space<vmem>>, vector<16xf32>,
      %get3A_96 = arith.constant 2 : i32
      %get3A_97 = arith.index_cast %get3A_96 : i32 to index
      %get3A_98 = arith.constant 112 : index
      %get3A_99 = tpu.vector_load %arg5[%get3A_97, %get3A_98] {strides = array<i32>} : memref<3x128xi32, #tpu.memory_space<vmem>>, vector<16xi32>,
      %bitcast3A_100 = vector.bitcast %get3A_99 : vector<16xi32> to vector<16xf32>
      %swap3A_101 = arith.constant 112 : index
      %swap3A_102 = tpu.vector_load %arg6[%swap3A_101] {strides = array<i32>} : memref<128xf32, #tpu.memory_space<vmem>>, vector<16xf32>,
      tpu.vector_store %arg6[%swap3A_101], %bitcast3A_100 {strides = array<i32>} : memref<128xf32, #tpu.memory_space<vmem>>, vector<16xf32>,
      %scan3A_103 = arith.constant 0 : i32
      %scan3A_104 = arith.constant 0 : i32
      %scan3A_105 = arith.constant 128 : i32
      %scan3A_106 = arith.addi %scan3A_104, %scan3A_105 : i32
      %scan3A_107 = arith.constant 1 : i32
      scf.for %scan3A_109 = %scan3A_104 to %scan3A_106 step %scan3A_107  : i32 {
        %broadcast_in_dim3A = arith.constant 0 : i32
        %broadcast_in_dim3A_110 = vector.broadcast %broadcast_in_dim3A : i32 to vector<16xi32>
        %add3A_111 = vector.broadcast %scan3A_109 : i32 to vector<16xi32>
        %add3A_112 = arith.addi %broadcast_in_dim3A_110, %add3A_111 : vector<16xi32>
        %gather3A = tpu.vector_load_idx %arg6[%add3A_112] : memref<128xf32, #tpu.memory_space<vmem>>[vector<16xi32>], vector<16xf32>,
        %get3A_113 = arith.index_cast %scan3A_109 : i32 to index
        %get3A_114 = arith.constant 0 : index
        %get3A_115 = tpu.vector_load %arg7[%get3A_113, %get3A_114] {strides = array<i32>} : memref<128x128xf32, #tpu.memory_space<vmem>>, vector<16xf32>,
        %mul3A_116 = arith.mulf %get3A_115, %gather3A : vector<16xf32>
        %swap3A_117 = arith.index_cast %scan3A_109 : i32 to index
        %swap3A_118 = arith.constant 0 : index
        %swap3A_119 = tpu.vector_load %arg7[%swap3A_117, %swap3A_118] {strides = array<i32>} : memref<128x128xf32, #tpu.memory_space<vmem>>, vector<16xf32>,
        tpu.vector_store %arg7[%swap3A_117, %swap3A_118], %mul3A_116 {strides = array<i32>} : memref<128x128xf32, #tpu.memory_space<vmem>>, vector<16xf32>,
        %get3A_120 = arith.index_cast %scan3A_109 : i32 to index
        %get3A_121 = arith.constant 16 : index
        %get3A_122 = tpu.vector_load %arg7[%get3A_120, %get3A_121] {strides = array<i32>} : memref<128x128xf32, #tpu.memory_space<vmem>>, vector<16xf32>,
        %mul3A_123 = arith.mulf %get3A_122, %gather3A : vector<16xf32>
        %swap3A_124 = arith.index_cast %scan3A_109 : i32 to index
        %swap3A_125 = arith.constant 16 : index
        %swap3A_126 = tpu.vector_load %arg7[%swap3A_124, %swap3A_125] {strides = array<i32>} : memref<128x128xf32, #tpu.memory_space<vmem>>, vector<16xf32>,
        tpu.vector_store %arg7[%swap3A_124, %swap3A_125], %mul3A_123 {strides = array<i32>} : memref<128x128xf32, #tpu.memory_space<vmem>>, vector<16xf32>,
        %get3A_127 = arith.index_cast %scan3A_109 : i32 to index
        %get3A_128 = arith.constant 32 : index
        %get3A_129 = tpu.vector_load %arg7[%get3A_127, %get3A_128] {strides = array<i32>} : memref<128x128xf32, #tpu.memory_space<vmem>>, vector<16xf32>,
        %mul3A_130 = arith.mulf %get3A_129, %gather3A : vector<16xf32>
        %swap3A_131 = arith.index_cast %scan3A_109 : i32 to index
        %swap3A_132 = arith.constant 32 : index
        %swap3A_133 = tpu.vector_load %arg7[%swap3A_131, %swap3A_132] {strides = array<i32>} : memref<128x128xf32, #tpu.memory_space<vmem>>, vector<16xf32>,
        tpu.vector_store %arg7[%swap3A_131, %swap3A_132], %mul3A_130 {strides = array<i32>} : memref<128x128xf32, #tpu.memory_space<vmem>>, vector<16xf32>,
        %get3A_134 = arith.index_cast %scan3A_109 : i32 to index
        %get3A_135 = arith.constant 48 : index
        %get3A_136 = tpu.vector_load %arg7[%get3A_134, %get3A_135] {strides = array<i32>} : memref<128x128xf32, #tpu.memory_space<vmem>>, vector<16xf32>,
        %mul3A_137 = arith.mulf %get3A_136, %gather3A : vector<16xf32>
        %swap3A_138 = arith.index_cast %scan3A_109 : i32 to index
        %swap3A_139 = arith.constant 48 : index
        %swap3A_140 = tpu.vector_load %arg7[%swap3A_138, %swap3A_139] {strides = array<i32>} : memref<128x128xf32, #tpu.memory_space<vmem>>, vector<16xf32>,
        tpu.vector_store %arg7[%swap3A_138, %swap3A_139], %mul3A_137 {strides = array<i32>} : memref<128x128xf32, #tpu.memory_space<vmem>>, vector<16xf32>,
        %get3A_141 = arith.index_cast %scan3A_109 : i32 to index
        %get3A_142 = arith.constant 64 : index
        %get3A_143 = tpu.vector_load %arg7[%get3A_141, %get3A_142] {strides = array<i32>} : memref<128x128xf32, #tpu.memory_space<vmem>>, vector<16xf32>,
        %mul3A_144 = arith.mulf %get3A_143, %gather3A : vector<16xf32>
        %swap3A_145 = arith.index_cast %scan3A_109 : i32 to index
        %swap3A_146 = arith.constant 64 : index
        %swap3A_147 = tpu.vector_load %arg7[%swap3A_145, %swap3A_146] {strides = array<i32>} : memref<128x128xf32, #tpu.memory_space<vmem>>, vector<16xf32>,
        tpu.vector_store %arg7[%swap3A_145, %swap3A_146], %mul3A_144 {strides = array<i32>} : memref<128x128xf32, #tpu.memory_space<vmem>>, vector<16xf32>,
        %get3A_148 = arith.index_cast %scan3A_109 : i32 to index
        %get3A_149 = arith.constant 80 : index
        %get3A_150 = tpu.vector_load %arg7[%get3A_148, %get3A_149] {strides = array<i32>} : memref<128x128xf32, #tpu.memory_space<vmem>>, vector<16xf32>,
        %mul3A_151 = arith.mulf %get3A_150, %gather3A : vector<16xf32>
        %swap3A_152 = arith.index_cast %scan3A_109 : i32 to index
        %swap3A_153 = arith.constant 80 : index
        %swap3A_154 = tpu.vector_load %arg7[%swap3A_152, %swap3A_153] {strides = array<i32>} : memref<128x128xf32, #tpu.memory_space<vmem>>, vector<16xf32>,
        tpu.vector_store %arg7[%swap3A_152, %swap3A_153], %mul3A_151 {strides = array<i32>} : memref<128x128xf32, #tpu.memory_space<vmem>>, vector<16xf32>,
        %get3A_155 = arith.index_cast %scan3A_109 : i32 to index
        %get3A_156 = arith.constant 96 : index
        %get3A_157 = tpu.vector_load %arg7[%get3A_155, %get3A_156] {strides = array<i32>} : memref<128x128xf32, #tpu.memory_space<vmem>>, vector<16xf32>,
        %mul3A_158 = arith.mulf %get3A_157, %gather3A : vector<16xf32>
        %swap3A_159 = arith.index_cast %scan3A_109 : i32 to index
        %swap3A_160 = arith.constant 96 : index
        %swap3A_161 = tpu.vector_load %arg7[%swap3A_159, %swap3A_160] {strides = array<i32>} : memref<128x128xf32, #tpu.memory_space<vmem>>, vector<16xf32>,
        tpu.vector_store %arg7[%swap3A_159, %swap3A_160], %mul3A_158 {strides = array<i32>} : memref<128x128xf32, #tpu.memory_space<vmem>>, vector<16xf32>,
        %get3A_162 = arith.index_cast %scan3A_109 : i32 to index
        %get3A_163 = arith.constant 112 : index
        %get3A_164 = tpu.vector_load %arg7[%get3A_162, %get3A_163] {strides = array<i32>} : memref<128x128xf32, #tpu.memory_space<vmem>>, vector<16xf32>,
        %mul3A_165 = arith.mulf %get3A_164, %gather3A : vector<16xf32>
        %swap3A_166 = arith.index_cast %scan3A_109 : i32 to index
        %swap3A_167 = arith.constant 112 : index
        %swap3A_168 = tpu.vector_load %arg7[%swap3A_166, %swap3A_167] {strides = array<i32>} : memref<128x128xf32, #tpu.memory_space<vmem>>, vector<16xf32>,
        tpu.vector_store %arg7[%swap3A_166, %swap3A_167], %mul3A_165 {strides = array<i32>} : memref<128x128xf32, #tpu.memory_space<vmem>>, vector<16xf32>,
      }
      %scan3A_108 = arith.constant 128 : i32
      %run_scoped3A = arith.constant 1 : i32
      "tpu.region"() ({
        %run_scoped3A_109 = tpu.sem_alloc : memref<!tpu.dma_semaphore, #tpu.memory_space<semaphore_mem>>
        %dma_start3A_110 = arith.constant 0 : i32
        %dma_start3A_111 = tpu.memref_slice %arg5[%run_scoped3A, %dma_start3A_110] : memref<3x128xi32, #tpu.memory_space<vmem>> -> memref<1x128xi32, #tpu.memory_space<vmem>>
        %dma_start3A_112 = tpu.memref_squeeze %dma_start3A_111 : memref<1x128xi32, #tpu.memory_space<vmem>> -> memref<128xi32, #tpu.memory_space<vmem>>
        %dma_start3A_113 = arith.constant 0 : i32
        %dma_start3A_114 = arith.constant 0 : i32
        %dma_start3A_115 = tpu.memref_slice %arg8[%dma_start3A_113, %dma_start3A_114] : memref<10240x128xf32, #tpu.memory_space<vmem_shared>> -> memref<10240x128xf32, #tpu.memory_space<vmem_shared>>
        tpu.enqueue_indirect_dma source(%arg7 : memref<128x128xf32, #tpu.memory_space<vmem>>) target(%dma_start3A_115 : memref<10240x128xf32, #tpu.memory_space<vmem_shared>>) offsets(%dma_start3A_112 : memref<128xi32, #tpu.memory_space<vmem>>) semaphore(%run_scoped3A_109 : memref<!tpu.dma_semaphore, #tpu.memory_space<semaphore_mem>>) {add = true}
        %dma_wait3A_116 = arith.constant 0 : i32
        %dma_wait3A_117 = tpu.memref_slice %arg5[%run_scoped3A, %dma_wait3A_116] : memref<3x128xi32, #tpu.memory_space<vmem>> -> memref<1x128xi32, #tpu.memory_space<vmem>>
        %dma_wait3A_118 = tpu.memref_squeeze %dma_wait3A_117 : memref<1x128xi32, #tpu.memory_space<vmem>> -> memref<128xi32, #tpu.memory_space<vmem>>
        %dma_wait3A_119 = arith.constant 0 : i32
        %dma_wait3A_120 = arith.constant 0 : i32
        %dma_wait3A_121 = tpu.memref_slice %arg8[%dma_wait3A_119, %dma_wait3A_120] : memref<10240x128xf32, #tpu.memory_space<vmem_shared>> -> memref<10240x128xf32, #tpu.memory_space<vmem_shared>>
        tpu.wait_indirect_dma semaphore(%run_scoped3A_109 : memref<!tpu.dma_semaphore, #tpu.memory_space<semaphore_mem>>) src(%arg7 : memref<128x128xf32, #tpu.memory_space<vmem>>) dst(%dma_wait3A_121 : memref<10240x128xf32, #tpu.memory_space<vmem_shared>>)
        tpu.yield
      }) : () -> ()
    }
    %scan3A_31 = arith.constant 81 : i32
    %barrier3A_32 = arith.constant 0 : index
    tpu.barrier barrier_id(%barrier3A_32)
    %mul3A_33 = arith.constant 640 : i32
    %mul3A_34 = arith.muli %arg1, %mul3A_33 : i32
    %mul3A_35 = arith.constant 640 : i32
    %mul3A_36 = arith.muli %arg1, %mul3A_35 : i32
    "tpu.region"() ({
      %run_scoped3A = tpu.sem_alloc : memref<!tpu.dma_semaphore, #tpu.memory_space<semaphore_mem>>
      %dma_start3A = arith.constant 0 : i32
      %dma_start3A_37 = tpu.memref_slice %arg4[%arg0, %mul3A_36, %dma_start3A] : memref<2x10240x128xf32, #tpu.memory_space<hbm>> -> memref<1x640x128xf32, #tpu.memory_space<hbm>>
      %dma_start3A_38 = tpu.memref_squeeze %dma_start3A_37 : memref<1x640x128xf32, #tpu.memory_space<hbm>> -> memref<640x128xf32, #tpu.memory_space<hbm>>
      %dma_start3A_39 = arith.constant 0 : i32
      %dma_start3A_40 = tpu.memref_slice %arg8[%mul3A_34, %dma_start3A_39] : memref<10240x128xf32, #tpu.memory_space<vmem_shared>> -> memref<640x128xf32, #tpu.memory_space<vmem_shared>>
      tpu.enqueue_dma source(%dma_start3A_40 : memref<640x128xf32, #tpu.memory_space<vmem_shared>>) target(%dma_start3A_38 : memref<640x128xf32, #tpu.memory_space<hbm>>) target_semaphore(%run_scoped3A : memref<!tpu.dma_semaphore, #tpu.memory_space<semaphore_mem>>)
      %dma_wait3A = arith.constant 0 : i32
      %dma_wait3A_41 = tpu.memref_slice %arg4[%arg0, %mul3A_36, %dma_wait3A] : memref<2x10240x128xf32, #tpu.memory_space<hbm>> -> memref<1x640x128xf32, #tpu.memory_space<hbm>>
      %dma_wait3A_42 = tpu.memref_squeeze %dma_wait3A_41 : memref<1x640x128xf32, #tpu.memory_space<hbm>> -> memref<640x128xf32, #tpu.memory_space<hbm>>
      %dma_wait3A_43 = arith.constant 0 : i32
      %dma_wait3A_44 = tpu.memref_slice %arg8[%mul3A_34, %dma_wait3A_43] : memref<10240x128xf32, #tpu.memory_space<vmem_shared>> -> memref<640x128xf32, #tpu.memory_space<vmem_shared>>
      tpu.wait_dma2 semaphore(%run_scoped3A : memref<!tpu.dma_semaphore, #tpu.memory_space<semaphore_mem>>) src(%dma_wait3A_44 : memref<640x128xf32, #tpu.memory_space<vmem_shared>>) dst(%dma_wait3A_42 : memref<640x128xf32, #tpu.memory_space<hbm>>)
      tpu.yield
    }) : () -> ()
    return
  }
}

module attributes {stable_mosaic.version = 14 : i64} {
  func.func @_prologue_body(%arg0: memref<10240x128xf32, #tpu.memory_space<vmem>>, %arg1: memref<128x128xf32, #tpu.memory_space<vmem>>, %arg2: memref<1x128xf32, #tpu.memory_space<vmem>>, %arg3: memref<1x128xf32, #tpu.memory_space<vmem>>, %arg4: memref<2500x128xf32, #tpu.memory_space<vmem>>, %arg5: memref<1x128xf32, #tpu.memory_space<vmem>>, %arg6: memref<1x128xf32, #tpu.memory_space<vmem>>, %arg7: memref<1x128xf32, #tpu.memory_space<vmem>>, %arg8: memref<1x128xf32, #tpu.memory_space<vmem>>, %arg9: memref<1x128xf32, #tpu.memory_space<vmem>>, %arg10: memref<1x128xf32, #tpu.memory_space<vmem>>, %arg11: memref<10240x128xf32, #tpu.memory_space<vmem>>, %arg12: memref<10240x1xf32, #tpu.memory_space<vmem>>, %arg13: memref<10240x1xf32, #tpu.memory_space<vmem>>, %arg14: memref<8x128xf32, #tpu.memory_space<vmem>>) attributes {dimension_semantics = [], scalar_prefetch = 0 : i64, scratch_operands = 0 : i64, tpu.core_type = #tpu.core_type<tc>} {
    %get3A = arith.constant 0 : index
    %get3A_0 = arith.constant 0 : index
    %get3A_1 = vector.load %arg0[%get3A, %get3A_0] : memref<10240x128xf32, #tpu.memory_space<vmem>>, vector<10240x128xf32>
    %get3A_2 = arith.constant 0 : index
    %get3A_3 = arith.constant 0 : index
    %get3A_4 = vector.load %arg1[%get3A_2, %get3A_3] : memref<128x128xf32, #tpu.memory_space<vmem>>, vector<128x128xf32>
    %dot_general3A = arith.constant dense<0.000000e+00> : vector<10240x128xf32>
    %dot_general3A_5 = tpu.matmul %get3A_1, %get3A_4, %dot_general3A {dimension_numbers = #tpu.dot_dimension_numbers<[1], [0], [0], [1], [0, 0, 1, 1], [], []>, transpose_lhs_hint = false} : vector<10240x128xf32>, vector<128x128xf32>, vector<10240x128xf32> -> vector<10240x128xf32>
    %swap3A = arith.constant 0 : index
    %swap3A_6 = arith.constant 0 : index
    %swap3A_7 = vector.load %arg11[%swap3A, %swap3A_6] : memref<10240x128xf32, #tpu.memory_space<vmem>>, vector<10240x128xf32>
    tpu.vector_store %arg11[%swap3A, %swap3A_6], %dot_general3A_5 {strides = array<i32>} : memref<10240x128xf32, #tpu.memory_space<vmem>>, vector<10240x128xf32>,
    %get3A_8 = arith.constant 0 : index
    %get3A_9 = arith.constant 0 : index
    %get3A_10 = vector.load %arg2[%get3A_8, %get3A_9] : memref<1x128xf32, #tpu.memory_space<vmem>>, vector<1x128xf32>
    %mul3A = vector.broadcast %get3A_10 : vector<1x128xf32> to vector<10240x128xf32>
    %mul3A_11 = arith.mulf %dot_general3A_5, %mul3A : vector<10240x128xf32>
    %reduce_sum3A = arith.constant dense<0.000000e+00> : vector<10240xf32>
    %reduce_sum3A_12 = vector.multi_reduction <add>, %mul3A_11, %reduce_sum3A [1] : vector<10240x128xf32> to vector<10240xf32>
    %broadcast_in_dim3A = vector.shape_cast %reduce_sum3A_12 : vector<10240xf32> to vector<10240x1xf32>
    %swap3A_13 = arith.constant 0 : index
    %swap3A_14 = arith.constant 0 : index
    %swap3A_15 = vector.load %arg12[%swap3A_13, %swap3A_14] : memref<10240x1xf32, #tpu.memory_space<vmem>>, vector<10240x1xf32>
    tpu.vector_store %arg12[%swap3A_13, %swap3A_14], %broadcast_in_dim3A {strides = array<i32>} : memref<10240x1xf32, #tpu.memory_space<vmem>>, vector<10240x1xf32>,
    %get3A_16 = arith.constant 0 : index
    %get3A_17 = arith.constant 0 : index
    %get3A_18 = vector.load %arg3[%get3A_16, %get3A_17] : memref<1x128xf32, #tpu.memory_space<vmem>>, vector<1x128xf32>
    %mul3A_19 = vector.broadcast %get3A_18 : vector<1x128xf32> to vector<10240x128xf32>
    %mul3A_20 = arith.mulf %dot_general3A_5, %mul3A_19 : vector<10240x128xf32>
    %reduce_sum3A_21 = arith.constant dense<0.000000e+00> : vector<10240xf32>
    %reduce_sum3A_22 = vector.multi_reduction <add>, %mul3A_20, %reduce_sum3A_21 [1] : vector<10240x128xf32> to vector<10240xf32>
    %broadcast_in_dim3A_23 = vector.shape_cast %reduce_sum3A_22 : vector<10240xf32> to vector<10240x1xf32>
    %swap3A_24 = arith.constant 0 : index
    %swap3A_25 = arith.constant 0 : index
    %swap3A_26 = vector.load %arg13[%swap3A_24, %swap3A_25] : memref<10240x1xf32, #tpu.memory_space<vmem>>, vector<10240x1xf32>
    tpu.vector_store %arg13[%swap3A_24, %swap3A_25], %broadcast_in_dim3A_23 {strides = array<i32>} : memref<10240x1xf32, #tpu.memory_space<vmem>>, vector<10240x1xf32>,
    %get3A_27 = arith.constant 0 : index
    %get3A_28 = arith.constant 0 : index
    %get3A_29 = vector.load %arg4[%get3A_27, %get3A_28] : memref<2500x128xf32, #tpu.memory_space<vmem>>, vector<2500x128xf32>
    %reduce_sum3A_30 = vector.shape_cast %get3A_29 : vector<2500x128xf32> to vector<1x2500x128xf32>
    %reduce_sum3A_31 = arith.constant dense<0.000000e+00> : vector<1xf32>
    %reduce_sum3A_32 = vector.multi_reduction <add>, %reduce_sum3A_30, %reduce_sum3A_31 [1, 2] : vector<1x2500x128xf32> to vector<1xf32>
    %reduce_sum3A_33 = vector.shape_cast %reduce_sum3A_32 : vector<1xf32> to vector<1x1x1xf32>
    %reduce_sum3A_34 = vector.extract %reduce_sum3A_33[0, 0, 0] : f32 from vector<1x1x1xf32>
    %div3A = arith.constant 3.200000e+05 : f32
    %div3A_35 = arith.divf %reduce_sum3A_34, %div3A : f32
    %get3A_36 = arith.constant 0 : index
    %get3A_37 = arith.constant 0 : index
    %get3A_38 = vector.load %arg5[%get3A_36, %get3A_37] : memref<1x128xf32, #tpu.memory_space<vmem>>, vector<1x128xf32>
    %get3A_39 = arith.constant 0 : index
    %get3A_40 = arith.constant 0 : index
    %get3A_41 = vector.load %arg6[%get3A_39, %get3A_40] : memref<1x128xf32, #tpu.memory_space<vmem>>, vector<1x128xf32>
    %mul3A_42 = arith.mulf %get3A_38, %get3A_41 : vector<1x128xf32>
    %reduce_sum3A_43 = vector.shape_cast %mul3A_42 : vector<1x128xf32> to vector<1x1x128xf32>
    %reduce_sum3A_44 = arith.constant dense<0.000000e+00> : vector<1xf32>
    %reduce_sum3A_45 = vector.multi_reduction <add>, %reduce_sum3A_43, %reduce_sum3A_44 [1, 2] : vector<1x1x128xf32> to vector<1xf32>
    %reduce_sum3A_46 = vector.shape_cast %reduce_sum3A_45 : vector<1xf32> to vector<1x1x1xf32>
    %reduce_sum3A_47 = vector.extract %reduce_sum3A_46[0, 0, 0] : f32 from vector<1x1x1xf32>
    %get3A_48 = arith.constant 0 : index
    %get3A_49 = arith.constant 0 : index
    %get3A_50 = vector.load %arg7[%get3A_48, %get3A_49] : memref<1x128xf32, #tpu.memory_space<vmem>>, vector<1x128xf32>
    %get3A_51 = arith.constant 0 : index
    %get3A_52 = arith.constant 0 : index
    %get3A_53 = vector.load %arg8[%get3A_51, %get3A_52] : memref<1x128xf32, #tpu.memory_space<vmem>>, vector<1x128xf32>
    %mul3A_54 = arith.mulf %get3A_50, %get3A_53 : vector<1x128xf32>
    %reduce_sum3A_55 = vector.shape_cast %mul3A_54 : vector<1x128xf32> to vector<1x1x128xf32>
    %reduce_sum3A_56 = arith.constant dense<0.000000e+00> : vector<1xf32>
    %reduce_sum3A_57 = vector.multi_reduction <add>, %reduce_sum3A_55, %reduce_sum3A_56 [1, 2] : vector<1x1x128xf32> to vector<1xf32>
    %reduce_sum3A_58 = vector.shape_cast %reduce_sum3A_57 : vector<1xf32> to vector<1x1x1xf32>
    %reduce_sum3A_59 = vector.extract %reduce_sum3A_58[0, 0, 0] : f32 from vector<1x1x1xf32>
    %get3A_60 = arith.constant 0 : index
    %get3A_61 = arith.constant 0 : index
    %get3A_62 = vector.load %arg9[%get3A_60, %get3A_61] : memref<1x128xf32, #tpu.memory_space<vmem>>, vector<1x128xf32>
    %get3A_63 = arith.constant 0 : index
    %get3A_64 = arith.constant 0 : index
    %get3A_65 = vector.load %arg10[%get3A_63, %get3A_64] : memref<1x128xf32, #tpu.memory_space<vmem>>, vector<1x128xf32>
    %mul3A_66 = arith.mulf %get3A_62, %get3A_65 : vector<1x128xf32>
    %reduce_sum3A_67 = vector.shape_cast %mul3A_66 : vector<1x128xf32> to vector<1x1x128xf32>
    %reduce_sum3A_68 = arith.constant dense<0.000000e+00> : vector<1xf32>
    %reduce_sum3A_69 = vector.multi_reduction <add>, %reduce_sum3A_67, %reduce_sum3A_68 [1, 2] : vector<1x1x128xf32> to vector<1xf32>
    %reduce_sum3A_70 = vector.shape_cast %reduce_sum3A_69 : vector<1xf32> to vector<1x1x1xf32>
    %reduce_sum3A_71 = vector.extract %reduce_sum3A_70[0, 0, 0] : f32 from vector<1x1x1xf32>
    %iota3A = tpu.iota {dimensions = array<i32: 1>} : vector<8x128xi32>
    %eq3A = arith.constant 0 : i32
    %eq3A_72 = vector.broadcast %eq3A : i32 to vector<8x128xi32>
    %eq3A_73 = arith.cmpi eq, %iota3A, %eq3A_72 : vector<8x128xi32>
    %eq3A_74 = arith.constant 1 : i32
    %eq3A_75 = vector.broadcast %eq3A_74 : i32 to vector<8x128xi32>
    %eq3A_76 = arith.cmpi eq, %iota3A, %eq3A_75 : vector<8x128xi32>
    %eq3A_77 = arith.constant 2 : i32
    %eq3A_78 = vector.broadcast %eq3A_77 : i32 to vector<8x128xi32>
    %eq3A_79 = arith.cmpi eq, %iota3A, %eq3A_78 : vector<8x128xi32>
    %eq3A_80 = arith.constant 3 : i32
    %eq3A_81 = vector.broadcast %eq3A_80 : i32 to vector<8x128xi32>
    %eq3A_82 = arith.cmpi eq, %iota3A, %eq3A_81 : vector<8x128xi32>
    %jit3A = arith.constant 0.000000e+00 : f32
    %broadcast_in_dim3A_83 = vector.broadcast %reduce_sum3A_71 : f32 to vector<8x128xf32>
    %broadcast_in_dim3A_84 = vector.broadcast %jit3A : f32 to vector<8x128xf32>
    %select_n3A = arith.select %eq3A_82, %broadcast_in_dim3A_83, %broadcast_in_dim3A_84 : vector<8x128xi1>, vector<8x128xf32>
    %broadcast_in_dim3A_85 = vector.broadcast %reduce_sum3A_59 : f32 to vector<8x128xf32>
    %select_n3A_86 = arith.select %eq3A_79, %broadcast_in_dim3A_85, %select_n3A : vector<8x128xi1>, vector<8x128xf32>
    %broadcast_in_dim3A_87 = vector.broadcast %reduce_sum3A_47 : f32 to vector<8x128xf32>
    %select_n3A_88 = arith.select %eq3A_76, %broadcast_in_dim3A_87, %select_n3A_86 : vector<8x128xi1>, vector<8x128xf32>
    %broadcast_in_dim3A_89 = vector.broadcast %div3A_35 : f32 to vector<8x128xf32>
    %select_n3A_90 = arith.select %eq3A_73, %broadcast_in_dim3A_89, %select_n3A_88 : vector<8x128xi1>, vector<8x128xf32>
    %swap3A_91 = arith.constant 0 : index
    %swap3A_92 = arith.constant 0 : index
    %swap3A_93 = vector.load %arg14[%swap3A_91, %swap3A_92] : memref<8x128xf32, #tpu.memory_space<vmem>>, vector<8x128xf32>
    tpu.vector_store %arg14[%swap3A_91, %swap3A_92], %select_n3A_90 {strides = array<i32>} : memref<8x128xf32, #tpu.memory_space<vmem>>, vector<8x128xf32>,
    return
  }
}

module attributes {stable_mosaic.version = 14 : i64} {
  func.func @_dense_body(%arg0: memref<2x10240x128xf32, #tpu.memory_space<vmem>>, %arg1: memref<2x10240x1xf32, #tpu.memory_space<vmem>>, %arg2: memref<1x128xf32, #tpu.memory_space<vmem>>, %arg3: memref<128x128xf32, #tpu.memory_space<vmem>>, %arg4: memref<1x128xf32, #tpu.memory_space<vmem>>, %arg5: memref<1x128xf32, #tpu.memory_space<vmem>>, %arg6: memref<10240x128xf32, #tpu.memory_space<vmem>>, %arg7: memref<10240x1xf32, #tpu.memory_space<vmem>>, %arg8: memref<10240x1xf32, #tpu.memory_space<vmem>>) attributes {dimension_semantics = [], scalar_prefetch = 0 : i64, scratch_operands = 0 : i64, tpu.core_type = #tpu.core_type<tc>} {
    %get3A = arith.constant 0 : index
    %get3A_0 = arith.constant 0 : index
    %get3A_1 = arith.constant 0 : index
    %get3A_2 = vector.load %arg1[%get3A, %get3A_0, %get3A_1] : memref<2x10240x1xf32, #tpu.memory_space<vmem>>, vector<1x10240x1xf32>
    %get3A_3 = vector.shape_cast %get3A_2 : vector<1x10240x1xf32> to vector<10240x1xf32>
    %get3A_4 = arith.constant 1 : index
    %get3A_5 = arith.constant 0 : index
    %get3A_6 = arith.constant 0 : index
    %get3A_7 = vector.load %arg1[%get3A_4, %get3A_5, %get3A_6] : memref<2x10240x1xf32, #tpu.memory_space<vmem>>, vector<1x10240x1xf32>
    %get3A_8 = vector.shape_cast %get3A_7 : vector<1x10240x1xf32> to vector<10240x1xf32>
    %add3A = arith.addf %get3A_3, %get3A_8 : vector<10240x1xf32>
    %add3A_9 = arith.constant 1.000000e-16 : f32
    %add3A_10 = vector.broadcast %add3A_9 : f32 to vector<10240x1xf32>
    %add3A_11 = arith.addf %add3A, %add3A_10 : vector<10240x1xf32>
    %div3A = arith.constant 1.000000e+00 : f32
    %div3A_12 = vector.broadcast %div3A : f32 to vector<10240x1xf32>
    %div3A_13 = arith.divf %div3A_12, %add3A_11 : vector<10240x1xf32>
    %get3A_14 = arith.constant 0 : index
    %get3A_15 = arith.constant 0 : index
    %get3A_16 = arith.constant 0 : index
    %get3A_17 = vector.load %arg0[%get3A_14, %get3A_15, %get3A_16] : memref<2x10240x128xf32, #tpu.memory_space<vmem>>, vector<1x10240x128xf32>
    %get3A_18 = vector.shape_cast %get3A_17 : vector<1x10240x128xf32> to vector<10240x128xf32>
    %get3A_19 = arith.constant 1 : index
    %get3A_20 = arith.constant 0 : index
    %get3A_21 = arith.constant 0 : index
    %get3A_22 = vector.load %arg0[%get3A_19, %get3A_20, %get3A_21] : memref<2x10240x128xf32, #tpu.memory_space<vmem>>, vector<1x10240x128xf32>
    %get3A_23 = vector.shape_cast %get3A_22 : vector<1x10240x128xf32> to vector<10240x128xf32>
    %add3A_24 = arith.addf %get3A_18, %get3A_23 : vector<10240x128xf32>
    %mul3A = vector.broadcast %div3A_13 : vector<10240x1xf32> to vector<10240x128xf32>
    %mul3A_25 = arith.mulf %add3A_24, %mul3A : vector<10240x128xf32>
    %get3A_26 = arith.constant 0 : index
    %get3A_27 = arith.constant 0 : index
    %get3A_28 = vector.load %arg2[%get3A_26, %get3A_27] : memref<1x128xf32, #tpu.memory_space<vmem>>, vector<1x128xf32>
    %add3A_29 = vector.broadcast %get3A_28 : vector<1x128xf32> to vector<10240x128xf32>
    %add3A_30 = arith.addf %mul3A_25, %add3A_29 : vector<10240x128xf32>
    %max3A = arith.constant 0.000000e+00 : f32
    %max3A_31 = vector.broadcast %max3A : f32 to vector<10240x128xf32>
    %max3A_32 = arith.maximumf %add3A_30, %max3A_31 : vector<10240x128xf32>
    %get3A_33 = arith.constant 0 : index
    %get3A_34 = arith.constant 0 : index
    %get3A_35 = vector.load %arg3[%get3A_33, %get3A_34] : memref<128x128xf32, #tpu.memory_space<vmem>>, vector<128x128xf32>
    %dot_general3A = arith.constant dense<0.000000e+00> : vector<10240x128xf32>
    %dot_general3A_36 = tpu.matmul %max3A_32, %get3A_35, %dot_general3A {dimension_numbers = #tpu.dot_dimension_numbers<[1], [0], [0], [1], [0, 0, 1, 1], [], []>, transpose_lhs_hint = false} : vector<10240x128xf32>, vector<128x128xf32>, vector<10240x128xf32> -> vector<10240x128xf32>
    %swap3A = arith.constant 0 : index
    %swap3A_37 = arith.constant 0 : index
    %swap3A_38 = vector.load %arg6[%swap3A, %swap3A_37] : memref<10240x128xf32, #tpu.memory_space<vmem>>, vector<10240x128xf32>
    tpu.vector_store %arg6[%swap3A, %swap3A_37], %dot_general3A_36 {strides = array<i32>} : memref<10240x128xf32, #tpu.memory_space<vmem>>, vector<10240x128xf32>,
    %get3A_39 = arith.constant 0 : index
    %get3A_40 = arith.constant 0 : index
    %get3A_41 = vector.load %arg4[%get3A_39, %get3A_40] : memref<1x128xf32, #tpu.memory_space<vmem>>, vector<1x128xf32>
    %mul3A_42 = vector.broadcast %get3A_41 : vector<1x128xf32> to vector<10240x128xf32>
    %mul3A_43 = arith.mulf %dot_general3A_36, %mul3A_42 : vector<10240x128xf32>
    %reduce_sum3A = arith.constant dense<0.000000e+00> : vector<10240xf32>
    %reduce_sum3A_44 = vector.multi_reduction <add>, %mul3A_43, %reduce_sum3A [1] : vector<10240x128xf32> to vector<10240xf32>
    %broadcast_in_dim3A = vector.shape_cast %reduce_sum3A_44 : vector<10240xf32> to vector<10240x1xf32>
    %swap3A_45 = arith.constant 0 : index
    %swap3A_46 = arith.constant 0 : index
    %swap3A_47 = vector.load %arg7[%swap3A_45, %swap3A_46] : memref<10240x1xf32, #tpu.memory_space<vmem>>, vector<10240x1xf32>
    tpu.vector_store %arg7[%swap3A_45, %swap3A_46], %broadcast_in_dim3A {strides = array<i32>} : memref<10240x1xf32, #tpu.memory_space<vmem>>, vector<10240x1xf32>,
    %get3A_48 = arith.constant 0 : index
    %get3A_49 = arith.constant 0 : index
    %get3A_50 = vector.load %arg5[%get3A_48, %get3A_49] : memref<1x128xf32, #tpu.memory_space<vmem>>, vector<1x128xf32>
    %mul3A_51 = vector.broadcast %get3A_50 : vector<1x128xf32> to vector<10240x128xf32>
    %mul3A_52 = arith.mulf %dot_general3A_36, %mul3A_51 : vector<10240x128xf32>
    %reduce_sum3A_53 = arith.constant dense<0.000000e+00> : vector<10240xf32>
    %reduce_sum3A_54 = vector.multi_reduction <add>, %mul3A_52, %reduce_sum3A_53 [1] : vector<10240x128xf32> to vector<10240xf32>
    %broadcast_in_dim3A_55 = vector.shape_cast %reduce_sum3A_54 : vector<10240xf32> to vector<10240x1xf32>
    %swap3A_56 = arith.constant 0 : index
    %swap3A_57 = arith.constant 0 : index
    %swap3A_58 = vector.load %arg8[%swap3A_56, %swap3A_57] : memref<10240x1xf32, #tpu.memory_space<vmem>>, vector<10240x1xf32>
    tpu.vector_store %arg8[%swap3A_56, %swap3A_57], %broadcast_in_dim3A_55 {strides = array<i32>} : memref<10240x1xf32, #tpu.memory_space<vmem>>, vector<10240x1xf32>,
    return
  }
}

module attributes {stable_mosaic.version = 14 : i64} {
  func.func @_pool_body(%arg0: memref<2x10240x128xf32, #tpu.memory_space<vmem>>, %arg1: memref<2x10240x1xf32, #tpu.memory_space<vmem>>, %arg2: memref<1x128xf32, #tpu.memory_space<vmem>>, %arg3: memref<1x10240xi32, #tpu.memory_space<vmem>>, %arg4: memref<128x1xf32, #tpu.memory_space<vmem>>, %arg5: memref<1x1xf32, #tpu.memory_space<vmem>>, %arg6: memref<64x1xf32, #tpu.memory_space<vmem>>) attributes {dimension_semantics = [], scalar_prefetch = 0 : i64, scratch_operands = 0 : i64, tpu.core_type = #tpu.core_type<tc>} {
    %get3A = arith.constant 0 : index
    %get3A_0 = arith.constant 0 : index
    %get3A_1 = arith.constant 0 : index
    %get3A_2 = vector.load %arg1[%get3A, %get3A_0, %get3A_1] : memref<2x10240x1xf32, #tpu.memory_space<vmem>>, vector<1x10240x1xf32>
    %get3A_3 = vector.shape_cast %get3A_2 : vector<1x10240x1xf32> to vector<10240x1xf32>
    %get3A_4 = arith.constant 1 : index
    %get3A_5 = arith.constant 0 : index
    %get3A_6 = arith.constant 0 : index
    %get3A_7 = vector.load %arg1[%get3A_4, %get3A_5, %get3A_6] : memref<2x10240x1xf32, #tpu.memory_space<vmem>>, vector<1x10240x1xf32>
    %get3A_8 = vector.shape_cast %get3A_7 : vector<1x10240x1xf32> to vector<10240x1xf32>
    %add3A = arith.addf %get3A_3, %get3A_8 : vector<10240x1xf32>
    %add3A_9 = arith.constant 1.000000e-16 : f32
    %add3A_10 = vector.broadcast %add3A_9 : f32 to vector<10240x1xf32>
    %add3A_11 = arith.addf %add3A, %add3A_10 : vector<10240x1xf32>
    %div3A = arith.constant 1.000000e+00 : f32
    %div3A_12 = vector.broadcast %div3A : f32 to vector<10240x1xf32>
    %div3A_13 = arith.divf %div3A_12, %add3A_11 : vector<10240x1xf32>
    %get3A_14 = arith.constant 0 : index
    %get3A_15 = arith.constant 0 : index
    %get3A_16 = arith.constant 0 : index
    %get3A_17 = vector.load %arg0[%get3A_14, %get3A_15, %get3A_16] : memref<2x10240x128xf32, #tpu.memory_space<vmem>>, vector<1x10240x128xf32>
    %get3A_18 = vector.shape_cast %get3A_17 : vector<1x10240x128xf32> to vector<10240x128xf32>
    %get3A_19 = arith.constant 1 : index
    %get3A_20 = arith.constant 0 : index
    %get3A_21 = arith.constant 0 : index
    %get3A_22 = vector.load %arg0[%get3A_19, %get3A_20, %get3A_21] : memref<2x10240x128xf32, #tpu.memory_space<vmem>>, vector<1x10240x128xf32>
    %get3A_23 = vector.shape_cast %get3A_22 : vector<1x10240x128xf32> to vector<10240x128xf32>
    %add3A_24 = arith.addf %get3A_18, %get3A_23 : vector<10240x128xf32>
    %mul3A = vector.broadcast %div3A_13 : vector<10240x1xf32> to vector<10240x128xf32>
    %mul3A_25 = arith.mulf %add3A_24, %mul3A : vector<10240x128xf32>
    %get3A_26 = arith.constant 0 : index
    %get3A_27 = arith.constant 0 : index
    %get3A_28 = vector.load %arg2[%get3A_26, %get3A_27] : memref<1x128xf32, #tpu.memory_space<vmem>>, vector<1x128xf32>
    %add3A_29 = vector.broadcast %get3A_28 : vector<1x128xf32> to vector<10240x128xf32>
    %add3A_30 = arith.addf %mul3A_25, %add3A_29 : vector<10240x128xf32>
    %get3A_31 = arith.constant 0 : index
    %get3A_32 = arith.constant 0 : index
    %get3A_33 = vector.load %arg3[%get3A_31, %get3A_32] : memref<1x10240xi32, #tpu.memory_space<vmem>>, vector<1x10240xi32>
    %iota3A = tpu.iota {dimensions = array<i32: 0>} : vector<64x10240xi32>
    %eq3A = vector.broadcast %get3A_33 : vector<1x10240xi32> to vector<64x10240xi32>
    %eq3A_34 = arith.cmpi eq, %eq3A, %iota3A : vector<64x10240xi32>
    %convert_element_type3A = arith.extui %eq3A_34 : vector<64x10240xi1> to vector<64x10240xi32>
    %convert_element_type3A_35 = arith.sitofp %convert_element_type3A : vector<64x10240xi32> to vector<64x10240xf32>
    %dot_general3A = arith.constant dense<0.000000e+00> : vector<64x128xf32>
    %dot_general3A_36 = tpu.matmul %convert_element_type3A_35, %add3A_30, %dot_general3A {dimension_numbers = #tpu.dot_dimension_numbers<[1], [0], [0], [1], [0, 0, 1, 1], [], []>, transpose_lhs_hint = false} : vector<64x10240xf32>, vector<10240x128xf32>, vector<64x128xf32> -> vector<64x128xf32>
    %reduce_sum3A = arith.constant dense<0.000000e+00> : vector<64xf32>
    %reduce_sum3A_37 = vector.multi_reduction <add>, %convert_element_type3A_35, %reduce_sum3A [1] : vector<64x10240xf32> to vector<64xf32>
    %broadcast_in_dim3A = vector.shape_cast %reduce_sum3A_37 : vector<64xf32> to vector<64x1xf32>
    %max3A = arith.constant 1.000000e+00 : f32
    %max3A_38 = vector.broadcast %max3A : f32 to vector<64x1xf32>
    %max3A_39 = arith.maximumf %broadcast_in_dim3A, %max3A_38 : vector<64x1xf32>
    %div3A_40 = vector.broadcast %max3A_39 : vector<64x1xf32> to vector<64x128xf32>
    %div3A_41 = arith.divf %dot_general3A_36, %div3A_40 : vector<64x128xf32>
    %get3A_42 = arith.constant 0 : index
    %get3A_43 = arith.constant 0 : index
    %get3A_44 = vector.load %arg4[%get3A_42, %get3A_43] : memref<128x1xf32, #tpu.memory_space<vmem>>, vector<128x1xf32>
    %dot_general3A_45 = arith.constant dense<0.000000e+00> : vector<64x1xf32>
    %dot_general3A_46 = tpu.matmul %div3A_41, %get3A_44, %dot_general3A_45 {dimension_numbers = #tpu.dot_dimension_numbers<[1], [0], [0], [1], [0, 0, 1, 1], [], []>, transpose_lhs_hint = false} : vector<64x128xf32>, vector<128x1xf32>, vector<64x1xf32> -> vector<64x1xf32>
    %get3A_47 = arith.constant 0 : index
    %get3A_48 = arith.constant 0 : index
    %get3A_49 = vector.load %arg5[%get3A_47, %get3A_48] : memref<1x1xf32, #tpu.memory_space<vmem>>, vector<1x1xf32>
    %add3A_50 = vector.broadcast %get3A_49 : vector<1x1xf32> to vector<64x1xf32>
    %add3A_51 = arith.addf %dot_general3A_46, %add3A_50 : vector<64x1xf32>
    %swap3A = arith.constant 0 : index
    %swap3A_52 = arith.constant 0 : index
    %swap3A_53 = vector.load %arg6[%swap3A, %swap3A_52] : memref<64x1xf32, #tpu.memory_space<vmem>>, vector<64x1xf32>
    tpu.vector_store %arg6[%swap3A, %swap3A_52], %add3A_51 {strides = array<i32>} : memref<64x1xf32, #tpu.memory_space<vmem>>, vector<64x1xf32>,
    return
  }
}

</mosaic_0001>

<sc_bundles>
// kernel: kernel.12.cloned.1.call-start
scs
__scs_entry_jumppad:
0x0: {  	(pc) =	sbr.rel $0x88, $3  }
0x1: {  	(tag) =	ssettag $0x0;
	lr =	simm.s32 $0x1  }
0x2: {  	[smem:$0x3F89] =	sst lr;
	_ =	strace $0xD0000000  }
0x3: {  	_ = 	snop  }
0x4: {  	_ = 	snop  }
0x5: {  	_ = 	snop  }
0x6: {  	_ = 	snop  }
0x7: {  	_ = 	snop  }
__scs_overlays_trampoline_lowered:
0x8: {  	[smem:$0x3F98] =	sst s0  }
0x9: {  	[smem:$0x3F99] =	sst s1  }
0xa: {  	[smem:$0x3F9A] =	sst s2  }
0xb: {  	[smem:$0x3F9B] =	sst s3  }
0xc: {  	[smem:$0x3F9C] =	sst s4  }
0xd: {  	[smem:$0x3F9D] =	sst s5  }
0xe: {  	[smem:$0x3F9E] =	sst s6  }
0xf: {  	[smem:$0x3F9F] =	sst s7  }
0x10: {  	[smem:$0x3FA0] =	sst s8  }
0x11: {  	[smem:$0x3FA1] =	sst s9;
	s0 =	simm.s32 @!p0 $0x0  }
0x12: {  	s1 =	sld [smem:$0x3F87];
	s0 =	simm.s32 @p0 $0x1  }
0x13: {  	[smem:$0x3FA2] =	sst s0;
	s0 =	simm.s32 @!p1 $0x0  }
0x14: {  	s2 =	sld [smem:$0x3F86];
	s0 =	simm.s32 @p1 $0x1  }
0x15: {  	[smem:$0x3FA3] =	sst s0;
	s0 =	simm.s32 @!p2 $0x0  }
0x16: {  	s3 =	sld [smem:$0x3FDB];
	s0 =	simm.s32 @p2 $0x1  }
0x17: {  	s4 =	simm.s32 $0x1BF5;
	[smem:$0x3FA5] =	sst s0  }
0x18: {  	s0 =	sld [smem:$0x3F88];
	_ =	swait.ge [sflag:s4], $0x0  }
0x19: {  	s7 =	sld [smem:$0x3F89]  }
0x1a: {  	s8 =	sadd.s32 $0xFFFFE003, lr  }
0x1b: {  	s9 =	sadd.s32 $0xFFFFFEF7, lr;
	s5 =	simm.s32 $0xFFFFFFFF;
	p2 =	slt.u32 s8, $0xFFFFF086  }
0x1c: {  	p1 =	slt.u32 s9, $0xF7A;
	s5 =	simm.s32 @!p2 $0x0  }
0x1d: {  	s5 =	simm.s32 @p1 $0x1;
	p0 =	seq.s32 s7, s2  }
0x1e: {  	s7 =	smul.u32 @!p0 $0xF7A, s2;
	p2 =	seq.s32 @!p0 s5, $0x0  }
0x1f: {  	s9 =	smul.u32 $0xF7A, s1;
	s8 =	simm.s32 @!p0 $0x1BF5;
	p2 =	por !p2, p0  }
0x20: {  	[sflag:s8] =	ssyncset.s32 @!p0 $0xFFFFF086;
	s6 =	sadd.s32 @!p0 s3, s7;
	s7 =	simm.s32 @!p0 $0x108  }
0x21: {  	s3 =	sadd.s32 s3, s9;
	s6 =	sadd.s32 @!p0 $0x88, s6;
	s7 =	simm.s32 @p2 $0x1082  }
0x22: {  	[simem:s7], [sflag:s8] =	dma.local @!p0 [hbm:s6], $0xF7A  }
0x23: {  	s9 =	sor.u32 $0xD0000000, s2;
	s6 =	simm.s32 $0x108;
	_ =	swait.ge @!p0 [sflag:s8], $0x0  }
0x24: {  	s3 =	sadd.s32 $0x88, s3;
	s6 =	simm.s32 @!p1 $0x1082;
	[sflag:s4] =	ssyncset.s32 $0xFFFFF086  }
0x25: {  	[simem:s6], [sflag:s4] =	dma.local [hbm:s3], $0xF7A  }
0x26: {  	[smem:$0x3F89] =	sst s1;
	(tag) =	ssettag s2;
	_ =	strace s9  }
0x27: {  	s1 =	sld [smem:$0x3F99]  }
0x28: {  	s2 =	sld [smem:$0x3F9A]  }
0x29: {  	s4 =	sld [smem:$0x3F9C]  }
0x2a: {  	p0 =	seq.s32 s5, $0x0;
	s5 =	sld [smem:$0x3F9D]  }
0x2b: {  	s6 =	sld [smem:$0x3F9E]  }
0x2c: {  	s7 =	sld [smem:$0x3F9F]  }
0x2d: {  	s3 =	simm.s32 $0x108;
	s8 =	sld [smem:$0x3FA0]  }
0x2e: {  	s3 =	simm.s32 @!p0 $0x1082;
	s9 =	sld [smem:$0x3FA1]  }
0x2f: {  	lr =	sadd.s32 s0, s3;
	s0 =	sld [smem:$0x3F98]  }
0x30: {  	s3 =	sld [smem:$0x3F9B]  }
0x31: {  	[smem:$0x3FA4] =	sst s10  }
0x32: {  	s10 =	sld [smem:$0x3FA2];
	_ =	sdelay $0x3  }
0x33: {  	p0 =	seq.s32 s10, $0x1;
	s10 =	sld [smem:$0x3FA4];
	_ =	sdelay $0x3  }
0x34: {  	[smem:$0x3FA4] =	sst s10  }
0x35: {  	s10 =	sld [smem:$0x3FA3];
	_ =	sdelay $0x3  }
0x36: {  	p1 =	seq.s32 s10, $0x1;
	s10 =	sld [smem:$0x3FA4];
	_ =	sdelay $0x3  }
0x37: {  	[smem:$0x3FA4] =	sst s10  }
0x38: {  	s10 =	sld [smem:$0x3FA5]  }
0x39: {  	_ = 	snop;
	(pc) =	sbr.ind lr, $3  }
0x3a: {  	_ = 	snop  }
0x3b: {  	_ = 	snop  }
0x3c: {  	p2 =	seq.s32 s10, $0x1;
	s10 =	sld [smem:$0x3FA4]  }
0x3d: {  	_ =	shalt  }
0x3e: {  	_ =	shalt  }
0x3f: {  	_ =	shalt  }
0x40: {  	_ =	shalt  }
0x41: {  	_ =	shalt  }
0x42: {  	_ =	shalt  }
0x43: {  	_ =	shalt  }
0x44: {  	_ =	shalt  }
0x45: {  	_ =	shalt  }
0x46: {  	_ =	shalt  }
0x47: {  	_ =	shalt  }
0x48: {  	_ =	shalt  }
0x49: {  	_ =	shalt  }
0x4a: {  	_ =	shalt  }
0x4b: {  	_ =	shalt  }
0x4c: {  	_ =	shalt  }
0x4d: {  	_ =	shalt  }
0x4e: {  	_ =	shalt  }
0x4f: {  	_ =	shalt  }
0x50: {  	_ =	shalt  }
0x51: {  	_ =	shalt  }
0x52: {  	_ =	shalt  }
0x53: {  	_ =	shalt  }
0x54: {  	_ =	shalt  }
0x55: {  	_ =	shalt  }
0x56: {  	_ =	shalt  }
0x57: {  	_ =	shalt  }
0x58: {  	_ =	shalt  }
0x59: {  	_ =	shalt  }
0x5a: {  	_ =	shalt  }
0x5b: {  	_ =	shalt  }
0x5c: {  	_ =	shalt  }
0x5d: {  	_ =	shalt  }
0x5e: {  	_ =	shalt  }
0x5f: {  	_ =	shalt  }
0x60: {  	_ =	shalt  }
0x61: {  	_ =	shalt  }
0x62: {  	_ =	shalt  }
0x63: {  	_ =	shalt  }
0x64: {  	_ =	shalt  }
0x65: {  	_ =	shalt  }
0x66: {  	_ =	shalt  }
0x67: {  	_ =	shalt  }
0x68: {  	_ =	shalt  }
0x69: {  	_ =	shalt  }
0x6a: {  	_ =	shalt  }
0x6b: {  	_ =	shalt  }
0x6c: {  	_ =	shalt  }
0x6d: {  	_ =	shalt  }
0x6e: {  	_ =	shalt  }
0x6f: {  	_ =	shalt  }
0x70: {  	_ =	shalt  }
0x71: {  	_ =	shalt  }
0x72: {  	_ =	shalt  }
0x73: {  	_ =	shalt  }
0x74: {  	_ =	shalt  }
0x75: {  	_ =	shalt  }
0x76: {  	_ =	shalt  }
0x77: {  	_ =	shalt  }
0x78: {  	_ =	shalt  }
0x79: {  	_ =	shalt  }
0x7a: {  	_ =	shalt  }
0x7b: {  	_ =	shalt  }
0x7c: {  	_ =	shalt  }
0x7d: {  	_ =	shalt  }
0x7e: {  	_ =	shalt  }
0x7f: {  	_ =	shalt  }
0x80: {  	_ =	shalt  }
0x81: {  	_ =	shalt  }
0x82: {  	_ =	shalt  }
0x83: {  	_ =	shalt  }
0x84: {  	_ =	shalt  }
0x85: {  	_ =	shalt  }
0x86: {  	_ =	shalt  }
0x87: {  	_ =	shalt  }
.Lfunc_end0:
.L_simem_size_0:
called_computation_lowered:
.L_overlay_start_0:
0x88: {  	s2 =	sld [smem:$0x3FD9]  }
0x89: {  	s3 =	sld [smem:$0x3FFE];
	_ =	sdelay $0x1  }
0x8a: {  	s1 =	srdreg.scid  }
0x8b: {  	s0 =	sand.u32 $0x1, s1  }
0x8c: {  	s16 =	sshll.u32 s0, $0xA;
	s2 =	sadd.s32 s3, s2  }
0x8d: {  	s2 =	sadd.s32 s2, s16  }
0x8e: {  	[smem:$0x3FB0] =	sst s2  }
0x8f: {  	_ = 	snop  }
0x90: {  	(tm) =	ssettm $0x1  }
0x91: {  	s17 =	sld [smem:$0x3FFB];
	_ =	sdelay $0x3  }
0x92: {  	_ =	strace s17  }
0x93: {  	s2 =	sld [smem:$0x3FFC];
	_ =	sdelay $0x3  }
0x94: {  	_ =	strace s2  }
0x95: {  	s2 =	sld [smem:$0x3FFD];
	_ =	sdelay $0x3  }
0x96: {  	_ =	strace s2  }
0x97: {  	_ =	strace $0x8FFFFFFF  }
0x98: {  	s18 =	sld [smem:$0x3FDB];
	_ =	sdelay $0x1  }
0x99: {  	s19 =	simm.s32 $_scs_section_size  }
0x9a: {  	s4 =	simm.s32 $_size__tile_overlayer_lowered;
	s5 =	simm.s32 $_tile_overlayer_lowered  }
0x9b: {  	s22 =	simm.s32 $0x1BFF;
	s21 =	sshll.u32 s5, $0x1;
	s2 =	sadd.s32 s19, s18  }
0x9c: {  	s6 =	simm.s32 $0x0;
	s20 =	sshll.u32 s4, $0x1;
	s4 =	sadd.s32 s21, s2  }
0x9d: {  	[timem:s6], [sflag:s22] =	dma.local [hbm:s4], s20  }
0x9e: {  	_ =	swait.ge [sflag:s22], s20  }
0x9f: {  	s3 =	ssub.s32 $0x0, s20;
	[sflag:s22] =	ssyncset.done $0x0  }
0xa0: {  	[sflag:s22] =	ssyncadd.s32 s3;
	_ =	sdelay $0x1  }
0xa1: {  	s23 =	simm.s32 $0x1B8B  }
0xa2: {  	_ =	swait.ge [sflag:s23], $0x1  }
0xa3: {  	[sflag:s23] =	ssyncset.done $0x0  }
0xa4: {  	s25 =	simm.s32 $0x1B8E;
	s24 =	sld [smem:$0x3FFE];
	[sflag:s23] =	ssyncadd.s32 $0xFFFFFFFF  }
0xa5: {  	s26 =	simm.s32 $execute0_lowered;
	[smem:$0x3FD2] =	sst s25  }
0xa6: {  	s4 =	sshll.u32 s26, $0x1;
	_ =	strace $0x80000046;
	[dreg:$0x1] =	wrdreg $0xFFFFFFFF  }
0xa7: {  	s28 =	simm.s32 $_size_execute0_lowered;
	s2 =	sadd.s32 s2, s4;
	[dreg:$0x0] =	wrdreg $0x0  }
0xa8: {  	s4 =	sshll.u32 s28, $0x1;
	[dreg:$0x2] =	wrdreg s2  }
0xa9: {  	[dreg:$0x3] =	wrdreg s4  }
0xaa: {  	[dreg:$0x4] =	wrdreg $0xC0  }
0xab: {  	_ =	task [dreg:s6], $0x5FFFF  }
0xac: {  	[dreg:$0x1] =	wrdreg $0xFFFFFFFF  }
0xad: {  	[dreg:$0x0] =	wrdreg $0x60  }
0xae: {  	[dreg:$0x2] =	wrdreg s24  }
0xaf: {  	[dreg:$0x3] =	wrdreg $0x103000  }
0xb0: {  	[dreg:$0x4] =	wrdreg $0x9  }
0xb1: {  	_ =	task.clear_ibuf [dreg:s6], $0x5FFFF;
	_ =	strace $0x90000046  }
0xb2: {  	s29 =	simm.s32 $0x9;
	_ =	strace $0x80000048  }
0xb3: {  	_ =	swait.ge [sflag:s29], $0x1  }
0xb4: {  	[sflag:s29] =	ssyncadd.s32 $0xFFFFFFFF  }
0xb5: {  	_ =	strace $0x90000048  }
0xb6: {  	_ =	sfence  }
0xb7: {  	s30 =	sld [smem:$0x0];
	_ =	sdelay $0x2  }
0xb8: {  	s31 =	sshll.u32 s1, $0xD;
	s1 =	sshrl.u32 s1, $0x2  }
0xb9: {  	s3 =	sand.u32 $0x4000, s31;
	s1 =	sadd.s32 s1, s30  }
0xba: {  	s0 =	sor.u32 s3, s0;
	s1 =	sshll.u32 s1, $0x11  }
0xbb: {  	s0 =	sor.u32 s1, s0  }
0xbc: {  	s0 =	sadd.s32 $0x8F2B, s0  }
0xbd: {  	[sflag:s0] =	ssyncadd.remote.s32 $0x1  }
0xbe: {  	_ =	sfence.sel $0xFFFF  }
0xbf: {  	[dreg:$0x0] =	wrdreg $0xFFFFFFFF;
	(pc) =	sbr.abs _section_cstart, $3  }
0xc0: {  	[dreg:$0x1] =	wrdreg $0xFFFFFFFF  }
0xc1: {  	_ =	task.clear_ibuf [dreg:s6], $0x2FFFF;
	_ =	strace $0x9FFFFFFF  }
0xc2: {  	(tm) =	ssettm $0x7FFFFFFF  }
0xc3: {  	_ =	shalt  }
tec
execute0_lowered:
.L_overlay_start_1:
0x0: {  	(tag) =	ssettag $0x1  }
0x1: {  	s6 =	rddreg [dreg:$0x0];
	s0 =	srdreg.scid  }
0x2: {  	s21 =	stileid.u32;
	s1 =	rddreg [dreg:$0x1];
	s2 =	simm.s32 $0x0  }
0x3: {  	s17 =	simm.s32 $0x5000;
	s18 =	simm.s32 $0xA800;
	s19 =	simm.s32 $0x10080  }
0x4: {  	s20 =	simm.s32 $0x80;
	s10 =	sand.u32 $0x1, s0;
	s0 =	rddreg [dreg:$0x2]  }
0x5: {  	s23 =	simm.s32 $0x0;
	s3 =	sshll.u32 s21, $0x1;
	[smem:$0x7FF] =	sst s2  }
0x6: {  	s4 =	sadd.s32 $0x4C200, s6;
	s5 =	sadd.s32 $0x2A600, s6;
	s12 =	smul.u32 $0xA00, s21  }
0x7: {  	s15 =	smul.u32 $0x5100, s21;
	p0 =	sne.s32 s21, $0x0;
	s21 =	simm.s32 $0xD400  }
0x8: {  	s3 =	sor.u32 s10, s3;
	_ =	strace $0x80000047;
	s30 =	ssub.s32 $0x2, s10  }
0x9: {  	s8 =	sshll.u32 s10, $0x4;
	s16 =	smul.u32 $0x2880, s10;
	s22 =	sshrl.u32 @!p0 s1, $0x3  }
0xa: {  	s7 =	smul.u32 $0x580, s3;
	s3 =	sadd.s32 $0x4BC00, s6;
	s9 =	sshrl.u32 s30, $0x1  }
0xb: {  	s13 =	sadd.s32 s8, s6;
	s31 =	sshrl.u32 s12, $0x2;
	s14 =	ssub.s32 s30, s9  }
0xc: {  	s9 =	sadd.s32 s31, s1;
	s11 =	sadd.s32 s7, s6;
	s12 =	smax.u32 s14, $0x1  }
0xd: {  	s14 =	simm.s32 $0x1;
	s6 =	sadd.s32 $0x35C00, s11;
	s7 =	sadd.s32 $0x40C00, s11  }
0xe: {  	s8 =	sadd.s32 $0x2AC00, s11;
	s10 =	sadd.s32 $0x4C800, s11;
	s11 =	sadd.s32 $0x57800, s13  }
0xf: {  	v0 =	vimm.f32 $0.0e+00;
	s13 =	sadd.s32 s16, s15;
	s15 =	simm.s32 $0x2800;
	s16 =	simm.s32 $0x10000  }
.LBB2_1:
0x10: {  	[tilespmem:s2], [sflag:$0x1] =	stream.linear.gather [hbm4b:s3+s2], $0x2800, $0x38;
	[tilespmem:$0x10580] =	vst v63  }
0x11: {  	_ =	swait.ge [sflag:s14], $0x2800  }
0x12: {  	[sflag:s14] =	ssyncset.done $0x0  }
0x13: {  	[sflag:s14] =	ssyncadd.s32 $0xFFFFD800  }
0x14: {  	[tilespmem:s15], [sflag:$0x1] =	stream.linear.gather [hbm4b:s4+s2], $0x2800, $0x38;
	[tilespmem:$0x10580] =	vst v63  }
0x15: {  	_ =	swait.ge [sflag:s14], $0x2800  }
0x16: {  	[sflag:s14] =	ssyncset.done $0x0  }
0x17: {  	[sflag:s14] =	ssyncadd.s32 $0xFFFFD800  }
0x18: {  	[tilespmem:s16], [sflag:$0x1] =	stream.linear.gather [hbm4b:s5+s2], $0x80, $0x38;
	[tilespmem:$0x10580] =	vst v63  }
0x19: {  	_ =	swait.ge [sflag:s14], $0x80  }
0x1a: {  	[sflag:s14] =	ssyncset.done $0x0  }
0x1b: {  	[sflag:s14] =	ssyncadd.s32 $0xFFFFFF80  }
0x1c: {  	[tilespmem:s17], [sflag:$0x1] =	stream.linear.gather [hbm4b:s6+s2], $0x2880, $0x38;
	[tilespmem:$0x10580] =	vst v63  }
0x1d: {  	_ =	swait.ge [sflag:s14], $0x2880  }
0x1e: {  	[sflag:s14] =	ssyncset.done $0x0  }
0x1f: {  	s24 =	simm.s32 $0x7C00;
	[sflag:s14] =	ssyncadd.s32 $0xFFFFD780  }
0x20: {  	[tilespmem:s24], [sflag:$0x1] =	stream.linear.gather [hbm4b:s7+s2], $0x2880, $0x38;
	[tilespmem:$0x10580] =	vst v63  }
0x21: {  	_ =	swait.ge [sflag:s14], $0x2880  }
0x22: {  	[sflag:s14] =	ssyncset.done $0x0  }
0x23: {  	[sflag:s14] =	ssyncadd.s32 $0xFFFFD780  }
0x24: {  	[tilespmem:s18], [sflag:$0x1] =	stream.linear.gather [hbm4b:s8+s2], $0x2880, $0x38;
	[tilespmem:$0x10580] =	vst v63  }
0x25: {  	_ =	swait.ge [sflag:s14], $0x2880  }
0x26: {  	[sflag:s14] =	ssyncset.done $0x0  }
0x27: {  	[sflag:s14] =	ssyncadd.s32 $0xFFFFD780  }
0x28: {  	[tilespmem:$0x10080] =	vst v0  }
0x29: {  	[tilespmem:$0x10090] =	vst v0  }
0x2a: {  	[tilespmem:$0x100A0] =	vst v0  }
0x2b: {  	[tilespmem:$0x100B0] =	vst v0  }
0x2c: {  	[tilespmem:$0x100C0] =	vst v0  }
0x2d: {  	[tilespmem:$0x100D0] =	vst v0  }
0x2e: {  	[tilespmem:$0x100E0] =	vst v0  }
0x2f: {  	[tilespmem:$0x100F0] =	vst v0  }
0x30: {  	[tilespmem:$0x10100] =	vst v0  }
0x31: {  	[tilespmem:$0x10110] =	vst v0  }
0x32: {  	[tilespmem:$0x10120] =	vst v0  }
0x33: {  	[tilespmem:$0x10130] =	vst v0  }
0x34: {  	[tilespmem:$0x10140] =	vst v0  }
0x35: {  	[tilespmem:$0x10150] =	vst v0  }
0x36: {  	[tilespmem:$0x10160] =	vst v0  }
0x37: {  	[tilespmem:$0x10170] =	vst v0  }
0x38: {  	[tilespmem:$0x10180] =	vst v0  }
0x39: {  	[tilespmem:$0x10190] =	vst v0  }
0x3a: {  	[tilespmem:$0x101A0] =	vst v0  }
0x3b: {  	[tilespmem:$0x101B0] =	vst v0  }
0x3c: {  	[tilespmem:$0x101C0] =	vst v0  }
0x3d: {  	[tilespmem:$0x101D0] =	vst v0  }
0x3e: {  	[tilespmem:$0x101E0] =	vst v0  }
0x3f: {  	[tilespmem:$0x101F0] =	vst v0  }
0x40: {  	[tilespmem:$0x10200] =	vst v0  }
0x41: {  	[tilespmem:$0x10210] =	vst v0  }
0x42: {  	[tilespmem:$0x10220] =	vst v0  }
0x43: {  	[tilespmem:$0x10230] =	vst v0  }
0x44: {  	[tilespmem:$0x10240] =	vst v0  }
0x45: {  	[tilespmem:$0x10250] =	vst v0  }
0x46: {  	[tilespmem:$0x10260] =	vst v0  }
0x47: {  	[tilespmem:$0x10270] =	vst v0  }
0x48: {  	[tilespmem:$0x10280] =	vst v0  }
0x49: {  	[tilespmem:$0x10290] =	vst v0  }
0x4a: {  	[tilespmem:$0x102A0] =	vst v0  }
0x4b: {  	[tilespmem:$0x102B0] =	vst v0  }
0x4c: {  	[tilespmem:$0x102C0] =	vst v0  }
0x4d: {  	[tilespmem:$0x102D0] =	vst v0  }
0x4e: {  	[tilespmem:$0x102E0] =	vst v0  }
0x4f: {  	[tilespmem:$0x102F0] =	vst v0  }
0x50: {  	[spmem:s9] =	stream.linear.scatter [tilespmem:s19], [sflag:$0x1], $0x280, $0x38;
	[tilespmem:$0x10580] =	vst v63  }
0x51: {  	_ =	swait.ge [sflag:s14], $0x280  }
0x52: {  	[sflag:s14] =	ssyncset.done $0x0  }
0x53: {  	[sflag:s14] =	ssyncadd.s32 $0xFFFFFD80  }
0x54: {  	s25 =	simm.s32 $0xA840;
	[bflag:$0x0] =	sbarrier.arrive $0xFFFF  }
0x55: {  	s26 =	simm.s32 $0x5040;
	s28 =	simm.s32 $0xD400;
	s29 =	simm.s32 $0x0;
	v1 =	vld [tilespmem:$0x10000]  }
.LBB2_2:
0x56: {  	v2 =	vld [tilespmem:s26+$0xFFFFFFC0]  }
0x57: {  	v3 =	vld [tilespmem:s24+$0x0];
	_ =	sdelay $0x5  }
0x58: {  	v4 =	vld [tilespmem:s25+$0xFFFFFFC0]  }
0x59: {  	v2 =	vld.idx.msk [tilespmem:v2+s2+$0x0], $0xffff  }
0x5a: {  	v3 =	vld.idx.msk [tilespmem:v3+s15+$0x0], $0xffff;
	_ =	sdelay $0x4  }
0x5b: {  	v2 =	vadd.f32 v3, v2;
	v3 =	vmul.f32 v4, v1;
	_ =	sdelay $0x1  }
0x5c: {  	s30 =	sadd.s32 s29, s13;
	v2 =	vadd.f32 v3, v2  }
0x5d: {  	p1 =	slt.u32 s30, $0x50910  }
0x5e: {  	v2 =	vpsel !p1, $0xF149F2CA, v2  }
0x5f: {  	v3 =	vmul.f32 $2.000000030e-01, v2  }
0x60: {  	vm0 =	vge.f32 v2, $0.0e+00  }
0x61: {  	v2 =	vsel vm0, v2, v3  }
0x62: {  	v2 =	vmul.f32 $1.442695020e+00, v2;
	_ =	sdelay $0x1  }
0x63: {  	(erf) = vpow2.f32 v2;
	_ =	sdelay $0x8  }
0x64: {  	v2 =	vpop (erf)  }
0x65: {  	[tilespmem:s28+$0x0] =	vst v2  }
0x66: {  	v2 =	vld [tilespmem:s26+$0xFFFFFFD0]  }
0x67: {  	v3 =	vld [tilespmem:s24+$0x10];
	_ =	sdelay $0x5  }
0x68: {  	v57 =	vld [tilespmem:s25+$0xFFFFFFD0]  }
0x69: {  	v2 =	vld.idx.msk [tilespmem:v2+s2+$0x0], $0xffff  }
0x6a: {  	v3 =	vld.idx.msk [tilespmem:v3+s15+$0x0], $0xffff;
	_ =	sdelay $0x4  }
0x6b: {  	v2 =	vadd.f32 v3, v2;
	v3 =	vmul.f32 v57, v1;
	_ =	sdelay $0x1  }
0x6c: {  	s31 =	sadd.s32 $0x10, s30;
	v2 =	vadd.f32 v3, v2  }
0x6d: {  	p5 =	slt.u32 s31, $0x50910  }
0x6e: {  	v2 =	vpsel !p5, $0xF149F2CA, v2  }
0x6f: {  	v3 =	vmul.f32 $2.000000030e-01, v2  }
0x70: {  	vm9 =	vge.f32 v2, $0.0e+00  }
0x71: {  	v2 =	vsel vm9, v2, v3  }
0x72: {  	v2 =	vmul.f32 $1.442695020e+00, v2;
	_ =	sdelay $0x1  }
0x73: {  	(erf) = vpow2.f32 v2;
	_ =	sdelay $0x8  }
0x74: {  	v2 =	vpop (erf)  }
0x75: {  	[tilespmem:s28+$0x10] =	vst v2  }
0x76: {  	v2 =	vld [tilespmem:s26+$0xFFFFFFE0]  }
0x77: {  	v3 =	vld [tilespmem:s24+$0x20];
	_ =	sdelay $0x5  }
0x78: {  	v58 =	vld [tilespmem:s25+$0xFFFFFFE0]  }
0x79: {  	v2 =	vld.idx.msk [tilespmem:v2+s2+$0x0], $0xffff  }
0x7a: {  	v3 =	vld.idx.msk [tilespmem:v3+s15+$0x0], $0xffff;
	_ =	sdelay $0x4  }
0x7b: {  	v2 =	vadd.f32 v3, v2;
	v3 =	vmul.f32 v58, v1;
	_ =	sdelay $0x1  }
0x7c: {  	s31 =	sadd.s32 $0x20, s30;
	v2 =	vadd.f32 v3, v2  }
0x7d: {  	p6 =	slt.u32 s31, $0x50910  }
0x7e: {  	v2 =	vpsel !p6, $0xF149F2CA, v2  }
0x7f: {  	v3 =	vmul.f32 $2.000000030e-01, v2  }
0x80: {  	vm10 =	vge.f32 v2, $0.0e+00  }
0x81: {  	v2 =	vsel vm10, v2, v3  }
0x82: {  	v2 =	vmul.f32 $1.442695020e+00, v2;
	_ =	sdelay $0x1  }
0x83: {  	(erf) = vpow2.f32 v2;
	_ =	sdelay $0x8  }
0x84: {  	v2 =	vpop (erf)  }
0x85: {  	[tilespmem:s28+$0x20] =	vst v2  }
0x86: {  	v2 =	vld [tilespmem:s26+$0xFFFFFFF0]  }
0x87: {  	v3 =	vld [tilespmem:s24+$0x30];
	_ =	sdelay $0x5  }
0x88: {  	v59 =	vld [tilespmem:s25+$0xFFFFFFF0]  }
0x89: {  	v2 =	vld.idx.msk [tilespmem:v2+s2+$0x0], $0xffff  }
0x8a: {  	v3 =	vld.idx.msk [tilespmem:v3+s15+$0x0], $0xffff;
	_ =	sdelay $0x4  }
0x8b: {  	v2 =	vadd.f32 v3, v2;
	v3 =	vmul.f32 v59, v1;
	_ =	sdelay $0x1  }
0x8c: {  	s31 =	sadd.s32 $0x30, s30;
	v2 =	vadd.f32 v3, v2  }
0x8d: {  	p2 =	slt.u32 s31, $0x50910  }
0x8e: {  	v2 =	vpsel !p2, $0xF149F2CA, v2  }
0x8f: {  	v3 =	vmul.f32 $2.000000030e-01, v2  }
0x90: {  	vm11 =	vge.f32 v2, $0.0e+00  }
0x91: {  	v2 =	vsel vm11, v2, v3  }
0x92: {  	v2 =	vmul.f32 $1.442695020e+00, v2;
	_ =	sdelay $0x1  }
0x93: {  	(erf) = vpow2.f32 v2;
	_ =	sdelay $0x8  }
0x94: {  	v2 =	vpop (erf)  }
0x95: {  	[tilespmem:s28+$0x30] =	vst v2  }
0x96: {  	v2 =	vld [tilespmem:s26+$0x0]  }
0x97: {  	v3 =	vld [tilespmem:s24+$0x40];
	_ =	sdelay $0x5  }
0x98: {  	v60 =	vld [tilespmem:s25+$0x0]  }
0x99: {  	v2 =	vld.idx.msk [tilespmem:v2+s2+$0x0], $0xffff  }
0x9a: {  	v3 =	vld.idx.msk [tilespmem:v3+s15+$0x0], $0xffff;
	_ =	sdelay $0x4  }
0x9b: {  	v2 =	vadd.f32 v3, v2;
	v3 =	vmul.f32 v60, v1;
	_ =	sdelay $0x1  }
0x9c: {  	s31 =	sadd.s32 $0x40, s30;
	v2 =	vadd.f32 v3, v2  }
0x9d: {  	p3 =	slt.u32 s31, $0x50910  }
0x9e: {  	v2 =	vpsel !p3, $0xF149F2CA, v2  }
0x9f: {  	v3 =	vmul.f32 $2.000000030e-01, v2  }
0xa0: {  	vm12 =	vge.f32 v2, $0.0e+00  }
0xa1: {  	v2 =	vsel vm12, v2, v3  }
0xa2: {  	v2 =	vmul.f32 $1.442695020e+00, v2;
	_ =	sdelay $0x1  }
0xa3: {  	(erf) = vpow2.f32 v2;
	_ =	sdelay $0x8  }
0xa4: {  	v2 =	vpop (erf)  }
0xa5: {  	[tilespmem:s28+$0x40] =	vst v2  }
0xa6: {  	v2 =	vld [tilespmem:s26+$0x10]  }
0xa7: {  	v3 =	vld [tilespmem:s24+$0x50];
	_ =	sdelay $0x5  }
0xa8: {  	v61 =	vld [tilespmem:s25+$0x10]  }
0xa9: {  	v2 =	vld.idx.msk [tilespmem:v2+s2+$0x0], $0xffff  }
0xaa: {  	v3 =	vld.idx.msk [tilespmem:v3+s15+$0x0], $0xffff;
	_ =	sdelay $0x4  }
0xab: {  	v2 =	vadd.f32 v3, v2;
	v3 =	vmul.f32 v61, v1;
	_ =	sdelay $0x1  }
0xac: {  	s31 =	sadd.s32 $0x50, s30;
	v2 =	vadd.f32 v3, v2  }
0xad: {  	p4 =	slt.u32 s31, $0x50910  }
0xae: {  	v2 =	vpsel !p4, $0xF149F2CA, v2  }
0xaf: {  	v3 =	vmul.f32 $2.000000030e-01, v2  }
0xb0: {  	vm13 =	vge.f32 v2, $0.0e+00  }
0xb1: {  	v2 =	vsel vm13, v2, v3  }
0xb2: {  	v2 =	vmul.f32 $1.442695020e+00, v2;
	_ =	sdelay $0x1  }
0xb3: {  	(erf) = vpow2.f32 v2;
	_ =	sdelay $0x8  }
0xb4: {  	v2 =	vpop (erf)  }
0xb5: {  	[tilespmem:s28+$0x50] =	vst v2  }
0xb6: {  	v2 =	vld [tilespmem:s26+$0x20]  }
0xb7: {  	v3 =	vld [tilespmem:s24+$0x60];
	_ =	sdelay $0x5  }
0xb8: {  	v62 =	vld [tilespmem:s25+$0x20]  }
0xb9: {  	v2 =	vld.idx.msk [tilespmem:v2+s2+$0x0], $0xffff  }
0xba: {  	v3 =	vld.idx.msk [tilespmem:v3+s15+$0x0], $0xffff;
	_ =	sdelay $0x4  }
0xbb: {  	v2 =	vadd.f32 v3, v2;
	v3 =	vmul.f32 v62, v1;
	_ =	sdelay $0x1  }
0xbc: {  	s31 =	sadd.s32 $0x60, s30;
	v2 =	vadd.f32 v3, v2  }
0xbd: {  	p5 =	slt.u32 s31, $0x50910  }
0xbe: {  	v2 =	vpsel !p5, $0xF149F2CA, v2  }
0xbf: {  	v3 =	vmul.f32 $2.000000030e-01, v2  }
0xc0: {  	vm14 =	vge.f32 v2, $0.0e+00  }
0xc1: {  	v2 =	vsel vm14, v2, v3  }
0xc2: {  	v2 =	vmul.f32 $1.442695020e+00, v2;
	_ =	sdelay $0x1  }
0xc3: {  	(erf) = vpow2.f32 v2;
	_ =	sdelay $0x8  }
0xc4: {  	v2 =	vpop (erf)  }
0xc5: {  	[tilespmem:s28+$0x60] =	vst v2  }
0xc6: {  	v2 =	vld [tilespmem:s26+$0x30]  }
0xc7: {  	v3 =	vld [tilespmem:s24+$0x70];
	_ =	sdelay $0x5  }
0xc8: {  	v63 =	vld [tilespmem:s25+$0x30]  }
0xc9: {  	v2 =	vld.idx.msk [tilespmem:v2+s2+$0x0], $0xffff  }
0xca: {  	v3 =	vld.idx.msk [tilespmem:v3+s15+$0x0], $0xffff;
	_ =	sdelay $0x4  }
0xcb: {  	v2 =	vadd.f32 v3, v2;
	v3 =	vmul.f32 v63, v1;
	_ =	sdelay $0x1  }
0xcc: {  	s30 =	sadd.s32 $0x70, s30;
	v2 =	vadd.f32 v3, v2  }
0xcd: {  	p6 =	slt.u32 s30, $0x50910  }
0xce: {  	v2 =	vpsel !p6, $0xF149F2CA, v2  }
0xcf: {  	v3 =	vmul.f32 $2.000000030e-01, v2  }
0xd0: {  	vm15 =	vge.f32 v2, $0.0e+00  }
0xd1: {  	v2 =	vsel vm15, v2, v3  }
0xd2: {  	v2 =	vmul.f32 $1.442695020e+00, v2;
	_ =	sdelay $0x1  }
0xd3: {  	(erf) = vpow2.f32 v2;
	_ =	sdelay $0x8  }
0xd4: {  	p1 =	sne.s32 s29, $0x2800;
	v2 =	vpop (erf)  }
.Ltmp0:
0xd5: {  	[tilespmem:s28+$0x70] =	vst v2;
	(pc) =	sbr.rel @p1 .LBB2_2-.Ltmp0, $4  }
0xd6: {  	[spmem:s1] =	stream.indirect.scatter.add.f32 [tilespmem:s28], [sflag:$0x1], $0x1, s24, s20, $0xb8;
	[tilespmem:$0x10580] =	vst v63  }
0xd7: {  	s29 =	sadd.s32 $0x80, s29;
	_ =	swait.ge [sflag:s14], $0x80  }
0xd8: {  	s25 =	sadd.s32 $0x80, s25;
	s26 =	sadd.s32 $0x80, s26;
	[sflag:s14] =	ssyncset.done $0x0  }
0xd9: {  	s28 =	sadd.s32 $0x80, s28;
	s24 =	sadd.s32 $0x80, s24;
	[sflag:s14] =	ssyncadd.s32 $0xFFFFFF80  }
0xda: {  	[hbm4b:s10+s2] =	stream.linear.scatter [tilespmem:s21], [sflag:$0x1], $0x2880, $0x38;
	[tilespmem:$0x10580] =	vst v63  }
0xdb: {  	s24 =	simm.s32 @!p0 $0x1;
	_ =	swait.ge [sflag:s14], $0x2880  }
0xdc: {  	s25 =	simm.s32 @!p0 $0x20;
	s23 =	sadd.s32 $0x1, s23;
	[sflag:s14] =	ssyncset.done $0x0  }
0xdd: {  	s26 =	simm.s32 @!p0 $0x10;
	p1 =	sne.s32 s23, s12;
	[sflag:s14] =	ssyncadd.s32 $0xFFFFD780  }
.Ltmp1:
0xde: {  	s28 =	simm.s32 @!p0 $0x1C01;
	[bflag:$0x0] =	sbarrier.arrive $0xFFFF;
	(pc) =	sbr.rel @p1 .LBB2_1-.Ltmp1, $4  }
0xdf: {  	[hbm:s11@s25], [sflag:s28] =	dma.strided @!p0 [spmem:s22@s26], $0x500, s24, $0x10   }
0xe0: {  	_ =	swait.ge @!p0 [sflag:s24], $0x500  }
0xe1: {  	[sflag:s24] =	ssyncset.done @!p0 $0x0  }
0xe2: {  	[sflag:s24] =	ssyncadd.s32 @!p0 $0xFFFFFB00  }
0xe3: {  	_ =	sfence.sel $0x180000  }
0xe4: {  	[bflag:$0x0] =	sbarrier.arrive $0xFFFF  }
0xe5: {  	_ =	strace $0x90000047  }
0xe6: {  	s0 =	sadd.s32 @!p0 $0x100000, s0;
	[bflag:$0x2] =	sbarrier.arrive $0xFFFF  }
0xe7: {  	[sflag:s0] =	ssyncadd.tile.s32 @!p0 $0x1;
	_ =	shalt  }
.Lfunc_end2:
_tile_overlayer_lowered:
.L_overlay_start_2:
0xe8: {  	(tag) =	ssettag $0x2  }
0xe9: {  	s0 =	rddreg [dreg:$0x0];
	s2 =	stileid.u32  }
0xea: {  	s1 =	rddreg [dreg:$0x1];
	p0 =	sne.s32 s2, $0x0  }
0xeb: {  	s3 =	rddreg [dreg:$0x2];
	[bflag:$0x3] =	sbarrier.arrive $0xFFFF;
	s2 =	simm.s32 @!p0 $0x1C01  }
0xec: {  	[timem:s3], [sflag:s2] =	dma.local @!p0 [hbm:s0], s1  }
0xed: {  	s0 =	simm.s32 @!p0 $0x1  }
0xee: {  	_ =	swait.ge @!p0 [sflag:s0], s1  }
0xef: {  	s1 =	ssub.s32 @!p0 $0x0, s1;
	[sflag:s0] =	ssyncset.done @!p0 $0x0  }
0xf0: {  	[sflag:s0] =	ssyncadd.s32 @!p0 s1  }
0xf1: {  	[bflag:$0x3] =	sbarrier.arrive $0xFFFF  }
0xf2: {  	_ =	shalt  }

// kernel: kernel.15.cloned.1.call-start
scs
__scs_entry_jumppad:
0x0: {  	(pc) =	sbr.rel $0x88, $3  }
0x1: {  	(tag) =	ssettag $0x0;
	lr =	simm.s32 $0x1  }
0x2: {  	[smem:$0x3F89] =	sst lr;
	_ =	strace $0xD0000000  }
0x3: {  	_ = 	snop  }
0x4: {  	_ = 	snop  }
0x5: {  	_ = 	snop  }
0x6: {  	_ = 	snop  }
0x7: {  	_ = 	snop  }
__scs_overlays_trampoline_lowered:
0x8: {  	[smem:$0x3F98] =	sst s0  }
0x9: {  	[smem:$0x3F99] =	sst s1  }
0xa: {  	[smem:$0x3F9A] =	sst s2  }
0xb: {  	[smem:$0x3F9B] =	sst s3  }
0xc: {  	[smem:$0x3F9C] =	sst s4  }
0xd: {  	[smem:$0x3F9D] =	sst s5  }
0xe: {  	[smem:$0x3F9E] =	sst s6  }
0xf: {  	[smem:$0x3F9F] =	sst s7  }
0x10: {  	[smem:$0x3FA0] =	sst s8  }
0x11: {  	[smem:$0x3FA1] =	sst s9;
	s0 =	simm.s32 @!p0 $0x0  }
0x12: {  	s1 =	sld [smem:$0x3F87];
	s0 =	simm.s32 @p0 $0x1  }
0x13: {  	[smem:$0x3FA2] =	sst s0;
	s0 =	simm.s32 @!p1 $0x0  }
0x14: {  	s2 =	sld [smem:$0x3F86];
	s0 =	simm.s32 @p1 $0x1  }
0x15: {  	[smem:$0x3FA3] =	sst s0;
	s0 =	simm.s32 @!p2 $0x0  }
0x16: {  	s3 =	sld [smem:$0x3FDB];
	s0 =	simm.s32 @p2 $0x1  }
0x17: {  	s4 =	simm.s32 $0x1BF5;
	[smem:$0x3FA5] =	sst s0  }
0x18: {  	s0 =	sld [smem:$0x3F88];
	_ =	swait.ge [sflag:s4], $0x0  }
0x19: {  	s7 =	sld [smem:$0x3F89]  }
0x1a: {  	s8 =	sadd.s32 $0xFFFFE003, lr  }
0x1b: {  	s9 =	sadd.s32 $0xFFFFFEF7, lr;
	s5 =	simm.s32 $0xFFFFFFFF;
	p2 =	slt.u32 s8, $0xFFFFF086  }
0x1c: {  	p1 =	slt.u32 s9, $0xF7A;
	s5 =	simm.s32 @!p2 $0x0  }
0x1d: {  	s5 =	simm.s32 @p1 $0x1;
	p0 =	seq.s32 s7, s2  }
0x1e: {  	s7 =	smul.u32 @!p0 $0xF7A, s2;
	p2 =	seq.s32 @!p0 s5, $0x0  }
0x1f: {  	s9 =	smul.u32 $0xF7A, s1;
	s8 =	simm.s32 @!p0 $0x1BF5;
	p2 =	por !p2, p0  }
0x20: {  	[sflag:s8] =	ssyncset.s32 @!p0 $0xFFFFF086;
	s6 =	sadd.s32 @!p0 s3, s7;
	s7 =	simm.s32 @!p0 $0x108  }
0x21: {  	s3 =	sadd.s32 s3, s9;
	s6 =	sadd.s32 @!p0 $0x88, s6;
	s7 =	simm.s32 @p2 $0x1082  }
0x22: {  	[simem:s7], [sflag:s8] =	dma.local @!p0 [hbm:s6], $0xF7A  }
0x23: {  	s9 =	sor.u32 $0xD0000000, s2;
	s6 =	simm.s32 $0x108;
	_ =	swait.ge @!p0 [sflag:s8], $0x0  }
0x24: {  	s3 =	sadd.s32 $0x88, s3;
	s6 =	simm.s32 @!p1 $0x1082;
	[sflag:s4] =	ssyncset.s32 $0xFFFFF086  }
0x25: {  	[simem:s6], [sflag:s4] =	dma.local [hbm:s3], $0xF7A  }
0x26: {  	[smem:$0x3F89] =	sst s1;
	(tag) =	ssettag s2;
	_ =	strace s9  }
0x27: {  	s1 =	sld [smem:$0x3F99]  }
0x28: {  	s2 =	sld [smem:$0x3F9A]  }
0x29: {  	s4 =	sld [smem:$0x3F9C]  }
0x2a: {  	p0 =	seq.s32 s5, $0x0;
	s5 =	sld [smem:$0x3F9D]  }
0x2b: {  	s6 =	sld [smem:$0x3F9E]  }
0x2c: {  	s7 =	sld [smem:$0x3F9F]  }
0x2d: {  	s3 =	simm.s32 $0x108;
	s8 =	sld [smem:$0x3FA0]  }
0x2e: {  	s3 =	simm.s32 @!p0 $0x1082;
	s9 =	sld [smem:$0x3FA1]  }
0x2f: {  	lr =	sadd.s32 s0, s3;
	s0 =	sld [smem:$0x3F98]  }
0x30: {  	s3 =	sld [smem:$0x3F9B]  }
0x31: {  	[smem:$0x3FA4] =	sst s10  }
0x32: {  	s10 =	sld [smem:$0x3FA2];
	_ =	sdelay $0x3  }
0x33: {  	p0 =	seq.s32 s10, $0x1;
	s10 =	sld [smem:$0x3FA4];
	_ =	sdelay $0x3  }
0x34: {  	[smem:$0x3FA4] =	sst s10  }
0x35: {  	s10 =	sld [smem:$0x3FA3];
	_ =	sdelay $0x3  }
0x36: {  	p1 =	seq.s32 s10, $0x1;
	s10 =	sld [smem:$0x3FA4];
	_ =	sdelay $0x3  }
0x37: {  	[smem:$0x3FA4] =	sst s10  }
0x38: {  	s10 =	sld [smem:$0x3FA5]  }
0x39: {  	_ = 	snop;
	(pc) =	sbr.ind lr, $3  }
0x3a: {  	_ = 	snop  }
0x3b: {  	_ = 	snop  }
0x3c: {  	p2 =	seq.s32 s10, $0x1;
	s10 =	sld [smem:$0x3FA4]  }
0x3d: {  	_ =	shalt  }
0x3e: {  	_ =	shalt  }
0x3f: {  	_ =	shalt  }
0x40: {  	_ =	shalt  }
0x41: {  	_ =	shalt  }
0x42: {  	_ =	shalt  }
0x43: {  	_ =	shalt  }
0x44: {  	_ =	shalt  }
0x45: {  	_ =	shalt  }
0x46: {  	_ =	shalt  }
0x47: {  	_ =	shalt  }
0x48: {  	_ =	shalt  }
0x49: {  	_ =	shalt  }
0x4a: {  	_ =	shalt  }
0x4b: {  	_ =	shalt  }
0x4c: {  	_ =	shalt  }
0x4d: {  	_ =	shalt  }
0x4e: {  	_ =	shalt  }
0x4f: {  	_ =	shalt  }
0x50: {  	_ =	shalt  }
0x51: {  	_ =	shalt  }
0x52: {  	_ =	shalt  }
0x53: {  	_ =	shalt  }
0x54: {  	_ =	shalt  }
0x55: {  	_ =	shalt  }
0x56: {  	_ =	shalt  }
0x57: {  	_ =	shalt  }
0x58: {  	_ =	shalt  }
0x59: {  	_ =	shalt  }
0x5a: {  	_ =	shalt  }
0x5b: {  	_ =	shalt  }
0x5c: {  	_ =	shalt  }
0x5d: {  	_ =	shalt  }
0x5e: {  	_ =	shalt  }
0x5f: {  	_ =	shalt  }
0x60: {  	_ =	shalt  }
0x61: {  	_ =	shalt  }
0x62: {  	_ =	shalt  }
0x63: {  	_ =	shalt  }
0x64: {  	_ =	shalt  }
0x65: {  	_ =	shalt  }
0x66: {  	_ =	shalt  }
0x67: {  	_ =	shalt  }
0x68: {  	_ =	shalt  }
0x69: {  	_ =	shalt  }
0x6a: {  	_ =	shalt  }
0x6b: {  	_ =	shalt  }
0x6c: {  	_ =	shalt  }
0x6d: {  	_ =	shalt  }
0x6e: {  	_ =	shalt  }
0x6f: {  	_ =	shalt  }
0x70: {  	_ =	shalt  }
0x71: {  	_ =	shalt  }
0x72: {  	_ =	shalt  }
0x73: {  	_ =	shalt  }
0x74: {  	_ =	shalt  }
0x75: {  	_ =	shalt  }
0x76: {  	_ =	shalt  }
0x77: {  	_ =	shalt  }
0x78: {  	_ =	shalt  }
0x79: {  	_ =	shalt  }
0x7a: {  	_ =	shalt  }
0x7b: {  	_ =	shalt  }
0x7c: {  	_ =	shalt  }
0x7d: {  	_ =	shalt  }
0x7e: {  	_ =	shalt  }
0x7f: {  	_ =	shalt  }
0x80: {  	_ =	shalt  }
0x81: {  	_ =	shalt  }
0x82: {  	_ =	shalt  }
0x83: {  	_ =	shalt  }
0x84: {  	_ =	shalt  }
0x85: {  	_ =	shalt  }
0x86: {  	_ =	shalt  }
0x87: {  	_ =	shalt  }
.Lfunc_end0:
.L_simem_size_0:
called_computation.1_lowered:
.L_overlay_start_0:
0x88: {  	s2 =	sld [smem:$0x3FD9]  }
0x89: {  	s3 =	sld [smem:$0x3FFE];
	_ =	sdelay $0x1  }
0x8a: {  	s1 =	srdreg.scid  }
0x8b: {  	s0 =	sand.u32 $0x1, s1  }
0x8c: {  	s16 =	sshll.u32 s0, $0xA;
	s2 =	sadd.s32 s3, s2  }
0x8d: {  	s2 =	sadd.s32 s2, s16  }
0x8e: {  	[smem:$0x3FB0] =	sst s2  }
0x8f: {  	_ = 	snop  }
0x90: {  	(tm) =	ssettm $0x1  }
0x91: {  	s17 =	sld [smem:$0x3FFB];
	_ =	sdelay $0x3  }
0x92: {  	_ =	strace s17  }
0x93: {  	s2 =	sld [smem:$0x3FFC];
	_ =	sdelay $0x3  }
0x94: {  	_ =	strace s2  }
0x95: {  	s2 =	sld [smem:$0x3FFD];
	_ =	sdelay $0x3  }
0x96: {  	_ =	strace s2  }
0x97: {  	_ =	strace $0x8FFFFFFF  }
0x98: {  	s18 =	sld [smem:$0x3FDB];
	_ =	sdelay $0x1  }
0x99: {  	s19 =	simm.s32 $_scs_section_size  }
0x9a: {  	s4 =	simm.s32 $_size__tile_overlayer_lowered;
	s5 =	simm.s32 $_tile_overlayer_lowered  }
0x9b: {  	s22 =	simm.s32 $0x1BFF;
	s21 =	sshll.u32 s5, $0x1;
	s2 =	sadd.s32 s19, s18  }
0x9c: {  	s6 =	simm.s32 $0x0;
	s20 =	sshll.u32 s4, $0x1;
	s4 =	sadd.s32 s21, s2  }
0x9d: {  	[timem:s6], [sflag:s22] =	dma.local [hbm:s4], s20  }
0x9e: {  	_ =	swait.ge [sflag:s22], s20  }
0x9f: {  	s3 =	ssub.s32 $0x0, s20;
	[sflag:s22] =	ssyncset.done $0x0  }
0xa0: {  	[sflag:s22] =	ssyncadd.s32 s3;
	_ =	sdelay $0x1  }
0xa1: {  	s23 =	simm.s32 $0x1B8B  }
0xa2: {  	_ =	swait.ge [sflag:s23], $0x1  }
0xa3: {  	[sflag:s23] =	ssyncset.done $0x0  }
0xa4: {  	s25 =	simm.s32 $0x1B8E;
	s24 =	sld [smem:$0x3FFE];
	[sflag:s23] =	ssyncadd.s32 $0xFFFFFFFF  }
0xa5: {  	s26 =	simm.s32 $execute0_lowered;
	[smem:$0x3FD2] =	sst s25  }
0xa6: {  	s4 =	sshll.u32 s26, $0x1;
	_ =	strace $0x80000049;
	[dreg:$0x1] =	wrdreg $0xFFFFFFFF  }
0xa7: {  	s28 =	simm.s32 $_size_execute0_lowered;
	s2 =	sadd.s32 s2, s4;
	[dreg:$0x0] =	wrdreg $0x0  }
0xa8: {  	s4 =	sshll.u32 s28, $0x1;
	[dreg:$0x2] =	wrdreg s2  }
0xa9: {  	[dreg:$0x3] =	wrdreg s4  }
0xaa: {  	[dreg:$0x4] =	wrdreg $0xC0  }
0xab: {  	_ =	task [dreg:s6], $0x5FFFF  }
0xac: {  	[dreg:$0x1] =	wrdreg $0xFFFFFFFF  }
0xad: {  	[dreg:$0x0] =	wrdreg $0x60  }
0xae: {  	[dreg:$0x2] =	wrdreg s24  }
0xaf: {  	[dreg:$0x3] =	wrdreg $0x42800  }
0xb0: {  	[dreg:$0x4] =	wrdreg $0x9  }
0xb1: {  	_ =	task.clear_ibuf [dreg:s6], $0x5FFFF;
	_ =	strace $0x90000049  }
0xb2: {  	s29 =	simm.s32 $0x9;
	_ =	strace $0x8000004B  }
0xb3: {  	_ =	swait.ge [sflag:s29], $0x1  }
0xb4: {  	[sflag:s29] =	ssyncadd.s32 $0xFFFFFFFF  }
0xb5: {  	_ =	strace $0x9000004B  }
0xb6: {  	_ =	sfence  }
0xb7: {  	s30 =	sld [smem:$0x0];
	_ =	sdelay $0x2  }
0xb8: {  	s31 =	sshll.u32 s1, $0xD;
	s1 =	sshrl.u32 s1, $0x2  }
0xb9: {  	s3 =	sand.u32 $0x4000, s31;
	s1 =	sadd.s32 s1, s30  }
0xba: {  	s0 =	sor.u32 s3, s0;
	s1 =	sshll.u32 s1, $0x11  }
0xbb: {  	s0 =	sor.u32 s1, s0  }
0xbc: {  	s0 =	sadd.s32 $0x8F2B, s0  }
0xbd: {  	[sflag:s0] =	ssyncadd.remote.s32 $0x1  }
0xbe: {  	_ =	sfence.sel $0xFFFF  }
0xbf: {  	[dreg:$0x0] =	wrdreg $0xFFFFFFFF;
	(pc) =	sbr.abs _section_cstart, $3  }
0xc0: {  	[dreg:$0x1] =	wrdreg $0xFFFFFFFF  }
0xc1: {  	_ =	task.clear_ibuf [dreg:s6], $0x2FFFF;
	_ =	strace $0x9FFFFFFF  }
0xc2: {  	(tm) =	ssettm $0x7FFFFFFF  }
0xc3: {  	_ =	shalt  }
tec
execute0_lowered:
.L_overlay_start_1:
0x0: {  	(tag) =	ssettag $0x1  }
0x1: {  	s6 =	rddreg [dreg:$0x0]  }
0x2: {  	s0 =	srdreg.scid;
	s2 =	rddreg [dreg:$0x1]  }
0x3: {  	s1 =	stileid.u32;
	s3 =	simm.s32 $0x0;
	s14 =	simm.s32 $0x280  }
0x4: {  	s15 =	simm.s32 $0x2;
	s16 =	simm.s32 $0x80;
	s17 =	simm.s32 $0x1  }
0x5: {  	s7 =	sand.u32 $0x1, s0;
	s0 =	rddreg [dreg:$0x2];
	s5 =	smul.u32 $0x14000, s1  }
0x6: {  	s18 =	simm.s32 $0x200;
	[smem:$0x7FF] =	sst s3;
	s9 =	smul.u32 $0x50000, s1  }
0x7: {  	s10 =	sshll.u32 s1, $0x1;
	s19 =	sshll.u32 s1, $0x6;
	s4 =	smul.u32 $0x140000, s7  }
0x8: {  	_ =	strace $0x8000004A;
	s30 =	ssub.s32 $0x2, s7;
	s11 =	sor.u32 s7, s10  }
0x9: {  	s19 =	sor.u32 $0x1C02, s19;
	s31 =	sshrl.u32 s30, $0x1;
	s9 =	sshrl.u32 s9, $0x2  }
0xa: {  	s11 =	smul.u32 $0xA200, s11;
	s5 =	sadd.s32 s5, s4;
	s4 =	sadd.s32 $0x58200, s6  }
0xb: {  	s13 =	ssub.s32 s30, s31;
	s8 =	sshrl.u32 s5, $0x3;
	s5 =	sadd.s32 $0x2600, s6  }
0xc: {  	s13 =	smax.u32 s13, $0x1;
	s12 =	sadd.s32 s8, s6;
	s6 =	sadd.s32 s9, s2  }
0xd: {  	s7 =	sadd.s32 $0x4000, s6;
	s8 =	sadd.s32 $0x8000, s6;
	s9 =	sadd.s32 $0xC000, s6  }
0xe: {  	v0 =	vimm.f32 $0.0e+00;
	s10 =	sadd.s32 $0x10000, s6;
	s12 =	sadd.s32 $0x80A00, s12;
	s20 =	sshrl.u32 s6, $0x3  }
.LBB2_1:
0xf: {  	s21 =	simm.s32 $0x0;
	s22 =	simm.s32 $0x200  }
.LBB2_2:
0x10: {  	p0 =	sne.s32 s22, $0xFE00;
	[tilespmem:s21+$0x2F0] =	vst v0  }
0x11: {  	[tilespmem:s21+$0x280] =	vst v0  }
0x12: {  	[tilespmem:s21+$0x290] =	vst v0  }
.Ltmp0:
0x13: {  	[tilespmem:s21+$0x2A0] =	vst v0;
	(pc) =	sbr.rel @p0 .LBB2_2-.Ltmp0, $4  }
0x14: {  	[tilespmem:s21+$0x2B0] =	vst v0  }
0x15: {  	[tilespmem:s21+$0x2C0] =	vst v0  }
0x16: {  	[tilespmem:s21+$0x2D0] =	vst v0  }
0x17: {  	[tilespmem:s21+$0x2E0] =	vst v0;
	s21 =	sshra.s32 s22, $0x2;
	s22 =	sadd.s32 $0x200, s22  }
0x18: {  	[tilespmem:s21+$0x2F0] =	vst v0  }
0x19: {  	[tilespmem:s21+$0x280] =	vst v0  }
0x1a: {  	[tilespmem:s21+$0x290] =	vst v0  }
0x1b: {  	[tilespmem:s21+$0x2A0] =	vst v0  }
0x1c: {  	[tilespmem:s21+$0x2B0] =	vst v0  }
0x1d: {  	[tilespmem:s21+$0x2C0] =	vst v0  }
0x1e: {  	[tilespmem:s21+$0x2D0] =	vst v0  }
0x1f: {  	[tilespmem:s21+$0x2E0] =	vst v0  }
0x20: {  	[spmem:s6] =	stream.linear.scatter [tilespmem:s14], [sflag:$0x2], $0x4000, $0x38;
	[tilespmem:$0x18280] =	vst v63  }
0x21: {  	_ =	swait.ge [sflag:s15], $0x4000  }
0x22: {  	[sflag:s15] =	ssyncset.done $0x0  }
0x23: {  	[sflag:s15] =	ssyncadd.s32 $0xFFFFC000  }
0x24: {  	[spmem:s7] =	stream.linear.scatter [tilespmem:s14], [sflag:$0x2], $0x4000, $0x38;
	[tilespmem:$0x18280] =	vst v63  }
0x25: {  	_ =	swait.ge [sflag:s15], $0x4000  }
0x26: {  	[sflag:s15] =	ssyncset.done $0x0  }
0x27: {  	[sflag:s15] =	ssyncadd.s32 $0xFFFFC000  }
0x28: {  	[spmem:s8] =	stream.linear.scatter [tilespmem:s14], [sflag:$0x2], $0x4000, $0x38;
	[tilespmem:$0x18280] =	vst v63  }
0x29: {  	_ =	swait.ge [sflag:s15], $0x4000  }
0x2a: {  	[sflag:s15] =	ssyncset.done $0x0  }
0x2b: {  	[sflag:s15] =	ssyncadd.s32 $0xFFFFC000  }
0x2c: {  	[spmem:s9] =	stream.linear.scatter [tilespmem:s14], [sflag:$0x2], $0x4000, $0x38;
	[tilespmem:$0x18280] =	vst v63  }
0x2d: {  	_ =	swait.ge [sflag:s15], $0x4000  }
0x2e: {  	[sflag:s15] =	ssyncset.done $0x0  }
0x2f: {  	[sflag:s15] =	ssyncadd.s32 $0xFFFFC000  }
0x30: {  	[spmem:s10] =	stream.linear.scatter [tilespmem:s14], [sflag:$0x2], $0x4000, $0x38;
	[tilespmem:$0x18280] =	vst v63  }
0x31: {  	_ =	swait.ge [sflag:s15], $0x4000  }
0x32: {  	[sflag:s15] =	ssyncset.done $0x0  }
0x33: {  	[sflag:s15] =	ssyncadd.s32 $0xFFFFC000  }
0x34: {  	s21 =	simm.s32 $0x0;
	s22 =	simm.s32 $0x0;
	[bflag:$0x0] =	sbarrier.arrive $0xFFFF  }
.LBB2_4:
0x35: {  	s23 =	sshll.u32 s22, $0x9  }
0x36: {  	s23 =	sadd.s32 s11, s23  }
0x37: {  	s23 =	sshrl.u32 s23, $0x3  }
0x38: {  	s23 =	sadd.s32 s4, s23  }
0x39: {  	[tilespmem:s21], [sflag:$0x2] =	stream.linear.gather [hbm4b:s23+s21], $0x180, $0x38;
	[tilespmem:$0x18280] =	vst v63  }
0x3a: {  	_ =	swait.ge [sflag:s15], $0x180  }
0x3b: {  	[sflag:s15] =	ssyncset.done $0x0  }
0x3c: {  	[sflag:s15] =	ssyncadd.s32 $0xFFFFFE80  }
0x3d: {  	[tilespmem:s14], [sflag:$0x1] =	stream.indirect.gather [hbm4b:s5+s16], $0x80, s21, s16, $0xb8;
	[tilespmem:$0x18280] =	vst v63  }
0x3e: {  	_ =	swait.ge [sflag:s17], $0x4000  }
0x3f: {  	[sflag:s17] =	ssyncset.done $0x0  }
0x40: {  	[sflag:s17] =	ssyncadd.s32 $0xFFFFC000  }
0x41: {  	v1 =	vld [tilespmem:$0x100]  }
0x42: {  	v2 =	vld [tilespmem:$0x110]  }
0x43: {  	v3 =	vld [tilespmem:$0x120]  }
0x44: {  	v4 =	vld [tilespmem:$0x130]  }
0x45: {  	v5 =	vld [tilespmem:$0x140]  }
0x46: {  	[tilespmem:$0x200] =	vst v1;
	v1 =	vld [tilespmem:$0x150]  }
0x47: {  	[tilespmem:$0x210] =	vst v2;
	v2 =	vld [tilespmem:$0x160]  }
0x48: {  	[tilespmem:$0x220] =	vst v3;
	v3 =	vld [tilespmem:$0x170]  }
0x49: {  	[tilespmem:$0x230] =	vst v4  }
0x4a: {  	[tilespmem:$0x240] =	vst v5  }
0x4b: {  	[tilespmem:$0x250] =	vst v1  }
0x4c: {  	[tilespmem:$0x260] =	vst v2;
	v1 =	vmov s21  }
0x4d: {  	s23 =	simm.s32 $0x2C0;
	[tilespmem:$0x270] =	vst v3  }
0x4e: {  	v5 =	vld [tilespmem:s23+$0x30]  }
0x4f: {  	v8 =	vld [tilespmem:s23+$0x10]  }
0x50: {  	v6 =	vld [tilespmem:s23+$0xFFFFFFC0]  }
0x51: {  	v2 =	vld.idx.msk [tilespmem:v1+s18+$0x0], $0xffff  }
0x52: {  	v10 =	vld [tilespmem:s23+$0xFFFFFFE0]  }
0x53: {  	v3 =	vld [tilespmem:s23+$0x20]  }
0x54: {  	v4 =	vld [tilespmem:s23+$0xFFFFFFD0]  }
0x55: {  	v1 =	vld [tilespmem:s23+$0xFFFFFFF0]  }
0x56: {  	v9 =	vmul.f32 v5, v2;
	v5 =	vld [tilespmem:s23+$0x0]  }
0x57: {  	v7 =	vmul.f32 v6, v2  }
0x58: {  	s24 =	simm.s32 $0x1;
	s25 =	simm.s32 $0x2C0;
	v6 =	vmul.f32 v10, v2;
	v8 =	vmul.f32 v8, v2  }
.LBB2_5:
0x59: {  	p0 =	sne.s32 s24, $0x7F  }
0x5a: {  	v4 =	vmul.f32 v4, v2;
	v3 =	vmul.f32 v3, v2;
	[tilespmem:s23+$0x30] =	vst v9;
	s25 =	sadd.s32 $0x80, s25;
	s26 =	smov.u32 s24;
	s24 =	sadd.s32 $0x1, s24  }
0x5b: {  	[tilespmem:s23+$0xFFFFFFC0] =	vst v7;
	v7 =	vmul.f32 v1, v2;
	v2 =	vmul.f32 v5, v2  }
0x5c: {  	[tilespmem:s23+$0x10] =	vst v8  }
0x5d: {  	v5 =	vmov s26;
	[tilespmem:s23+$0xFFFFFFE0] =	vst v6  }
0x5e: {  	v1 =	vld [tilespmem:s25+$0xFFFFFFF0];
	[tilespmem:s23+$0xFFFFFFF0] =	vst v7  }
0x5f: {  	v6 =	vld [tilespmem:s25+$0x30];
	[tilespmem:s23+$0x0] =	vst v2  }
0x60: {  	v8 =	vld [tilespmem:s25+$0x10];
	[tilespmem:s23+$0x20] =	vst v3  }
0x61: {  	v7 =	vld [tilespmem:s25+$0xFFFFFFC0];
	[tilespmem:s23+$0xFFFFFFD0] =	vst v4;
	s23 =	smov.u32 s25  }
0x62: {  	v2 =	vld.idx.msk [tilespmem:v5+s18+$0x0], $0xffff  }
0x63: {  	v10 =	vld [tilespmem:s25+$0xFFFFFFE0]  }
0x64: {  	v3 =	vld [tilespmem:s25+$0x20]  }
.Ltmp1:
0x65: {  	v4 =	vld [tilespmem:s25+$0xFFFFFFD0];
	(pc) =	sbr.rel @p0 .LBB2_5-.Ltmp1, $3  }
0x66: {  	v5 =	vld [tilespmem:s25+$0x0];
	_ =	sdelay $0x1  }
0x67: {  	v7 =	vmul.f32 v7, v2;
	v9 =	vmul.f32 v6, v2  }
0x68: {  	v8 =	vmul.f32 v8, v2;
	v6 =	vmul.f32 v10, v2  }
0x69: {  	[tilespmem:s23+$0x30] =	vst v9  }
0x6a: {  	[tilespmem:s23+$0xFFFFFFC0] =	vst v7  }
0x6b: {  	v1 =	vmul.f32 v1, v2;
	[tilespmem:s23+$0x10] =	vst v8  }
0x6c: {  	v3 =	vmul.f32 v3, v2;
	[tilespmem:s23+$0xFFFFFFE0] =	vst v6  }
0x6d: {  	v5 =	vmul.f32 v5, v2;
	[tilespmem:s23+$0xFFFFFFF0] =	vst v1  }
0x6e: {  	s22 =	sadd.s32 $0x1, s22;
	v1 =	vmul.f32 v4, v2;
	[tilespmem:s23+$0x20] =	vst v3  }
0x6f: {  	p0 =	sne.s32 s22, $0x51;
	[tilespmem:s23+$0x0] =	vst v5  }
.Ltmp2:
0x70: {  	[tilespmem:s23+$0xFFFFFFD0] =	vst v1;
	(pc) =	sbr.rel @p0 .LBB2_4-.Ltmp2, $4  }
0x71: {  	[spmem:s2] =	stream.indirect.scatter.add.f32 [tilespmem:s14], [sflag:$0x2], $0x80, s16, s16, $0xb8;
	[tilespmem:$0x18280] =	vst v63  }
0x72: {  	_ =	swait.ge [sflag:s15], $0x4000  }
0x73: {  	[sflag:s15] =	ssyncset.done $0x0  }
0x74: {  	[sflag:s15] =	ssyncadd.s32 $0xFFFFC000  }
0x75: {  	s3 =	sadd.s32 $0x1, s3  }
0x76: {  	p0 =	sne.s32 s3, s13  }
.Ltmp3:
0x77: {  	[bflag:$0x0] =	sbarrier.arrive $0xFFFF;
	(pc) =	sbr.rel @p0 .LBB2_1-.Ltmp3, $4  }
0x78: {  	[hbm:s12], [sflag:s19] =	dma.local [spmem:s20], $0x2800  }
0x79: {  	_ =	swait.ge [sflag:s15], $0x2800  }
0x7a: {  	[sflag:s15] =	ssyncset.done $0x0  }
0x7b: {  	[sflag:s15] =	ssyncadd.s32 $0xFFFFD800  }
0x7c: {  	_ =	sfence.sel $0x180000  }
0x7d: {  	[bflag:$0x0] =	sbarrier.arrive $0xFFFF  }
0x7e: {  	p0 =	sne.s32 s1, $0x0;
	_ =	strace $0x9000004A  }
0x7f: {  	s0 =	sadd.s32 @!p0 $0x100000, s0;
	[bflag:$0x2] =	sbarrier.arrive $0xFFFF  }
0x80: {  	[sflag:s0] =	ssyncadd.tile.s32 @!p0 $0x1;
	_ =	shalt  }
.Lfunc_end2:
_tile_overlayer_lowered:
.L_overlay_start_2:
0x81: {  	(tag) =	ssettag $0x2  }
0x82: {  	s0 =	rddreg [dreg:$0x0];
	s2 =	stileid.u32  }
0x83: {  	s1 =	rddreg [dreg:$0x1];
	p0 =	sne.s32 s2, $0x0  }
0x84: {  	s3 =	rddreg [dreg:$0x2];
	[bflag:$0x3] =	sbarrier.arrive $0xFFFF;
	s2 =	simm.s32 @!p0 $0x1C02  }
0x85: {  	[timem:s3], [sflag:s2] =	dma.local @!p0 [hbm:s0], s1  }
0x86: {  	s0 =	simm.s32 @!p0 $0x2  }
0x87: {  	_ =	swait.ge @!p0 [sflag:s0], s1  }
0x88: {  	s1 =	ssub.s32 @!p0 $0x0, s1;
	[sflag:s0] =	ssyncset.done @!p0 $0x0  }
0x89: {  	[sflag:s0] =	ssyncadd.s32 @!p0 s1  }
0x8a: {  	[bflag:$0x3] =	sbarrier.arrive $0xFFFF  }
0x8b: {  	_ =	shalt  }

// kernel: kernel.18.cloned.1.call-start
scs
__scs_entry_jumppad:
0x0: {  	(pc) =	sbr.rel $0x88, $3  }
0x1: {  	(tag) =	ssettag $0x0;
	lr =	simm.s32 $0x1  }
0x2: {  	[smem:$0x3F89] =	sst lr;
	_ =	strace $0xD0000000  }
0x3: {  	_ = 	snop  }
0x4: {  	_ = 	snop  }
0x5: {  	_ = 	snop  }
0x6: {  	_ = 	snop  }
0x7: {  	_ = 	snop  }
__scs_overlays_trampoline_lowered:
0x8: {  	[smem:$0x3F98] =	sst s0  }
0x9: {  	[smem:$0x3F99] =	sst s1  }
0xa: {  	[smem:$0x3F9A] =	sst s2  }
0xb: {  	[smem:$0x3F9B] =	sst s3  }
0xc: {  	[smem:$0x3F9C] =	sst s4  }
0xd: {  	[smem:$0x3F9D] =	sst s5  }
0xe: {  	[smem:$0x3F9E] =	sst s6  }
0xf: {  	[smem:$0x3F9F] =	sst s7  }
0x10: {  	[smem:$0x3FA0] =	sst s8  }
0x11: {  	[smem:$0x3FA1] =	sst s9;
	s0 =	simm.s32 @!p0 $0x0  }
0x12: {  	s1 =	sld [smem:$0x3F87];
	s0 =	simm.s32 @p0 $0x1  }
0x13: {  	[smem:$0x3FA2] =	sst s0;
	s0 =	simm.s32 @!p1 $0x0  }
0x14: {  	s2 =	sld [smem:$0x3F86];
	s0 =	simm.s32 @p1 $0x1  }
0x15: {  	[smem:$0x3FA3] =	sst s0;
	s0 =	simm.s32 @!p2 $0x0  }
0x16: {  	s3 =	sld [smem:$0x3FDB];
	s0 =	simm.s32 @p2 $0x1  }
0x17: {  	s4 =	simm.s32 $0x1BF5;
	[smem:$0x3FA5] =	sst s0  }
0x18: {  	s0 =	sld [smem:$0x3F88];
	_ =	swait.ge [sflag:s4], $0x0  }
0x19: {  	s7 =	sld [smem:$0x3F89]  }
0x1a: {  	s8 =	sadd.s32 $0xFFFFE003, lr  }
0x1b: {  	s9 =	sadd.s32 $0xFFFFFEF7, lr;
	s5 =	simm.s32 $0xFFFFFFFF;
	p2 =	slt.u32 s8, $0xFFFFF086  }
0x1c: {  	p1 =	slt.u32 s9, $0xF7A;
	s5 =	simm.s32 @!p2 $0x0  }
0x1d: {  	s5 =	simm.s32 @p1 $0x1;
	p0 =	seq.s32 s7, s2  }
0x1e: {  	s7 =	smul.u32 @!p0 $0xF7A, s2;
	p2 =	seq.s32 @!p0 s5, $0x0  }
0x1f: {  	s9 =	smul.u32 $0xF7A, s1;
	s8 =	simm.s32 @!p0 $0x1BF5;
	p2 =	por !p2, p0  }
0x20: {  	[sflag:s8] =	ssyncset.s32 @!p0 $0xFFFFF086;
	s6 =	sadd.s32 @!p0 s3, s7;
	s7 =	simm.s32 @!p0 $0x108  }
0x21: {  	s3 =	sadd.s32 s3, s9;
	s6 =	sadd.s32 @!p0 $0x88, s6;
	s7 =	simm.s32 @p2 $0x1082  }
0x22: {  	[simem:s7], [sflag:s8] =	dma.local @!p0 [hbm:s6], $0xF7A  }
0x23: {  	s9 =	sor.u32 $0xD0000000, s2;
	s6 =	simm.s32 $0x108;
	_ =	swait.ge @!p0 [sflag:s8], $0x0  }
0x24: {  	s3 =	sadd.s32 $0x88, s3;
	s6 =	simm.s32 @!p1 $0x1082;
	[sflag:s4] =	ssyncset.s32 $0xFFFFF086  }
0x25: {  	[simem:s6], [sflag:s4] =	dma.local [hbm:s3], $0xF7A  }
0x26: {  	[smem:$0x3F89] =	sst s1;
	(tag) =	ssettag s2;
	_ =	strace s9  }
0x27: {  	s1 =	sld [smem:$0x3F99]  }
0x28: {  	s2 =	sld [smem:$0x3F9A]  }
0x29: {  	s4 =	sld [smem:$0x3F9C]  }
0x2a: {  	p0 =	seq.s32 s5, $0x0;
	s5 =	sld [smem:$0x3F9D]  }
0x2b: {  	s6 =	sld [smem:$0x3F9E]  }
0x2c: {  	s7 =	sld [smem:$0x3F9F]  }
0x2d: {  	s3 =	simm.s32 $0x108;
	s8 =	sld [smem:$0x3FA0]  }
0x2e: {  	s3 =	simm.s32 @!p0 $0x1082;
	s9 =	sld [smem:$0x3FA1]  }
0x2f: {  	lr =	sadd.s32 s0, s3;
	s0 =	sld [smem:$0x3F98]  }
0x30: {  	s3 =	sld [smem:$0x3F9B]  }
0x31: {  	[smem:$0x3FA4] =	sst s10  }
0x32: {  	s10 =	sld [smem:$0x3FA2];
	_ =	sdelay $0x3  }
0x33: {  	p0 =	seq.s32 s10, $0x1;
	s10 =	sld [smem:$0x3FA4];
	_ =	sdelay $0x3  }
0x34: {  	[smem:$0x3FA4] =	sst s10  }
0x35: {  	s10 =	sld [smem:$0x3FA3];
	_ =	sdelay $0x3  }
0x36: {  	p1 =	seq.s32 s10, $0x1;
	s10 =	sld [smem:$0x3FA4];
	_ =	sdelay $0x3  }
0x37: {  	[smem:$0x3FA4] =	sst s10  }
0x38: {  	s10 =	sld [smem:$0x3FA5]  }
0x39: {  	_ = 	snop;
	(pc) =	sbr.ind lr, $3  }
0x3a: {  	_ = 	snop  }
0x3b: {  	_ = 	snop  }
0x3c: {  	p2 =	seq.s32 s10, $0x1;
	s10 =	sld [smem:$0x3FA4]  }
0x3d: {  	_ =	shalt  }
0x3e: {  	_ =	shalt  }
0x3f: {  	_ =	shalt  }
0x40: {  	_ =	shalt  }
0x41: {  	_ =	shalt  }
0x42: {  	_ =	shalt  }
0x43: {  	_ =	shalt  }
0x44: {  	_ =	shalt  }
0x45: {  	_ =	shalt  }
0x46: {  	_ =	shalt  }
0x47: {  	_ =	shalt  }
0x48: {  	_ =	shalt  }
0x49: {  	_ =	shalt  }
0x4a: {  	_ =	shalt  }
0x4b: {  	_ =	shalt  }
0x4c: {  	_ =	shalt  }
0x4d: {  	_ =	shalt  }
0x4e: {  	_ =	shalt  }
0x4f: {  	_ =	shalt  }
0x50: {  	_ =	shalt  }
0x51: {  	_ =	shalt  }
0x52: {  	_ =	shalt  }
0x53: {  	_ =	shalt  }
0x54: {  	_ =	shalt  }
0x55: {  	_ =	shalt  }
0x56: {  	_ =	shalt  }
0x57: {  	_ =	shalt  }
0x58: {  	_ =	shalt  }
0x59: {  	_ =	shalt  }
0x5a: {  	_ =	shalt  }
0x5b: {  	_ =	shalt  }
0x5c: {  	_ =	shalt  }
0x5d: {  	_ =	shalt  }
0x5e: {  	_ =	shalt  }
0x5f: {  	_ =	shalt  }
0x60: {  	_ =	shalt  }
0x61: {  	_ =	shalt  }
0x62: {  	_ =	shalt  }
0x63: {  	_ =	shalt  }
0x64: {  	_ =	shalt  }
0x65: {  	_ =	shalt  }
0x66: {  	_ =	shalt  }
0x67: {  	_ =	shalt  }
0x68: {  	_ =	shalt  }
0x69: {  	_ =	shalt  }
0x6a: {  	_ =	shalt  }
0x6b: {  	_ =	shalt  }
0x6c: {  	_ =	shalt  }
0x6d: {  	_ =	shalt  }
0x6e: {  	_ =	shalt  }
0x6f: {  	_ =	shalt  }
0x70: {  	_ =	shalt  }
0x71: {  	_ =	shalt  }
0x72: {  	_ =	shalt  }
0x73: {  	_ =	shalt  }
0x74: {  	_ =	shalt  }
0x75: {  	_ =	shalt  }
0x76: {  	_ =	shalt  }
0x77: {  	_ =	shalt  }
0x78: {  	_ =	shalt  }
0x79: {  	_ =	shalt  }
0x7a: {  	_ =	shalt  }
0x7b: {  	_ =	shalt  }
0x7c: {  	_ =	shalt  }
0x7d: {  	_ =	shalt  }
0x7e: {  	_ =	shalt  }
0x7f: {  	_ =	shalt  }
0x80: {  	_ =	shalt  }
0x81: {  	_ =	shalt  }
0x82: {  	_ =	shalt  }
0x83: {  	_ =	shalt  }
0x84: {  	_ =	shalt  }
0x85: {  	_ =	shalt  }
0x86: {  	_ =	shalt  }
0x87: {  	_ =	shalt  }
.Lfunc_end0:
.L_simem_size_0:
called_computation.2_lowered:
.L_overlay_start_0:
0x88: {  	s2 =	sld [smem:$0x3FD9]  }
0x89: {  	s3 =	sld [smem:$0x3FFE];
	_ =	sdelay $0x1  }
0x8a: {  	s1 =	srdreg.scid  }
0x8b: {  	s0 =	sand.u32 $0x1, s1  }
0x8c: {  	s16 =	sshll.u32 s0, $0xA;
	s2 =	sadd.s32 s3, s2  }
0x8d: {  	s2 =	sadd.s32 s2, s16  }
0x8e: {  	[smem:$0x3FB0] =	sst s2  }
0x8f: {  	_ = 	snop  }
0x90: {  	(tm) =	ssettm $0x1  }
0x91: {  	s17 =	sld [smem:$0x3FFB];
	_ =	sdelay $0x3  }
0x92: {  	_ =	strace s17  }
0x93: {  	s2 =	sld [smem:$0x3FFC];
	_ =	sdelay $0x3  }
0x94: {  	_ =	strace s2  }
0x95: {  	s2 =	sld [smem:$0x3FFD];
	_ =	sdelay $0x3  }
0x96: {  	_ =	strace s2  }
0x97: {  	_ =	strace $0x8FFFFFFF  }
0x98: {  	s18 =	sld [smem:$0x3FDB];
	_ =	sdelay $0x1  }
0x99: {  	s19 =	simm.s32 $_scs_section_size  }
0x9a: {  	s4 =	simm.s32 $_size__tile_overlayer_lowered;
	s5 =	simm.s32 $_tile_overlayer_lowered  }
0x9b: {  	s22 =	simm.s32 $0x1BFF;
	s21 =	sshll.u32 s5, $0x1;
	s2 =	sadd.s32 s19, s18  }
0x9c: {  	s6 =	simm.s32 $0x0;
	s20 =	sshll.u32 s4, $0x1;
	s4 =	sadd.s32 s21, s2  }
0x9d: {  	[timem:s6], [sflag:s22] =	dma.local [hbm:s4], s20  }
0x9e: {  	_ =	swait.ge [sflag:s22], s20  }
0x9f: {  	s3 =	ssub.s32 $0x0, s20;
	[sflag:s22] =	ssyncset.done $0x0  }
0xa0: {  	[sflag:s22] =	ssyncadd.s32 s3;
	_ =	sdelay $0x1  }
0xa1: {  	s23 =	simm.s32 $0x1B8B  }
0xa2: {  	_ =	swait.ge [sflag:s23], $0x1  }
0xa3: {  	[sflag:s23] =	ssyncset.done $0x0  }
0xa4: {  	s25 =	simm.s32 $0x1B8E;
	s24 =	sld [smem:$0x3FFE];
	[sflag:s23] =	ssyncadd.s32 $0xFFFFFFFF  }
0xa5: {  	s26 =	simm.s32 $execute0_lowered;
	[smem:$0x3FD2] =	sst s25  }
0xa6: {  	s4 =	sshll.u32 s26, $0x1;
	_ =	strace $0x8000004C;
	[dreg:$0x1] =	wrdreg $0xFFFFFFFF  }
0xa7: {  	s28 =	simm.s32 $_size_execute0_lowered;
	s2 =	sadd.s32 s2, s4;
	[dreg:$0x0] =	wrdreg $0x0  }
0xa8: {  	s4 =	sshll.u32 s28, $0x1;
	[dreg:$0x2] =	wrdreg s2  }
0xa9: {  	[dreg:$0x3] =	wrdreg s4  }
0xaa: {  	[dreg:$0x4] =	wrdreg $0xC0  }
0xab: {  	_ =	task [dreg:s6], $0x5FFFF  }
0xac: {  	[dreg:$0x1] =	wrdreg $0xFFFFFFFF  }
0xad: {  	[dreg:$0x0] =	wrdreg $0x60  }
0xae: {  	[dreg:$0x2] =	wrdreg s24  }
0xaf: {  	[dreg:$0x3] =	wrdreg $0x103000  }
0xb0: {  	[dreg:$0x4] =	wrdreg $0x9  }
0xb1: {  	_ =	task.clear_ibuf [dreg:s6], $0x5FFFF;
	_ =	strace $0x9000004C  }
0xb2: {  	s29 =	simm.s32 $0x9;
	_ =	strace $0x8000004E  }
0xb3: {  	_ =	swait.ge [sflag:s29], $0x1  }
0xb4: {  	[sflag:s29] =	ssyncadd.s32 $0xFFFFFFFF  }
0xb5: {  	_ =	strace $0x9000004E  }
0xb6: {  	_ =	sfence  }
0xb7: {  	s30 =	sld [smem:$0x0];
	_ =	sdelay $0x2  }
0xb8: {  	s31 =	sshll.u32 s1, $0xD;
	s1 =	sshrl.u32 s1, $0x2  }
0xb9: {  	s3 =	sand.u32 $0x4000, s31;
	s1 =	sadd.s32 s1, s30  }
0xba: {  	s0 =	sor.u32 s3, s0;
	s1 =	sshll.u32 s1, $0x11  }
0xbb: {  	s0 =	sor.u32 s1, s0  }
0xbc: {  	s0 =	sadd.s32 $0x8F2B, s0  }
0xbd: {  	[sflag:s0] =	ssyncadd.remote.s32 $0x1  }
0xbe: {  	_ =	sfence.sel $0xFFFF  }
0xbf: {  	[dreg:$0x0] =	wrdreg $0xFFFFFFFF;
	(pc) =	sbr.abs _section_cstart, $3  }
0xc0: {  	[dreg:$0x1] =	wrdreg $0xFFFFFFFF  }
0xc1: {  	_ =	task.clear_ibuf [dreg:s6], $0x2FFFF;
	_ =	strace $0x9FFFFFFF  }
0xc2: {  	(tm) =	ssettm $0x7FFFFFFF  }
0xc3: {  	_ =	shalt  }
tec
execute0_lowered:
.L_overlay_start_1:
0x0: {  	(tag) =	ssettag $0x1  }
0x1: {  	s6 =	rddreg [dreg:$0x0];
	s0 =	srdreg.scid  }
0x2: {  	s21 =	stileid.u32;
	s1 =	rddreg [dreg:$0x1];
	s2 =	simm.s32 $0x0  }
0x3: {  	s17 =	simm.s32 $0x5000;
	s18 =	simm.s32 $0xA800;
	s19 =	simm.s32 $0x10080  }
0x4: {  	s20 =	simm.s32 $0x80;
	s10 =	sand.u32 $0x1, s0;
	s0 =	rddreg [dreg:$0x2]  }
0x5: {  	s23 =	simm.s32 $0x0;
	s3 =	sshll.u32 s21, $0x1;
	[smem:$0x7FF] =	sst s2  }
0x6: {  	s4 =	sadd.s32 $0x4C200, s6;
	s5 =	sadd.s32 $0x2A600, s6;
	s12 =	smul.u32 $0xA00, s21  }
0x7: {  	s15 =	smul.u32 $0x5100, s21;
	p0 =	sne.s32 s21, $0x0;
	s21 =	simm.s32 $0xD400  }
0x8: {  	s3 =	sor.u32 s10, s3;
	_ =	strace $0x8000004D;
	s30 =	ssub.s32 $0x2, s10  }
0x9: {  	s8 =	sshll.u32 s10, $0x4;
	s16 =	smul.u32 $0x2880, s10;
	s22 =	sshrl.u32 @!p0 s1, $0x3  }
0xa: {  	s7 =	smul.u32 $0x580, s3;
	s3 =	sadd.s32 $0x4BC00, s6;
	s9 =	sshrl.u32 s30, $0x1  }
0xb: {  	s13 =	sadd.s32 s8, s6;
	s31 =	sshrl.u32 s12, $0x2;
	s14 =	ssub.s32 s30, s9  }
0xc: {  	s9 =	sadd.s32 s31, s1;
	s11 =	sadd.s32 s7, s6;
	s12 =	smax.u32 s14, $0x1  }
0xd: {  	s14 =	simm.s32 $0x1;
	s6 =	sadd.s32 $0x35C00, s11;
	s7 =	sadd.s32 $0x40C00, s11  }
0xe: {  	s8 =	sadd.s32 $0x2AC00, s11;
	s10 =	sadd.s32 $0x4C800, s11;
	s11 =	sadd.s32 $0x57800, s13  }
0xf: {  	v0 =	vimm.f32 $0.0e+00;
	s13 =	sadd.s32 s16, s15;
	s15 =	simm.s32 $0x2800;
	s16 =	simm.s32 $0x10000  }
.LBB2_1:
0x10: {  	[tilespmem:s2], [sflag:$0x1] =	stream.linear.gather [hbm4b:s3+s2], $0x2800, $0x38;
	[tilespmem:$0x10580] =	vst v63  }
0x11: {  	_ =	swait.ge [sflag:s14], $0x2800  }
0x12: {  	[sflag:s14] =	ssyncset.done $0x0  }
0x13: {  	[sflag:s14] =	ssyncadd.s32 $0xFFFFD800  }
0x14: {  	[tilespmem:s15], [sflag:$0x1] =	stream.linear.gather [hbm4b:s4+s2], $0x2800, $0x38;
	[tilespmem:$0x10580] =	vst v63  }
0x15: {  	_ =	swait.ge [sflag:s14], $0x2800  }
0x16: {  	[sflag:s14] =	ssyncset.done $0x0  }
0x17: {  	[sflag:s14] =	ssyncadd.s32 $0xFFFFD800  }
0x18: {  	[tilespmem:s16], [sflag:$0x1] =	stream.linear.gather [hbm4b:s5+s2], $0x80, $0x38;
	[tilespmem:$0x10580] =	vst v63  }
0x19: {  	_ =	swait.ge [sflag:s14], $0x80  }
0x1a: {  	[sflag:s14] =	ssyncset.done $0x0  }
0x1b: {  	[sflag:s14] =	ssyncadd.s32 $0xFFFFFF80  }
0x1c: {  	[tilespmem:s17], [sflag:$0x1] =	stream.linear.gather [hbm4b:s6+s2], $0x2880, $0x38;
	[tilespmem:$0x10580] =	vst v63  }
0x1d: {  	_ =	swait.ge [sflag:s14], $0x2880  }
0x1e: {  	[sflag:s14] =	ssyncset.done $0x0  }
0x1f: {  	s24 =	simm.s32 $0x7C00;
	[sflag:s14] =	ssyncadd.s32 $0xFFFFD780  }
0x20: {  	[tilespmem:s24], [sflag:$0x1] =	stream.linear.gather [hbm4b:s7+s2], $0x2880, $0x38;
	[tilespmem:$0x10580] =	vst v63  }
0x21: {  	_ =	swait.ge [sflag:s14], $0x2880  }
0x22: {  	[sflag:s14] =	ssyncset.done $0x0  }
0x23: {  	[sflag:s14] =	ssyncadd.s32 $0xFFFFD780  }
0x24: {  	[tilespmem:s18], [sflag:$0x1] =	stream.linear.gather [hbm4b:s8+s2], $0x2880, $0x38;
	[tilespmem:$0x10580] =	vst v63  }
0x25: {  	_ =	swait.ge [sflag:s14], $0x2880  }
0x26: {  	[sflag:s14] =	ssyncset.done $0x0  }
0x27: {  	[sflag:s14] =	ssyncadd.s32 $0xFFFFD780  }
0x28: {  	[tilespmem:$0x10080] =	vst v0  }
0x29: {  	[tilespmem:$0x10090] =	vst v0  }
0x2a: {  	[tilespmem:$0x100A0] =	vst v0  }
0x2b: {  	[tilespmem:$0x100B0] =	vst v0  }
0x2c: {  	[tilespmem:$0x100C0] =	vst v0  }
0x2d: {  	[tilespmem:$0x100D0] =	vst v0  }
0x2e: {  	[tilespmem:$0x100E0] =	vst v0  }
0x2f: {  	[tilespmem:$0x100F0] =	vst v0  }
0x30: {  	[tilespmem:$0x10100] =	vst v0  }
0x31: {  	[tilespmem:$0x10110] =	vst v0  }
0x32: {  	[tilespmem:$0x10120] =	vst v0  }
0x33: {  	[tilespmem:$0x10130] =	vst v0  }
0x34: {  	[tilespmem:$0x10140] =	vst v0  }
0x35: {  	[tilespmem:$0x10150] =	vst v0  }
0x36: {  	[tilespmem:$0x10160] =	vst v0  }
0x37: {  	[tilespmem:$0x10170] =	vst v0  }
0x38: {  	[tilespmem:$0x10180] =	vst v0  }
0x39: {  	[tilespmem:$0x10190] =	vst v0  }
0x3a: {  	[tilespmem:$0x101A0] =	vst v0  }
0x3b: {  	[tilespmem:$0x101B0] =	vst v0  }
0x3c: {  	[tilespmem:$0x101C0] =	vst v0  }
0x3d: {  	[tilespmem:$0x101D0] =	vst v0  }
0x3e: {  	[tilespmem:$0x101E0] =	vst v0  }
0x3f: {  	[tilespmem:$0x101F0] =	vst v0  }
0x40: {  	[tilespmem:$0x10200] =	vst v0  }
0x41: {  	[tilespmem:$0x10210] =	vst v0  }
0x42: {  	[tilespmem:$0x10220] =	vst v0  }
0x43: {  	[tilespmem:$0x10230] =	vst v0  }
0x44: {  	[tilespmem:$0x10240] =	vst v0  }
0x45: {  	[tilespmem:$0x10250] =	vst v0  }
0x46: {  	[tilespmem:$0x10260] =	vst v0  }
0x47: {  	[tilespmem:$0x10270] =	vst v0  }
0x48: {  	[tilespmem:$0x10280] =	vst v0  }
0x49: {  	[tilespmem:$0x10290] =	vst v0  }
0x4a: {  	[tilespmem:$0x102A0] =	vst v0  }
0x4b: {  	[tilespmem:$0x102B0] =	vst v0  }
0x4c: {  	[tilespmem:$0x102C0] =	vst v0  }
0x4d: {  	[tilespmem:$0x102D0] =	vst v0  }
0x4e: {  	[tilespmem:$0x102E0] =	vst v0  }
0x4f: {  	[tilespmem:$0x102F0] =	vst v0  }
0x50: {  	[spmem:s9] =	stream.linear.scatter [tilespmem:s19], [sflag:$0x1], $0x280, $0x38;
	[tilespmem:$0x10580] =	vst v63  }
0x51: {  	_ =	swait.ge [sflag:s14], $0x280  }
0x52: {  	[sflag:s14] =	ssyncset.done $0x0  }
0x53: {  	[sflag:s14] =	ssyncadd.s32 $0xFFFFFD80  }
0x54: {  	s25 =	simm.s32 $0xA840;
	[bflag:$0x0] =	sbarrier.arrive $0xFFFF  }
0x55: {  	s26 =	simm.s32 $0x5040;
	s28 =	simm.s32 $0xD400;
	s29 =	simm.s32 $0x0;
	v1 =	vld [tilespmem:$0x10000]  }
.LBB2_2:
0x56: {  	v2 =	vld [tilespmem:s26+$0xFFFFFFC0]  }
0x57: {  	v3 =	vld [tilespmem:s24+$0x0];
	_ =	sdelay $0x5  }
0x58: {  	v4 =	vld [tilespmem:s25+$0xFFFFFFC0]  }
0x59: {  	v2 =	vld.idx.msk [tilespmem:v2+s2+$0x0], $0xffff  }
0x5a: {  	v3 =	vld.idx.msk [tilespmem:v3+s15+$0x0], $0xffff;
	_ =	sdelay $0x4  }
0x5b: {  	v2 =	vadd.f32 v3, v2;
	v3 =	vmul.f32 v4, v1;
	_ =	sdelay $0x1  }
0x5c: {  	s30 =	sadd.s32 s29, s13;
	v2 =	vadd.f32 v3, v2  }
0x5d: {  	p1 =	slt.u32 s30, $0x50910  }
0x5e: {  	v2 =	vpsel !p1, $0xF149F2CA, v2  }
0x5f: {  	v3 =	vmul.f32 $2.000000030e-01, v2  }
0x60: {  	vm0 =	vge.f32 v2, $0.0e+00  }
0x61: {  	v2 =	vsel vm0, v2, v3  }
0x62: {  	v2 =	vmul.f32 $1.442695020e+00, v2;
	_ =	sdelay $0x1  }
0x63: {  	(erf) = vpow2.f32 v2;
	_ =	sdelay $0x8  }
0x64: {  	v2 =	vpop (erf)  }
0x65: {  	[tilespmem:s28+$0x0] =	vst v2  }
0x66: {  	v2 =	vld [tilespmem:s26+$0xFFFFFFD0]  }
0x67: {  	v3 =	vld [tilespmem:s24+$0x10];
	_ =	sdelay $0x5  }
0x68: {  	v57 =	vld [tilespmem:s25+$0xFFFFFFD0]  }
0x69: {  	v2 =	vld.idx.msk [tilespmem:v2+s2+$0x0], $0xffff  }
0x6a: {  	v3 =	vld.idx.msk [tilespmem:v3+s15+$0x0], $0xffff;
	_ =	sdelay $0x4  }
0x6b: {  	v2 =	vadd.f32 v3, v2;
	v3 =	vmul.f32 v57, v1;
	_ =	sdelay $0x1  }
0x6c: {  	s31 =	sadd.s32 $0x10, s30;
	v2 =	vadd.f32 v3, v2  }
0x6d: {  	p5 =	slt.u32 s31, $0x50910  }
0x6e: {  	v2 =	vpsel !p5, $0xF149F2CA, v2  }
0x6f: {  	v3 =	vmul.f32 $2.000000030e-01, v2  }
0x70: {  	vm9 =	vge.f32 v2, $0.0e+00  }
0x71: {  	v2 =	vsel vm9, v2, v3  }
0x72: {  	v2 =	vmul.f32 $1.442695020e+00, v2;
	_ =	sdelay $0x1  }
0x73: {  	(erf) = vpow2.f32 v2;
	_ =	sdelay $0x8  }
0x74: {  	v2 =	vpop (erf)  }
0x75: {  	[tilespmem:s28+$0x10] =	vst v2  }
0x76: {  	v2 =	vld [tilespmem:s26+$0xFFFFFFE0]  }
0x77: {  	v3 =	vld [tilespmem:s24+$0x20];
	_ =	sdelay $0x5  }
0x78: {  	v58 =	vld [tilespmem:s25+$0xFFFFFFE0]  }
0x79: {  	v2 =	vld.idx.msk [tilespmem:v2+s2+$0x0], $0xffff  }
0x7a: {  	v3 =	vld.idx.msk [tilespmem:v3+s15+$0x0], $0xffff;
	_ =	sdelay $0x4  }
0x7b: {  	v2 =	vadd.f32 v3, v2;
	v3 =	vmul.f32 v58, v1;
	_ =	sdelay $0x1  }
0x7c: {  	s31 =	sadd.s32 $0x20, s30;
	v2 =	vadd.f32 v3, v2  }
0x7d: {  	p6 =	slt.u32 s31, $0x50910  }
0x7e: {  	v2 =	vpsel !p6, $0xF149F2CA, v2  }
0x7f: {  	v3 =	vmul.f32 $2.000000030e-01, v2  }
0x80: {  	vm10 =	vge.f32 v2, $0.0e+00  }
0x81: {  	v2 =	vsel vm10, v2, v3  }
0x82: {  	v2 =	vmul.f32 $1.442695020e+00, v2;
	_ =	sdelay $0x1  }
0x83: {  	(erf) = vpow2.f32 v2;
	_ =	sdelay $0x8  }
0x84: {  	v2 =	vpop (erf)  }
0x85: {  	[tilespmem:s28+$0x20] =	vst v2  }
0x86: {  	v2 =	vld [tilespmem:s26+$0xFFFFFFF0]  }
0x87: {  	v3 =	vld [tilespmem:s24+$0x30];
	_ =	sdelay $0x5  }
0x88: {  	v59 =	vld [tilespmem:s25+$0xFFFFFFF0]  }
0x89: {  	v2 =	vld.idx.msk [tilespmem:v2+s2+$0x0], $0xffff  }
0x8a: {  	v3 =	vld.idx.msk [tilespmem:v3+s15+$0x0], $0xffff;
	_ =	sdelay $0x4  }
0x8b: {  	v2 =	vadd.f32 v3, v2;
	v3 =	vmul.f32 v59, v1;
	_ =	sdelay $0x1  }
0x8c: {  	s31 =	sadd.s32 $0x30, s30;
	v2 =	vadd.f32 v3, v2  }
0x8d: {  	p2 =	slt.u32 s31, $0x50910  }
0x8e: {  	v2 =	vpsel !p2, $0xF149F2CA, v2  }
0x8f: {  	v3 =	vmul.f32 $2.000000030e-01, v2  }
0x90: {  	vm11 =	vge.f32 v2, $0.0e+00  }
0x91: {  	v2 =	vsel vm11, v2, v3  }
0x92: {  	v2 =	vmul.f32 $1.442695020e+00, v2;
	_ =	sdelay $0x1  }
0x93: {  	(erf) = vpow2.f32 v2;
	_ =	sdelay $0x8  }
0x94: {  	v2 =	vpop (erf)  }
0x95: {  	[tilespmem:s28+$0x30] =	vst v2  }
0x96: {  	v2 =	vld [tilespmem:s26+$0x0]  }
0x97: {  	v3 =	vld [tilespmem:s24+$0x40];
	_ =	sdelay $0x5  }
0x98: {  	v60 =	vld [tilespmem:s25+$0x0]  }
0x99: {  	v2 =	vld.idx.msk [tilespmem:v2+s2+$0x0], $0xffff  }
0x9a: {  	v3 =	vld.idx.msk [tilespmem:v3+s15+$0x0], $0xffff;
	_ =	sdelay $0x4  }
0x9b: {  	v2 =	vadd.f32 v3, v2;
	v3 =	vmul.f32 v60, v1;
	_ =	sdelay $0x1  }
0x9c: {  	s31 =	sadd.s32 $0x40, s30;
	v2 =	vadd.f32 v3, v2  }
0x9d: {  	p3 =	slt.u32 s31, $0x50910  }
0x9e: {  	v2 =	vpsel !p3, $0xF149F2CA, v2  }
0x9f: {  	v3 =	vmul.f32 $2.000000030e-01, v2  }
0xa0: {  	vm12 =	vge.f32 v2, $0.0e+00  }
0xa1: {  	v2 =	vsel vm12, v2, v3  }
0xa2: {  	v2 =	vmul.f32 $1.442695020e+00, v2;
	_ =	sdelay $0x1  }
0xa3: {  	(erf) = vpow2.f32 v2;
	_ =	sdelay $0x8  }
0xa4: {  	v2 =	vpop (erf)  }
0xa5: {  	[tilespmem:s28+$0x40] =	vst v2  }
0xa6: {  	v2 =	vld [tilespmem:s26+$0x10]  }
0xa7: {  	v3 =	vld [tilespmem:s24+$0x50];
	_ =	sdelay $0x5  }
0xa8: {  	v61 =	vld [tilespmem:s25+$0x10]  }
0xa9: {  	v2 =	vld.idx.msk [tilespmem:v2+s2+$0x0], $0xffff  }
0xaa: {  	v3 =	vld.idx.msk [tilespmem:v3+s15+$0x0], $0xffff;
	_ =	sdelay $0x4  }
0xab: {  	v2 =	vadd.f32 v3, v2;
	v3 =	vmul.f32 v61, v1;
	_ =	sdelay $0x1  }
0xac: {  	s31 =	sadd.s32 $0x50, s30;
	v2 =	vadd.f32 v3, v2  }
0xad: {  	p4 =	slt.u32 s31, $0x50910  }
0xae: {  	v2 =	vpsel !p4, $0xF149F2CA, v2  }
0xaf: {  	v3 =	vmul.f32 $2.000000030e-01, v2  }
0xb0: {  	vm13 =	vge.f32 v2, $0.0e+00  }
0xb1: {  	v2 =	vsel vm13, v2, v3  }
0xb2: {  	v2 =	vmul.f32 $1.442695020e+00, v2;
	_ =	sdelay $0x1  }
0xb3: {  	(erf) = vpow2.f32 v2;
	_ =	sdelay $0x8  }
0xb4: {  	v2 =	vpop (erf)  }
0xb5: {  	[tilespmem:s28+$0x50] =	vst v2  }
0xb6: {  	v2 =	vld [tilespmem:s26+$0x20]  }
0xb7: {  	v3 =	vld [tilespmem:s24+$0x60];
	_ =	sdelay $0x5  }
0xb8: {  	v62 =	vld [tilespmem:s25+$0x20]  }
0xb9: {  	v2 =	vld.idx.msk [tilespmem:v2+s2+$0x0], $0xffff  }
0xba: {  	v3 =	vld.idx.msk [tilespmem:v3+s15+$0x0], $0xffff;
	_ =	sdelay $0x4  }
0xbb: {  	v2 =	vadd.f32 v3, v2;
	v3 =	vmul.f32 v62, v1;
	_ =	sdelay $0x1  }
0xbc: {  	s31 =	sadd.s32 $0x60, s30;
	v2 =	vadd.f32 v3, v2  }
0xbd: {  	p5 =	slt.u32 s31, $0x50910  }
0xbe: {  	v2 =	vpsel !p5, $0xF149F2CA, v2  }
0xbf: {  	v3 =	vmul.f32 $2.000000030e-01, v2  }
0xc0: {  	vm14 =	vge.f32 v2, $0.0e+00  }
0xc1: {  	v2 =	vsel vm14, v2, v3  }
0xc2: {  	v2 =	vmul.f32 $1.442695020e+00, v2;
	_ =	sdelay $0x1  }
0xc3: {  	(erf) = vpow2.f32 v2;
	_ =	sdelay $0x8  }
0xc4: {  	v2 =	vpop (erf)  }
0xc5: {  	[tilespmem:s28+$0x60] =	vst v2  }
0xc6: {  	v2 =	vld [tilespmem:s26+$0x30]  }
0xc7: {  	v3 =	vld [tilespmem:s24+$0x70];
	_ =	sdelay $0x5  }
0xc8: {  	v63 =	vld [tilespmem:s25+$0x30]  }
0xc9: {  	v2 =	vld.idx.msk [tilespmem:v2+s2+$0x0], $0xffff  }
0xca: {  	v3 =	vld.idx.msk [tilespmem:v3+s15+$0x0], $0xffff;
	_ =	sdelay $0x4  }
0xcb: {  	v2 =	vadd.f32 v3, v2;
	v3 =	vmul.f32 v63, v1;
	_ =	sdelay $0x1  }
0xcc: {  	s30 =	sadd.s32 $0x70, s30;
	v2 =	vadd.f32 v3, v2  }
0xcd: {  	p6 =	slt.u32 s30, $0x50910  }
0xce: {  	v2 =	vpsel !p6, $0xF149F2CA, v2  }
0xcf: {  	v3 =	vmul.f32 $2.000000030e-01, v2  }
0xd0: {  	vm15 =	vge.f32 v2, $0.0e+00  }
0xd1: {  	v2 =	vsel vm15, v2, v3  }
0xd2: {  	v2 =	vmul.f32 $1.442695020e+00, v2;
	_ =	sdelay $0x1  }
0xd3: {  	(erf) = vpow2.f32 v2;
	_ =	sdelay $0x8  }
0xd4: {  	p1 =	sne.s32 s29, $0x2800;
	v2 =	vpop (erf)  }
.Ltmp0:
0xd5: {  	[tilespmem:s28+$0x70] =	vst v2;
	(pc) =	sbr.rel @p1 .LBB2_2-.Ltmp0, $4  }
0xd6: {  	[spmem:s1] =	stream.indirect.scatter.add.f32 [tilespmem:s28], [sflag:$0x1], $0x1, s24, s20, $0xb8;
	[tilespmem:$0x10580] =	vst v63  }
0xd7: {  	s29 =	sadd.s32 $0x80, s29;
	_ =	swait.ge [sflag:s14], $0x80  }
0xd8: {  	s25 =	sadd.s32 $0x80, s25;
	s26 =	sadd.s32 $0x80, s26;
	[sflag:s14] =	ssyncset.done $0x0  }
0xd9: {  	s28 =	sadd.s32 $0x80, s28;
	s24 =	sadd.s32 $0x80, s24;
	[sflag:s14] =	ssyncadd.s32 $0xFFFFFF80  }
0xda: {  	[hbm4b:s10+s2] =	stream.linear.scatter [tilespmem:s21], [sflag:$0x1], $0x2880, $0x38;
	[tilespmem:$0x10580] =	vst v63  }
0xdb: {  	s24 =	simm.s32 @!p0 $0x1;
	_ =	swait.ge [sflag:s14], $0x2880  }
0xdc: {  	s25 =	simm.s32 @!p0 $0x20;
	s23 =	sadd.s32 $0x1, s23;
	[sflag:s14] =	ssyncset.done $0x0  }
0xdd: {  	s26 =	simm.s32 @!p0 $0x10;
	p1 =	sne.s32 s23, s12;
	[sflag:s14] =	ssyncadd.s32 $0xFFFFD780  }
.Ltmp1:
0xde: {  	s28 =	simm.s32 @!p0 $0x1C01;
	[bflag:$0x0] =	sbarrier.arrive $0xFFFF;
	(pc) =	sbr.rel @p1 .LBB2_1-.Ltmp1, $4  }
0xdf: {  	[hbm:s11@s25], [sflag:s28] =	dma.strided @!p0 [spmem:s22@s26], $0x500, s24, $0x10   }
0xe0: {  	_ =	swait.ge @!p0 [sflag:s24], $0x500  }
0xe1: {  	[sflag:s24] =	ssyncset.done @!p0 $0x0  }
0xe2: {  	[sflag:s24] =	ssyncadd.s32 @!p0 $0xFFFFFB00  }
0xe3: {  	_ =	sfence.sel $0x180000  }
0xe4: {  	[bflag:$0x0] =	sbarrier.arrive $0xFFFF  }
0xe5: {  	_ =	strace $0x9000004D  }
0xe6: {  	s0 =	sadd.s32 @!p0 $0x100000, s0;
	[bflag:$0x2] =	sbarrier.arrive $0xFFFF  }
0xe7: {  	[sflag:s0] =	ssyncadd.tile.s32 @!p0 $0x1;
	_ =	shalt  }
.Lfunc_end2:
_tile_overlayer_lowered:
.L_overlay_start_2:
0xe8: {  	(tag) =	ssettag $0x2  }
0xe9: {  	s0 =	rddreg [dreg:$0x0];
	s2 =	stileid.u32  }
0xea: {  	s1 =	rddreg [dreg:$0x1];
	p0 =	sne.s32 s2, $0x0  }
0xeb: {  	s3 =	rddreg [dreg:$0x2];
	[bflag:$0x3] =	sbarrier.arrive $0xFFFF;
	s2 =	simm.s32 @!p0 $0x1C01  }
0xec: {  	[timem:s3], [sflag:s2] =	dma.local @!p0 [hbm:s0], s1  }
0xed: {  	s0 =	simm.s32 @!p0 $0x1  }
0xee: {  	_ =	swait.ge @!p0 [sflag:s0], s1  }
0xef: {  	s1 =	ssub.s32 @!p0 $0x0, s1;
	[sflag:s0] =	ssyncset.done @!p0 $0x0  }
0xf0: {  	[sflag:s0] =	ssyncadd.s32 @!p0 s1  }
0xf1: {  	[bflag:$0x3] =	sbarrier.arrive $0xFFFF  }
0xf2: {  	_ =	shalt  }

// kernel: kernel.21.cloned.1.call-start
scs
__scs_entry_jumppad:
0x0: {  	(pc) =	sbr.rel $0x88, $3  }
0x1: {  	(tag) =	ssettag $0x0;
	lr =	simm.s32 $0x1  }
0x2: {  	[smem:$0x3F89] =	sst lr;
	_ =	strace $0xD0000000  }
0x3: {  	_ = 	snop  }
0x4: {  	_ = 	snop  }
0x5: {  	_ = 	snop  }
0x6: {  	_ = 	snop  }
0x7: {  	_ = 	snop  }
__scs_overlays_trampoline_lowered:
0x8: {  	[smem:$0x3F98] =	sst s0  }
0x9: {  	[smem:$0x3F99] =	sst s1  }
0xa: {  	[smem:$0x3F9A] =	sst s2  }
0xb: {  	[smem:$0x3F9B] =	sst s3  }
0xc: {  	[smem:$0x3F9C] =	sst s4  }
0xd: {  	[smem:$0x3F9D] =	sst s5  }
0xe: {  	[smem:$0x3F9E] =	sst s6  }
0xf: {  	[smem:$0x3F9F] =	sst s7  }
0x10: {  	[smem:$0x3FA0] =	sst s8  }
0x11: {  	[smem:$0x3FA1] =	sst s9;
	s0 =	simm.s32 @!p0 $0x0  }
0x12: {  	s1 =	sld [smem:$0x3F87];
	s0 =	simm.s32 @p0 $0x1  }
0x13: {  	[smem:$0x3FA2] =	sst s0;
	s0 =	simm.s32 @!p1 $0x0  }
0x14: {  	s2 =	sld [smem:$0x3F86];
	s0 =	simm.s32 @p1 $0x1  }
0x15: {  	[smem:$0x3FA3] =	sst s0;
	s0 =	simm.s32 @!p2 $0x0  }
0x16: {  	s3 =	sld [smem:$0x3FDB];
	s0 =	simm.s32 @p2 $0x1  }
0x17: {  	s4 =	simm.s32 $0x1BF5;
	[smem:$0x3FA5] =	sst s0  }
0x18: {  	s0 =	sld [smem:$0x3F88];
	_ =	swait.ge [sflag:s4], $0x0  }
0x19: {  	s7 =	sld [smem:$0x3F89]  }
0x1a: {  	s8 =	sadd.s32 $0xFFFFE003, lr  }
0x1b: {  	s9 =	sadd.s32 $0xFFFFFEF7, lr;
	s5 =	simm.s32 $0xFFFFFFFF;
	p2 =	slt.u32 s8, $0xFFFFF086  }
0x1c: {  	p1 =	slt.u32 s9, $0xF7A;
	s5 =	simm.s32 @!p2 $0x0  }
0x1d: {  	s5 =	simm.s32 @p1 $0x1;
	p0 =	seq.s32 s7, s2  }
0x1e: {  	s7 =	smul.u32 @!p0 $0xF7A, s2;
	p2 =	seq.s32 @!p0 s5, $0x0  }
0x1f: {  	s9 =	smul.u32 $0xF7A, s1;
	s8 =	simm.s32 @!p0 $0x1BF5;
	p2 =	por !p2, p0  }
0x20: {  	[sflag:s8] =	ssyncset.s32 @!p0 $0xFFFFF086;
	s6 =	sadd.s32 @!p0 s3, s7;
	s7 =	simm.s32 @!p0 $0x108  }
0x21: {  	s3 =	sadd.s32 s3, s9;
	s6 =	sadd.s32 @!p0 $0x88, s6;
	s7 =	simm.s32 @p2 $0x1082  }
0x22: {  	[simem:s7], [sflag:s8] =	dma.local @!p0 [hbm:s6], $0xF7A  }
0x23: {  	s9 =	sor.u32 $0xD0000000, s2;
	s6 =	simm.s32 $0x108;
	_ =	swait.ge @!p0 [sflag:s8], $0x0  }
0x24: {  	s3 =	sadd.s32 $0x88, s3;
	s6 =	simm.s32 @!p1 $0x1082;
	[sflag:s4] =	ssyncset.s32 $0xFFFFF086  }
0x25: {  	[simem:s6], [sflag:s4] =	dma.local [hbm:s3], $0xF7A  }
0x26: {  	[smem:$0x3F89] =	sst s1;
	(tag) =	ssettag s2;
	_ =	strace s9  }
0x27: {  	s1 =	sld [smem:$0x3F99]  }
0x28: {  	s2 =	sld [smem:$0x3F9A]  }
0x29: {  	s4 =	sld [smem:$0x3F9C]  }
0x2a: {  	p0 =	seq.s32 s5, $0x0;
	s5 =	sld [smem:$0x3F9D]  }
0x2b: {  	s6 =	sld [smem:$0x3F9E]  }
0x2c: {  	s7 =	sld [smem:$0x3F9F]  }
0x2d: {  	s3 =	simm.s32 $0x108;
	s8 =	sld [smem:$0x3FA0]  }
0x2e: {  	s3 =	simm.s32 @!p0 $0x1082;
	s9 =	sld [smem:$0x3FA1]  }
0x2f: {  	lr =	sadd.s32 s0, s3;
	s0 =	sld [smem:$0x3F98]  }
0x30: {  	s3 =	sld [smem:$0x3F9B]  }
0x31: {  	[smem:$0x3FA4] =	sst s10  }
0x32: {  	s10 =	sld [smem:$0x3FA2];
	_ =	sdelay $0x3  }
0x33: {  	p0 =	seq.s32 s10, $0x1;
	s10 =	sld [smem:$0x3FA4];
	_ =	sdelay $0x3  }
0x34: {  	[smem:$0x3FA4] =	sst s10  }
0x35: {  	s10 =	sld [smem:$0x3FA3];
	_ =	sdelay $0x3  }
0x36: {  	p1 =	seq.s32 s10, $0x1;
	s10 =	sld [smem:$0x3FA4];
	_ =	sdelay $0x3  }
0x37: {  	[smem:$0x3FA4] =	sst s10  }
0x38: {  	s10 =	sld [smem:$0x3FA5]  }
0x39: {  	_ = 	snop;
	(pc) =	sbr.ind lr, $3  }
0x3a: {  	_ = 	snop  }
0x3b: {  	_ = 	snop  }
0x3c: {  	p2 =	seq.s32 s10, $0x1;
	s10 =	sld [smem:$0x3FA4]  }
0x3d: {  	_ =	shalt  }
0x3e: {  	_ =	shalt  }
0x3f: {  	_ =	shalt  }
0x40: {  	_ =	shalt  }
0x41: {  	_ =	shalt  }
0x42: {  	_ =	shalt  }
0x43: {  	_ =	shalt  }
0x44: {  	_ =	shalt  }
0x45: {  	_ =	shalt  }
0x46: {  	_ =	shalt  }
0x47: {  	_ =	shalt  }
0x48: {  	_ =	shalt  }
0x49: {  	_ =	shalt  }
0x4a: {  	_ =	shalt  }
0x4b: {  	_ =	shalt  }
0x4c: {  	_ =	shalt  }
0x4d: {  	_ =	shalt  }
0x4e: {  	_ =	shalt  }
0x4f: {  	_ =	shalt  }
0x50: {  	_ =	shalt  }
0x51: {  	_ =	shalt  }
0x52: {  	_ =	shalt  }
0x53: {  	_ =	shalt  }
0x54: {  	_ =	shalt  }
0x55: {  	_ =	shalt  }
0x56: {  	_ =	shalt  }
0x57: {  	_ =	shalt  }
0x58: {  	_ =	shalt  }
0x59: {  	_ =	shalt  }
0x5a: {  	_ =	shalt  }
0x5b: {  	_ =	shalt  }
0x5c: {  	_ =	shalt  }
0x5d: {  	_ =	shalt  }
0x5e: {  	_ =	shalt  }
0x5f: {  	_ =	shalt  }
0x60: {  	_ =	shalt  }
0x61: {  	_ =	shalt  }
0x62: {  	_ =	shalt  }
0x63: {  	_ =	shalt  }
0x64: {  	_ =	shalt  }
0x65: {  	_ =	shalt  }
0x66: {  	_ =	shalt  }
0x67: {  	_ =	shalt  }
0x68: {  	_ =	shalt  }
0x69: {  	_ =	shalt  }
0x6a: {  	_ =	shalt  }
0x6b: {  	_ =	shalt  }
0x6c: {  	_ =	shalt  }
0x6d: {  	_ =	shalt  }
0x6e: {  	_ =	shalt  }
0x6f: {  	_ =	shalt  }
0x70: {  	_ =	shalt  }
0x71: {  	_ =	shalt  }
0x72: {  	_ =	shalt  }
0x73: {  	_ =	shalt  }
0x74: {  	_ =	shalt  }
0x75: {  	_ =	shalt  }
0x76: {  	_ =	shalt  }
0x77: {  	_ =	shalt  }
0x78: {  	_ =	shalt  }
0x79: {  	_ =	shalt  }
0x7a: {  	_ =	shalt  }
0x7b: {  	_ =	shalt  }
0x7c: {  	_ =	shalt  }
0x7d: {  	_ =	shalt  }
0x7e: {  	_ =	shalt  }
0x7f: {  	_ =	shalt  }
0x80: {  	_ =	shalt  }
0x81: {  	_ =	shalt  }
0x82: {  	_ =	shalt  }
0x83: {  	_ =	shalt  }
0x84: {  	_ =	shalt  }
0x85: {  	_ =	shalt  }
0x86: {  	_ =	shalt  }
0x87: {  	_ =	shalt  }
.Lfunc_end0:
.L_simem_size_0:
called_computation.3_lowered:
.L_overlay_start_0:
0x88: {  	s2 =	sld [smem:$0x3FD9]  }
0x89: {  	s3 =	sld [smem:$0x3FFE];
	_ =	sdelay $0x1  }
0x8a: {  	s1 =	srdreg.scid  }
0x8b: {  	s0 =	sand.u32 $0x1, s1  }
0x8c: {  	s16 =	sshll.u32 s0, $0xA;
	s2 =	sadd.s32 s3, s2  }
0x8d: {  	s2 =	sadd.s32 s2, s16  }
0x8e: {  	[smem:$0x3FB0] =	sst s2  }
0x8f: {  	_ = 	snop  }
0x90: {  	(tm) =	ssettm $0x1  }
0x91: {  	s17 =	sld [smem:$0x3FFB];
	_ =	sdelay $0x3  }
0x92: {  	_ =	strace s17  }
0x93: {  	s2 =	sld [smem:$0x3FFC];
	_ =	sdelay $0x3  }
0x94: {  	_ =	strace s2  }
0x95: {  	s2 =	sld [smem:$0x3FFD];
	_ =	sdelay $0x3  }
0x96: {  	_ =	strace s2  }
0x97: {  	_ =	strace $0x8FFFFFFF  }
0x98: {  	s18 =	sld [smem:$0x3FDB];
	_ =	sdelay $0x1  }
0x99: {  	s19 =	simm.s32 $_scs_section_size  }
0x9a: {  	s4 =	simm.s32 $_size__tile_overlayer_lowered;
	s5 =	simm.s32 $_tile_overlayer_lowered  }
0x9b: {  	s22 =	simm.s32 $0x1BFF;
	s21 =	sshll.u32 s5, $0x1;
	s2 =	sadd.s32 s19, s18  }
0x9c: {  	s6 =	simm.s32 $0x0;
	s20 =	sshll.u32 s4, $0x1;
	s4 =	sadd.s32 s21, s2  }
0x9d: {  	[timem:s6], [sflag:s22] =	dma.local [hbm:s4], s20  }
0x9e: {  	_ =	swait.ge [sflag:s22], s20  }
0x9f: {  	s3 =	ssub.s32 $0x0, s20;
	[sflag:s22] =	ssyncset.done $0x0  }
0xa0: {  	[sflag:s22] =	ssyncadd.s32 s3;
	_ =	sdelay $0x1  }
0xa1: {  	s23 =	simm.s32 $0x1B8B  }
0xa2: {  	_ =	swait.ge [sflag:s23], $0x1  }
0xa3: {  	[sflag:s23] =	ssyncset.done $0x0  }
0xa4: {  	s25 =	simm.s32 $0x1B8E;
	s24 =	sld [smem:$0x3FFE];
	[sflag:s23] =	ssyncadd.s32 $0xFFFFFFFF  }
0xa5: {  	s26 =	simm.s32 $execute0_lowered;
	[smem:$0x3FD2] =	sst s25  }
0xa6: {  	s4 =	sshll.u32 s26, $0x1;
	_ =	strace $0x8000004F;
	[dreg:$0x1] =	wrdreg $0xFFFFFFFF  }
0xa7: {  	s28 =	simm.s32 $_size_execute0_lowered;
	s2 =	sadd.s32 s2, s4;
	[dreg:$0x0] =	wrdreg $0x0  }
0xa8: {  	s4 =	sshll.u32 s28, $0x1;
	[dreg:$0x2] =	wrdreg s2  }
0xa9: {  	[dreg:$0x3] =	wrdreg s4  }
0xaa: {  	[dreg:$0x4] =	wrdreg $0xC0  }
0xab: {  	_ =	task [dreg:s6], $0x5FFFF  }
0xac: {  	[dreg:$0x1] =	wrdreg $0xFFFFFFFF  }
0xad: {  	[dreg:$0x0] =	wrdreg $0x60  }
0xae: {  	[dreg:$0x2] =	wrdreg s24  }
0xaf: {  	[dreg:$0x3] =	wrdreg $0x42800  }
0xb0: {  	[dreg:$0x4] =	wrdreg $0x9  }
0xb1: {  	_ =	task.clear_ibuf [dreg:s6], $0x5FFFF;
	_ =	strace $0x9000004F  }
0xb2: {  	s29 =	simm.s32 $0x9;
	_ =	strace $0x80000051  }
0xb3: {  	_ =	swait.ge [sflag:s29], $0x1  }
0xb4: {  	[sflag:s29] =	ssyncadd.s32 $0xFFFFFFFF  }
0xb5: {  	_ =	strace $0x90000051  }
0xb6: {  	_ =	sfence  }
0xb7: {  	s30 =	sld [smem:$0x0];
	_ =	sdelay $0x2  }
0xb8: {  	s31 =	sshll.u32 s1, $0xD;
	s1 =	sshrl.u32 s1, $0x2  }
0xb9: {  	s3 =	sand.u32 $0x4000, s31;
	s1 =	sadd.s32 s1, s30  }
0xba: {  	s0 =	sor.u32 s3, s0;
	s1 =	sshll.u32 s1, $0x11  }
0xbb: {  	s0 =	sor.u32 s1, s0  }
0xbc: {  	s0 =	sadd.s32 $0x8F2B, s0  }
0xbd: {  	[sflag:s0] =	ssyncadd.remote.s32 $0x1  }
0xbe: {  	_ =	sfence.sel $0xFFFF  }
0xbf: {  	[dreg:$0x0] =	wrdreg $0xFFFFFFFF;
	(pc) =	sbr.abs _section_cstart, $3  }
0xc0: {  	[dreg:$0x1] =	wrdreg $0xFFFFFFFF  }
0xc1: {  	_ =	task.clear_ibuf [dreg:s6], $0x2FFFF;
	_ =	strace $0x9FFFFFFF  }
0xc2: {  	(tm) =	ssettm $0x7FFFFFFF  }
0xc3: {  	_ =	shalt  }
tec
execute0_lowered:
.L_overlay_start_1:
0x0: {  	(tag) =	ssettag $0x1  }
0x1: {  	s6 =	rddreg [dreg:$0x0]  }
0x2: {  	s0 =	srdreg.scid;
	s2 =	rddreg [dreg:$0x1]  }
0x3: {  	s1 =	stileid.u32;
	s3 =	simm.s32 $0x0;
	s14 =	simm.s32 $0x280  }
0x4: {  	s15 =	simm.s32 $0x2;
	s16 =	simm.s32 $0x80;
	s17 =	simm.s32 $0x1  }
0x5: {  	s7 =	sand.u32 $0x1, s0;
	s0 =	rddreg [dreg:$0x2];
	s5 =	smul.u32 $0x14000, s1  }
0x6: {  	s18 =	simm.s32 $0x200;
	[smem:$0x7FF] =	sst s3;
	s9 =	smul.u32 $0x50000, s1  }
0x7: {  	s10 =	sshll.u32 s1, $0x1;
	s19 =	sshll.u32 s1, $0x6;
	s4 =	smul.u32 $0x140000, s7  }
0x8: {  	_ =	strace $0x80000050;
	s30 =	ssub.s32 $0x2, s7;
	s11 =	sor.u32 s7, s10  }
0x9: {  	s19 =	sor.u32 $0x1C02, s19;
	s31 =	sshrl.u32 s30, $0x1;
	s9 =	sshrl.u32 s9, $0x2  }
0xa: {  	s11 =	smul.u32 $0xA200, s11;
	s5 =	sadd.s32 s5, s4;
	s4 =	sadd.s32 $0x58200, s6  }
0xb: {  	s13 =	ssub.s32 s30, s31;
	s8 =	sshrl.u32 s5, $0x3;
	s5 =	sadd.s32 $0x2600, s6  }
0xc: {  	s13 =	smax.u32 s13, $0x1;
	s12 =	sadd.s32 s8, s6;
	s6 =	sadd.s32 s9, s2  }
0xd: {  	s7 =	sadd.s32 $0x4000, s6;
	s8 =	sadd.s32 $0x8000, s6;
	s9 =	sadd.s32 $0xC000, s6  }
0xe: {  	v0 =	vimm.f32 $0.0e+00;
	s10 =	sadd.s32 $0x10000, s6;
	s12 =	sadd.s32 $0x80A00, s12;
	s20 =	sshrl.u32 s6, $0x3  }
.LBB2_1:
0xf: {  	s21 =	simm.s32 $0x0;
	s22 =	simm.s32 $0x200  }
.LBB2_2:
0x10: {  	p0 =	sne.s32 s22, $0xFE00;
	[tilespmem:s21+$0x2F0] =	vst v0  }
0x11: {  	[tilespmem:s21+$0x280] =	vst v0  }
0x12: {  	[tilespmem:s21+$0x290] =	vst v0  }
.Ltmp0:
0x13: {  	[tilespmem:s21+$0x2A0] =	vst v0;
	(pc) =	sbr.rel @p0 .LBB2_2-.Ltmp0, $4  }
0x14: {  	[tilespmem:s21+$0x2B0] =	vst v0  }
0x15: {  	[tilespmem:s21+$0x2C0] =	vst v0  }
0x16: {  	[tilespmem:s21+$0x2D0] =	vst v0  }
0x17: {  	[tilespmem:s21+$0x2E0] =	vst v0;
	s21 =	sshra.s32 s22, $0x2;
	s22 =	sadd.s32 $0x200, s22  }
0x18: {  	[tilespmem:s21+$0x2F0] =	vst v0  }
0x19: {  	[tilespmem:s21+$0x280] =	vst v0  }
0x1a: {  	[tilespmem:s21+$0x290] =	vst v0  }
0x1b: {  	[tilespmem:s21+$0x2A0] =	vst v0  }
0x1c: {  	[tilespmem:s21+$0x2B0] =	vst v0  }
0x1d: {  	[tilespmem:s21+$0x2C0] =	vst v0  }
0x1e: {  	[tilespmem:s21+$0x2D0] =	vst v0  }
0x1f: {  	[tilespmem:s21+$0x2E0] =	vst v0  }
0x20: {  	[spmem:s6] =	stream.linear.scatter [tilespmem:s14], [sflag:$0x2], $0x4000, $0x38;
	[tilespmem:$0x18280] =	vst v63  }
0x21: {  	_ =	swait.ge [sflag:s15], $0x4000  }
0x22: {  	[sflag:s15] =	ssyncset.done $0x0  }
0x23: {  	[sflag:s15] =	ssyncadd.s32 $0xFFFFC000  }
0x24: {  	[spmem:s7] =	stream.linear.scatter [tilespmem:s14], [sflag:$0x2], $0x4000, $0x38;
	[tilespmem:$0x18280] =	vst v63  }
0x25: {  	_ =	swait.ge [sflag:s15], $0x4000  }
0x26: {  	[sflag:s15] =	ssyncset.done $0x0  }
0x27: {  	[sflag:s15] =	ssyncadd.s32 $0xFFFFC000  }
0x28: {  	[spmem:s8] =	stream.linear.scatter [tilespmem:s14], [sflag:$0x2], $0x4000, $0x38;
	[tilespmem:$0x18280] =	vst v63  }
0x29: {  	_ =	swait.ge [sflag:s15], $0x4000  }
0x2a: {  	[sflag:s15] =	ssyncset.done $0x0  }
0x2b: {  	[sflag:s15] =	ssyncadd.s32 $0xFFFFC000  }
0x2c: {  	[spmem:s9] =	stream.linear.scatter [tilespmem:s14], [sflag:$0x2], $0x4000, $0x38;
	[tilespmem:$0x18280] =	vst v63  }
0x2d: {  	_ =	swait.ge [sflag:s15], $0x4000  }
0x2e: {  	[sflag:s15] =	ssyncset.done $0x0  }
0x2f: {  	[sflag:s15] =	ssyncadd.s32 $0xFFFFC000  }
0x30: {  	[spmem:s10] =	stream.linear.scatter [tilespmem:s14], [sflag:$0x2], $0x4000, $0x38;
	[tilespmem:$0x18280] =	vst v63  }
0x31: {  	_ =	swait.ge [sflag:s15], $0x4000  }
0x32: {  	[sflag:s15] =	ssyncset.done $0x0  }
0x33: {  	[sflag:s15] =	ssyncadd.s32 $0xFFFFC000  }
0x34: {  	s21 =	simm.s32 $0x0;
	s22 =	simm.s32 $0x0;
	[bflag:$0x0] =	sbarrier.arrive $0xFFFF  }
.LBB2_4:
0x35: {  	s23 =	sshll.u32 s22, $0x9  }
0x36: {  	s23 =	sadd.s32 s11, s23  }
0x37: {  	s23 =	sshrl.u32 s23, $0x3  }
0x38: {  	s23 =	sadd.s32 s4, s23  }
0x39: {  	[tilespmem:s21], [sflag:$0x2] =	stream.linear.gather [hbm4b:s23+s21], $0x180, $0x38;
	[tilespmem:$0x18280] =	vst v63  }
0x3a: {  	_ =	swait.ge [sflag:s15], $0x180  }
0x3b: {  	[sflag:s15] =	ssyncset.done $0x0  }
0x3c: {  	[sflag:s15] =	ssyncadd.s32 $0xFFFFFE80  }
0x3d: {  	[tilespmem:s14], [sflag:$0x1] =	stream.indirect.gather [hbm4b:s5+s16], $0x80, s21, s16, $0xb8;
	[tilespmem:$0x18280] =	vst v63  }
0x3e: {  	_ =	swait.ge [sflag:s17], $0x4000  }
0x3f: {  	[sflag:s17] =	ssyncset.done $0x0  }
0x40: {  	[sflag:s17] =	ssyncadd.s32 $0xFFFFC000  }
0x41: {  	v1 =	vld [tilespmem:$0x100]  }
0x42: {  	v2 =	vld [tilespmem:$0x110]  }
0x43: {  	v3 =	vld [tilespmem:$0x120]  }
0x44: {  	v4 =	vld [tilespmem:$0x130]  }
0x45: {  	v5 =	vld [tilespmem:$0x140]  }
0x46: {  	[tilespmem:$0x200] =	vst v1;
	v1 =	vld [tilespmem:$0x150]  }
0x47: {  	[tilespmem:$0x210] =	vst v2;
	v2 =	vld [tilespmem:$0x160]  }
0x48: {  	[tilespmem:$0x220] =	vst v3;
	v3 =	vld [tilespmem:$0x170]  }
0x49: {  	[tilespmem:$0x230] =	vst v4  }
0x4a: {  	[tilespmem:$0x240] =	vst v5  }
0x4b: {  	[tilespmem:$0x250] =	vst v1  }
0x4c: {  	[tilespmem:$0x260] =	vst v2;
	v1 =	vmov s21  }
0x4d: {  	s23 =	simm.s32 $0x2C0;
	[tilespmem:$0x270] =	vst v3  }
0x4e: {  	v5 =	vld [tilespmem:s23+$0x30]  }
0x4f: {  	v8 =	vld [tilespmem:s23+$0x10]  }
0x50: {  	v6 =	vld [tilespmem:s23+$0xFFFFFFC0]  }
0x51: {  	v2 =	vld.idx.msk [tilespmem:v1+s18+$0x0], $0xffff  }
0x52: {  	v10 =	vld [tilespmem:s23+$0xFFFFFFE0]  }
0x53: {  	v3 =	vld [tilespmem:s23+$0x20]  }
0x54: {  	v4 =	vld [tilespmem:s23+$0xFFFFFFD0]  }
0x55: {  	v1 =	vld [tilespmem:s23+$0xFFFFFFF0]  }
0x56: {  	v9 =	vmul.f32 v5, v2;
	v5 =	vld [tilespmem:s23+$0x0]  }
0x57: {  	v7 =	vmul.f32 v6, v2  }
0x58: {  	s24 =	simm.s32 $0x1;
	s25 =	simm.s32 $0x2C0;
	v6 =	vmul.f32 v10, v2;
	v8 =	vmul.f32 v8, v2  }
.LBB2_5:
0x59: {  	p0 =	sne.s32 s24, $0x7F  }
0x5a: {  	v4 =	vmul.f32 v4, v2;
	v3 =	vmul.f32 v3, v2;
	[tilespmem:s23+$0x30] =	vst v9;
	s25 =	sadd.s32 $0x80, s25;
	s26 =	smov.u32 s24;
	s24 =	sadd.s32 $0x1, s24  }
0x5b: {  	[tilespmem:s23+$0xFFFFFFC0] =	vst v7;
	v7 =	vmul.f32 v1, v2;
	v2 =	vmul.f32 v5, v2  }
0x5c: {  	[tilespmem:s23+$0x10] =	vst v8  }
0x5d: {  	v5 =	vmov s26;
	[tilespmem:s23+$0xFFFFFFE0] =	vst v6  }
0x5e: {  	v1 =	vld [tilespmem:s25+$0xFFFFFFF0];
	[tilespmem:s23+$0xFFFFFFF0] =	vst v7  }
0x5f: {  	v6 =	vld [tilespmem:s25+$0x30];
	[tilespmem:s23+$0x0] =	vst v2  }
0x60: {  	v8 =	vld [tilespmem:s25+$0x10];
	[tilespmem:s23+$0x20] =	vst v3  }
0x61: {  	v7 =	vld [tilespmem:s25+$0xFFFFFFC0];
	[tilespmem:s23+$0xFFFFFFD0] =	vst v4;
	s23 =	smov.u32 s25  }
0x62: {  	v2 =	vld.idx.msk [tilespmem:v5+s18+$0x0], $0xffff  }
0x63: {  	v10 =	vld [tilespmem:s25+$0xFFFFFFE0]  }
0x64: {  	v3 =	vld [tilespmem:s25+$0x20]  }
.Ltmp1:
0x65: {  	v4 =	vld [tilespmem:s25+$0xFFFFFFD0];
	(pc) =	sbr.rel @p0 .LBB2_5-.Ltmp1, $3  }
0x66: {  	v5 =	vld [tilespmem:s25+$0x0];
	_ =	sdelay $0x1  }
0x67: {  	v7 =	vmul.f32 v7, v2;
	v9 =	vmul.f32 v6, v2  }
0x68: {  	v8 =	vmul.f32 v8, v2;
	v6 =	vmul.f32 v10, v2  }
0x69: {  	[tilespmem:s23+$0x30] =	vst v9  }
0x6a: {  	[tilespmem:s23+$0xFFFFFFC0] =	vst v7  }
0x6b: {  	v1 =	vmul.f32 v1, v2;
	[tilespmem:s23+$0x10] =	vst v8  }
0x6c: {  	v3 =	vmul.f32 v3, v2;
	[tilespmem:s23+$0xFFFFFFE0] =	vst v6  }
0x6d: {  	v5 =	vmul.f32 v5, v2;
	[tilespmem:s23+$0xFFFFFFF0] =	vst v1  }
0x6e: {  	s22 =	sadd.s32 $0x1, s22;
	v1 =	vmul.f32 v4, v2;
	[tilespmem:s23+$0x20] =	vst v3  }
0x6f: {  	p0 =	sne.s32 s22, $0x51;
	[tilespmem:s23+$0x0] =	vst v5  }
.Ltmp2:
0x70: {  	[tilespmem:s23+$0xFFFFFFD0] =	vst v1;
	(pc) =	sbr.rel @p0 .LBB2_4-.Ltmp2, $4  }
0x71: {  	[spmem:s2] =	stream.indirect.scatter.add.f32 [tilespmem:s14], [sflag:$0x2], $0x80, s16, s16, $0xb8;
	[tilespmem:$0x18280] =	vst v63  }
0x72: {  	_ =	swait.ge [sflag:s15], $0x4000  }
0x73: {  	[sflag:s15] =	ssyncset.done $0x0  }
0x74: {  	[sflag:s15] =	ssyncadd.s32 $0xFFFFC000  }
0x75: {  	s3 =	sadd.s32 $0x1, s3  }
0x76: {  	p0 =	sne.s32 s3, s13  }
.Ltmp3:
0x77: {  	[bflag:$0x0] =	sbarrier.arrive $0xFFFF;
	(pc) =	sbr.rel @p0 .LBB2_1-.Ltmp3, $4  }
0x78: {  	[hbm:s12], [sflag:s19] =	dma.local [spmem:s20], $0x2800  }
0x79: {  	_ =	swait.ge [sflag:s15], $0x2800  }
0x7a: {  	[sflag:s15] =	ssyncset.done $0x0  }
0x7b: {  	[sflag:s15] =	ssyncadd.s32 $0xFFFFD800  }
0x7c: {  	_ =	sfence.sel $0x180000  }
0x7d: {  	[bflag:$0x0] =	sbarrier.arrive $0xFFFF  }
0x7e: {  	p0 =	sne.s32 s1, $0x0;
	_ =	strace $0x90000050  }
0x7f: {  	s0 =	sadd.s32 @!p0 $0x100000, s0;
	[bflag:$0x2] =	sbarrier.arrive $0xFFFF  }
0x80: {  	[sflag:s0] =	ssyncadd.tile.s32 @!p0 $0x1;
	_ =	shalt  }
.Lfunc_end2:
_tile_overlayer_lowered:
.L_overlay_start_2:
0x81: {  	(tag) =	ssettag $0x2  }
0x82: {  	s0 =	rddreg [dreg:$0x0];
	s2 =	stileid.u32  }
0x83: {  	s1 =	rddreg [dreg:$0x1];
	p0 =	sne.s32 s2, $0x0  }
0x84: {  	s3 =	rddreg [dreg:$0x2];
	[bflag:$0x3] =	sbarrier.arrive $0xFFFF;
	s2 =	simm.s32 @!p0 $0x1C02  }
0x85: {  	[timem:s3], [sflag:s2] =	dma.local @!p0 [hbm:s0], s1  }
0x86: {  	s0 =	simm.s32 @!p0 $0x2  }
0x87: {  	_ =	swait.ge @!p0 [sflag:s0], s1  }
0x88: {  	s1 =	ssub.s32 @!p0 $0x0, s1;
	[sflag:s0] =	ssyncset.done @!p0 $0x0  }
0x89: {  	[sflag:s0] =	ssyncadd.s32 @!p0 s1  }
0x8a: {  	[bflag:$0x3] =	sbarrier.arrive $0xFFFF  }
0x8b: {  	_ =	shalt  }

// kernel: kernel.24.cloned.1.call-start
scs
__scs_entry_jumppad:
0x0: {  	(pc) =	sbr.rel $0x88, $3  }
0x1: {  	(tag) =	ssettag $0x0;
	lr =	simm.s32 $0x1  }
0x2: {  	[smem:$0x3F89] =	sst lr;
	_ =	strace $0xD0000000  }
0x3: {  	_ = 	snop  }
0x4: {  	_ = 	snop  }
0x5: {  	_ = 	snop  }
0x6: {  	_ = 	snop  }
0x7: {  	_ = 	snop  }
__scs_overlays_trampoline_lowered:
0x8: {  	[smem:$0x3F98] =	sst s0  }
0x9: {  	[smem:$0x3F99] =	sst s1  }
0xa: {  	[smem:$0x3F9A] =	sst s2  }
0xb: {  	[smem:$0x3F9B] =	sst s3  }
0xc: {  	[smem:$0x3F9C] =	sst s4  }
0xd: {  	[smem:$0x3F9D] =	sst s5  }
0xe: {  	[smem:$0x3F9E] =	sst s6  }
0xf: {  	[smem:$0x3F9F] =	sst s7  }
0x10: {  	[smem:$0x3FA0] =	sst s8  }
0x11: {  	[smem:$0x3FA1] =	sst s9;
	s0 =	simm.s32 @!p0 $0x0  }
0x12: {  	s1 =	sld [smem:$0x3F87];
	s0 =	simm.s32 @p0 $0x1  }
0x13: {  	[smem:$0x3FA2] =	sst s0;
	s0 =	simm.s32 @!p1 $0x0  }
0x14: {  	s2 =	sld [smem:$0x3F86];
	s0 =	simm.s32 @p1 $0x1  }
0x15: {  	[smem:$0x3FA3] =	sst s0;
	s0 =	simm.s32 @!p2 $0x0  }
0x16: {  	s3 =	sld [smem:$0x3FDB];
	s0 =	simm.s32 @p2 $0x1  }
0x17: {  	s4 =	simm.s32 $0x1BF5;
	[smem:$0x3FA5] =	sst s0  }
0x18: {  	s0 =	sld [smem:$0x3F88];
	_ =	swait.ge [sflag:s4], $0x0  }
0x19: {  	s7 =	sld [smem:$0x3F89]  }
0x1a: {  	s8 =	sadd.s32 $0xFFFFE003, lr  }
0x1b: {  	s9 =	sadd.s32 $0xFFFFFEF7, lr;
	s5 =	simm.s32 $0xFFFFFFFF;
	p2 =	slt.u32 s8, $0xFFFFF086  }
0x1c: {  	p1 =	slt.u32 s9, $0xF7A;
	s5 =	simm.s32 @!p2 $0x0  }
0x1d: {  	s5 =	simm.s32 @p1 $0x1;
	p0 =	seq.s32 s7, s2  }
0x1e: {  	s7 =	smul.u32 @!p0 $0xF7A, s2;
	p2 =	seq.s32 @!p0 s5, $0x0  }
0x1f: {  	s9 =	smul.u32 $0xF7A, s1;
	s8 =	simm.s32 @!p0 $0x1BF5;
	p2 =	por !p2, p0  }
0x20: {  	[sflag:s8] =	ssyncset.s32 @!p0 $0xFFFFF086;
	s6 =	sadd.s32 @!p0 s3, s7;
	s7 =	simm.s32 @!p0 $0x108  }
0x21: {  	s3 =	sadd.s32 s3, s9;
	s6 =	sadd.s32 @!p0 $0x88, s6;
	s7 =	simm.s32 @p2 $0x1082  }
0x22: {  	[simem:s7], [sflag:s8] =	dma.local @!p0 [hbm:s6], $0xF7A  }
0x23: {  	s9 =	sor.u32 $0xD0000000, s2;
	s6 =	simm.s32 $0x108;
	_ =	swait.ge @!p0 [sflag:s8], $0x0  }
0x24: {  	s3 =	sadd.s32 $0x88, s3;
	s6 =	simm.s32 @!p1 $0x1082;
	[sflag:s4] =	ssyncset.s32 $0xFFFFF086  }
0x25: {  	[simem:s6], [sflag:s4] =	dma.local [hbm:s3], $0xF7A  }
0x26: {  	[smem:$0x3F89] =	sst s1;
	(tag) =	ssettag s2;
	_ =	strace s9  }
0x27: {  	s1 =	sld [smem:$0x3F99]  }
0x28: {  	s2 =	sld [smem:$0x3F9A]  }
0x29: {  	s4 =	sld [smem:$0x3F9C]  }
0x2a: {  	p0 =	seq.s32 s5, $0x0;
	s5 =	sld [smem:$0x3F9D]  }
0x2b: {  	s6 =	sld [smem:$0x3F9E]  }
0x2c: {  	s7 =	sld [smem:$0x3F9F]  }
0x2d: {  	s3 =	simm.s32 $0x108;
	s8 =	sld [smem:$0x3FA0]  }
0x2e: {  	s3 =	simm.s32 @!p0 $0x1082;
	s9 =	sld [smem:$0x3FA1]  }
0x2f: {  	lr =	sadd.s32 s0, s3;
	s0 =	sld [smem:$0x3F98]  }
0x30: {  	s3 =	sld [smem:$0x3F9B]  }
0x31: {  	[smem:$0x3FA4] =	sst s10  }
0x32: {  	s10 =	sld [smem:$0x3FA2];
	_ =	sdelay $0x3  }
0x33: {  	p0 =	seq.s32 s10, $0x1;
	s10 =	sld [smem:$0x3FA4];
	_ =	sdelay $0x3  }
0x34: {  	[smem:$0x3FA4] =	sst s10  }
0x35: {  	s10 =	sld [smem:$0x3FA3];
	_ =	sdelay $0x3  }
0x36: {  	p1 =	seq.s32 s10, $0x1;
	s10 =	sld [smem:$0x3FA4];
	_ =	sdelay $0x3  }
0x37: {  	[smem:$0x3FA4] =	sst s10  }
0x38: {  	s10 =	sld [smem:$0x3FA5]  }
0x39: {  	_ = 	snop;
	(pc) =	sbr.ind lr, $3  }
0x3a: {  	_ = 	snop  }
0x3b: {  	_ = 	snop  }
0x3c: {  	p2 =	seq.s32 s10, $0x1;
	s10 =	sld [smem:$0x3FA4]  }
0x3d: {  	_ =	shalt  }
0x3e: {  	_ =	shalt  }
0x3f: {  	_ =	shalt  }
0x40: {  	_ =	shalt  }
0x41: {  	_ =	shalt  }
0x42: {  	_ =	shalt  }
0x43: {  	_ =	shalt  }
0x44: {  	_ =	shalt  }
0x45: {  	_ =	shalt  }
0x46: {  	_ =	shalt  }
0x47: {  	_ =	shalt  }
0x48: {  	_ =	shalt  }
0x49: {  	_ =	shalt  }
0x4a: {  	_ =	shalt  }
0x4b: {  	_ =	shalt  }
0x4c: {  	_ =	shalt  }
0x4d: {  	_ =	shalt  }
0x4e: {  	_ =	shalt  }
0x4f: {  	_ =	shalt  }
0x50: {  	_ =	shalt  }
0x51: {  	_ =	shalt  }
0x52: {  	_ =	shalt  }
0x53: {  	_ =	shalt  }
0x54: {  	_ =	shalt  }
0x55: {  	_ =	shalt  }
0x56: {  	_ =	shalt  }
0x57: {  	_ =	shalt  }
0x58: {  	_ =	shalt  }
0x59: {  	_ =	shalt  }
0x5a: {  	_ =	shalt  }
0x5b: {  	_ =	shalt  }
0x5c: {  	_ =	shalt  }
0x5d: {  	_ =	shalt  }
0x5e: {  	_ =	shalt  }
0x5f: {  	_ =	shalt  }
0x60: {  	_ =	shalt  }
0x61: {  	_ =	shalt  }
0x62: {  	_ =	shalt  }
0x63: {  	_ =	shalt  }
0x64: {  	_ =	shalt  }
0x65: {  	_ =	shalt  }
0x66: {  	_ =	shalt  }
0x67: {  	_ =	shalt  }
0x68: {  	_ =	shalt  }
0x69: {  	_ =	shalt  }
0x6a: {  	_ =	shalt  }
0x6b: {  	_ =	shalt  }
0x6c: {  	_ =	shalt  }
0x6d: {  	_ =	shalt  }
0x6e: {  	_ =	shalt  }
0x6f: {  	_ =	shalt  }
0x70: {  	_ =	shalt  }
0x71: {  	_ =	shalt  }
0x72: {  	_ =	shalt  }
0x73: {  	_ =	shalt  }
0x74: {  	_ =	shalt  }
0x75: {  	_ =	shalt  }
0x76: {  	_ =	shalt  }
0x77: {  	_ =	shalt  }
0x78: {  	_ =	shalt  }
0x79: {  	_ =	shalt  }
0x7a: {  	_ =	shalt  }
0x7b: {  	_ =	shalt  }
0x7c: {  	_ =	shalt  }
0x7d: {  	_ =	shalt  }
0x7e: {  	_ =	shalt  }
0x7f: {  	_ =	shalt  }
0x80: {  	_ =	shalt  }
0x81: {  	_ =	shalt  }
0x82: {  	_ =	shalt  }
0x83: {  	_ =	shalt  }
0x84: {  	_ =	shalt  }
0x85: {  	_ =	shalt  }
0x86: {  	_ =	shalt  }
0x87: {  	_ =	shalt  }
.Lfunc_end0:
.L_simem_size_0:
called_computation.4_lowered:
.L_overlay_start_0:
0x88: {  	s2 =	sld [smem:$0x3FD9]  }
0x89: {  	s3 =	sld [smem:$0x3FFE];
	_ =	sdelay $0x1  }
0x8a: {  	s1 =	srdreg.scid  }
0x8b: {  	s0 =	sand.u32 $0x1, s1  }
0x8c: {  	s16 =	sshll.u32 s0, $0xA;
	s2 =	sadd.s32 s3, s2  }
0x8d: {  	s2 =	sadd.s32 s2, s16  }
0x8e: {  	[smem:$0x3FB0] =	sst s2  }
0x8f: {  	_ = 	snop  }
0x90: {  	(tm) =	ssettm $0x1  }
0x91: {  	s17 =	sld [smem:$0x3FFB];
	_ =	sdelay $0x3  }
0x92: {  	_ =	strace s17  }
0x93: {  	s2 =	sld [smem:$0x3FFC];
	_ =	sdelay $0x3  }
0x94: {  	_ =	strace s2  }
0x95: {  	s2 =	sld [smem:$0x3FFD];
	_ =	sdelay $0x3  }
0x96: {  	_ =	strace s2  }
0x97: {  	_ =	strace $0x8FFFFFFF  }
0x98: {  	s18 =	sld [smem:$0x3FDB];
	_ =	sdelay $0x1  }
0x99: {  	s19 =	simm.s32 $_scs_section_size  }
0x9a: {  	s4 =	simm.s32 $_size__tile_overlayer_lowered;
	s5 =	simm.s32 $_tile_overlayer_lowered  }
0x9b: {  	s22 =	simm.s32 $0x1BFF;
	s21 =	sshll.u32 s5, $0x1;
	s2 =	sadd.s32 s19, s18  }
0x9c: {  	s6 =	simm.s32 $0x0;
	s20 =	sshll.u32 s4, $0x1;
	s4 =	sadd.s32 s21, s2  }
0x9d: {  	[timem:s6], [sflag:s22] =	dma.local [hbm:s4], s20  }
0x9e: {  	_ =	swait.ge [sflag:s22], s20  }
0x9f: {  	s3 =	ssub.s32 $0x0, s20;
	[sflag:s22] =	ssyncset.done $0x0  }
0xa0: {  	[sflag:s22] =	ssyncadd.s32 s3;
	_ =	sdelay $0x1  }
0xa1: {  	s23 =	simm.s32 $0x1B8B  }
0xa2: {  	_ =	swait.ge [sflag:s23], $0x1  }
0xa3: {  	[sflag:s23] =	ssyncset.done $0x0  }
0xa4: {  	s25 =	simm.s32 $0x1B8E;
	s24 =	sld [smem:$0x3FFE];
	[sflag:s23] =	ssyncadd.s32 $0xFFFFFFFF  }
0xa5: {  	s26 =	simm.s32 $execute0_lowered;
	[smem:$0x3FD2] =	sst s25  }
0xa6: {  	s4 =	sshll.u32 s26, $0x1;
	_ =	strace $0x80000052;
	[dreg:$0x1] =	wrdreg $0xFFFFFFFF  }
0xa7: {  	s28 =	simm.s32 $_size_execute0_lowered;
	s2 =	sadd.s32 s2, s4;
	[dreg:$0x0] =	wrdreg $0x0  }
0xa8: {  	s4 =	sshll.u32 s28, $0x1;
	[dreg:$0x2] =	wrdreg s2  }
0xa9: {  	[dreg:$0x3] =	wrdreg s4  }
0xaa: {  	[dreg:$0x4] =	wrdreg $0xC0  }
0xab: {  	_ =	task [dreg:s6], $0x5FFFF  }
0xac: {  	[dreg:$0x1] =	wrdreg $0xFFFFFFFF  }
0xad: {  	[dreg:$0x0] =	wrdreg $0x60  }
0xae: {  	[dreg:$0x2] =	wrdreg s24  }
0xaf: {  	[dreg:$0x3] =	wrdreg $0x103000  }
0xb0: {  	[dreg:$0x4] =	wrdreg $0x9  }
0xb1: {  	_ =	task.clear_ibuf [dreg:s6], $0x5FFFF;
	_ =	strace $0x90000052  }
0xb2: {  	s29 =	simm.s32 $0x9;
	_ =	strace $0x80000054  }
0xb3: {  	_ =	swait.ge [sflag:s29], $0x1  }
0xb4: {  	[sflag:s29] =	ssyncadd.s32 $0xFFFFFFFF  }
0xb5: {  	_ =	strace $0x90000054  }
0xb6: {  	_ =	sfence  }
0xb7: {  	s30 =	sld [smem:$0x0];
	_ =	sdelay $0x2  }
0xb8: {  	s31 =	sshll.u32 s1, $0xD;
	s1 =	sshrl.u32 s1, $0x2  }
0xb9: {  	s3 =	sand.u32 $0x4000, s31;
	s1 =	sadd.s32 s1, s30  }
0xba: {  	s0 =	sor.u32 s3, s0;
	s1 =	sshll.u32 s1, $0x11  }
0xbb: {  	s0 =	sor.u32 s1, s0  }
0xbc: {  	s0 =	sadd.s32 $0x8F2B, s0  }
0xbd: {  	[sflag:s0] =	ssyncadd.remote.s32 $0x1  }
0xbe: {  	_ =	sfence.sel $0xFFFF  }
0xbf: {  	[dreg:$0x0] =	wrdreg $0xFFFFFFFF;
	(pc) =	sbr.abs _section_cstart, $3  }
0xc0: {  	[dreg:$0x1] =	wrdreg $0xFFFFFFFF  }
0xc1: {  	_ =	task.clear_ibuf [dreg:s6], $0x2FFFF;
	_ =	strace $0x9FFFFFFF  }
0xc2: {  	(tm) =	ssettm $0x7FFFFFFF  }
0xc3: {  	_ =	shalt  }
tec
execute0_lowered:
.L_overlay_start_1:
0x0: {  	(tag) =	ssettag $0x1  }
0x1: {  	s6 =	rddreg [dreg:$0x0];
	s0 =	srdreg.scid  }
0x2: {  	s21 =	stileid.u32;
	s1 =	rddreg [dreg:$0x1];
	s2 =	simm.s32 $0x0  }
0x3: {  	s17 =	simm.s32 $0x5000;
	s18 =	simm.s32 $0xA800;
	s19 =	simm.s32 $0x10080  }
0x4: {  	s20 =	simm.s32 $0x80;
	s10 =	sand.u32 $0x1, s0;
	s0 =	rddreg [dreg:$0x2]  }
0x5: {  	s23 =	simm.s32 $0x0;
	s3 =	sshll.u32 s21, $0x1;
	[smem:$0x7FF] =	sst s2  }
0x6: {  	s4 =	sadd.s32 $0x4C200, s6;
	s5 =	sadd.s32 $0x2A600, s6;
	s12 =	smul.u32 $0xA00, s21  }
0x7: {  	s15 =	smul.u32 $0x5100, s21;
	p0 =	sne.s32 s21, $0x0;
	s21 =	simm.s32 $0xD400  }
0x8: {  	s3 =	sor.u32 s10, s3;
	_ =	strace $0x80000053;
	s30 =	ssub.s32 $0x2, s10  }
0x9: {  	s8 =	sshll.u32 s10, $0x4;
	s16 =	smul.u32 $0x2880, s10;
	s22 =	sshrl.u32 @!p0 s1, $0x3  }
0xa: {  	s7 =	smul.u32 $0x580, s3;
	s3 =	sadd.s32 $0x4BC00, s6;
	s9 =	sshrl.u32 s30, $0x1  }
0xb: {  	s13 =	sadd.s32 s8, s6;
	s31 =	sshrl.u32 s12, $0x2;
	s14 =	ssub.s32 s30, s9  }
0xc: {  	s9 =	sadd.s32 s31, s1;
	s11 =	sadd.s32 s7, s6;
	s12 =	smax.u32 s14, $0x1  }
0xd: {  	s14 =	simm.s32 $0x1;
	s6 =	sadd.s32 $0x35C00, s11;
	s7 =	sadd.s32 $0x40C00, s11  }
0xe: {  	s8 =	sadd.s32 $0x2AC00, s11;
	s10 =	sadd.s32 $0x4C800, s11;
	s11 =	sadd.s32 $0x57800, s13  }
0xf: {  	v0 =	vimm.f32 $0.0e+00;
	s13 =	sadd.s32 s16, s15;
	s15 =	simm.s32 $0x2800;
	s16 =	simm.s32 $0x10000  }
.LBB2_1:
0x10: {  	[tilespmem:s2], [sflag:$0x1] =	stream.linear.gather [hbm4b:s3+s2], $0x2800, $0x38;
	[tilespmem:$0x10580] =	vst v63  }
0x11: {  	_ =	swait.ge [sflag:s14], $0x2800  }
0x12: {  	[sflag:s14] =	ssyncset.done $0x0  }
0x13: {  	[sflag:s14] =	ssyncadd.s32 $0xFFFFD800  }
0x14: {  	[tilespmem:s15], [sflag:$0x1] =	stream.linear.gather [hbm4b:s4+s2], $0x2800, $0x38;
	[tilespmem:$0x10580] =	vst v63  }
0x15: {  	_ =	swait.ge [sflag:s14], $0x2800  }
0x16: {  	[sflag:s14] =	ssyncset.done $0x0  }
0x17: {  	[sflag:s14] =	ssyncadd.s32 $0xFFFFD800  }
0x18: {  	[tilespmem:s16], [sflag:$0x1] =	stream.linear.gather [hbm4b:s5+s2], $0x80, $0x38;
	[tilespmem:$0x10580] =	vst v63  }
0x19: {  	_ =	swait.ge [sflag:s14], $0x80  }
0x1a: {  	[sflag:s14] =	ssyncset.done $0x0  }
0x1b: {  	[sflag:s14] =	ssyncadd.s32 $0xFFFFFF80  }
0x1c: {  	[tilespmem:s17], [sflag:$0x1] =	stream.linear.gather [hbm4b:s6+s2], $0x2880, $0x38;
	[tilespmem:$0x10580] =	vst v63  }
0x1d: {  	_ =	swait.ge [sflag:s14], $0x2880  }
0x1e: {  	[sflag:s14] =	ssyncset.done $0x0  }
0x1f: {  	s24 =	simm.s32 $0x7C00;
	[sflag:s14] =	ssyncadd.s32 $0xFFFFD780  }
0x20: {  	[tilespmem:s24], [sflag:$0x1] =	stream.linear.gather [hbm4b:s7+s2], $0x2880, $0x38;
	[tilespmem:$0x10580] =	vst v63  }
0x21: {  	_ =	swait.ge [sflag:s14], $0x2880  }
0x22: {  	[sflag:s14] =	ssyncset.done $0x0  }
0x23: {  	[sflag:s14] =	ssyncadd.s32 $0xFFFFD780  }
0x24: {  	[tilespmem:s18], [sflag:$0x1] =	stream.linear.gather [hbm4b:s8+s2], $0x2880, $0x38;
	[tilespmem:$0x10580] =	vst v63  }
0x25: {  	_ =	swait.ge [sflag:s14], $0x2880  }
0x26: {  	[sflag:s14] =	ssyncset.done $0x0  }
0x27: {  	[sflag:s14] =	ssyncadd.s32 $0xFFFFD780  }
0x28: {  	[tilespmem:$0x10080] =	vst v0  }
0x29: {  	[tilespmem:$0x10090] =	vst v0  }
0x2a: {  	[tilespmem:$0x100A0] =	vst v0  }
0x2b: {  	[tilespmem:$0x100B0] =	vst v0  }
0x2c: {  	[tilespmem:$0x100C0] =	vst v0  }
0x2d: {  	[tilespmem:$0x100D0] =	vst v0  }
0x2e: {  	[tilespmem:$0x100E0] =	vst v0  }
0x2f: {  	[tilespmem:$0x100F0] =	vst v0  }
0x30: {  	[tilespmem:$0x10100] =	vst v0  }
0x31: {  	[tilespmem:$0x10110] =	vst v0  }
0x32: {  	[tilespmem:$0x10120] =	vst v0  }
0x33: {  	[tilespmem:$0x10130] =	vst v0  }
0x34: {  	[tilespmem:$0x10140] =	vst v0  }
0x35: {  	[tilespmem:$0x10150] =	vst v0  }
0x36: {  	[tilespmem:$0x10160] =	vst v0  }
0x37: {  	[tilespmem:$0x10170] =	vst v0  }
0x38: {  	[tilespmem:$0x10180] =	vst v0  }
0x39: {  	[tilespmem:$0x10190] =	vst v0  }
0x3a: {  	[tilespmem:$0x101A0] =	vst v0  }
0x3b: {  	[tilespmem:$0x101B0] =	vst v0  }
0x3c: {  	[tilespmem:$0x101C0] =	vst v0  }
0x3d: {  	[tilespmem:$0x101D0] =	vst v0  }
0x3e: {  	[tilespmem:$0x101E0] =	vst v0  }
0x3f: {  	[tilespmem:$0x101F0] =	vst v0  }
0x40: {  	[tilespmem:$0x10200] =	vst v0  }
0x41: {  	[tilespmem:$0x10210] =	vst v0  }
0x42: {  	[tilespmem:$0x10220] =	vst v0  }
0x43: {  	[tilespmem:$0x10230] =	vst v0  }
0x44: {  	[tilespmem:$0x10240] =	vst v0  }
0x45: {  	[tilespmem:$0x10250] =	vst v0  }
0x46: {  	[tilespmem:$0x10260] =	vst v0  }
0x47: {  	[tilespmem:$0x10270] =	vst v0  }
0x48: {  	[tilespmem:$0x10280] =	vst v0  }
0x49: {  	[tilespmem:$0x10290] =	vst v0  }
0x4a: {  	[tilespmem:$0x102A0] =	vst v0  }
0x4b: {  	[tilespmem:$0x102B0] =	vst v0  }
0x4c: {  	[tilespmem:$0x102C0] =	vst v0  }
0x4d: {  	[tilespmem:$0x102D0] =	vst v0  }
0x4e: {  	[tilespmem:$0x102E0] =	vst v0  }
0x4f: {  	[tilespmem:$0x102F0] =	vst v0  }
0x50: {  	[spmem:s9] =	stream.linear.scatter [tilespmem:s19], [sflag:$0x1], $0x280, $0x38;
	[tilespmem:$0x10580] =	vst v63  }
0x51: {  	_ =	swait.ge [sflag:s14], $0x280  }
0x52: {  	[sflag:s14] =	ssyncset.done $0x0  }
0x53: {  	[sflag:s14] =	ssyncadd.s32 $0xFFFFFD80  }
0x54: {  	s25 =	simm.s32 $0xA840;
	[bflag:$0x0] =	sbarrier.arrive $0xFFFF  }
0x55: {  	s26 =	simm.s32 $0x5040;
	s28 =	simm.s32 $0xD400;
	s29 =	simm.s32 $0x0;
	v1 =	vld [tilespmem:$0x10000]  }
.LBB2_2:
0x56: {  	v2 =	vld [tilespmem:s26+$0xFFFFFFC0]  }
0x57: {  	v3 =	vld [tilespmem:s24+$0x0];
	_ =	sdelay $0x5  }
0x58: {  	v4 =	vld [tilespmem:s25+$0xFFFFFFC0]  }
0x59: {  	v2 =	vld.idx.msk [tilespmem:v2+s2+$0x0], $0xffff  }
0x5a: {  	v3 =	vld.idx.msk [tilespmem:v3+s15+$0x0], $0xffff;
	_ =	sdelay $0x4  }
0x5b: {  	v2 =	vadd.f32 v3, v2;
	v3 =	vmul.f32 v4, v1;
	_ =	sdelay $0x1  }
0x5c: {  	s30 =	sadd.s32 s29, s13;
	v2 =	vadd.f32 v3, v2  }
0x5d: {  	p1 =	slt.u32 s30, $0x50910  }
0x5e: {  	v2 =	vpsel !p1, $0xF149F2CA, v2  }
0x5f: {  	v3 =	vmul.f32 $2.000000030e-01, v2  }
0x60: {  	vm0 =	vge.f32 v2, $0.0e+00  }
0x61: {  	v2 =	vsel vm0, v2, v3  }
0x62: {  	v2 =	vmul.f32 $1.442695020e+00, v2;
	_ =	sdelay $0x1  }
0x63: {  	(erf) = vpow2.f32 v2;
	_ =	sdelay $0x8  }
0x64: {  	v2 =	vpop (erf)  }
0x65: {  	[tilespmem:s28+$0x0] =	vst v2  }
0x66: {  	v2 =	vld [tilespmem:s26+$0xFFFFFFD0]  }
0x67: {  	v3 =	vld [tilespmem:s24+$0x10];
	_ =	sdelay $0x5  }
0x68: {  	v57 =	vld [tilespmem:s25+$0xFFFFFFD0]  }
0x69: {  	v2 =	vld.idx.msk [tilespmem:v2+s2+$0x0], $0xffff  }
0x6a: {  	v3 =	vld.idx.msk [tilespmem:v3+s15+$0x0], $0xffff;
	_ =	sdelay $0x4  }
0x6b: {  	v2 =	vadd.f32 v3, v2;
	v3 =	vmul.f32 v57, v1;
	_ =	sdelay $0x1  }
0x6c: {  	s31 =	sadd.s32 $0x10, s30;
	v2 =	vadd.f32 v3, v2  }
0x6d: {  	p5 =	slt.u32 s31, $0x50910  }
0x6e: {  	v2 =	vpsel !p5, $0xF149F2CA, v2  }
0x6f: {  	v3 =	vmul.f32 $2.000000030e-01, v2  }
0x70: {  	vm9 =	vge.f32 v2, $0.0e+00  }
0x71: {  	v2 =	vsel vm9, v2, v3  }
0x72: {  	v2 =	vmul.f32 $1.442695020e+00, v2;
	_ =	sdelay $0x1  }
0x73: {  	(erf) = vpow2.f32 v2;
	_ =	sdelay $0x8  }
0x74: {  	v2 =	vpop (erf)  }
0x75: {  	[tilespmem:s28+$0x10] =	vst v2  }
0x76: {  	v2 =	vld [tilespmem:s26+$0xFFFFFFE0]  }
0x77: {  	v3 =	vld [tilespmem:s24+$0x20];
	_ =	sdelay $0x5  }
0x78: {  	v58 =	vld [tilespmem:s25+$0xFFFFFFE0]  }
0x79: {  	v2 =	vld.idx.msk [tilespmem:v2+s2+$0x0], $0xffff  }
0x7a: {  	v3 =	vld.idx.msk [tilespmem:v3+s15+$0x0], $0xffff;
	_ =	sdelay $0x4  }
0x7b: {  	v2 =	vadd.f32 v3, v2;
	v3 =	vmul.f32 v58, v1;
	_ =	sdelay $0x1  }
0x7c: {  	s31 =	sadd.s32 $0x20, s30;
	v2 =	vadd.f32 v3, v2  }
0x7d: {  	p6 =	slt.u32 s31, $0x50910  }
0x7e: {  	v2 =	vpsel !p6, $0xF149F2CA, v2  }
0x7f: {  	v3 =	vmul.f32 $2.000000030e-01, v2  }
0x80: {  	vm10 =	vge.f32 v2, $0.0e+00  }
0x81: {  	v2 =	vsel vm10, v2, v3  }
0x82: {  	v2 =	vmul.f32 $1.442695020e+00, v2;
	_ =	sdelay $0x1  }
0x83: {  	(erf) = vpow2.f32 v2;
	_ =	sdelay $0x8  }
0x84: {  	v2 =	vpop (erf)  }
0x85: {  	[tilespmem:s28+$0x20] =	vst v2  }
0x86: {  	v2 =	vld [tilespmem:s26+$0xFFFFFFF0]  }
0x87: {  	v3 =	vld [tilespmem:s24+$0x30];
	_ =	sdelay $0x5  }
0x88: {  	v59 =	vld [tilespmem:s25+$0xFFFFFFF0]  }
0x89: {  	v2 =	vld.idx.msk [tilespmem:v2+s2+$0x0], $0xffff  }
0x8a: {  	v3 =	vld.idx.msk [tilespmem:v3+s15+$0x0], $0xffff;
	_ =	sdelay $0x4  }
0x8b: {  	v2 =	vadd.f32 v3, v2;
	v3 =	vmul.f32 v59, v1;
	_ =	sdelay $0x1  }
0x8c: {  	s31 =	sadd.s32 $0x30, s30;
	v2 =	vadd.f32 v3, v2  }
0x8d: {  	p2 =	slt.u32 s31, $0x50910  }
0x8e: {  	v2 =	vpsel !p2, $0xF149F2CA, v2  }
0x8f: {  	v3 =	vmul.f32 $2.000000030e-01, v2  }
0x90: {  	vm11 =	vge.f32 v2, $0.0e+00  }
0x91: {  	v2 =	vsel vm11, v2, v3  }
0x92: {  	v2 =	vmul.f32 $1.442695020e+00, v2;
	_ =	sdelay $0x1  }
0x93: {  	(erf) = vpow2.f32 v2;
	_ =	sdelay $0x8  }
0x94: {  	v2 =	vpop (erf)  }
0x95: {  	[tilespmem:s28+$0x30] =	vst v2  }
0x96: {  	v2 =	vld [tilespmem:s26+$0x0]  }
0x97: {  	v3 =	vld [tilespmem:s24+$0x40];
	_ =	sdelay $0x5  }
0x98: {  	v60 =	vld [tilespmem:s25+$0x0]  }
0x99: {  	v2 =	vld.idx.msk [tilespmem:v2+s2+$0x0], $0xffff  }
0x9a: {  	v3 =	vld.idx.msk [tilespmem:v3+s15+$0x0], $0xffff;
	_ =	sdelay $0x4  }
0x9b: {  	v2 =	vadd.f32 v3, v2;
	v3 =	vmul.f32 v60, v1;
	_ =	sdelay $0x1  }
0x9c: {  	s31 =	sadd.s32 $0x40, s30;
	v2 =	vadd.f32 v3, v2  }
0x9d: {  	p3 =	slt.u32 s31, $0x50910  }
0x9e: {  	v2 =	vpsel !p3, $0xF149F2CA, v2  }
0x9f: {  	v3 =	vmul.f32 $2.000000030e-01, v2  }
0xa0: {  	vm12 =	vge.f32 v2, $0.0e+00  }
0xa1: {  	v2 =	vsel vm12, v2, v3  }
0xa2: {  	v2 =	vmul.f32 $1.442695020e+00, v2;
	_ =	sdelay $0x1  }
0xa3: {  	(erf) = vpow2.f32 v2;
	_ =	sdelay $0x8  }
0xa4: {  	v2 =	vpop (erf)  }
0xa5: {  	[tilespmem:s28+$0x40] =	vst v2  }
0xa6: {  	v2 =	vld [tilespmem:s26+$0x10]  }
0xa7: {  	v3 =	vld [tilespmem:s24+$0x50];
	_ =	sdelay $0x5  }
0xa8: {  	v61 =	vld [tilespmem:s25+$0x10]  }
0xa9: {  	v2 =	vld.idx.msk [tilespmem:v2+s2+$0x0], $0xffff  }
0xaa: {  	v3 =	vld.idx.msk [tilespmem:v3+s15+$0x0], $0xffff;
	_ =	sdelay $0x4  }
0xab: {  	v2 =	vadd.f32 v3, v2;
	v3 =	vmul.f32 v61, v1;
	_ =	sdelay $0x1  }
0xac: {  	s31 =	sadd.s32 $0x50, s30;
	v2 =	vadd.f32 v3, v2  }
0xad: {  	p4 =	slt.u32 s31, $0x50910  }
0xae: {  	v2 =	vpsel !p4, $0xF149F2CA, v2  }
0xaf: {  	v3 =	vmul.f32 $2.000000030e-01, v2  }
0xb0: {  	vm13 =	vge.f32 v2, $0.0e+00  }
0xb1: {  	v2 =	vsel vm13, v2, v3  }
0xb2: {  	v2 =	vmul.f32 $1.442695020e+00, v2;
	_ =	sdelay $0x1  }
0xb3: {  	(erf) = vpow2.f32 v2;
	_ =	sdelay $0x8  }
0xb4: {  	v2 =	vpop (erf)  }
0xb5: {  	[tilespmem:s28+$0x50] =	vst v2  }
0xb6: {  	v2 =	vld [tilespmem:s26+$0x20]  }
0xb7: {  	v3 =	vld [tilespmem:s24+$0x60];
	_ =	sdelay $0x5  }
0xb8: {  	v62 =	vld [tilespmem:s25+$0x20]  }
0xb9: {  	v2 =	vld.idx.msk [tilespmem:v2+s2+$0x0], $0xffff  }
0xba: {  	v3 =	vld.idx.msk [tilespmem:v3+s15+$0x0], $0xffff;
	_ =	sdelay $0x4  }
0xbb: {  	v2 =	vadd.f32 v3, v2;
	v3 =	vmul.f32 v62, v1;
	_ =	sdelay $0x1  }
0xbc: {  	s31 =	sadd.s32 $0x60, s30;
	v2 =	vadd.f32 v3, v2  }
0xbd: {  	p5 =	slt.u32 s31, $0x50910  }
0xbe: {  	v2 =	vpsel !p5, $0xF149F2CA, v2  }
0xbf: {  	v3 =	vmul.f32 $2.000000030e-01, v2  }
0xc0: {  	vm14 =	vge.f32 v2, $0.0e+00  }
0xc1: {  	v2 =	vsel vm14, v2, v3  }
0xc2: {  	v2 =	vmul.f32 $1.442695020e+00, v2;
	_ =	sdelay $0x1  }
0xc3: {  	(erf) = vpow2.f32 v2;
	_ =	sdelay $0x8  }
0xc4: {  	v2 =	vpop (erf)  }
0xc5: {  	[tilespmem:s28+$0x60] =	vst v2  }
0xc6: {  	v2 =	vld [tilespmem:s26+$0x30]  }
0xc7: {  	v3 =	vld [tilespmem:s24+$0x70];
	_ =	sdelay $0x5  }
0xc8: {  	v63 =	vld [tilespmem:s25+$0x30]  }
0xc9: {  	v2 =	vld.idx.msk [tilespmem:v2+s2+$0x0], $0xffff  }
0xca: {  	v3 =	vld.idx.msk [tilespmem:v3+s15+$0x0], $0xffff;
	_ =	sdelay $0x4  }
0xcb: {  	v2 =	vadd.f32 v3, v2;
	v3 =	vmul.f32 v63, v1;
	_ =	sdelay $0x1  }
0xcc: {  	s30 =	sadd.s32 $0x70, s30;
	v2 =	vadd.f32 v3, v2  }
0xcd: {  	p6 =	slt.u32 s30, $0x50910  }
0xce: {  	v2 =	vpsel !p6, $0xF149F2CA, v2  }
0xcf: {  	v3 =	vmul.f32 $2.000000030e-01, v2  }
0xd0: {  	vm15 =	vge.f32 v2, $0.0e+00  }
0xd1: {  	v2 =	vsel vm15, v2, v3  }
0xd2: {  	v2 =	vmul.f32 $1.442695020e+00, v2;
	_ =	sdelay $0x1  }
0xd3: {  	(erf) = vpow2.f32 v2;
	_ =	sdelay $0x8  }
0xd4: {  	p1 =	sne.s32 s29, $0x2800;
	v2 =	vpop (erf)  }
.Ltmp0:
0xd5: {  	[tilespmem:s28+$0x70] =	vst v2;
	(pc) =	sbr.rel @p1 .LBB2_2-.Ltmp0, $4  }
0xd6: {  	[spmem:s1] =	stream.indirect.scatter.add.f32 [tilespmem:s28], [sflag:$0x1], $0x1, s24, s20, $0xb8;
	[tilespmem:$0x10580] =	vst v63  }
0xd7: {  	s29 =	sadd.s32 $0x80, s29;
	_ =	swait.ge [sflag:s14], $0x80  }
0xd8: {  	s25 =	sadd.s32 $0x80, s25;
	s26 =	sadd.s32 $0x80, s26;
	[sflag:s14] =	ssyncset.done $0x0  }
0xd9: {  	s28 =	sadd.s32 $0x80, s28;
	s24 =	sadd.s32 $0x80, s24;
	[sflag:s14] =	ssyncadd.s32 $0xFFFFFF80  }
0xda: {  	[hbm4b:s10+s2] =	stream.linear.scatter [tilespmem:s21], [sflag:$0x1], $0x2880, $0x38;
	[tilespmem:$0x10580] =	vst v63  }
0xdb: {  	s24 =	simm.s32 @!p0 $0x1;
	_ =	swait.ge [sflag:s14], $0x2880  }
0xdc: {  	s25 =	simm.s32 @!p0 $0x20;
	s23 =	sadd.s32 $0x1, s23;
	[sflag:s14] =	ssyncset.done $0x0  }
0xdd: {  	s26 =	simm.s32 @!p0 $0x10;
	p1 =	sne.s32 s23, s12;
	[sflag:s14] =	ssyncadd.s32 $0xFFFFD780  }
.Ltmp1:
0xde: {  	s28 =	simm.s32 @!p0 $0x1C01;
	[bflag:$0x0] =	sbarrier.arrive $0xFFFF;
	(pc) =	sbr.rel @p1 .LBB2_1-.Ltmp1, $4  }
0xdf: {  	[hbm:s11@s25], [sflag:s28] =	dma.strided @!p0 [spmem:s22@s26], $0x500, s24, $0x10   }
0xe0: {  	_ =	swait.ge @!p0 [sflag:s24], $0x500  }
0xe1: {  	[sflag:s24] =	ssyncset.done @!p0 $0x0  }
0xe2: {  	[sflag:s24] =	ssyncadd.s32 @!p0 $0xFFFFFB00  }
0xe3: {  	_ =	sfence.sel $0x180000  }
0xe4: {  	[bflag:$0x0] =	sbarrier.arrive $0xFFFF  }
0xe5: {  	_ =	strace $0x90000053  }
0xe6: {  	s0 =	sadd.s32 @!p0 $0x100000, s0;
	[bflag:$0x2] =	sbarrier.arrive $0xFFFF  }
0xe7: {  	[sflag:s0] =	ssyncadd.tile.s32 @!p0 $0x1;
	_ =	shalt  }
.Lfunc_end2:
_tile_overlayer_lowered:
.L_overlay_start_2:
0xe8: {  	(tag) =	ssettag $0x2  }
0xe9: {  	s0 =	rddreg [dreg:$0x0];
	s2 =	stileid.u32  }
0xea: {  	s1 =	rddreg [dreg:$0x1];
	p0 =	sne.s32 s2, $0x0  }
0xeb: {  	s3 =	rddreg [dreg:$0x2];
	[bflag:$0x3] =	sbarrier.arrive $0xFFFF;
	s2 =	simm.s32 @!p0 $0x1C01  }
0xec: {  	[timem:s3], [sflag:s2] =	dma.local @!p0 [hbm:s0], s1  }
0xed: {  	s0 =	simm.s32 @!p0 $0x1  }
0xee: {  	_ =	swait.ge @!p0 [sflag:s0], s1  }
0xef: {  	s1 =	ssub.s32 @!p0 $0x0, s1;
	[sflag:s0] =	ssyncset.done @!p0 $0x0  }
0xf0: {  	[sflag:s0] =	ssyncadd.s32 @!p0 s1  }
0xf1: {  	[bflag:$0x3] =	sbarrier.arrive $0xFFFF  }
0xf2: {  	_ =	shalt  }

// kernel: kernel.27.cloned.1.call-start
scs
__scs_entry_jumppad:
0x0: {  	(pc) =	sbr.rel $0x88, $3  }
0x1: {  	(tag) =	ssettag $0x0;
	lr =	simm.s32 $0x1  }
0x2: {  	[smem:$0x3F89] =	sst lr;
	_ =	strace $0xD0000000  }
0x3: {  	_ = 	snop  }
0x4: {  	_ = 	snop  }
0x5: {  	_ = 	snop  }
0x6: {  	_ = 	snop  }
0x7: {  	_ = 	snop  }
__scs_overlays_trampoline_lowered:
0x8: {  	[smem:$0x3F98] =	sst s0  }
0x9: {  	[smem:$0x3F99] =	sst s1  }
0xa: {  	[smem:$0x3F9A] =	sst s2  }
0xb: {  	[smem:$0x3F9B] =	sst s3  }
0xc: {  	[smem:$0x3F9C] =	sst s4  }
0xd: {  	[smem:$0x3F9D] =	sst s5  }
0xe: {  	[smem:$0x3F9E] =	sst s6  }
0xf: {  	[smem:$0x3F9F] =	sst s7  }
0x10: {  	[smem:$0x3FA0] =	sst s8  }
0x11: {  	[smem:$0x3FA1] =	sst s9;
	s0 =	simm.s32 @!p0 $0x0  }
0x12: {  	s1 =	sld [smem:$0x3F87];
	s0 =	simm.s32 @p0 $0x1  }
0x13: {  	[smem:$0x3FA2] =	sst s0;
	s0 =	simm.s32 @!p1 $0x0  }
0x14: {  	s2 =	sld [smem:$0x3F86];
	s0 =	simm.s32 @p1 $0x1  }
0x15: {  	[smem:$0x3FA3] =	sst s0;
	s0 =	simm.s32 @!p2 $0x0  }
0x16: {  	s3 =	sld [smem:$0x3FDB];
	s0 =	simm.s32 @p2 $0x1  }
0x17: {  	s4 =	simm.s32 $0x1BF5;
	[smem:$0x3FA5] =	sst s0  }
0x18: {  	s0 =	sld [smem:$0x3F88];
	_ =	swait.ge [sflag:s4], $0x0  }
0x19: {  	s7 =	sld [smem:$0x3F89]  }
0x1a: {  	s8 =	sadd.s32 $0xFFFFE003, lr  }
0x1b: {  	s9 =	sadd.s32 $0xFFFFFEF7, lr;
	s5 =	simm.s32 $0xFFFFFFFF;
	p2 =	slt.u32 s8, $0xFFFFF086  }
0x1c: {  	p1 =	slt.u32 s9, $0xF7A;
	s5 =	simm.s32 @!p2 $0x0  }
0x1d: {  	s5 =	simm.s32 @p1 $0x1;
	p0 =	seq.s32 s7, s2  }
0x1e: {  	s7 =	smul.u32 @!p0 $0xF7A, s2;
	p2 =	seq.s32 @!p0 s5, $0x0  }
0x1f: {  	s9 =	smul.u32 $0xF7A, s1;
	s8 =	simm.s32 @!p0 $0x1BF5;
	p2 =	por !p2, p0  }
0x20: {  	[sflag:s8] =	ssyncset.s32 @!p0 $0xFFFFF086;
	s6 =	sadd.s32 @!p0 s3, s7;
	s7 =	simm.s32 @!p0 $0x108  }
0x21: {  	s3 =	sadd.s32 s3, s9;
	s6 =	sadd.s32 @!p0 $0x88, s6;
	s7 =	simm.s32 @p2 $0x1082  }
0x22: {  	[simem:s7], [sflag:s8] =	dma.local @!p0 [hbm:s6], $0xF7A  }
0x23: {  	s9 =	sor.u32 $0xD0000000, s2;
	s6 =	simm.s32 $0x108;
	_ =	swait.ge @!p0 [sflag:s8], $0x0  }
0x24: {  	s3 =	sadd.s32 $0x88, s3;
	s6 =	simm.s32 @!p1 $0x1082;
	[sflag:s4] =	ssyncset.s32 $0xFFFFF086  }
0x25: {  	[simem:s6], [sflag:s4] =	dma.local [hbm:s3], $0xF7A  }
0x26: {  	[smem:$0x3F89] =	sst s1;
	(tag) =	ssettag s2;
	_ =	strace s9  }
0x27: {  	s1 =	sld [smem:$0x3F99]  }
0x28: {  	s2 =	sld [smem:$0x3F9A]  }
0x29: {  	s4 =	sld [smem:$0x3F9C]  }
0x2a: {  	p0 =	seq.s32 s5, $0x0;
	s5 =	sld [smem:$0x3F9D]  }
0x2b: {  	s6 =	sld [smem:$0x3F9E]  }
0x2c: {  	s7 =	sld [smem:$0x3F9F]  }
0x2d: {  	s3 =	simm.s32 $0x108;
	s8 =	sld [smem:$0x3FA0]  }
0x2e: {  	s3 =	simm.s32 @!p0 $0x1082;
	s9 =	sld [smem:$0x3FA1]  }
0x2f: {  	lr =	sadd.s32 s0, s3;
	s0 =	sld [smem:$0x3F98]  }
0x30: {  	s3 =	sld [smem:$0x3F9B]  }
0x31: {  	[smem:$0x3FA4] =	sst s10  }
0x32: {  	s10 =	sld [smem:$0x3FA2];
	_ =	sdelay $0x3  }
0x33: {  	p0 =	seq.s32 s10, $0x1;
	s10 =	sld [smem:$0x3FA4];
	_ =	sdelay $0x3  }
0x34: {  	[smem:$0x3FA4] =	sst s10  }
0x35: {  	s10 =	sld [smem:$0x3FA3];
	_ =	sdelay $0x3  }
0x36: {  	p1 =	seq.s32 s10, $0x1;
	s10 =	sld [smem:$0x3FA4];
	_ =	sdelay $0x3  }
0x37: {  	[smem:$0x3FA4] =	sst s10  }
0x38: {  	s10 =	sld [smem:$0x3FA5]  }
0x39: {  	_ = 	snop;
	(pc) =	sbr.ind lr, $3  }
0x3a: {  	_ = 	snop  }
0x3b: {  	_ = 	snop  }
0x3c: {  	p2 =	seq.s32 s10, $0x1;
	s10 =	sld [smem:$0x3FA4]  }
0x3d: {  	_ =	shalt  }
0x3e: {  	_ =	shalt  }
0x3f: {  	_ =	shalt  }
0x40: {  	_ =	shalt  }
0x41: {  	_ =	shalt  }
0x42: {  	_ =	shalt  }
0x43: {  	_ =	shalt  }
0x44: {  	_ =	shalt  }
0x45: {  	_ =	shalt  }
0x46: {  	_ =	shalt  }
0x47: {  	_ =	shalt  }
0x48: {  	_ =	shalt  }
0x49: {  	_ =	shalt  }
0x4a: {  	_ =	shalt  }
0x4b: {  	_ =	shalt  }
0x4c: {  	_ =	shalt  }
0x4d: {  	_ =	shalt  }
0x4e: {  	_ =	shalt  }
0x4f: {  	_ =	shalt  }
0x50: {  	_ =	shalt  }
0x51: {  	_ =	shalt  }
0x52: {  	_ =	shalt  }
0x53: {  	_ =	shalt  }
0x54: {  	_ =	shalt  }
0x55: {  	_ =	shalt  }
0x56: {  	_ =	shalt  }
0x57: {  	_ =	shalt  }
0x58: {  	_ =	shalt  }
0x59: {  	_ =	shalt  }
0x5a: {  	_ =	shalt  }
0x5b: {  	_ =	shalt  }
0x5c: {  	_ =	shalt  }
0x5d: {  	_ =	shalt  }
0x5e: {  	_ =	shalt  }
0x5f: {  	_ =	shalt  }
0x60: {  	_ =	shalt  }
0x61: {  	_ =	shalt  }
0x62: {  	_ =	shalt  }
0x63: {  	_ =	shalt  }
0x64: {  	_ =	shalt  }
0x65: {  	_ =	shalt  }
0x66: {  	_ =	shalt  }
0x67: {  	_ =	shalt  }
0x68: {  	_ =	shalt  }
0x69: {  	_ =	shalt  }
0x6a: {  	_ =	shalt  }
0x6b: {  	_ =	shalt  }
0x6c: {  	_ =	shalt  }
0x6d: {  	_ =	shalt  }
0x6e: {  	_ =	shalt  }
0x6f: {  	_ =	shalt  }
0x70: {  	_ =	shalt  }
0x71: {  	_ =	shalt  }
0x72: {  	_ =	shalt  }
0x73: {  	_ =	shalt  }
0x74: {  	_ =	shalt  }
0x75: {  	_ =	shalt  }
0x76: {  	_ =	shalt  }
0x77: {  	_ =	shalt  }
0x78: {  	_ =	shalt  }
0x79: {  	_ =	shalt  }
0x7a: {  	_ =	shalt  }
0x7b: {  	_ =	shalt  }
0x7c: {  	_ =	shalt  }
0x7d: {  	_ =	shalt  }
0x7e: {  	_ =	shalt  }
0x7f: {  	_ =	shalt  }
0x80: {  	_ =	shalt  }
0x81: {  	_ =	shalt  }
0x82: {  	_ =	shalt  }
0x83: {  	_ =	shalt  }
0x84: {  	_ =	shalt  }
0x85: {  	_ =	shalt  }
0x86: {  	_ =	shalt  }
0x87: {  	_ =	shalt  }
.Lfunc_end0:
.L_simem_size_0:
called_computation.5_lowered:
.L_overlay_start_0:
0x88: {  	s2 =	sld [smem:$0x3FD9]  }
0x89: {  	s3 =	sld [smem:$0x3FFE];
	_ =	sdelay $0x1  }
0x8a: {  	s1 =	srdreg.scid  }
0x8b: {  	s0 =	sand.u32 $0x1, s1  }
0x8c: {  	s16 =	sshll.u32 s0, $0xA;
	s2 =	sadd.s32 s3, s2  }
0x8d: {  	s2 =	sadd.s32 s2, s16  }
0x8e: {  	[smem:$0x3FB0] =	sst s2  }
0x8f: {  	_ = 	snop  }
0x90: {  	(tm) =	ssettm $0x1  }
0x91: {  	s17 =	sld [smem:$0x3FFB];
	_ =	sdelay $0x3  }
0x92: {  	_ =	strace s17  }
0x93: {  	s2 =	sld [smem:$0x3FFC];
	_ =	sdelay $0x3  }
0x94: {  	_ =	strace s2  }
0x95: {  	s2 =	sld [smem:$0x3FFD];
	_ =	sdelay $0x3  }
0x96: {  	_ =	strace s2  }
0x97: {  	_ =	strace $0x8FFFFFFF  }
0x98: {  	s18 =	sld [smem:$0x3FDB];
	_ =	sdelay $0x1  }
0x99: {  	s19 =	simm.s32 $_scs_section_size  }
0x9a: {  	s4 =	simm.s32 $_size__tile_overlayer_lowered;
	s5 =	simm.s32 $_tile_overlayer_lowered  }
0x9b: {  	s22 =	simm.s32 $0x1BFF;
	s21 =	sshll.u32 s5, $0x1;
	s2 =	sadd.s32 s19, s18  }
0x9c: {  	s6 =	simm.s32 $0x0;
	s20 =	sshll.u32 s4, $0x1;
	s4 =	sadd.s32 s21, s2  }
0x9d: {  	[timem:s6], [sflag:s22] =	dma.local [hbm:s4], s20  }
0x9e: {  	_ =	swait.ge [sflag:s22], s20  }
0x9f: {  	s3 =	ssub.s32 $0x0, s20;
	[sflag:s22] =	ssyncset.done $0x0  }
0xa0: {  	[sflag:s22] =	ssyncadd.s32 s3;
	_ =	sdelay $0x1  }
0xa1: {  	s23 =	simm.s32 $0x1B8B  }
0xa2: {  	_ =	swait.ge [sflag:s23], $0x1  }
0xa3: {  	[sflag:s23] =	ssyncset.done $0x0  }
0xa4: {  	s25 =	simm.s32 $0x1B8E;
	s24 =	sld [smem:$0x3FFE];
	[sflag:s23] =	ssyncadd.s32 $0xFFFFFFFF  }
0xa5: {  	s26 =	simm.s32 $execute0_lowered;
	[smem:$0x3FD2] =	sst s25  }
0xa6: {  	s4 =	sshll.u32 s26, $0x1;
	_ =	strace $0x80000055;
	[dreg:$0x1] =	wrdreg $0xFFFFFFFF  }
0xa7: {  	s28 =	simm.s32 $_size_execute0_lowered;
	s2 =	sadd.s32 s2, s4;
	[dreg:$0x0] =	wrdreg $0x0  }
0xa8: {  	s4 =	sshll.u32 s28, $0x1;
	[dreg:$0x2] =	wrdreg s2  }
0xa9: {  	[dreg:$0x3] =	wrdreg s4  }
0xaa: {  	[dreg:$0x4] =	wrdreg $0xC0  }
0xab: {  	_ =	task [dreg:s6], $0x5FFFF  }
0xac: {  	[dreg:$0x1] =	wrdreg $0xFFFFFFFF  }
0xad: {  	[dreg:$0x0] =	wrdreg $0x60  }
0xae: {  	[dreg:$0x2] =	wrdreg s24  }
0xaf: {  	[dreg:$0x3] =	wrdreg $0x42800  }
0xb0: {  	[dreg:$0x4] =	wrdreg $0x9  }
0xb1: {  	_ =	task.clear_ibuf [dreg:s6], $0x5FFFF;
	_ =	strace $0x90000055  }
0xb2: {  	s29 =	simm.s32 $0x9;
	_ =	strace $0x80000057  }
0xb3: {  	_ =	swait.ge [sflag:s29], $0x1  }
0xb4: {  	[sflag:s29] =	ssyncadd.s32 $0xFFFFFFFF  }
0xb5: {  	_ =	strace $0x90000057  }
0xb6: {  	_ =	sfence  }
0xb7: {  	s30 =	sld [smem:$0x0];
	_ =	sdelay $0x2  }
0xb8: {  	s31 =	sshll.u32 s1, $0xD;
	s1 =	sshrl.u32 s1, $0x2  }
0xb9: {  	s3 =	sand.u32 $0x4000, s31;
	s1 =	sadd.s32 s1, s30  }
0xba: {  	s0 =	sor.u32 s3, s0;
	s1 =	sshll.u32 s1, $0x11  }
0xbb: {  	s0 =	sor.u32 s1, s0  }
0xbc: {  	s0 =	sadd.s32 $0x8F2B, s0  }
0xbd: {  	[sflag:s0] =	ssyncadd.remote.s32 $0x1  }
0xbe: {  	_ =	sfence.sel $0xFFFF  }
0xbf: {  	[dreg:$0x0] =	wrdreg $0xFFFFFFFF;
	(pc) =	sbr.abs _section_cstart, $3  }
0xc0: {  	[dreg:$0x1] =	wrdreg $0xFFFFFFFF  }
0xc1: {  	_ =	task.clear_ibuf [dreg:s6], $0x2FFFF;
	_ =	strace $0x9FFFFFFF  }
0xc2: {  	(tm) =	ssettm $0x7FFFFFFF  }
0xc3: {  	_ =	shalt  }
tec
execute0_lowered:
.L_overlay_start_1:
0x0: {  	(tag) =	ssettag $0x1  }
0x1: {  	s6 =	rddreg [dreg:$0x0]  }
0x2: {  	s0 =	srdreg.scid;
	s2 =	rddreg [dreg:$0x1]  }
0x3: {  	s1 =	stileid.u32;
	s3 =	simm.s32 $0x0;
	s14 =	simm.s32 $0x280  }
0x4: {  	s15 =	simm.s32 $0x2;
	s16 =	simm.s32 $0x80;
	s17 =	simm.s32 $0x1  }
0x5: {  	s7 =	sand.u32 $0x1, s0;
	s0 =	rddreg [dreg:$0x2];
	s5 =	smul.u32 $0x14000, s1  }
0x6: {  	s18 =	simm.s32 $0x200;
	[smem:$0x7FF] =	sst s3;
	s9 =	smul.u32 $0x50000, s1  }
0x7: {  	s10 =	sshll.u32 s1, $0x1;
	s19 =	sshll.u32 s1, $0x6;
	s4 =	smul.u32 $0x140000, s7  }
0x8: {  	_ =	strace $0x80000056;
	s30 =	ssub.s32 $0x2, s7;
	s11 =	sor.u32 s7, s10  }
0x9: {  	s19 =	sor.u32 $0x1C02, s19;
	s31 =	sshrl.u32 s30, $0x1;
	s9 =	sshrl.u32 s9, $0x2  }
0xa: {  	s11 =	smul.u32 $0xA200, s11;
	s5 =	sadd.s32 s5, s4;
	s4 =	sadd.s32 $0x2A600, s6  }
0xb: {  	s13 =	ssub.s32 s30, s31;
	s8 =	sshrl.u32 s5, $0x3;
	s5 =	sadd.s32 $0x2600, s6  }
0xc: {  	s13 =	smax.u32 s13, $0x1;
	s12 =	sadd.s32 s8, s6;
	s6 =	sadd.s32 s9, s2  }
0xd: {  	s7 =	sadd.s32 $0x4000, s6;
	s8 =	sadd.s32 $0x8000, s6;
	s9 =	sadd.s32 $0xC000, s6  }
0xe: {  	v0 =	vimm.f32 $0.0e+00;
	s10 =	sadd.s32 $0x10000, s6;
	s12 =	sadd.s32 $0x58200, s12;
	s20 =	sshrl.u32 s6, $0x3  }
.LBB2_1:
0xf: {  	s21 =	simm.s32 $0x0;
	s22 =	simm.s32 $0x200  }
.LBB2_2:
0x10: {  	p0 =	sne.s32 s22, $0xFE00;
	[tilespmem:s21+$0x2F0] =	vst v0  }
0x11: {  	[tilespmem:s21+$0x280] =	vst v0  }
0x12: {  	[tilespmem:s21+$0x290] =	vst v0  }
.Ltmp0:
0x13: {  	[tilespmem:s21+$0x2A0] =	vst v0;
	(pc) =	sbr.rel @p0 .LBB2_2-.Ltmp0, $4  }
0x14: {  	[tilespmem:s21+$0x2B0] =	vst v0  }
0x15: {  	[tilespmem:s21+$0x2C0] =	vst v0  }
0x16: {  	[tilespmem:s21+$0x2D0] =	vst v0  }
0x17: {  	[tilespmem:s21+$0x2E0] =	vst v0;
	s21 =	sshra.s32 s22, $0x2;
	s22 =	sadd.s32 $0x200, s22  }
0x18: {  	[tilespmem:s21+$0x2F0] =	vst v0  }
0x19: {  	[tilespmem:s21+$0x280] =	vst v0  }
0x1a: {  	[tilespmem:s21+$0x290] =	vst v0  }
0x1b: {  	[tilespmem:s21+$0x2A0] =	vst v0  }
0x1c: {  	[tilespmem:s21+$0x2B0] =	vst v0  }
0x1d: {  	[tilespmem:s21+$0x2C0] =	vst v0  }
0x1e: {  	[tilespmem:s21+$0x2D0] =	vst v0  }
0x1f: {  	[tilespmem:s21+$0x2E0] =	vst v0  }
0x20: {  	[spmem:s6] =	stream.linear.scatter [tilespmem:s14], [sflag:$0x2], $0x4000, $0x38;
	[tilespmem:$0x18280] =	vst v63  }
0x21: {  	_ =	swait.ge [sflag:s15], $0x4000  }
0x22: {  	[sflag:s15] =	ssyncset.done $0x0  }
0x23: {  	[sflag:s15] =	ssyncadd.s32 $0xFFFFC000  }
0x24: {  	[spmem:s7] =	stream.linear.scatter [tilespmem:s14], [sflag:$0x2], $0x4000, $0x38;
	[tilespmem:$0x18280] =	vst v63  }
0x25: {  	_ =	swait.ge [sflag:s15], $0x4000  }
0x26: {  	[sflag:s15] =	ssyncset.done $0x0  }
0x27: {  	[sflag:s15] =	ssyncadd.s32 $0xFFFFC000  }
0x28: {  	[spmem:s8] =	stream.linear.scatter [tilespmem:s14], [sflag:$0x2], $0x4000, $0x38;
	[tilespmem:$0x18280] =	vst v63  }
0x29: {  	_ =	swait.ge [sflag:s15], $0x4000  }
0x2a: {  	[sflag:s15] =	ssyncset.done $0x0  }
0x2b: {  	[sflag:s15] =	ssyncadd.s32 $0xFFFFC000  }
0x2c: {  	[spmem:s9] =	stream.linear.scatter [tilespmem:s14], [sflag:$0x2], $0x4000, $0x38;
	[tilespmem:$0x18280] =	vst v63  }
0x2d: {  	_ =	swait.ge [sflag:s15], $0x4000  }
0x2e: {  	[sflag:s15] =	ssyncset.done $0x0  }
0x2f: {  	[sflag:s15] =	ssyncadd.s32 $0xFFFFC000  }
0x30: {  	[spmem:s10] =	stream.linear.scatter [tilespmem:s14], [sflag:$0x2], $0x4000, $0x38;
	[tilespmem:$0x18280] =	vst v63  }
0x31: {  	_ =	swait.ge [sflag:s15], $0x4000  }
0x32: {  	[sflag:s15] =	ssyncset.done $0x0  }
0x33: {  	[sflag:s15] =	ssyncadd.s32 $0xFFFFC000  }
0x34: {  	s21 =	simm.s32 $0x0;
	s22 =	simm.s32 $0x0;
	[bflag:$0x0] =	sbarrier.arrive $0xFFFF  }
.LBB2_4:
0x35: {  	s23 =	sshll.u32 s22, $0x9  }
0x36: {  	s23 =	sadd.s32 s11, s23  }
0x37: {  	s23 =	sshrl.u32 s23, $0x3  }
0x38: {  	s23 =	sadd.s32 s4, s23  }
0x39: {  	[tilespmem:s21], [sflag:$0x2] =	stream.linear.gather [hbm4b:s23+s21], $0x180, $0x38;
	[tilespmem:$0x18280] =	vst v63  }
0x3a: {  	_ =	swait.ge [sflag:s15], $0x180  }
0x3b: {  	[sflag:s15] =	ssyncset.done $0x0  }
0x3c: {  	[sflag:s15] =	ssyncadd.s32 $0xFFFFFE80  }
0x3d: {  	[tilespmem:s14], [sflag:$0x1] =	stream.indirect.gather [hbm4b:s5+s16], $0x80, s21, s16, $0xb8;
	[tilespmem:$0x18280] =	vst v63  }
0x3e: {  	_ =	swait.ge [sflag:s17], $0x4000  }
0x3f: {  	[sflag:s17] =	ssyncset.done $0x0  }
0x40: {  	[sflag:s17] =	ssyncadd.s32 $0xFFFFC000  }
0x41: {  	v1 =	vld [tilespmem:$0x100]  }
0x42: {  	v2 =	vld [tilespmem:$0x110]  }
0x43: {  	v3 =	vld [tilespmem:$0x120]  }
0x44: {  	v4 =	vld [tilespmem:$0x130]  }
0x45: {  	v5 =	vld [tilespmem:$0x140]  }
0x46: {  	[tilespmem:$0x200] =	vst v1;
	v1 =	vld [tilespmem:$0x150]  }
0x47: {  	[tilespmem:$0x210] =	vst v2;
	v2 =	vld [tilespmem:$0x160]  }
0x48: {  	[tilespmem:$0x220] =	vst v3;
	v3 =	vld [tilespmem:$0x170]  }
0x49: {  	[tilespmem:$0x230] =	vst v4  }
0x4a: {  	[tilespmem:$0x240] =	vst v5  }
0x4b: {  	[tilespmem:$0x250] =	vst v1  }
0x4c: {  	[tilespmem:$0x260] =	vst v2;
	v1 =	vmov s21  }
0x4d: {  	s23 =	simm.s32 $0x2C0;
	[tilespmem:$0x270] =	vst v3  }
0x4e: {  	v5 =	vld [tilespmem:s23+$0x30]  }
0x4f: {  	v8 =	vld [tilespmem:s23+$0x10]  }
0x50: {  	v6 =	vld [tilespmem:s23+$0xFFFFFFC0]  }
0x51: {  	v2 =	vld.idx.msk [tilespmem:v1+s18+$0x0], $0xffff  }
0x52: {  	v10 =	vld [tilespmem:s23+$0xFFFFFFE0]  }
0x53: {  	v3 =	vld [tilespmem:s23+$0x20]  }
0x54: {  	v4 =	vld [tilespmem:s23+$0xFFFFFFD0]  }
0x55: {  	v1 =	vld [tilespmem:s23+$0xFFFFFFF0]  }
0x56: {  	v9 =	vmul.f32 v5, v2;
	v5 =	vld [tilespmem:s23+$0x0]  }
0x57: {  	v7 =	vmul.f32 v6, v2  }
0x58: {  	s24 =	simm.s32 $0x1;
	s25 =	simm.s32 $0x2C0;
	v6 =	vmul.f32 v10, v2;
	v8 =	vmul.f32 v8, v2  }
.LBB2_5:
0x59: {  	p0 =	sne.s32 s24, $0x7F  }
0x5a: {  	v4 =	vmul.f32 v4, v2;
	v3 =	vmul.f32 v3, v2;
	[tilespmem:s23+$0x30] =	vst v9;
	s25 =	sadd.s32 $0x80, s25;
	s26 =	smov.u32 s24;
	s24 =	sadd.s32 $0x1, s24  }
0x5b: {  	[tilespmem:s23+$0xFFFFFFC0] =	vst v7;
	v7 =	vmul.f32 v1, v2;
	v2 =	vmul.f32 v5, v2  }
0x5c: {  	[tilespmem:s23+$0x10] =	vst v8  }
0x5d: {  	v5 =	vmov s26;
	[tilespmem:s23+$0xFFFFFFE0] =	vst v6  }
0x5e: {  	v1 =	vld [tilespmem:s25+$0xFFFFFFF0];
	[tilespmem:s23+$0xFFFFFFF0] =	vst v7  }
0x5f: {  	v6 =	vld [tilespmem:s25+$0x30];
	[tilespmem:s23+$0x0] =	vst v2  }
0x60: {  	v8 =	vld [tilespmem:s25+$0x10];
	[tilespmem:s23+$0x20] =	vst v3  }
0x61: {  	v7 =	vld [tilespmem:s25+$0xFFFFFFC0];
	[tilespmem:s23+$0xFFFFFFD0] =	vst v4;
	s23 =	smov.u32 s25  }
0x62: {  	v2 =	vld.idx.msk [tilespmem:v5+s18+$0x0], $0xffff  }
0x63: {  	v10 =	vld [tilespmem:s25+$0xFFFFFFE0]  }
0x64: {  	v3 =	vld [tilespmem:s25+$0x20]  }
.Ltmp1:
0x65: {  	v4 =	vld [tilespmem:s25+$0xFFFFFFD0];
	(pc) =	sbr.rel @p0 .LBB2_5-.Ltmp1, $3  }
0x66: {  	v5 =	vld [tilespmem:s25+$0x0];
	_ =	sdelay $0x1  }
0x67: {  	v7 =	vmul.f32 v7, v2;
	v9 =	vmul.f32 v6, v2  }
0x68: {  	v8 =	vmul.f32 v8, v2;
	v6 =	vmul.f32 v10, v2  }
0x69: {  	[tilespmem:s23+$0x30] =	vst v9  }
0x6a: {  	[tilespmem:s23+$0xFFFFFFC0] =	vst v7  }
0x6b: {  	v1 =	vmul.f32 v1, v2;
	[tilespmem:s23+$0x10] =	vst v8  }
0x6c: {  	v3 =	vmul.f32 v3, v2;
	[tilespmem:s23+$0xFFFFFFE0] =	vst v6  }
0x6d: {  	v5 =	vmul.f32 v5, v2;
	[tilespmem:s23+$0xFFFFFFF0] =	vst v1  }
0x6e: {  	s22 =	sadd.s32 $0x1, s22;
	v1 =	vmul.f32 v4, v2;
	[tilespmem:s23+$0x20] =	vst v3  }
0x6f: {  	p0 =	sne.s32 s22, $0x51;
	[tilespmem:s23+$0x0] =	vst v5  }
.Ltmp2:
0x70: {  	[tilespmem:s23+$0xFFFFFFD0] =	vst v1;
	(pc) =	sbr.rel @p0 .LBB2_4-.Ltmp2, $4  }
0x71: {  	[spmem:s2] =	stream.indirect.scatter.add.f32 [tilespmem:s14], [sflag:$0x2], $0x80, s16, s16, $0xb8;
	[tilespmem:$0x18280] =	vst v63  }
0x72: {  	_ =	swait.ge [sflag:s15], $0x4000  }
0x73: {  	[sflag:s15] =	ssyncset.done $0x0  }
0x74: {  	[sflag:s15] =	ssyncadd.s32 $0xFFFFC000  }
0x75: {  	s3 =	sadd.s32 $0x1, s3  }
0x76: {  	p0 =	sne.s32 s3, s13  }
.Ltmp3:
0x77: {  	[bflag:$0x0] =	sbarrier.arrive $0xFFFF;
	(pc) =	sbr.rel @p0 .LBB2_1-.Ltmp3, $4  }
0x78: {  	[hbm:s12], [sflag:s19] =	dma.local [spmem:s20], $0x2800  }
0x79: {  	_ =	swait.ge [sflag:s15], $0x2800  }
0x7a: {  	[sflag:s15] =	ssyncset.done $0x0  }
0x7b: {  	[sflag:s15] =	ssyncadd.s32 $0xFFFFD800  }
0x7c: {  	_ =	sfence.sel $0x180000  }
0x7d: {  	[bflag:$0x0] =	sbarrier.arrive $0xFFFF  }
0x7e: {  	p0 =	sne.s32 s1, $0x0;
	_ =	strace $0x90000056  }
0x7f: {  	s0 =	sadd.s32 @!p0 $0x100000, s0;
	[bflag:$0x2] =	sbarrier.arrive $0xFFFF  }
0x80: {  	[sflag:s0] =	ssyncadd.tile.s32 @!p0 $0x1;
	_ =	shalt  }
.Lfunc_end2:
_tile_overlayer_lowered:
.L_overlay_start_2:
0x81: {  	(tag) =	ssettag $0x2  }
0x82: {  	s0 =	rddreg [dreg:$0x0];
	s2 =	stileid.u32  }
0x83: {  	s1 =	rddreg [dreg:$0x1];
	p0 =	sne.s32 s2, $0x0  }
0x84: {  	s3 =	rddreg [dreg:$0x2];
	[bflag:$0x3] =	sbarrier.arrive $0xFFFF;
	s2 =	simm.s32 @!p0 $0x1C02  }
0x85: {  	[timem:s3], [sflag:s2] =	dma.local @!p0 [hbm:s0], s1  }
0x86: {  	s0 =	simm.s32 @!p0 $0x2  }
0x87: {  	_ =	swait.ge @!p0 [sflag:s0], s1  }
0x88: {  	s1 =	ssub.s32 @!p0 $0x0, s1;
	[sflag:s0] =	ssyncset.done @!p0 $0x0  }
0x89: {  	[sflag:s0] =	ssyncadd.s32 @!p0 s1  }
0x8a: {  	[bflag:$0x3] =	sbarrier.arrive $0xFFFF  }
0x8b: {  	_ =	shalt  }

</sc_bundles>
